<compile_context>
chip_gen: v7x
topology: tpu7x:2x2x1
jax: 0.10.2.dev20260603
libtpu: 0.0.44.dev20260713+nightly
codegen_flags: <defaults>
</compile_context>

<pallas_src>
import functools

import jax
import jax.numpy as jnp
from jax.experimental import pallas as pl
from jax.experimental.pallas import tpu as pltpu

_N = 262144
_K = 512
_D = 32
_BN = 16384


def _body(e_ref, cm2_ref, c2_ref, ids_ref, loss_ref):
    i = pl.program_id(0)
    ev = e_ref[...]
    cm2 = cm2_ref[...]
    c2 = c2_ref[...]
    iota8 = jax.lax.broadcasted_iota(jnp.int32, (8, _BN // 8), 0)
    part = jnp.sum(ev * ev)
    for q in range(8):
        s = jax.lax.dot_general(
            cm2, ev[32 * q:32 * q + 32, :], (((1,), (0,)), ((), ())),
            preferred_element_type=jnp.float32)
        s = s + c2
        runv = s[0:8, :]
        runi = iota8
        for r in range(1, _K // 8):
            v = s[8 * r:8 * r + 8, :]
            lt = v < runv
            runv = jnp.where(lt, v, runv)
            runi = jnp.where(lt, iota8 + 8 * r, runi)
        m8 = jnp.min(runv, axis=0, keepdims=True)
        sel = jnp.where(runv == m8, runi, _K)
        ids_ref[q, :] = jnp.min(sel, axis=0)
        part = part + jnp.sum(m8)

    @pl.when(i == 0)
    def _():
        loss_ref[0, 0] = 0.0

    loss_ref[0, 0] += part


@jax.jit
def _cluster(embs, centers):
    cm2 = -2.0 * centers
    c2 = jnp.sum(centers * centers, axis=1, keepdims=True)
    ev = embs.reshape(_N // 8, 256).T
    grid = _N // _BN
    ids, loss = pl.pallas_call(
        _body,
        grid=(grid,),
        in_specs=[
            pl.BlockSpec((256, _BN // 8), lambda i: (0, i)),
            pl.BlockSpec((_K, _D), lambda i: (0, 0)),
            pl.BlockSpec((_K, 1), lambda i: (0, 0)),
        ],
        out_specs=[
            pl.BlockSpec((8, _BN // 8), lambda i: (0, i)),
            pl.BlockSpec((1, 1), lambda i: (0, 0), memory_space=pltpu.SMEM),
        ],
        out_shape=[
            jax.ShapeDtypeStruct((8, _N // 8), jnp.int32),
            jax.ShapeDtypeStruct((1, 1), jnp.float32),
        ],
    )(ev, cm2, c2)
    return ids.T.reshape(_N), loss[0, 0]


def kernel(embs, centers):
    ids, loss = _cluster(embs, centers)
    return (centers, ids, loss)

# --- scband reference (transcript-rebuilt; emitter-appended) ---
"""Pipeline reference for scband-cluster-10694468567403 (READ-ONLY COPY).

The authoritative reference and input builder live on the scoring server;
editing this copy changes nothing except your own understanding.
"""

import jax, jax.numpy as jnp
import numpy as np

NUM_REPS = 512
CODE_DIM = 32
N_EMBS = 262144


def setup_inputs(seed: int = 0) -> dict:
    key = jax.random.key(seed)
    k1, k2 = jax.random.split(key)
    embs = jax.random.normal(k1, (N_EMBS, CODE_DIM), dtype=jnp.float32)
    # Learned cluster centers parameter of EucCluster(num_reps)
    centers = jax.random.normal(k2, (NUM_REPS, CODE_DIM), dtype=jnp.float32)
    return {"embs": embs, "centers": centers}


def reference(embs, centers):
    # EucCluster: squared Euclidean distance from every embedding to every center
    # d2[i, j] = ||embs[i] - centers[j]||^2
    emb_sq = jnp.sum(embs * embs, axis=1, keepdims=True)            # [N, 1]
    cen_sq = jnp.sum(centers * centers, axis=1)[None, :]            # [1, K]
    cross = embs @ centers.T                                        # [N, K]
    d2 = jnp.maximum(emb_sq - 2.0 * cross + cen_sq, 0.0)            # [N, K]
    rep_ids = jnp.argmin(d2, axis=1)                                # [N]
    cluster_dists = jnp.min(d2, axis=1)                             # [N]
    loss = jnp.sum(cluster_dists)
    return (centers, rep_ids, loss)

if __name__ == "__main__":
    import jax
    _d = setup_inputs()
    print(jax.jit(kernel)(*tuple(_d.values())))

</pallas_src>

<mosaic_0001>
module attributes {stable_mosaic.version = 14 : i64} {
  func.func @_body(%arg0: i32, %arg1: memref<256x2048xf32, #tpu.memory_space<vmem>>, %arg2: memref<512x32xf32, #tpu.memory_space<vmem>>, %arg3: memref<512x1xf32, #tpu.memory_space<vmem>>, %arg4: memref<8x2048xi32, #tpu.memory_space<vmem>>, %arg5: memref<1x1xf32, #tpu.memory_space<smem>>) attributes {dimension_semantics = [#tpu.dimension_semantics<arbitrary>], iteration_bounds = array<i64: 16>, scalar_prefetch = 0 : i64, scratch_operands = 0 : i64, tpu.core_type = #tpu.core_type<tc>, window_params = [{transform_indices = @transform_0, window_bounds = array<i64: 256, 2048>}, {pipeline_mode = #tpu.pipeline_mode<synchronous>, transform_indices = @transform_1, window_bounds = array<i64: 512, 32>}, {pipeline_mode = #tpu.pipeline_mode<synchronous>, transform_indices = @transform_2, window_bounds = array<i64: 512, 1>}, {transform_indices = @transform_3, window_bounds = array<i64: 8, 2048>}, {transform_indices = @transform_4, window_bounds = array<i64: 1, 1>}]} {
    %get3A = arith.constant 0 : index
    %get3A_0 = arith.constant 0 : index
    %get3A_1 = vector.load %arg1[%get3A, %get3A_0] : memref<256x2048xf32, #tpu.memory_space<vmem>>, vector<256x2048xf32>
    %get3A_2 = arith.constant 0 : index
    %get3A_3 = arith.constant 0 : index
    %get3A_4 = vector.load %arg2[%get3A_2, %get3A_3] : memref<512x32xf32, #tpu.memory_space<vmem>>, vector<512x32xf32>
    %get3A_5 = arith.constant 0 : index
    %get3A_6 = arith.constant 0 : index
    %get3A_7 = vector.load %arg3[%get3A_5, %get3A_6] : memref<512x1xf32, #tpu.memory_space<vmem>>, vector<512x1xf32>
    %iota3A = tpu.iota {dimensions = array<i32: 0>} : vector<8x2048xi32>
    %mul3A = arith.mulf %get3A_1, %get3A_1 : vector<256x2048xf32>
    %reduce_sum3A = vector.shape_cast %mul3A : vector<256x2048xf32> to vector<1x256x2048xf32>
    %reduce_sum3A_8 = arith.constant dense<0.000000e+00> : vector<1xf32>
    %reduce_sum3A_9 = vector.multi_reduction <add>, %reduce_sum3A, %reduce_sum3A_8 [1, 2] : vector<1x256x2048xf32> to vector<1xf32>
    %reduce_sum3A_10 = vector.shape_cast %reduce_sum3A_9 : vector<1xf32> to vector<1x1x1xf32>
    %reduce_sum3A_11 = vector.extract %reduce_sum3A_10[0, 0, 0] : f32 from vector<1x1x1xf32>
    %slice3A = vector.extract_strided_slice %get3A_1 {offsets = [0, 0], sizes = [32, 2048], strides = [1, 1]} : vector<256x2048xf32> to vector<32x2048xf32>
    %dot_general3A = arith.constant dense<0.000000e+00> : vector<512x2048xf32>
    %dot_general3A_12 = tpu.matmul %get3A_4, %slice3A, %dot_general3A {dimension_numbers = #tpu.dot_dimension_numbers<[1], [0], [0], [1], [0, 0, 1, 1], [], []>, transpose_lhs_hint = false} : vector<512x32xf32>, vector<32x2048xf32>, vector<512x2048xf32> -> vector<512x2048xf32>
    %add3A = vector.broadcast %get3A_7 : vector<512x1xf32> to vector<512x2048xf32>
    %add3A_13 = arith.addf %dot_general3A_12, %add3A : vector<512x2048xf32>
    %slice3A_14 = vector.extract_strided_slice %add3A_13 {offsets = [0, 0], sizes = [8, 2048], strides = [1, 1]} : vector<512x2048xf32> to vector<8x2048xf32>
    %slice3A_15 = vector.extract_strided_slice %add3A_13 {offsets = [8, 0], sizes = [8, 2048], strides = [1, 1]} : vector<512x2048xf32> to vector<8x2048xf32>
    %lt3A = arith.cmpf olt, %slice3A_15, %slice3A_14 : vector<8x2048xf32>
    %select_n3A = arith.select %lt3A, %slice3A_15, %slice3A_14 : vector<8x2048xi1>, vector<8x2048xf32>
    %add3A_16 = arith.constant 8 : i32
    %add3A_17 = vector.broadcast %add3A_16 : i32 to vector<8x2048xi32>
    %add3A_18 = arith.addi %iota3A, %add3A_17 : vector<8x2048xi32>
    %select_n3A_19 = arith.select %lt3A, %add3A_18, %iota3A : vector<8x2048xi1>, vector<8x2048xi32>
    %slice3A_20 = vector.extract_strided_slice %add3A_13 {offsets = [16, 0], sizes = [8, 2048], strides = [1, 1]} : vector<512x2048xf32> to vector<8x2048xf32>
    %lt3A_21 = arith.cmpf olt, %slice3A_20, %select_n3A : vector<8x2048xf32>
    %select_n3A_22 = arith.select %lt3A_21, %slice3A_20, %select_n3A : vector<8x2048xi1>, vector<8x2048xf32>
    %add3A_23 = arith.constant 16 : i32
    %add3A_24 = vector.broadcast %add3A_23 : i32 to vector<8x2048xi32>
    %add3A_25 = arith.addi %iota3A, %add3A_24 : vector<8x2048xi32>
    %select_n3A_26 = arith.select %lt3A_21, %add3A_25, %select_n3A_19 : vector<8x2048xi1>, vector<8x2048xi32>
    %slice3A_27 = vector.extract_strided_slice %add3A_13 {offsets = [24, 0], sizes = [8, 2048], strides = [1, 1]} : vector<512x2048xf32> to vector<8x2048xf32>
    %lt3A_28 = arith.cmpf olt, %slice3A_27, %select_n3A_22 : vector<8x2048xf32>
    %select_n3A_29 = arith.select %lt3A_28, %slice3A_27, %select_n3A_22 : vector<8x2048xi1>, vector<8x2048xf32>
    %add3A_30 = arith.constant 24 : i32
    %add3A_31 = vector.broadcast %add3A_30 : i32 to vector<8x2048xi32>
    %add3A_32 = arith.addi %iota3A, %add3A_31 : vector<8x2048xi32>
    %select_n3A_33 = arith.select %lt3A_28, %add3A_32, %select_n3A_26 : vector<8x2048xi1>, vector<8x2048xi32>
    %slice3A_34 = vector.extract_strided_slice %add3A_13 {offsets = [32, 0], sizes = [8, 2048], strides = [1, 1]} : vector<512x2048xf32> to vector<8x2048xf32>
    %lt3A_35 = arith.cmpf olt, %slice3A_34, %select_n3A_29 : vector<8x2048xf32>
    %select_n3A_36 = arith.select %lt3A_35, %slice3A_34, %select_n3A_29 : vector<8x2048xi1>, vector<8x2048xf32>
    %add3A_37 = arith.constant 32 : i32
    %add3A_38 = vector.broadcast %add3A_37 : i32 to vector<8x2048xi32>
    %add3A_39 = arith.addi %iota3A, %add3A_38 : vector<8x2048xi32>
    %select_n3A_40 = arith.select %lt3A_35, %add3A_39, %select_n3A_33 : vector<8x2048xi1>, vector<8x2048xi32>
    %slice3A_41 = vector.extract_strided_slice %add3A_13 {offsets = [40, 0], sizes = [8, 2048], strides = [1, 1]} : vector<512x2048xf32> to vector<8x2048xf32>
    %lt3A_42 = arith.cmpf olt, %slice3A_41, %select_n3A_36 : vector<8x2048xf32>
    %select_n3A_43 = arith.select %lt3A_42, %slice3A_41, %select_n3A_36 : vector<8x2048xi1>, vector<8x2048xf32>
    %add3A_44 = arith.constant 40 : i32
    %add3A_45 = vector.broadcast %add3A_44 : i32 to vector<8x2048xi32>
    %add3A_46 = arith.addi %iota3A, %add3A_45 : vector<8x2048xi32>
    %select_n3A_47 = arith.select %lt3A_42, %add3A_46, %select_n3A_40 : vector<8x2048xi1>, vector<8x2048xi32>
    %slice3A_48 = vector.extract_strided_slice %add3A_13 {offsets = [48, 0], sizes = [8, 2048], strides = [1, 1]} : vector<512x2048xf32> to vector<8x2048xf32>
    %lt3A_49 = arith.cmpf olt, %slice3A_48, %select_n3A_43 : vector<8x2048xf32>
    %select_n3A_50 = arith.select %lt3A_49, %slice3A_48, %select_n3A_43 : vector<8x2048xi1>, vector<8x2048xf32>
    %add3A_51 = arith.constant 48 : i32
    %add3A_52 = vector.broadcast %add3A_51 : i32 to vector<8x2048xi32>
    %add3A_53 = arith.addi %iota3A, %add3A_52 : vector<8x2048xi32>
    %select_n3A_54 = arith.select %lt3A_49, %add3A_53, %select_n3A_47 : vector<8x2048xi1>, vector<8x2048xi32>
    %slice3A_55 = vector.extract_strided_slice %add3A_13 {offsets = [56, 0], sizes = [8, 2048], strides = [1, 1]} : vector<512x2048xf32> to vector<8x2048xf32>
    %lt3A_56 = arith.cmpf olt, %slice3A_55, %select_n3A_50 : vector<8x2048xf32>
    %select_n3A_57 = arith.select %lt3A_56, %slice3A_55, %select_n3A_50 : vector<8x2048xi1>, vector<8x2048xf32>
    %add3A_58 = arith.constant 56 : i32
    %add3A_59 = vector.broadcast %add3A_58 : i32 to vector<8x2048xi32>
    %add3A_60 = arith.addi %iota3A, %add3A_59 : vector<8x2048xi32>
    %select_n3A_61 = arith.select %lt3A_56, %add3A_60, %select_n3A_54 : vector<8x2048xi1>, vector<8x2048xi32>
    %slice3A_62 = vector.extract_strided_slice %add3A_13 {offsets = [64, 0], sizes = [8, 2048], strides = [1, 1]} : vector<512x2048xf32> to vector<8x2048xf32>
    %lt3A_63 = arith.cmpf olt, %slice3A_62, %select_n3A_57 : vector<8x2048xf32>
    %select_n3A_64 = arith.select %lt3A_63, %slice3A_62, %select_n3A_57 : vector<8x2048xi1>, vector<8x2048xf32>
    %add3A_65 = arith.constant 64 : i32
    %add3A_66 = vector.broadcast %add3A_65 : i32 to vector<8x2048xi32>
    %add3A_67 = arith.addi %iota3A, %add3A_66 : vector<8x2048xi32>
    %select_n3A_68 = arith.select %lt3A_63, %add3A_67, %select_n3A_61 : vector<8x2048xi1>, vector<8x2048xi32>
    %slice3A_69 = vector.extract_strided_slice %add3A_13 {offsets = [72, 0], sizes = [8, 2048], strides = [1, 1]} : vector<512x2048xf32> to vector<8x2048xf32>
    %lt3A_70 = arith.cmpf olt, %slice3A_69, %select_n3A_64 : vector<8x2048xf32>
    %select_n3A_71 = arith.select %lt3A_70, %slice3A_69, %select_n3A_64 : vector<8x2048xi1>, vector<8x2048xf32>
    %add3A_72 = arith.constant 72 : i32
    %add3A_73 = vector.broadcast %add3A_72 : i32 to vector<8x2048xi32>
    %add3A_74 = arith.addi %iota3A, %add3A_73 : vector<8x2048xi32>
    %select_n3A_75 = arith.select %lt3A_70, %add3A_74, %select_n3A_68 : vector<8x2048xi1>, vector<8x2048xi32>
    %slice3A_76 = vector.extract_strided_slice %add3A_13 {offsets = [80, 0], sizes = [8, 2048], strides = [1, 1]} : vector<512x2048xf32> to vector<8x2048xf32>
    %lt3A_77 = arith.cmpf olt, %slice3A_76, %select_n3A_71 : vector<8x2048xf32>
    %select_n3A_78 = arith.select %lt3A_77, %slice3A_76, %select_n3A_71 : vector<8x2048xi1>, vector<8x2048xf32>
    %add3A_79 = arith.constant 80 : i32
    %add3A_80 = vector.broadcast %add3A_79 : i32 to vector<8x2048xi32>
    %add3A_81 = arith.addi %iota3A, %add3A_80 : vector<8x2048xi32>
    %select_n3A_82 = arith.select %lt3A_77, %add3A_81, %select_n3A_75 : vector<8x2048xi1>, vector<8x2048xi32>
    %slice3A_83 = vector.extract_strided_slice %add3A_13 {offsets = [88, 0], sizes = [8, 2048], strides = [1, 1]} : vector<512x2048xf32> to vector<8x2048xf32>
    %lt3A_84 = arith.cmpf olt, %slice3A_83, %select_n3A_78 : vector<8x2048xf32>
    %select_n3A_85 = arith.select %lt3A_84, %slice3A_83, %select_n3A_78 : vector<8x2048xi1>, vector<8x2048xf32>
    %add3A_86 = arith.constant 88 : i32
    %add3A_87 = vector.broadcast %add3A_86 : i32 to vector<8x2048xi32>
    %add3A_88 = arith.addi %iota3A, %add3A_87 : vector<8x2048xi32>
    %select_n3A_89 = arith.select %lt3A_84, %add3A_88, %select_n3A_82 : vector<8x2048xi1>, vector<8x2048xi32>
    %slice3A_90 = vector.extract_strided_slice %add3A_13 {offsets = [96, 0], sizes = [8, 2048], strides = [1, 1]} : vector<512x2048xf32> to vector<8x2048xf32>
    %lt3A_91 = arith.cmpf olt, %slice3A_90, %select_n3A_85 : vector<8x2048xf32>
    %select_n3A_92 = arith.select %lt3A_91, %slice3A_90, %select_n3A_85 : vector<8x2048xi1>, vector<8x2048xf32>
    %add3A_93 = arith.constant 96 : i32
    %add3A_94 = vector.broadcast %add3A_93 : i32 to vector<8x2048xi32>
    %add3A_95 = arith.addi %iota3A, %add3A_94 : vector<8x2048xi32>
    %select_n3A_96 = arith.select %lt3A_91, %add3A_95, %select_n3A_89 : vector<8x2048xi1>, vector<8x2048xi32>
    %slice3A_97 = vector.extract_strided_slice %add3A_13 {offsets = [104, 0], sizes = [8, 2048], strides = [1, 1]} : vector<512x2048xf32> to vector<8x2048xf32>
    %lt3A_98 = arith.cmpf olt, %slice3A_97, %select_n3A_92 : vector<8x2048xf32>
    %select_n3A_99 = arith.select %lt3A_98, %slice3A_97, %select_n3A_92 : vector<8x2048xi1>, vector<8x2048xf32>
    %add3A_100 = arith.constant 104 : i32
    %add3A_101 = vector.broadcast %add3A_100 : i32 to vector<8x2048xi32>
    %add3A_102 = arith.addi %iota3A, %add3A_101 : vector<8x2048xi32>
    %select_n3A_103 = arith.select %lt3A_98, %add3A_102, %select_n3A_96 : vector<8x2048xi1>, vector<8x2048xi32>
    %slice3A_104 = vector.extract_strided_slice %add3A_13 {offsets = [112, 0], sizes = [8, 2048], strides = [1, 1]} : vector<512x2048xf32> to vector<8x2048xf32>
    %lt3A_105 = arith.cmpf olt, %slice3A_104, %select_n3A_99 : vector<8x2048xf32>
    %select_n3A_106 = arith.select %lt3A_105, %slice3A_104, %select_n3A_99 : vector<8x2048xi1>, vector<8x2048xf32>
    %add3A_107 = arith.constant 112 : i32
    %add3A_108 = vector.broadcast %add3A_107 : i32 to vector<8x2048xi32>
    %add3A_109 = arith.addi %iota3A, %add3A_108 : vector<8x2048xi32>
    %select_n3A_110 = arith.select %lt3A_105, %add3A_109, %select_n3A_103 : vector<8x2048xi1>, vector<8x2048xi32>
    %slice3A_111 = vector.extract_strided_slice %add3A_13 {offsets = [120, 0], sizes = [8, 2048], strides = [1, 1]} : vector<512x2048xf32> to vector<8x2048xf32>
    %lt3A_112 = arith.cmpf olt, %slice3A_111, %select_n3A_106 : vector<8x2048xf32>
    %select_n3A_113 = arith.select %lt3A_112, %slice3A_111, %select_n3A_106 : vector<8x2048xi1>, vector<8x2048xf32>
    %add3A_114 = arith.constant 120 : i32
    %add3A_115 = vector.broadcast %add3A_114 : i32 to vector<8x2048xi32>
    %add3A_116 = arith.addi %iota3A, %add3A_115 : vector<8x2048xi32>
    %select_n3A_117 = arith.select %lt3A_112, %add3A_116, %select_n3A_110 : vector<8x2048xi1>, vector<8x2048xi32>
    %slice3A_118 = vector.extract_strided_slice %add3A_13 {offsets = [128, 0], sizes = [8, 2048], strides = [1, 1]} : vector<512x2048xf32> to vector<8x2048xf32>
    %lt3A_119 = arith.cmpf olt, %slice3A_118, %select_n3A_113 : vector<8x2048xf32>
    %select_n3A_120 = arith.select %lt3A_119, %slice3A_118, %select_n3A_113 : vector<8x2048xi1>, vector<8x2048xf32>
    %add3A_121 = arith.constant 128 : i32
    %add3A_122 = vector.broadcast %add3A_121 : i32 to vector<8x2048xi32>
    %add3A_123 = arith.addi %iota3A, %add3A_122 : vector<8x2048xi32>
    %select_n3A_124 = arith.select %lt3A_119, %add3A_123, %select_n3A_117 : vector<8x2048xi1>, vector<8x2048xi32>
    %slice3A_125 = vector.extract_strided_slice %add3A_13 {offsets = [136, 0], sizes = [8, 2048], strides = [1, 1]} : vector<512x2048xf32> to vector<8x2048xf32>
    %lt3A_126 = arith.cmpf olt, %slice3A_125, %select_n3A_120 : vector<8x2048xf32>
    %select_n3A_127 = arith.select %lt3A_126, %slice3A_125, %select_n3A_120 : vector<8x2048xi1>, vector<8x2048xf32>
    %add3A_128 = arith.constant 136 : i32
    %add3A_129 = vector.broadcast %add3A_128 : i32 to vector<8x2048xi32>
    %add3A_130 = arith.addi %iota3A, %add3A_129 : vector<8x2048xi32>
    %select_n3A_131 = arith.select %lt3A_126, %add3A_130, %select_n3A_124 : vector<8x2048xi1>, vector<8x2048xi32>
    %slice3A_132 = vector.extract_strided_slice %add3A_13 {offsets = [144, 0], sizes = [8, 2048], strides = [1, 1]} : vector<512x2048xf32> to vector<8x2048xf32>
    %lt3A_133 = arith.cmpf olt, %slice3A_132, %select_n3A_127 : vector<8x2048xf32>
    %select_n3A_134 = arith.select %lt3A_133, %slice3A_132, %select_n3A_127 : vector<8x2048xi1>, vector<8x2048xf32>
    %add3A_135 = arith.constant 144 : i32
    %add3A_136 = vector.broadcast %add3A_135 : i32 to vector<8x2048xi32>
    %add3A_137 = arith.addi %iota3A, %add3A_136 : vector<8x2048xi32>
    %select_n3A_138 = arith.select %lt3A_133, %add3A_137, %select_n3A_131 : vector<8x2048xi1>, vector<8x2048xi32>
    %slice3A_139 = vector.extract_strided_slice %add3A_13 {offsets = [152, 0], sizes = [8, 2048], strides = [1, 1]} : vector<512x2048xf32> to vector<8x2048xf32>
    %lt3A_140 = arith.cmpf olt, %slice3A_139, %select_n3A_134 : vector<8x2048xf32>
    %select_n3A_141 = arith.select %lt3A_140, %slice3A_139, %select_n3A_134 : vector<8x2048xi1>, vector<8x2048xf32>
    %add3A_142 = arith.constant 152 : i32
    %add3A_143 = vector.broadcast %add3A_142 : i32 to vector<8x2048xi32>
    %add3A_144 = arith.addi %iota3A, %add3A_143 : vector<8x2048xi32>
    %select_n3A_145 = arith.select %lt3A_140, %add3A_144, %select_n3A_138 : vector<8x2048xi1>, vector<8x2048xi32>
    %slice3A_146 = vector.extract_strided_slice %add3A_13 {offsets = [160, 0], sizes = [8, 2048], strides = [1, 1]} : vector<512x2048xf32> to vector<8x2048xf32>
    %lt3A_147 = arith.cmpf olt, %slice3A_146, %select_n3A_141 : vector<8x2048xf32>
    %select_n3A_148 = arith.select %lt3A_147, %slice3A_146, %select_n3A_141 : vector<8x2048xi1>, vector<8x2048xf32>
    %add3A_149 = arith.constant 160 : i32
    %add3A_150 = vector.broadcast %add3A_149 : i32 to vector<8x2048xi32>
    %add3A_151 = arith.addi %iota3A, %add3A_150 : vector<8x2048xi32>
    %select_n3A_152 = arith.select %lt3A_147, %add3A_151, %select_n3A_145 : vector<8x2048xi1>, vector<8x2048xi32>
    %slice3A_153 = vector.extract_strided_slice %add3A_13 {offsets = [168, 0], sizes = [8, 2048], strides = [1, 1]} : vector<512x2048xf32> to vector<8x2048xf32>
    %lt3A_154 = arith.cmpf olt, %slice3A_153, %select_n3A_148 : vector<8x2048xf32>
    %select_n3A_155 = arith.select %lt3A_154, %slice3A_153, %select_n3A_148 : vector<8x2048xi1>, vector<8x2048xf32>
    %add3A_156 = arith.constant 168 : i32
    %add3A_157 = vector.broadcast %add3A_156 : i32 to vector<8x2048xi32>
    %add3A_158 = arith.addi %iota3A, %add3A_157 : vector<8x2048xi32>
    %select_n3A_159 = arith.select %lt3A_154, %add3A_158, %select_n3A_152 : vector<8x2048xi1>, vector<8x2048xi32>
    %slice3A_160 = vector.extract_strided_slice %add3A_13 {offsets = [176, 0], sizes = [8, 2048], strides = [1, 1]} : vector<512x2048xf32> to vector<8x2048xf32>
    %lt3A_161 = arith.cmpf olt, %slice3A_160, %select_n3A_155 : vector<8x2048xf32>
    %select_n3A_162 = arith.select %lt3A_161, %slice3A_160, %select_n3A_155 : vector<8x2048xi1>, vector<8x2048xf32>
    %add3A_163 = arith.constant 176 : i32
    %add3A_164 = vector.broadcast %add3A_163 : i32 to vector<8x2048xi32>
    %add3A_165 = arith.addi %iota3A, %add3A_164 : vector<8x2048xi32>
    %select_n3A_166 = arith.select %lt3A_161, %add3A_165, %select_n3A_159 : vector<8x2048xi1>, vector<8x2048xi32>
    %slice3A_167 = vector.extract_strided_slice %add3A_13 {offsets = [184, 0], sizes = [8, 2048], strides = [1, 1]} : vector<512x2048xf32> to vector<8x2048xf32>
    %lt3A_168 = arith.cmpf olt, %slice3A_167, %select_n3A_162 : vector<8x2048xf32>
    %select_n3A_169 = arith.select %lt3A_168, %slice3A_167, %select_n3A_162 : vector<8x2048xi1>, vector<8x2048xf32>
    %add3A_170 = arith.constant 184 : i32
    %add3A_171 = vector.broadcast %add3A_170 : i32 to vector<8x2048xi32>
    %add3A_172 = arith.addi %iota3A, %add3A_171 : vector<8x2048xi32>
    %select_n3A_173 = arith.select %lt3A_168, %add3A_172, %select_n3A_166 : vector<8x2048xi1>, vector<8x2048xi32>
    %slice3A_174 = vector.extract_strided_slice %add3A_13 {offsets = [192, 0], sizes = [8, 2048], strides = [1, 1]} : vector<512x2048xf32> to vector<8x2048xf32>
    %lt3A_175 = arith.cmpf olt, %slice3A_174, %select_n3A_169 : vector<8x2048xf32>
    %select_n3A_176 = arith.select %lt3A_175, %slice3A_174, %select_n3A_169 : vector<8x2048xi1>, vector<8x2048xf32>
    %add3A_177 = arith.constant 192 : i32
    %add3A_178 = vector.broadcast %add3A_177 : i32 to vector<8x2048xi32>
    %add3A_179 = arith.addi %iota3A, %add3A_178 : vector<8x2048xi32>
    %select_n3A_180 = arith.select %lt3A_175, %add3A_179, %select_n3A_173 : vector<8x2048xi1>, vector<8x2048xi32>
    %slice3A_181 = vector.extract_strided_slice %add3A_13 {offsets = [200, 0], sizes = [8, 2048], strides = [1, 1]} : vector<512x2048xf32> to vector<8x2048xf32>
    %lt3A_182 = arith.cmpf olt, %slice3A_181, %select_n3A_176 : vector<8x2048xf32>
    %select_n3A_183 = arith.select %lt3A_182, %slice3A_181, %select_n3A_176 : vector<8x2048xi1>, vector<8x2048xf32>
    %add3A_184 = arith.constant 200 : i32
    %add3A_185 = vector.broadcast %add3A_184 : i32 to vector<8x2048xi32>
    %add3A_186 = arith.addi %iota3A, %add3A_185 : vector<8x2048xi32>
    %select_n3A_187 = arith.select %lt3A_182, %add3A_186, %select_n3A_180 : vector<8x2048xi1>, vector<8x2048xi32>
    %slice3A_188 = vector.extract_strided_slice %add3A_13 {offsets = [208, 0], sizes = [8, 2048], strides = [1, 1]} : vector<512x2048xf32> to vector<8x2048xf32>
    %lt3A_189 = arith.cmpf olt, %slice3A_188, %select_n3A_183 : vector<8x2048xf32>
    %select_n3A_190 = arith.select %lt3A_189, %slice3A_188, %select_n3A_183 : vector<8x2048xi1>, vector<8x2048xf32>
    %add3A_191 = arith.constant 208 : i32
    %add3A_192 = vector.broadcast %add3A_191 : i32 to vector<8x2048xi32>
    %add3A_193 = arith.addi %iota3A, %add3A_192 : vector<8x2048xi32>
    %select_n3A_194 = arith.select %lt3A_189, %add3A_193, %select_n3A_187 : vector<8x2048xi1>, vector<8x2048xi32>
    %slice3A_195 = vector.extract_strided_slice %add3A_13 {offsets = [216, 0], sizes = [8, 2048], strides = [1, 1]} : vector<512x2048xf32> to vector<8x2048xf32>
    %lt3A_196 = arith.cmpf olt, %slice3A_195, %select_n3A_190 : vector<8x2048xf32>
    %select_n3A_197 = arith.select %lt3A_196, %slice3A_195, %select_n3A_190 : vector<8x2048xi1>, vector<8x2048xf32>
    %add3A_198 = arith.constant 216 : i32
    %add3A_199 = vector.broadcast %add3A_198 : i32 to vector<8x2048xi32>
    %add3A_200 = arith.addi %iota3A, %add3A_199 : vector<8x2048xi32>
    %select_n3A_201 = arith.select %lt3A_196, %add3A_200, %select_n3A_194 : vector<8x2048xi1>, vector<8x2048xi32>
    %slice3A_202 = vector.extract_strided_slice %add3A_13 {offsets = [224, 0], sizes = [8, 2048], strides = [1, 1]} : vector<512x2048xf32> to vector<8x2048xf32>
    %lt3A_203 = arith.cmpf olt, %slice3A_202, %select_n3A_197 : vector<8x2048xf32>
    %select_n3A_204 = arith.select %lt3A_203, %slice3A_202, %select_n3A_197 : vector<8x2048xi1>, vector<8x2048xf32>
    %add3A_205 = arith.constant 224 : i32
    %add3A_206 = vector.broadcast %add3A_205 : i32 to vector<8x2048xi32>
    %add3A_207 = arith.addi %iota3A, %add3A_206 : vector<8x2048xi32>
    %select_n3A_208 = arith.select %lt3A_203, %add3A_207, %select_n3A_201 : vector<8x2048xi1>, vector<8x2048xi32>
    %slice3A_209 = vector.extract_strided_slice %add3A_13 {offsets = [232, 0], sizes = [8, 2048], strides = [1, 1]} : vector<512x2048xf32> to vector<8x2048xf32>
    %lt3A_210 = arith.cmpf olt, %slice3A_209, %select_n3A_204 : vector<8x2048xf32>
    %select_n3A_211 = arith.select %lt3A_210, %slice3A_209, %select_n3A_204 : vector<8x2048xi1>, vector<8x2048xf32>
    %add3A_212 = arith.constant 232 : i32
    %add3A_213 = vector.broadcast %add3A_212 : i32 to vector<8x2048xi32>
    %add3A_214 = arith.addi %iota3A, %add3A_213 : vector<8x2048xi32>
    %select_n3A_215 = arith.select %lt3A_210, %add3A_214, %select_n3A_208 : vector<8x2048xi1>, vector<8x2048xi32>
    %slice3A_216 = vector.extract_strided_slice %add3A_13 {offsets = [240, 0], sizes = [8, 2048], strides = [1, 1]} : vector<512x2048xf32> to vector<8x2048xf32>
    %lt3A_217 = arith.cmpf olt, %slice3A_216, %select_n3A_211 : vector<8x2048xf32>
    %select_n3A_218 = arith.select %lt3A_217, %slice3A_216, %select_n3A_211 : vector<8x2048xi1>, vector<8x2048xf32>
    %add3A_219 = arith.constant 240 : i32
    %add3A_220 = vector.broadcast %add3A_219 : i32 to vector<8x2048xi32>
    %add3A_221 = arith.addi %iota3A, %add3A_220 : vector<8x2048xi32>
    %select_n3A_222 = arith.select %lt3A_217, %add3A_221, %select_n3A_215 : vector<8x2048xi1>, vector<8x2048xi32>
    %slice3A_223 = vector.extract_strided_slice %add3A_13 {offsets = [248, 0], sizes = [8, 2048], strides = [1, 1]} : vector<512x2048xf32> to vector<8x2048xf32>
    %lt3A_224 = arith.cmpf olt, %slice3A_223, %select_n3A_218 : vector<8x2048xf32>
    %select_n3A_225 = arith.select %lt3A_224, %slice3A_223, %select_n3A_218 : vector<8x2048xi1>, vector<8x2048xf32>
    %add3A_226 = arith.constant 248 : i32
    %add3A_227 = vector.broadcast %add3A_226 : i32 to vector<8x2048xi32>
    %add3A_228 = arith.addi %iota3A, %add3A_227 : vector<8x2048xi32>
    %select_n3A_229 = arith.select %lt3A_224, %add3A_228, %select_n3A_222 : vector<8x2048xi1>, vector<8x2048xi32>
    %slice3A_230 = vector.extract_strided_slice %add3A_13 {offsets = [256, 0], sizes = [8, 2048], strides = [1, 1]} : vector<512x2048xf32> to vector<8x2048xf32>
    %lt3A_231 = arith.cmpf olt, %slice3A_230, %select_n3A_225 : vector<8x2048xf32>
    %select_n3A_232 = arith.select %lt3A_231, %slice3A_230, %select_n3A_225 : vector<8x2048xi1>, vector<8x2048xf32>
    %add3A_233 = arith.constant 256 : i32
    %add3A_234 = vector.broadcast %add3A_233 : i32 to vector<8x2048xi32>
    %add3A_235 = arith.addi %iota3A, %add3A_234 : vector<8x2048xi32>
    %select_n3A_236 = arith.select %lt3A_231, %add3A_235, %select_n3A_229 : vector<8x2048xi1>, vector<8x2048xi32>
    %slice3A_237 = vector.extract_strided_slice %add3A_13 {offsets = [264, 0], sizes = [8, 2048], strides = [1, 1]} : vector<512x2048xf32> to vector<8x2048xf32>
    %lt3A_238 = arith.cmpf olt, %slice3A_237, %select_n3A_232 : vector<8x2048xf32>
    %select_n3A_239 = arith.select %lt3A_238, %slice3A_237, %select_n3A_232 : vector<8x2048xi1>, vector<8x2048xf32>
    %add3A_240 = arith.constant 264 : i32
    %add3A_241 = vector.broadcast %add3A_240 : i32 to vector<8x2048xi32>
    %add3A_242 = arith.addi %iota3A, %add3A_241 : vector<8x2048xi32>
    %select_n3A_243 = arith.select %lt3A_238, %add3A_242, %select_n3A_236 : vector<8x2048xi1>, vector<8x2048xi32>
    %slice3A_244 = vector.extract_strided_slice %add3A_13 {offsets = [272, 0], sizes = [8, 2048], strides = [1, 1]} : vector<512x2048xf32> to vector<8x2048xf32>
    %lt3A_245 = arith.cmpf olt, %slice3A_244, %select_n3A_239 : vector<8x2048xf32>
    %select_n3A_246 = arith.select %lt3A_245, %slice3A_244, %select_n3A_239 : vector<8x2048xi1>, vector<8x2048xf32>
    %add3A_247 = arith.constant 272 : i32
    %add3A_248 = vector.broadcast %add3A_247 : i32 to vector<8x2048xi32>
    %add3A_249 = arith.addi %iota3A, %add3A_248 : vector<8x2048xi32>
    %select_n3A_250 = arith.select %lt3A_245, %add3A_249, %select_n3A_243 : vector<8x2048xi1>, vector<8x2048xi32>
    %slice3A_251 = vector.extract_strided_slice %add3A_13 {offsets = [280, 0], sizes = [8, 2048], strides = [1, 1]} : vector<512x2048xf32> to vector<8x2048xf32>
    %lt3A_252 = arith.cmpf olt, %slice3A_251, %select_n3A_246 : vector<8x2048xf32>
    %select_n3A_253 = arith.select %lt3A_252, %slice3A_251, %select_n3A_246 : vector<8x2048xi1>, vector<8x2048xf32>
    %add3A_254 = arith.constant 280 : i32
    %add3A_255 = vector.broadcast %add3A_254 : i32 to vector<8x2048xi32>
    %add3A_256 = arith.addi %iota3A, %add3A_255 : vector<8x2048xi32>
    %select_n3A_257 = arith.select %lt3A_252, %add3A_256, %select_n3A_250 : vector<8x2048xi1>, vector<8x2048xi32>
    %slice3A_258 = vector.extract_strided_slice %add3A_13 {offsets = [288, 0], sizes = [8, 2048], strides = [1, 1]} : vector<512x2048xf32> to vector<8x2048xf32>
    %lt3A_259 = arith.cmpf olt, %slice3A_258, %select_n3A_253 : vector<8x2048xf32>
    %select_n3A_260 = arith.select %lt3A_259, %slice3A_258, %select_n3A_253 : vector<8x2048xi1>, vector<8x2048xf32>
    %add3A_261 = arith.constant 288 : i32
    %add3A_262 = vector.broadcast %add3A_261 : i32 to vector<8x2048xi32>
    %add3A_263 = arith.addi %iota3A, %add3A_262 : vector<8x2048xi32>
    %select_n3A_264 = arith.select %lt3A_259, %add3A_263, %select_n3A_257 : vector<8x2048xi1>, vector<8x2048xi32>
    %slice3A_265 = vector.extract_strided_slice %add3A_13 {offsets = [296, 0], sizes = [8, 2048], strides = [1, 1]} : vector<512x2048xf32> to vector<8x2048xf32>
    %lt3A_266 = arith.cmpf olt, %slice3A_265, %select_n3A_260 : vector<8x2048xf32>
    %select_n3A_267 = arith.select %lt3A_266, %slice3A_265, %select_n3A_260 : vector<8x2048xi1>, vector<8x2048xf32>
    %add3A_268 = arith.constant 296 : i32
    %add3A_269 = vector.broadcast %add3A_268 : i32 to vector<8x2048xi32>
    %add3A_270 = arith.addi %iota3A, %add3A_269 : vector<8x2048xi32>
    %select_n3A_271 = arith.select %lt3A_266, %add3A_270, %select_n3A_264 : vector<8x2048xi1>, vector<8x2048xi32>
    %slice3A_272 = vector.extract_strided_slice %add3A_13 {offsets = [304, 0], sizes = [8, 2048], strides = [1, 1]} : vector<512x2048xf32> to vector<8x2048xf32>
    %lt3A_273 = arith.cmpf olt, %slice3A_272, %select_n3A_267 : vector<8x2048xf32>
    %select_n3A_274 = arith.select %lt3A_273, %slice3A_272, %select_n3A_267 : vector<8x2048xi1>, vector<8x2048xf32>
    %add3A_275 = arith.constant 304 : i32
    %add3A_276 = vector.broadcast %add3A_275 : i32 to vector<8x2048xi32>
    %add3A_277 = arith.addi %iota3A, %add3A_276 : vector<8x2048xi32>
    %select_n3A_278 = arith.select %lt3A_273, %add3A_277, %select_n3A_271 : vector<8x2048xi1>, vector<8x2048xi32>
    %slice3A_279 = vector.extract_strided_slice %add3A_13 {offsets = [312, 0], sizes = [8, 2048], strides = [1, 1]} : vector<512x2048xf32> to vector<8x2048xf32>
    %lt3A_280 = arith.cmpf olt, %slice3A_279, %select_n3A_274 : vector<8x2048xf32>
    %select_n3A_281 = arith.select %lt3A_280, %slice3A_279, %select_n3A_274 : vector<8x2048xi1>, vector<8x2048xf32>
    %add3A_282 = arith.constant 312 : i32
    %add3A_283 = vector.broadcast %add3A_282 : i32 to vector<8x2048xi32>
    %add3A_284 = arith.addi %iota3A, %add3A_283 : vector<8x2048xi32>
    %select_n3A_285 = arith.select %lt3A_280, %add3A_284, %select_n3A_278 : vector<8x2048xi1>, vector<8x2048xi32>
    %slice3A_286 = vector.extract_strided_slice %add3A_13 {offsets = [320, 0], sizes = [8, 2048], strides = [1, 1]} : vector<512x2048xf32> to vector<8x2048xf32>
    %lt3A_287 = arith.cmpf olt, %slice3A_286, %select_n3A_281 : vector<8x2048xf32>
    %select_n3A_288 = arith.select %lt3A_287, %slice3A_286, %select_n3A_281 : vector<8x2048xi1>, vector<8x2048xf32>
    %add3A_289 = arith.constant 320 : i32
    %add3A_290 = vector.broadcast %add3A_289 : i32 to vector<8x2048xi32>
    %add3A_291 = arith.addi %iota3A, %add3A_290 : vector<8x2048xi32>
    %select_n3A_292 = arith.select %lt3A_287, %add3A_291, %select_n3A_285 : vector<8x2048xi1>, vector<8x2048xi32>
    %slice3A_293 = vector.extract_strided_slice %add3A_13 {offsets = [328, 0], sizes = [8, 2048], strides = [1, 1]} : vector<512x2048xf32> to vector<8x2048xf32>
    %lt3A_294 = arith.cmpf olt, %slice3A_293, %select_n3A_288 : vector<8x2048xf32>
    %select_n3A_295 = arith.select %lt3A_294, %slice3A_293, %select_n3A_288 : vector<8x2048xi1>, vector<8x2048xf32>
    %add3A_296 = arith.constant 328 : i32
    %add3A_297 = vector.broadcast %add3A_296 : i32 to vector<8x2048xi32>
    %add3A_298 = arith.addi %iota3A, %add3A_297 : vector<8x2048xi32>
    %select_n3A_299 = arith.select %lt3A_294, %add3A_298, %select_n3A_292 : vector<8x2048xi1>, vector<8x2048xi32>
    %slice3A_300 = vector.extract_strided_slice %add3A_13 {offsets = [336, 0], sizes = [8, 2048], strides = [1, 1]} : vector<512x2048xf32> to vector<8x2048xf32>
    %lt3A_301 = arith.cmpf olt, %slice3A_300, %select_n3A_295 : vector<8x2048xf32>
    %select_n3A_302 = arith.select %lt3A_301, %slice3A_300, %select_n3A_295 : vector<8x2048xi1>, vector<8x2048xf32>
    %add3A_303 = arith.constant 336 : i32
    %add3A_304 = vector.broadcast %add3A_303 : i32 to vector<8x2048xi32>
    %add3A_305 = arith.addi %iota3A, %add3A_304 : vector<8x2048xi32>
    %select_n3A_306 = arith.select %lt3A_301, %add3A_305, %select_n3A_299 : vector<8x2048xi1>, vector<8x2048xi32>
    %slice3A_307 = vector.extract_strided_slice %add3A_13 {offsets = [344, 0], sizes = [8, 2048], strides = [1, 1]} : vector<512x2048xf32> to vector<8x2048xf32>
    %lt3A_308 = arith.cmpf olt, %slice3A_307, %select_n3A_302 : vector<8x2048xf32>
    %select_n3A_309 = arith.select %lt3A_308, %slice3A_307, %select_n3A_302 : vector<8x2048xi1>, vector<8x2048xf32>
    %add3A_310 = arith.constant 344 : i32
    %add3A_311 = vector.broadcast %add3A_310 : i32 to vector<8x2048xi32>
    %add3A_312 = arith.addi %iota3A, %add3A_311 : vector<8x2048xi32>
    %select_n3A_313 = arith.select %lt3A_308, %add3A_312, %select_n3A_306 : vector<8x2048xi1>, vector<8x2048xi32>
    %slice3A_314 = vector.extract_strided_slice %add3A_13 {offsets = [352, 0], sizes = [8, 2048], strides = [1, 1]} : vector<512x2048xf32> to vector<8x2048xf32>
    %lt3A_315 = arith.cmpf olt, %slice3A_314, %select_n3A_309 : vector<8x2048xf32>
    %select_n3A_316 = arith.select %lt3A_315, %slice3A_314, %select_n3A_309 : vector<8x2048xi1>, vector<8x2048xf32>
    %add3A_317 = arith.constant 352 : i32
    %add3A_318 = vector.broadcast %add3A_317 : i32 to vector<8x2048xi32>
    %add3A_319 = arith.addi %iota3A, %add3A_318 : vector<8x2048xi32>
    %select_n3A_320 = arith.select %lt3A_315, %add3A_319, %select_n3A_313 : vector<8x2048xi1>, vector<8x2048xi32>
    %slice3A_321 = vector.extract_strided_slice %add3A_13 {offsets = [360, 0], sizes = [8, 2048], strides = [1, 1]} : vector<512x2048xf32> to vector<8x2048xf32>
    %lt3A_322 = arith.cmpf olt, %slice3A_321, %select_n3A_316 : vector<8x2048xf32>
    %select_n3A_323 = arith.select %lt3A_322, %slice3A_321, %select_n3A_316 : vector<8x2048xi1>, vector<8x2048xf32>
    %add3A_324 = arith.constant 360 : i32
    %add3A_325 = vector.broadcast %add3A_324 : i32 to vector<8x2048xi32>
    %add3A_326 = arith.addi %iota3A, %add3A_325 : vector<8x2048xi32>
    %select_n3A_327 = arith.select %lt3A_322, %add3A_326, %select_n3A_320 : vector<8x2048xi1>, vector<8x2048xi32>
    %slice3A_328 = vector.extract_strided_slice %add3A_13 {offsets = [368, 0], sizes = [8, 2048], strides = [1, 1]} : vector<512x2048xf32> to vector<8x2048xf32>
    %lt3A_329 = arith.cmpf olt, %slice3A_328, %select_n3A_323 : vector<8x2048xf32>
    %select_n3A_330 = arith.select %lt3A_329, %slice3A_328, %select_n3A_323 : vector<8x2048xi1>, vector<8x2048xf32>
    %add3A_331 = arith.constant 368 : i32
    %add3A_332 = vector.broadcast %add3A_331 : i32 to vector<8x2048xi32>
    %add3A_333 = arith.addi %iota3A, %add3A_332 : vector<8x2048xi32>
    %select_n3A_334 = arith.select %lt3A_329, %add3A_333, %select_n3A_327 : vector<8x2048xi1>, vector<8x2048xi32>
    %slice3A_335 = vector.extract_strided_slice %add3A_13 {offsets = [376, 0], sizes = [8, 2048], strides = [1, 1]} : vector<512x2048xf32> to vector<8x2048xf32>
    %lt3A_336 = arith.cmpf olt, %slice3A_335, %select_n3A_330 : vector<8x2048xf32>
    %select_n3A_337 = arith.select %lt3A_336, %slice3A_335, %select_n3A_330 : vector<8x2048xi1>, vector<8x2048xf32>
    %add3A_338 = arith.constant 376 : i32
    %add3A_339 = vector.broadcast %add3A_338 : i32 to vector<8x2048xi32>
    %add3A_340 = arith.addi %iota3A, %add3A_339 : vector<8x2048xi32>
    %select_n3A_341 = arith.select %lt3A_336, %add3A_340, %select_n3A_334 : vector<8x2048xi1>, vector<8x2048xi32>
    %slice3A_342 = vector.extract_strided_slice %add3A_13 {offsets = [384, 0], sizes = [8, 2048], strides = [1, 1]} : vector<512x2048xf32> to vector<8x2048xf32>
    %lt3A_343 = arith.cmpf olt, %slice3A_342, %select_n3A_337 : vector<8x2048xf32>
    %select_n3A_344 = arith.select %lt3A_343, %slice3A_342, %select_n3A_337 : vector<8x2048xi1>, vector<8x2048xf32>
    %add3A_345 = arith.constant 384 : i32
    %add3A_346 = vector.broadcast %add3A_345 : i32 to vector<8x2048xi32>
    %add3A_347 = arith.addi %iota3A, %add3A_346 : vector<8x2048xi32>
    %select_n3A_348 = arith.select %lt3A_343, %add3A_347, %select_n3A_341 : vector<8x2048xi1>, vector<8x2048xi32>
    %slice3A_349 = vector.extract_strided_slice %add3A_13 {offsets = [392, 0], sizes = [8, 2048], strides = [1, 1]} : vector<512x2048xf32> to vector<8x2048xf32>
    %lt3A_350 = arith.cmpf olt, %slice3A_349, %select_n3A_344 : vector<8x2048xf32>
    %select_n3A_351 = arith.select %lt3A_350, %slice3A_349, %select_n3A_344 : vector<8x2048xi1>, vector<8x2048xf32>
    %add3A_352 = arith.constant 392 : i32
    %add3A_353 = vector.broadcast %add3A_352 : i32 to vector<8x2048xi32>
    %add3A_354 = arith.addi %iota3A, %add3A_353 : vector<8x2048xi32>
    %select_n3A_355 = arith.select %lt3A_350, %add3A_354, %select_n3A_348 : vector<8x2048xi1>, vector<8x2048xi32>
    %slice3A_356 = vector.extract_strided_slice %add3A_13 {offsets = [400, 0], sizes = [8, 2048], strides = [1, 1]} : vector<512x2048xf32> to vector<8x2048xf32>
    %lt3A_357 = arith.cmpf olt, %slice3A_356, %select_n3A_351 : vector<8x2048xf32>
    %select_n3A_358 = arith.select %lt3A_357, %slice3A_356, %select_n3A_351 : vector<8x2048xi1>, vector<8x2048xf32>
    %add3A_359 = arith.constant 400 : i32
    %add3A_360 = vector.broadcast %add3A_359 : i32 to vector<8x2048xi32>
    %add3A_361 = arith.addi %iota3A, %add3A_360 : vector<8x2048xi32>
    %select_n3A_362 = arith.select %lt3A_357, %add3A_361, %select_n3A_355 : vector<8x2048xi1>, vector<8x2048xi32>
    %slice3A_363 = vector.extract_strided_slice %add3A_13 {offsets = [408, 0], sizes = [8, 2048], strides = [1, 1]} : vector<512x2048xf32> to vector<8x2048xf32>
    %lt3A_364 = arith.cmpf olt, %slice3A_363, %select_n3A_358 : vector<8x2048xf32>
    %select_n3A_365 = arith.select %lt3A_364, %slice3A_363, %select_n3A_358 : vector<8x2048xi1>, vector<8x2048xf32>
    %add3A_366 = arith.constant 408 : i32
    %add3A_367 = vector.broadcast %add3A_366 : i32 to vector<8x2048xi32>
    %add3A_368 = arith.addi %iota3A, %add3A_367 : vector<8x2048xi32>
    %select_n3A_369 = arith.select %lt3A_364, %add3A_368, %select_n3A_362 : vector<8x2048xi1>, vector<8x2048xi32>
    %slice3A_370 = vector.extract_strided_slice %add3A_13 {offsets = [416, 0], sizes = [8, 2048], strides = [1, 1]} : vector<512x2048xf32> to vector<8x2048xf32>
    %lt3A_371 = arith.cmpf olt, %slice3A_370, %select_n3A_365 : vector<8x2048xf32>
    %select_n3A_372 = arith.select %lt3A_371, %slice3A_370, %select_n3A_365 : vector<8x2048xi1>, vector<8x2048xf32>
    %add3A_373 = arith.constant 416 : i32
    %add3A_374 = vector.broadcast %add3A_373 : i32 to vector<8x2048xi32>
    %add3A_375 = arith.addi %iota3A, %add3A_374 : vector<8x2048xi32>
    %select_n3A_376 = arith.select %lt3A_371, %add3A_375, %select_n3A_369 : vector<8x2048xi1>, vector<8x2048xi32>
    %slice3A_377 = vector.extract_strided_slice %add3A_13 {offsets = [424, 0], sizes = [8, 2048], strides = [1, 1]} : vector<512x2048xf32> to vector<8x2048xf32>
    %lt3A_378 = arith.cmpf olt, %slice3A_377, %select_n3A_372 : vector<8x2048xf32>
    %select_n3A_379 = arith.select %lt3A_378, %slice3A_377, %select_n3A_372 : vector<8x2048xi1>, vector<8x2048xf32>
    %add3A_380 = arith.constant 424 : i32
    %add3A_381 = vector.broadcast %add3A_380 : i32 to vector<8x2048xi32>
    %add3A_382 = arith.addi %iota3A, %add3A_381 : vector<8x2048xi32>
    %select_n3A_383 = arith.select %lt3A_378, %add3A_382, %select_n3A_376 : vector<8x2048xi1>, vector<8x2048xi32>
    %slice3A_384 = vector.extract_strided_slice %add3A_13 {offsets = [432, 0], sizes = [8, 2048], strides = [1, 1]} : vector<512x2048xf32> to vector<8x2048xf32>
    %lt3A_385 = arith.cmpf olt, %slice3A_384, %select_n3A_379 : vector<8x2048xf32>
    %select_n3A_386 = arith.select %lt3A_385, %slice3A_384, %select_n3A_379 : vector<8x2048xi1>, vector<8x2048xf32>
    %add3A_387 = arith.constant 432 : i32
    %add3A_388 = vector.broadcast %add3A_387 : i32 to vector<8x2048xi32>
    %add3A_389 = arith.addi %iota3A, %add3A_388 : vector<8x2048xi32>
    %select_n3A_390 = arith.select %lt3A_385, %add3A_389, %select_n3A_383 : vector<8x2048xi1>, vector<8x2048xi32>
    %slice3A_391 = vector.extract_strided_slice %add3A_13 {offsets = [440, 0], sizes = [8, 2048], strides = [1, 1]} : vector<512x2048xf32> to vector<8x2048xf32>
    %lt3A_392 = arith.cmpf olt, %slice3A_391, %select_n3A_386 : vector<8x2048xf32>
    %select_n3A_393 = arith.select %lt3A_392, %slice3A_391, %select_n3A_386 : vector<8x2048xi1>, vector<8x2048xf32>
    %add3A_394 = arith.constant 440 : i32
    %add3A_395 = vector.broadcast %add3A_394 : i32 to vector<8x2048xi32>
    %add3A_396 = arith.addi %iota3A, %add3A_395 : vector<8x2048xi32>
    %select_n3A_397 = arith.select %lt3A_392, %add3A_396, %select_n3A_390 : vector<8x2048xi1>, vector<8x2048xi32>
    %slice3A_398 = vector.extract_strided_slice %add3A_13 {offsets = [448, 0], sizes = [8, 2048], strides = [1, 1]} : vector<512x2048xf32> to vector<8x2048xf32>
    %lt3A_399 = arith.cmpf olt, %slice3A_398, %select_n3A_393 : vector<8x2048xf32>
    %select_n3A_400 = arith.select %lt3A_399, %slice3A_398, %select_n3A_393 : vector<8x2048xi1>, vector<8x2048xf32>
    %add3A_401 = arith.constant 448 : i32
    %add3A_402 = vector.broadcast %add3A_401 : i32 to vector<8x2048xi32>
    %add3A_403 = arith.addi %iota3A, %add3A_402 : vector<8x2048xi32>
    %select_n3A_404 = arith.select %lt3A_399, %add3A_403, %select_n3A_397 : vector<8x2048xi1>, vector<8x2048xi32>
    %slice3A_405 = vector.extract_strided_slice %add3A_13 {offsets = [456, 0], sizes = [8, 2048], strides = [1, 1]} : vector<512x2048xf32> to vector<8x2048xf32>
    %lt3A_406 = arith.cmpf olt, %slice3A_405, %select_n3A_400 : vector<8x2048xf32>
    %select_n3A_407 = arith.select %lt3A_406, %slice3A_405, %select_n3A_400 : vector<8x2048xi1>, vector<8x2048xf32>
    %add3A_408 = arith.constant 456 : i32
    %add3A_409 = vector.broadcast %add3A_408 : i32 to vector<8x2048xi32>
    %add3A_410 = arith.addi %iota3A, %add3A_409 : vector<8x2048xi32>
    %select_n3A_411 = arith.select %lt3A_406, %add3A_410, %select_n3A_404 : vector<8x2048xi1>, vector<8x2048xi32>
    %slice3A_412 = vector.extract_strided_slice %add3A_13 {offsets = [464, 0], sizes = [8, 2048], strides = [1, 1]} : vector<512x2048xf32> to vector<8x2048xf32>
    %lt3A_413 = arith.cmpf olt, %slice3A_412, %select_n3A_407 : vector<8x2048xf32>
    %select_n3A_414 = arith.select %lt3A_413, %slice3A_412, %select_n3A_407 : vector<8x2048xi1>, vector<8x2048xf32>
    %add3A_415 = arith.constant 464 : i32
    %add3A_416 = vector.broadcast %add3A_415 : i32 to vector<8x2048xi32>
    %add3A_417 = arith.addi %iota3A, %add3A_416 : vector<8x2048xi32>
    %select_n3A_418 = arith.select %lt3A_413, %add3A_417, %select_n3A_411 : vector<8x2048xi1>, vector<8x2048xi32>
    %slice3A_419 = vector.extract_strided_slice %add3A_13 {offsets = [472, 0], sizes = [8, 2048], strides = [1, 1]} : vector<512x2048xf32> to vector<8x2048xf32>
    %lt3A_420 = arith.cmpf olt, %slice3A_419, %select_n3A_414 : vector<8x2048xf32>
    %select_n3A_421 = arith.select %lt3A_420, %slice3A_419, %select_n3A_414 : vector<8x2048xi1>, vector<8x2048xf32>
    %add3A_422 = arith.constant 472 : i32
    %add3A_423 = vector.broadcast %add3A_422 : i32 to vector<8x2048xi32>
    %add3A_424 = arith.addi %iota3A, %add3A_423 : vector<8x2048xi32>
    %select_n3A_425 = arith.select %lt3A_420, %add3A_424, %select_n3A_418 : vector<8x2048xi1>, vector<8x2048xi32>
    %slice3A_426 = vector.extract_strided_slice %add3A_13 {offsets = [480, 0], sizes = [8, 2048], strides = [1, 1]} : vector<512x2048xf32> to vector<8x2048xf32>
    %lt3A_427 = arith.cmpf olt, %slice3A_426, %select_n3A_421 : vector<8x2048xf32>
    %select_n3A_428 = arith.select %lt3A_427, %slice3A_426, %select_n3A_421 : vector<8x2048xi1>, vector<8x2048xf32>
    %add3A_429 = arith.constant 480 : i32
    %add3A_430 = vector.broadcast %add3A_429 : i32 to vector<8x2048xi32>
    %add3A_431 = arith.addi %iota3A, %add3A_430 : vector<8x2048xi32>
    %select_n3A_432 = arith.select %lt3A_427, %add3A_431, %select_n3A_425 : vector<8x2048xi1>, vector<8x2048xi32>
    %slice3A_433 = vector.extract_strided_slice %add3A_13 {offsets = [488, 0], sizes = [8, 2048], strides = [1, 1]} : vector<512x2048xf32> to vector<8x2048xf32>
    %lt3A_434 = arith.cmpf olt, %slice3A_433, %select_n3A_428 : vector<8x2048xf32>
    %select_n3A_435 = arith.select %lt3A_434, %slice3A_433, %select_n3A_428 : vector<8x2048xi1>, vector<8x2048xf32>
    %add3A_436 = arith.constant 488 : i32
    %add3A_437 = vector.broadcast %add3A_436 : i32 to vector<8x2048xi32>
    %add3A_438 = arith.addi %iota3A, %add3A_437 : vector<8x2048xi32>
    %select_n3A_439 = arith.select %lt3A_434, %add3A_438, %select_n3A_432 : vector<8x2048xi1>, vector<8x2048xi32>
    %slice3A_440 = vector.extract_strided_slice %add3A_13 {offsets = [496, 0], sizes = [8, 2048], strides = [1, 1]} : vector<512x2048xf32> to vector<8x2048xf32>
    %lt3A_441 = arith.cmpf olt, %slice3A_440, %select_n3A_435 : vector<8x2048xf32>
    %select_n3A_442 = arith.select %lt3A_441, %slice3A_440, %select_n3A_435 : vector<8x2048xi1>, vector<8x2048xf32>
    %add3A_443 = arith.constant 496 : i32
    %add3A_444 = vector.broadcast %add3A_443 : i32 to vector<8x2048xi32>
    %add3A_445 = arith.addi %iota3A, %add3A_444 : vector<8x2048xi32>
    %select_n3A_446 = arith.select %lt3A_441, %add3A_445, %select_n3A_439 : vector<8x2048xi1>, vector<8x2048xi32>
    %slice3A_447 = vector.extract_strided_slice %add3A_13 {offsets = [504, 0], sizes = [8, 2048], strides = [1, 1]} : vector<512x2048xf32> to vector<8x2048xf32>
    %lt3A_448 = arith.cmpf olt, %slice3A_447, %select_n3A_442 : vector<8x2048xf32>
    %select_n3A_449 = arith.select %lt3A_448, %slice3A_447, %select_n3A_442 : vector<8x2048xi1>, vector<8x2048xf32>
    %add3A_450 = arith.constant 504 : i32
    %add3A_451 = vector.broadcast %add3A_450 : i32 to vector<8x2048xi32>
    %add3A_452 = arith.addi %iota3A, %add3A_451 : vector<8x2048xi32>
    %select_n3A_453 = arith.select %lt3A_448, %add3A_452, %select_n3A_446 : vector<8x2048xi1>, vector<8x2048xi32>
    %reduce_min3A = arith.constant dense<0x7F800000> : vector<2048xf32>
    %reduce_min3A_454 = vector.multi_reduction <minimumf>, %select_n3A_449, %reduce_min3A [0] : vector<8x2048xf32> to vector<2048xf32>
    %broadcast_in_dim3A = vector.shape_cast %reduce_min3A_454 : vector<2048xf32> to vector<1x2048xf32>
    %eq3A = vector.broadcast %broadcast_in_dim3A : vector<1x2048xf32> to vector<8x2048xf32>
    %eq3A_455 = arith.cmpf oeq, %select_n3A_449, %eq3A : vector<8x2048xf32>
    %jit3A = arith.constant 512 : i32
    %broadcast_in_dim3A_456 = vector.broadcast %jit3A : i32 to vector<8x2048xi32>
    %select_n3A_457 = arith.select %eq3A_455, %select_n3A_453, %broadcast_in_dim3A_456 : vector<8x2048xi1>, vector<8x2048xi32>
    %reduce_min3A_458 = arith.constant dense<2147483647> : vector<2048xi32>
    %reduce_min3A_459 = vector.multi_reduction <minsi>, %select_n3A_457, %reduce_min3A_458 [0] : vector<8x2048xi32> to vector<2048xi32>
    %swap3A = arith.constant 0 : index
    %swap3A_460 = arith.constant 0 : index
    %swap3A_461 = vector.load %arg4[%swap3A, %swap3A_460] : memref<8x2048xi32, #tpu.memory_space<vmem>>, vector<1x2048xi32>
    %swap3A_462 = vector.shape_cast %swap3A_461 : vector<1x2048xi32> to vector<2048xi32>
    %swap3A_463 = vector.shape_cast %reduce_min3A_459 : vector<2048xi32> to vector<1x2048xi32>
    tpu.vector_store %arg4[%swap3A, %swap3A_460], %swap3A_463 {strides = array<i32>} : memref<8x2048xi32, #tpu.memory_space<vmem>>, vector<1x2048xi32>,
    %reduce_sum3A_464 = vector.shape_cast %broadcast_in_dim3A : vector<1x2048xf32> to vector<1x1x2048xf32>
    %reduce_sum3A_465 = arith.constant dense<0.000000e+00> : vector<1xf32>
    %reduce_sum3A_466 = vector.multi_reduction <add>, %reduce_sum3A_464, %reduce_sum3A_465 [1, 2] : vector<1x1x2048xf32> to vector<1xf32>
    %reduce_sum3A_467 = vector.shape_cast %reduce_sum3A_466 : vector<1xf32> to vector<1x1x1xf32>
    %reduce_sum3A_468 = vector.extract %reduce_sum3A_467[0, 0, 0] : f32 from vector<1x1x1xf32>
    %add3A_469 = arith.addf %reduce_sum3A_11, %reduce_sum3A_468 : f32
    %slice3A_470 = vector.extract_strided_slice %get3A_1 {offsets = [32, 0], sizes = [32, 2048], strides = [1, 1]} : vector<256x2048xf32> to vector<32x2048xf32>
    %dot_general3A_471 = arith.constant dense<0.000000e+00> : vector<512x2048xf32>
    %dot_general3A_472 = tpu.matmul %get3A_4, %slice3A_470, %dot_general3A_471 {dimension_numbers = #tpu.dot_dimension_numbers<[1], [0], [0], [1], [0, 0, 1, 1], [], []>, transpose_lhs_hint = false} : vector<512x32xf32>, vector<32x2048xf32>, vector<512x2048xf32> -> vector<512x2048xf32>
    %add3A_473 = vector.broadcast %get3A_7 : vector<512x1xf32> to vector<512x2048xf32>
    %add3A_474 = arith.addf %dot_general3A_472, %add3A_473 : vector<512x2048xf32>
    %slice3A_475 = vector.extract_strided_slice %add3A_474 {offsets = [0, 0], sizes = [8, 2048], strides = [1, 1]} : vector<512x2048xf32> to vector<8x2048xf32>
    %slice3A_476 = vector.extract_strided_slice %add3A_474 {offsets = [8, 0], sizes = [8, 2048], strides = [1, 1]} : vector<512x2048xf32> to vector<8x2048xf32>
    %lt3A_477 = arith.cmpf olt, %slice3A_476, %slice3A_475 : vector<8x2048xf32>
    %select_n3A_478 = arith.select %lt3A_477, %slice3A_476, %slice3A_475 : vector<8x2048xi1>, vector<8x2048xf32>
    %add3A_479 = arith.constant 8 : i32
    %add3A_480 = vector.broadcast %add3A_479 : i32 to vector<8x2048xi32>
    %add3A_481 = arith.addi %iota3A, %add3A_480 : vector<8x2048xi32>
    %select_n3A_482 = arith.select %lt3A_477, %add3A_481, %iota3A : vector<8x2048xi1>, vector<8x2048xi32>
    %slice3A_483 = vector.extract_strided_slice %add3A_474 {offsets = [16, 0], sizes = [8, 2048], strides = [1, 1]} : vector<512x2048xf32> to vector<8x2048xf32>
    %lt3A_484 = arith.cmpf olt, %slice3A_483, %select_n3A_478 : vector<8x2048xf32>
    %select_n3A_485 = arith.select %lt3A_484, %slice3A_483, %select_n3A_478 : vector<8x2048xi1>, vector<8x2048xf32>
    %add3A_486 = arith.constant 16 : i32
    %add3A_487 = vector.broadcast %add3A_486 : i32 to vector<8x2048xi32>
    %add3A_488 = arith.addi %iota3A, %add3A_487 : vector<8x2048xi32>
    %select_n3A_489 = arith.select %lt3A_484, %add3A_488, %select_n3A_482 : vector<8x2048xi1>, vector<8x2048xi32>
    %slice3A_490 = vector.extract_strided_slice %add3A_474 {offsets = [24, 0], sizes = [8, 2048], strides = [1, 1]} : vector<512x2048xf32> to vector<8x2048xf32>
    %lt3A_491 = arith.cmpf olt, %slice3A_490, %select_n3A_485 : vector<8x2048xf32>
    %select_n3A_492 = arith.select %lt3A_491, %slice3A_490, %select_n3A_485 : vector<8x2048xi1>, vector<8x2048xf32>
    %add3A_493 = arith.constant 24 : i32
    %add3A_494 = vector.broadcast %add3A_493 : i32 to vector<8x2048xi32>
    %add3A_495 = arith.addi %iota3A, %add3A_494 : vector<8x2048xi32>
    %select_n3A_496 = arith.select %lt3A_491, %add3A_495, %select_n3A_489 : vector<8x2048xi1>, vector<8x2048xi32>
    %slice3A_497 = vector.extract_strided_slice %add3A_474 {offsets = [32, 0], sizes = [8, 2048], strides = [1, 1]} : vector<512x2048xf32> to vector<8x2048xf32>
    %lt3A_498 = arith.cmpf olt, %slice3A_497, %select_n3A_492 : vector<8x2048xf32>
    %select_n3A_499 = arith.select %lt3A_498, %slice3A_497, %select_n3A_492 : vector<8x2048xi1>, vector<8x2048xf32>
    %add3A_500 = arith.constant 32 : i32
    %add3A_501 = vector.broadcast %add3A_500 : i32 to vector<8x2048xi32>
    %add3A_502 = arith.addi %iota3A, %add3A_501 : vector<8x2048xi32>
    %select_n3A_503 = arith.select %lt3A_498, %add3A_502, %select_n3A_496 : vector<8x2048xi1>, vector<8x2048xi32>
    %slice3A_504 = vector.extract_strided_slice %add3A_474 {offsets = [40, 0], sizes = [8, 2048], strides = [1, 1]} : vector<512x2048xf32> to vector<8x2048xf32>
    %lt3A_505 = arith.cmpf olt, %slice3A_504, %select_n3A_499 : vector<8x2048xf32>
    %select_n3A_506 = arith.select %lt3A_505, %slice3A_504, %select_n3A_499 : vector<8x2048xi1>, vector<8x2048xf32>
    %add3A_507 = arith.constant 40 : i32
    %add3A_508 = vector.broadcast %add3A_507 : i32 to vector<8x2048xi32>
    %add3A_509 = arith.addi %iota3A, %add3A_508 : vector<8x2048xi32>
    %select_n3A_510 = arith.select %lt3A_505, %add3A_509, %select_n3A_503 : vector<8x2048xi1>, vector<8x2048xi32>
    %slice3A_511 = vector.extract_strided_slice %add3A_474 {offsets = [48, 0], sizes = [8, 2048], strides = [1, 1]} : vector<512x2048xf32> to vector<8x2048xf32>
    %lt3A_512 = arith.cmpf olt, %slice3A_511, %select_n3A_506 : vector<8x2048xf32>
    %select_n3A_513 = arith.select %lt3A_512, %slice3A_511, %select_n3A_506 : vector<8x2048xi1>, vector<8x2048xf32>
    %add3A_514 = arith.constant 48 : i32
    %add3A_515 = vector.broadcast %add3A_514 : i32 to vector<8x2048xi32>
    %add3A_516 = arith.addi %iota3A, %add3A_515 : vector<8x2048xi32>
    %select_n3A_517 = arith.select %lt3A_512, %add3A_516, %select_n3A_510 : vector<8x2048xi1>, vector<8x2048xi32>
    %slice3A_518 = vector.extract_strided_slice %add3A_474 {offsets = [56, 0], sizes = [8, 2048], strides = [1, 1]} : vector<512x2048xf32> to vector<8x2048xf32>
    %lt3A_519 = arith.cmpf olt, %slice3A_518, %select_n3A_513 : vector<8x2048xf32>
    %select_n3A_520 = arith.select %lt3A_519, %slice3A_518, %select_n3A_513 : vector<8x2048xi1>, vector<8x2048xf32>
    %add3A_521 = arith.constant 56 : i32
    %add3A_522 = vector.broadcast %add3A_521 : i32 to vector<8x2048xi32>
    %add3A_523 = arith.addi %iota3A, %add3A_522 : vector<8x2048xi32>
    %select_n3A_524 = arith.select %lt3A_519, %add3A_523, %select_n3A_517 : vector<8x2048xi1>, vector<8x2048xi32>
    %slice3A_525 = vector.extract_strided_slice %add3A_474 {offsets = [64, 0], sizes = [8, 2048], strides = [1, 1]} : vector<512x2048xf32> to vector<8x2048xf32>
    %lt3A_526 = arith.cmpf olt, %slice3A_525, %select_n3A_520 : vector<8x2048xf32>
    %select_n3A_527 = arith.select %lt3A_526, %slice3A_525, %select_n3A_520 : vector<8x2048xi1>, vector<8x2048xf32>
    %add3A_528 = arith.constant 64 : i32
    %add3A_529 = vector.broadcast %add3A_528 : i32 to vector<8x2048xi32>
    %add3A_530 = arith.addi %iota3A, %add3A_529 : vector<8x2048xi32>
    %select_n3A_531 = arith.select %lt3A_526, %add3A_530, %select_n3A_524 : vector<8x2048xi1>, vector<8x2048xi32>
    %slice3A_532 = vector.extract_strided_slice %add3A_474 {offsets = [72, 0], sizes = [8, 2048], strides = [1, 1]} : vector<512x2048xf32> to vector<8x2048xf32>
    %lt3A_533 = arith.cmpf olt, %slice3A_532, %select_n3A_527 : vector<8x2048xf32>
    %select_n3A_534 = arith.select %lt3A_533, %slice3A_532, %select_n3A_527 : vector<8x2048xi1>, vector<8x2048xf32>
    %add3A_535 = arith.constant 72 : i32
    %add3A_536 = vector.broadcast %add3A_535 : i32 to vector<8x2048xi32>
    %add3A_537 = arith.addi %iota3A, %add3A_536 : vector<8x2048xi32>
    %select_n3A_538 = arith.select %lt3A_533, %add3A_537, %select_n3A_531 : vector<8x2048xi1>, vector<8x2048xi32>
    %slice3A_539 = vector.extract_strided_slice %add3A_474 {offsets = [80, 0], sizes = [8, 2048], strides = [1, 1]} : vector<512x2048xf32> to vector<8x2048xf32>
    %lt3A_540 = arith.cmpf olt, %slice3A_539, %select_n3A_534 : vector<8x2048xf32>
    %select_n3A_541 = arith.select %lt3A_540, %slice3A_539, %select_n3A_534 : vector<8x2048xi1>, vector<8x2048xf32>
    %add3A_542 = arith.constant 80 : i32
    %add3A_543 = vector.broadcast %add3A_542 : i32 to vector<8x2048xi32>
    %add3A_544 = arith.addi %iota3A, %add3A_543 : vector<8x2048xi32>
    %select_n3A_545 = arith.select %lt3A_540, %add3A_544, %select_n3A_538 : vector<8x2048xi1>, vector<8x2048xi32>
    %slice3A_546 = vector.extract_strided_slice %add3A_474 {offsets = [88, 0], sizes = [8, 2048], strides = [1, 1]} : vector<512x2048xf32> to vector<8x2048xf32>
    %lt3A_547 = arith.cmpf olt, %slice3A_546, %select_n3A_541 : vector<8x2048xf32>
    %select_n3A_548 = arith.select %lt3A_547, %slice3A_546, %select_n3A_541 : vector<8x2048xi1>, vector<8x2048xf32>
    %add3A_549 = arith.constant 88 : i32
    %add3A_550 = vector.broadcast %add3A_549 : i32 to vector<8x2048xi32>
    %add3A_551 = arith.addi %iota3A, %add3A_550 : vector<8x2048xi32>
    %select_n3A_552 = arith.select %lt3A_547, %add3A_551, %select_n3A_545 : vector<8x2048xi1>, vector<8x2048xi32>
    %slice3A_553 = vector.extract_strided_slice %add3A_474 {offsets = [96, 0], sizes = [8, 2048], strides = [1, 1]} : vector<512x2048xf32> to vector<8x2048xf32>
    %lt3A_554 = arith.cmpf olt, %slice3A_553, %select_n3A_548 : vector<8x2048xf32>
    %select_n3A_555 = arith.select %lt3A_554, %slice3A_553, %select_n3A_548 : vector<8x2048xi1>, vector<8x2048xf32>
    %add3A_556 = arith.constant 96 : i32
    %add3A_557 = vector.broadcast %add3A_556 : i32 to vector<8x2048xi32>
    %add3A_558 = arith.addi %iota3A, %add3A_557 : vector<8x2048xi32>
    %select_n3A_559 = arith.select %lt3A_554, %add3A_558, %select_n3A_552 : vector<8x2048xi1>, vector<8x2048xi32>
    %slice3A_560 = vector.extract_strided_slice %add3A_474 {offsets = [104, 0], sizes = [8, 2048], strides = [1, 1]} : vector<512x2048xf32> to vector<8x2048xf32>
    %lt3A_561 = arith.cmpf olt, %slice3A_560, %select_n3A_555 : vector<8x2048xf32>
    %select_n3A_562 = arith.select %lt3A_561, %slice3A_560, %select_n3A_555 : vector<8x2048xi1>, vector<8x2048xf32>
    %add3A_563 = arith.constant 104 : i32
    %add3A_564 = vector.broadcast %add3A_563 : i32 to vector<8x2048xi32>
    %add3A_565 = arith.addi %iota3A, %add3A_564 : vector<8x2048xi32>
    %select_n3A_566 = arith.select %lt3A_561, %add3A_565, %select_n3A_559 : vector<8x2048xi1>, vector<8x2048xi32>
    %slice3A_567 = vector.extract_strided_slice %add3A_474 {offsets = [112, 0], sizes = [8, 2048], strides = [1, 1]} : vector<512x2048xf32> to vector<8x2048xf32>
    %lt3A_568 = arith.cmpf olt, %slice3A_567, %select_n3A_562 : vector<8x2048xf32>
    %select_n3A_569 = arith.select %lt3A_568, %slice3A_567, %select_n3A_562 : vector<8x2048xi1>, vector<8x2048xf32>
    %add3A_570 = arith.constant 112 : i32
    %add3A_571 = vector.broadcast %add3A_570 : i32 to vector<8x2048xi32>
    %add3A_572 = arith.addi %iota3A, %add3A_571 : vector<8x2048xi32>
    %select_n3A_573 = arith.select %lt3A_568, %add3A_572, %select_n3A_566 : vector<8x2048xi1>, vector<8x2048xi32>
    %slice3A_574 = vector.extract_strided_slice %add3A_474 {offsets = [120, 0], sizes = [8, 2048], strides = [1, 1]} : vector<512x2048xf32> to vector<8x2048xf32>
    %lt3A_575 = arith.cmpf olt, %slice3A_574, %select_n3A_569 : vector<8x2048xf32>
    %select_n3A_576 = arith.select %lt3A_575, %slice3A_574, %select_n3A_569 : vector<8x2048xi1>, vector<8x2048xf32>
    %add3A_577 = arith.constant 120 : i32
    %add3A_578 = vector.broadcast %add3A_577 : i32 to vector<8x2048xi32>
    %add3A_579 = arith.addi %iota3A, %add3A_578 : vector<8x2048xi32>
    %select_n3A_580 = arith.select %lt3A_575, %add3A_579, %select_n3A_573 : vector<8x2048xi1>, vector<8x2048xi32>
    %slice3A_581 = vector.extract_strided_slice %add3A_474 {offsets = [128, 0], sizes = [8, 2048], strides = [1, 1]} : vector<512x2048xf32> to vector<8x2048xf32>
    %lt3A_582 = arith.cmpf olt, %slice3A_581, %select_n3A_576 : vector<8x2048xf32>
    %select_n3A_583 = arith.select %lt3A_582, %slice3A_581, %select_n3A_576 : vector<8x2048xi1>, vector<8x2048xf32>
    %add3A_584 = arith.constant 128 : i32
    %add3A_585 = vector.broadcast %add3A_584 : i32 to vector<8x2048xi32>
    %add3A_586 = arith.addi %iota3A, %add3A_585 : vector<8x2048xi32>
    %select_n3A_587 = arith.select %lt3A_582, %add3A_586, %select_n3A_580 : vector<8x2048xi1>, vector<8x2048xi32>
    %slice3A_588 = vector.extract_strided_slice %add3A_474 {offsets = [136, 0], sizes = [8, 2048], strides = [1, 1]} : vector<512x2048xf32> to vector<8x2048xf32>
    %lt3A_589 = arith.cmpf olt, %slice3A_588, %select_n3A_583 : vector<8x2048xf32>
    %select_n3A_590 = arith.select %lt3A_589, %slice3A_588, %select_n3A_583 : vector<8x2048xi1>, vector<8x2048xf32>
    %add3A_591 = arith.constant 136 : i32
    %add3A_592 = vector.broadcast %add3A_591 : i32 to vector<8x2048xi32>
    %add3A_593 = arith.addi %iota3A, %add3A_592 : vector<8x2048xi32>
    %select_n3A_594 = arith.select %lt3A_589, %add3A_593, %select_n3A_587 : vector<8x2048xi1>, vector<8x2048xi32>
    %slice3A_595 = vector.extract_strided_slice %add3A_474 {offsets = [144, 0], sizes = [8, 2048], strides = [1, 1]} : vector<512x2048xf32> to vector<8x2048xf32>
    %lt3A_596 = arith.cmpf olt, %slice3A_595, %select_n3A_590 : vector<8x2048xf32>
    %select_n3A_597 = arith.select %lt3A_596, %slice3A_595, %select_n3A_590 : vector<8x2048xi1>, vector<8x2048xf32>
    %add3A_598 = arith.constant 144 : i32
    %add3A_599 = vector.broadcast %add3A_598 : i32 to vector<8x2048xi32>
    %add3A_600 = arith.addi %iota3A, %add3A_599 : vector<8x2048xi32>
    %select_n3A_601 = arith.select %lt3A_596, %add3A_600, %select_n3A_594 : vector<8x2048xi1>, vector<8x2048xi32>
    %slice3A_602 = vector.extract_strided_slice %add3A_474 {offsets = [152, 0], sizes = [8, 2048], strides = [1, 1]} : vector<512x2048xf32> to vector<8x2048xf32>
    %lt3A_603 = arith.cmpf olt, %slice3A_602, %select_n3A_597 : vector<8x2048xf32>
    %select_n3A_604 = arith.select %lt3A_603, %slice3A_602, %select_n3A_597 : vector<8x2048xi1>, vector<8x2048xf32>
    %add3A_605 = arith.constant 152 : i32
    %add3A_606 = vector.broadcast %add3A_605 : i32 to vector<8x2048xi32>
    %add3A_607 = arith.addi %iota3A, %add3A_606 : vector<8x2048xi32>
    %select_n3A_608 = arith.select %lt3A_603, %add3A_607, %select_n3A_601 : vector<8x2048xi1>, vector<8x2048xi32>
    %slice3A_609 = vector.extract_strided_slice %add3A_474 {offsets = [160, 0], sizes = [8, 2048], strides = [1, 1]} : vector<512x2048xf32> to vector<8x2048xf32>
    %lt3A_610 = arith.cmpf olt, %slice3A_609, %select_n3A_604 : vector<8x2048xf32>
    %select_n3A_611 = arith.select %lt3A_610, %slice3A_609, %select_n3A_604 : vector<8x2048xi1>, vector<8x2048xf32>
    %add3A_612 = arith.constant 160 : i32
    %add3A_613 = vector.broadcast %add3A_612 : i32 to vector<8x2048xi32>
    %add3A_614 = arith.addi %iota3A, %add3A_613 : vector<8x2048xi32>
    %select_n3A_615 = arith.select %lt3A_610, %add3A_614, %select_n3A_608 : vector<8x2048xi1>, vector<8x2048xi32>
    %slice3A_616 = vector.extract_strided_slice %add3A_474 {offsets = [168, 0], sizes = [8, 2048], strides = [1, 1]} : vector<512x2048xf32> to vector<8x2048xf32>
    %lt3A_617 = arith.cmpf olt, %slice3A_616, %select_n3A_611 : vector<8x2048xf32>
    %select_n3A_618 = arith.select %lt3A_617, %slice3A_616, %select_n3A_611 : vector<8x2048xi1>, vector<8x2048xf32>
    %add3A_619 = arith.constant 168 : i32
    %add3A_620 = vector.broadcast %add3A_619 : i32 to vector<8x2048xi32>
    %add3A_621 = arith.addi %iota3A, %add3A_620 : vector<8x2048xi32>
    %select_n3A_622 = arith.select %lt3A_617, %add3A_621, %select_n3A_615 : vector<8x2048xi1>, vector<8x2048xi32>
    %slice3A_623 = vector.extract_strided_slice %add3A_474 {offsets = [176, 0], sizes = [8, 2048], strides = [1, 1]} : vector<512x2048xf32> to vector<8x2048xf32>
    %lt3A_624 = arith.cmpf olt, %slice3A_623, %select_n3A_618 : vector<8x2048xf32>
    %select_n3A_625 = arith.select %lt3A_624, %slice3A_623, %select_n3A_618 : vector<8x2048xi1>, vector<8x2048xf32>
    %add3A_626 = arith.constant 176 : i32
    %add3A_627 = vector.broadcast %add3A_626 : i32 to vector<8x2048xi32>
    %add3A_628 = arith.addi %iota3A, %add3A_627 : vector<8x2048xi32>
    %select_n3A_629 = arith.select %lt3A_624, %add3A_628, %select_n3A_622 : vector<8x2048xi1>, vector<8x2048xi32>
    %slice3A_630 = vector.extract_strided_slice %add3A_474 {offsets = [184, 0], sizes = [8, 2048], strides = [1, 1]} : vector<512x2048xf32> to vector<8x2048xf32>
    %lt3A_631 = arith.cmpf olt, %slice3A_630, %select_n3A_625 : vector<8x2048xf32>
    %select_n3A_632 = arith.select %lt3A_631, %slice3A_630, %select_n3A_625 : vector<8x2048xi1>, vector<8x2048xf32>
    %add3A_633 = arith.constant 184 : i32
    %add3A_634 = vector.broadcast %add3A_633 : i32 to vector<8x2048xi32>
    %add3A_635 = arith.addi %iota3A, %add3A_634 : vector<8x2048xi32>
    %select_n3A_636 = arith.select %lt3A_631, %add3A_635, %select_n3A_629 : vector<8x2048xi1>, vector<8x2048xi32>
    %slice3A_637 = vector.extract_strided_slice %add3A_474 {offsets = [192, 0], sizes = [8, 2048], strides = [1, 1]} : vector<512x2048xf32> to vector<8x2048xf32>
    %lt3A_638 = arith.cmpf olt, %slice3A_637, %select_n3A_632 : vector<8x2048xf32>
    %select_n3A_639 = arith.select %lt3A_638, %slice3A_637, %select_n3A_632 : vector<8x2048xi1>, vector<8x2048xf32>
    %add3A_640 = arith.constant 192 : i32
    %add3A_641 = vector.broadcast %add3A_640 : i32 to vector<8x2048xi32>
    %add3A_642 = arith.addi %iota3A, %add3A_641 : vector<8x2048xi32>
    %select_n3A_643 = arith.select %lt3A_638, %add3A_642, %select_n3A_636 : vector<8x2048xi1>, vector<8x2048xi32>
    %slice3A_644 = vector.extract_strided_slice %add3A_474 {offsets = [200, 0], sizes = [8, 2048], strides = [1, 1]} : vector<512x2048xf32> to vector<8x2048xf32>
    %lt3A_645 = arith.cmpf olt, %slice3A_644, %select_n3A_639 : vector<8x2048xf32>
    %select_n3A_646 = arith.select %lt3A_645, %slice3A_644, %select_n3A_639 : vector<8x2048xi1>, vector<8x2048xf32>
    %add3A_647 = arith.constant 200 : i32
    %add3A_648 = vector.broadcast %add3A_647 : i32 to vector<8x2048xi32>
    %add3A_649 = arith.addi %iota3A, %add3A_648 : vector<8x2048xi32>
    %select_n3A_650 = arith.select %lt3A_645, %add3A_649, %select_n3A_643 : vector<8x2048xi1>, vector<8x2048xi32>
    %slice3A_651 = vector.extract_strided_slice %add3A_474 {offsets = [208, 0], sizes = [8, 2048], strides = [1, 1]} : vector<512x2048xf32> to vector<8x2048xf32>
    %lt3A_652 = arith.cmpf olt, %slice3A_651, %select_n3A_646 : vector<8x2048xf32>
    %select_n3A_653 = arith.select %lt3A_652, %slice3A_651, %select_n3A_646 : vector<8x2048xi1>, vector<8x2048xf32>
    %add3A_654 = arith.constant 208 : i32
    %add3A_655 = vector.broadcast %add3A_654 : i32 to vector<8x2048xi32>
    %add3A_656 = arith.addi %iota3A, %add3A_655 : vector<8x2048xi32>
    %select_n3A_657 = arith.select %lt3A_652, %add3A_656, %select_n3A_650 : vector<8x2048xi1>, vector<8x2048xi32>
    %slice3A_658 = vector.extract_strided_slice %add3A_474 {offsets = [216, 0], sizes = [8, 2048], strides = [1, 1]} : vector<512x2048xf32> to vector<8x2048xf32>
    %lt3A_659 = arith.cmpf olt, %slice3A_658, %select_n3A_653 : vector<8x2048xf32>
    %select_n3A_660 = arith.select %lt3A_659, %slice3A_658, %select_n3A_653 : vector<8x2048xi1>, vector<8x2048xf32>
    %add3A_661 = arith.constant 216 : i32
    %add3A_662 = vector.broadcast %add3A_661 : i32 to vector<8x2048xi32>
    %add3A_663 = arith.addi %iota3A, %add3A_662 : vector<8x2048xi32>
    %select_n3A_664 = arith.select %lt3A_659, %add3A_663, %select_n3A_657 : vector<8x2048xi1>, vector<8x2048xi32>
    %slice3A_665 = vector.extract_strided_slice %add3A_474 {offsets = [224, 0], sizes = [8, 2048], strides = [1, 1]} : vector<512x2048xf32> to vector<8x2048xf32>
    %lt3A_666 = arith.cmpf olt, %slice3A_665, %select_n3A_660 : vector<8x2048xf32>
    %select_n3A_667 = arith.select %lt3A_666, %slice3A_665, %select_n3A_660 : vector<8x2048xi1>, vector<8x2048xf32>
    %add3A_668 = arith.constant 224 : i32
    %add3A_669 = vector.broadcast %add3A_668 : i32 to vector<8x2048xi32>
    %add3A_670 = arith.addi %iota3A, %add3A_669 : vector<8x2048xi32>
    %select_n3A_671 = arith.select %lt3A_666, %add3A_670, %select_n3A_664 : vector<8x2048xi1>, vector<8x2048xi32>
    %slice3A_672 = vector.extract_strided_slice %add3A_474 {offsets = [232, 0], sizes = [8, 2048], strides = [1, 1]} : vector<512x2048xf32> to vector<8x2048xf32>
    %lt3A_673 = arith.cmpf olt, %slice3A_672, %select_n3A_667 : vector<8x2048xf32>
    %select_n3A_674 = arith.select %lt3A_673, %slice3A_672, %select_n3A_667 : vector<8x2048xi1>, vector<8x2048xf32>
    %add3A_675 = arith.constant 232 : i32
    %add3A_676 = vector.broadcast %add3A_675 : i32 to vector<8x2048xi32>
    %add3A_677 = arith.addi %iota3A, %add3A_676 : vector<8x2048xi32>
    %select_n3A_678 = arith.select %lt3A_673, %add3A_677, %select_n3A_671 : vector<8x2048xi1>, vector<8x2048xi32>
    %slice3A_679 = vector.extract_strided_slice %add3A_474 {offsets = [240, 0], sizes = [8, 2048], strides = [1, 1]} : vector<512x2048xf32> to vector<8x2048xf32>
    %lt3A_680 = arith.cmpf olt, %slice3A_679, %select_n3A_674 : vector<8x2048xf32>
    %select_n3A_681 = arith.select %lt3A_680, %slice3A_679, %select_n3A_674 : vector<8x2048xi1>, vector<8x2048xf32>
    %add3A_682 = arith.constant 240 : i32
    %add3A_683 = vector.broadcast %add3A_682 : i32 to vector<8x2048xi32>
    %add3A_684 = arith.addi %iota3A, %add3A_683 : vector<8x2048xi32>
    %select_n3A_685 = arith.select %lt3A_680, %add3A_684, %select_n3A_678 : vector<8x2048xi1>, vector<8x2048xi32>
    %slice3A_686 = vector.extract_strided_slice %add3A_474 {offsets = [248, 0], sizes = [8, 2048], strides = [1, 1]} : vector<512x2048xf32> to vector<8x2048xf32>
    %lt3A_687 = arith.cmpf olt, %slice3A_686, %select_n3A_681 : vector<8x2048xf32>
    %select_n3A_688 = arith.select %lt3A_687, %slice3A_686, %select_n3A_681 : vector<8x2048xi1>, vector<8x2048xf32>
    %add3A_689 = arith.constant 248 : i32
    %add3A_690 = vector.broadcast %add3A_689 : i32 to vector<8x2048xi32>
    %add3A_691 = arith.addi %iota3A, %add3A_690 : vector<8x2048xi32>
    %select_n3A_692 = arith.select %lt3A_687, %add3A_691, %select_n3A_685 : vector<8x2048xi1>, vector<8x2048xi32>
    %slice3A_693 = vector.extract_strided_slice %add3A_474 {offsets = [256, 0], sizes = [8, 2048], strides = [1, 1]} : vector<512x2048xf32> to vector<8x2048xf32>
    %lt3A_694 = arith.cmpf olt, %slice3A_693, %select_n3A_688 : vector<8x2048xf32>
    %select_n3A_695 = arith.select %lt3A_694, %slice3A_693, %select_n3A_688 : vector<8x2048xi1>, vector<8x2048xf32>
    %add3A_696 = arith.constant 256 : i32
    %add3A_697 = vector.broadcast %add3A_696 : i32 to vector<8x2048xi32>
    %add3A_698 = arith.addi %iota3A, %add3A_697 : vector<8x2048xi32>
    %select_n3A_699 = arith.select %lt3A_694, %add3A_698, %select_n3A_692 : vector<8x2048xi1>, vector<8x2048xi32>
    %slice3A_700 = vector.extract_strided_slice %add3A_474 {offsets = [264, 0], sizes = [8, 2048], strides = [1, 1]} : vector<512x2048xf32> to vector<8x2048xf32>
    %lt3A_701 = arith.cmpf olt, %slice3A_700, %select_n3A_695 : vector<8x2048xf32>
    %select_n3A_702 = arith.select %lt3A_701, %slice3A_700, %select_n3A_695 : vector<8x2048xi1>, vector<8x2048xf32>
    %add3A_703 = arith.constant 264 : i32
    %add3A_704 = vector.broadcast %add3A_703 : i32 to vector<8x2048xi32>
    %add3A_705 = arith.addi %iota3A, %add3A_704 : vector<8x2048xi32>
    %select_n3A_706 = arith.select %lt3A_701, %add3A_705, %select_n3A_699 : vector<8x2048xi1>, vector<8x2048xi32>
    %slice3A_707 = vector.extract_strided_slice %add3A_474 {offsets = [272, 0], sizes = [8, 2048], strides = [1, 1]} : vector<512x2048xf32> to vector<8x2048xf32>
    %lt3A_708 = arith.cmpf olt, %slice3A_707, %select_n3A_702 : vector<8x2048xf32>
    %select_n3A_709 = arith.select %lt3A_708, %slice3A_707, %select_n3A_702 : vector<8x2048xi1>, vector<8x2048xf32>
    %add3A_710 = arith.constant 272 : i32
    %add3A_711 = vector.broadcast %add3A_710 : i32 to vector<8x2048xi32>
    %add3A_712 = arith.addi %iota3A, %add3A_711 : vector<8x2048xi32>
    %select_n3A_713 = arith.select %lt3A_708, %add3A_712, %select_n3A_706 : vector<8x2048xi1>, vector<8x2048xi32>
    %slice3A_714 = vector.extract_strided_slice %add3A_474 {offsets = [280, 0], sizes = [8, 2048], strides = [1, 1]} : vector<512x2048xf32> to vector<8x2048xf32>
    %lt3A_715 = arith.cmpf olt, %slice3A_714, %select_n3A_709 : vector<8x2048xf32>
    %select_n3A_716 = arith.select %lt3A_715, %slice3A_714, %select_n3A_709 : vector<8x2048xi1>, vector<8x2048xf32>
    %add3A_717 = arith.constant 280 : i32
    %add3A_718 = vector.broadcast %add3A_717 : i32 to vector<8x2048xi32>
    %add3A_719 = arith.addi %iota3A, %add3A_718 : vector<8x2048xi32>
    %select_n3A_720 = arith.select %lt3A_715, %add3A_719, %select_n3A_713 : vector<8x2048xi1>, vector<8x2048xi32>
    %slice3A_721 = vector.extract_strided_slice %add3A_474 {offsets = [288, 0], sizes = [8, 2048], strides = [1, 1]} : vector<512x2048xf32> to vector<8x2048xf32>
    %lt3A_722 = arith.cmpf olt, %slice3A_721, %select_n3A_716 : vector<8x2048xf32>
    %select_n3A_723 = arith.select %lt3A_722, %slice3A_721, %select_n3A_716 : vector<8x2048xi1>, vector<8x2048xf32>
    %add3A_724 = arith.constant 288 : i32
    %add3A_725 = vector.broadcast %add3A_724 : i32 to vector<8x2048xi32>
    %add3A_726 = arith.addi %iota3A, %add3A_725 : vector<8x2048xi32>
    %select_n3A_727 = arith.select %lt3A_722, %add3A_726, %select_n3A_720 : vector<8x2048xi1>, vector<8x2048xi32>
    %slice3A_728 = vector.extract_strided_slice %add3A_474 {offsets = [296, 0], sizes = [8, 2048], strides = [1, 1]} : vector<512x2048xf32> to vector<8x2048xf32>
    %lt3A_729 = arith.cmpf olt, %slice3A_728, %select_n3A_723 : vector<8x2048xf32>
    %select_n3A_730 = arith.select %lt3A_729, %slice3A_728, %select_n3A_723 : vector<8x2048xi1>, vector<8x2048xf32>
    %add3A_731 = arith.constant 296 : i32
    %add3A_732 = vector.broadcast %add3A_731 : i32 to vector<8x2048xi32>
    %add3A_733 = arith.addi %iota3A, %add3A_732 : vector<8x2048xi32>
    %select_n3A_734 = arith.select %lt3A_729, %add3A_733, %select_n3A_727 : vector<8x2048xi1>, vector<8x2048xi32>
    %slice3A_735 = vector.extract_strided_slice %add3A_474 {offsets = [304, 0], sizes = [8, 2048], strides = [1, 1]} : vector<512x2048xf32> to vector<8x2048xf32>
    %lt3A_736 = arith.cmpf olt, %slice3A_735, %select_n3A_730 : vector<8x2048xf32>
    %select_n3A_737 = arith.select %lt3A_736, %slice3A_735, %select_n3A_730 : vector<8x2048xi1>, vector<8x2048xf32>
    %add3A_738 = arith.constant 304 : i32
    %add3A_739 = vector.broadcast %add3A_738 : i32 to vector<8x2048xi32>
    %add3A_740 = arith.addi %iota3A, %add3A_739 : vector<8x2048xi32>
    %select_n3A_741 = arith.select %lt3A_736, %add3A_740, %select_n3A_734 : vector<8x2048xi1>, vector<8x2048xi32>
    %slice3A_742 = vector.extract_strided_slice %add3A_474 {offsets = [312, 0], sizes = [8, 2048], strides = [1, 1]} : vector<512x2048xf32> to vector<8x2048xf32>
    %lt3A_743 = arith.cmpf olt, %slice3A_742, %select_n3A_737 : vector<8x2048xf32>
    %select_n3A_744 = arith.select %lt3A_743, %slice3A_742, %select_n3A_737 : vector<8x2048xi1>, vector<8x2048xf32>
    %add3A_745 = arith.constant 312 : i32
    %add3A_746 = vector.broadcast %add3A_745 : i32 to vector<8x2048xi32>
    %add3A_747 = arith.addi %iota3A, %add3A_746 : vector<8x2048xi32>
    %select_n3A_748 = arith.select %lt3A_743, %add3A_747, %select_n3A_741 : vector<8x2048xi1>, vector<8x2048xi32>
    %slice3A_749 = vector.extract_strided_slice %add3A_474 {offsets = [320, 0], sizes = [8, 2048], strides = [1, 1]} : vector<512x2048xf32> to vector<8x2048xf32>
    %lt3A_750 = arith.cmpf olt, %slice3A_749, %select_n3A_744 : vector<8x2048xf32>
    %select_n3A_751 = arith.select %lt3A_750, %slice3A_749, %select_n3A_744 : vector<8x2048xi1>, vector<8x2048xf32>
    %add3A_752 = arith.constant 320 : i32
    %add3A_753 = vector.broadcast %add3A_752 : i32 to vector<8x2048xi32>
    %add3A_754 = arith.addi %iota3A, %add3A_753 : vector<8x2048xi32>
    %select_n3A_755 = arith.select %lt3A_750, %add3A_754, %select_n3A_748 : vector<8x2048xi1>, vector<8x2048xi32>
    %slice3A_756 = vector.extract_strided_slice %add3A_474 {offsets = [328, 0], sizes = [8, 2048], strides = [1, 1]} : vector<512x2048xf32> to vector<8x2048xf32>
    %lt3A_757 = arith.cmpf olt, %slice3A_756, %select_n3A_751 : vector<8x2048xf32>
    %select_n3A_758 = arith.select %lt3A_757, %slice3A_756, %select_n3A_751 : vector<8x2048xi1>, vector<8x2048xf32>
    %add3A_759 = arith.constant 328 : i32
    %add3A_760 = vector.broadcast %add3A_759 : i32 to vector<8x2048xi32>
    %add3A_761 = arith.addi %iota3A, %add3A_760 : vector<8x2048xi32>
    %select_n3A_762 = arith.select %lt3A_757, %add3A_761, %select_n3A_755 : vector<8x2048xi1>, vector<8x2048xi32>
    %slice3A_763 = vector.extract_strided_slice %add3A_474 {offsets = [336, 0], sizes = [8, 2048], strides = [1, 1]} : vector<512x2048xf32> to vector<8x2048xf32>
    %lt3A_764 = arith.cmpf olt, %slice3A_763, %select_n3A_758 : vector<8x2048xf32>
    %select_n3A_765 = arith.select %lt3A_764, %slice3A_763, %select_n3A_758 : vector<8x2048xi1>, vector<8x2048xf32>
    %add3A_766 = arith.constant 336 : i32
    %add3A_767 = vector.broadcast %add3A_766 : i32 to vector<8x2048xi32>
    %add3A_768 = arith.addi %iota3A, %add3A_767 : vector<8x2048xi32>
    %select_n3A_769 = arith.select %lt3A_764, %add3A_768, %select_n3A_762 : vector<8x2048xi1>, vector<8x2048xi32>
    %slice3A_770 = vector.extract_strided_slice %add3A_474 {offsets = [344, 0], sizes = [8, 2048], strides = [1, 1]} : vector<512x2048xf32> to vector<8x2048xf32>
    %lt3A_771 = arith.cmpf olt, %slice3A_770, %select_n3A_765 : vector<8x2048xf32>
    %select_n3A_772 = arith.select %lt3A_771, %slice3A_770, %select_n3A_765 : vector<8x2048xi1>, vector<8x2048xf32>
    %add3A_773 = arith.constant 344 : i32
    %add3A_774 = vector.broadcast %add3A_773 : i32 to vector<8x2048xi32>
    %add3A_775 = arith.addi %iota3A, %add3A_774 : vector<8x2048xi32>
    %select_n3A_776 = arith.select %lt3A_771, %add3A_775, %select_n3A_769 : vector<8x2048xi1>, vector<8x2048xi32>
    %slice3A_777 = vector.extract_strided_slice %add3A_474 {offsets = [352, 0], sizes = [8, 2048], strides = [1, 1]} : vector<512x2048xf32> to vector<8x2048xf32>
    %lt3A_778 = arith.cmpf olt, %slice3A_777, %select_n3A_772 : vector<8x2048xf32>
    %select_n3A_779 = arith.select %lt3A_778, %slice3A_777, %select_n3A_772 : vector<8x2048xi1>, vector<8x2048xf32>
    %add3A_780 = arith.constant 352 : i32
    %add3A_781 = vector.broadcast %add3A_780 : i32 to vector<8x2048xi32>
    %add3A_782 = arith.addi %iota3A, %add3A_781 : vector<8x2048xi32>
    %select_n3A_783 = arith.select %lt3A_778, %add3A_782, %select_n3A_776 : vector<8x2048xi1>, vector<8x2048xi32>
    %slice3A_784 = vector.extract_strided_slice %add3A_474 {offsets = [360, 0], sizes = [8, 2048], strides = [1, 1]} : vector<512x2048xf32> to vector<8x2048xf32>
    %lt3A_785 = arith.cmpf olt, %slice3A_784, %select_n3A_779 : vector<8x2048xf32>
    %select_n3A_786 = arith.select %lt3A_785, %slice3A_784, %select_n3A_779 : vector<8x2048xi1>, vector<8x2048xf32>
    %add3A_787 = arith.constant 360 : i32
    %add3A_788 = vector.broadcast %add3A_787 : i32 to vector<8x2048xi32>
    %add3A_789 = arith.addi %iota3A, %add3A_788 : vector<8x2048xi32>
    %select_n3A_790 = arith.select %lt3A_785, %add3A_789, %select_n3A_783 : vector<8x2048xi1>, vector<8x2048xi32>
    %slice3A_791 = vector.extract_strided_slice %add3A_474 {offsets = [368, 0], sizes = [8, 2048], strides = [1, 1]} : vector<512x2048xf32> to vector<8x2048xf32>
    %lt3A_792 = arith.cmpf olt, %slice3A_791, %select_n3A_786 : vector<8x2048xf32>
    %select_n3A_793 = arith.select %lt3A_792, %slice3A_791, %select_n3A_786 : vector<8x2048xi1>, vector<8x2048xf32>
    %add3A_794 = arith.constant 368 : i32
    %add3A_795 = vector.broadcast %add3A_794 : i32 to vector<8x2048xi32>
    %add3A_796 = arith.addi %iota3A, %add3A_795 : vector<8x2048xi32>
    %select_n3A_797 = arith.select %lt3A_792, %add3A_796, %select_n3A_790 : vector<8x2048xi1>, vector<8x2048xi32>
    %slice3A_798 = vector.extract_strided_slice %add3A_474 {offsets = [376, 0], sizes = [8, 2048], strides = [1, 1]} : vector<512x2048xf32> to vector<8x2048xf32>
    %lt3A_799 = arith.cmpf olt, %slice3A_798, %select_n3A_793 : vector<8x2048xf32>
    %select_n3A_800 = arith.select %lt3A_799, %slice3A_798, %select_n3A_793 : vector<8x2048xi1>, vector<8x2048xf32>
    %add3A_801 = arith.constant 376 : i32
    %add3A_802 = vector.broadcast %add3A_801 : i32 to vector<8x2048xi32>
    %add3A_803 = arith.addi %iota3A, %add3A_802 : vector<8x2048xi32>
    %select_n3A_804 = arith.select %lt3A_799, %add3A_803, %select_n3A_797 : vector<8x2048xi1>, vector<8x2048xi32>
    %slice3A_805 = vector.extract_strided_slice %add3A_474 {offsets = [384, 0], sizes = [8, 2048], strides = [1, 1]} : vector<512x2048xf32> to vector<8x2048xf32>
    %lt3A_806 = arith.cmpf olt, %slice3A_805, %select_n3A_800 : vector<8x2048xf32>
    %select_n3A_807 = arith.select %lt3A_806, %slice3A_805, %select_n3A_800 : vector<8x2048xi1>, vector<8x2048xf32>
    %add3A_808 = arith.constant 384 : i32
    %add3A_809 = vector.broadcast %add3A_808 : i32 to vector<8x2048xi32>
    %add3A_810 = arith.addi %iota3A, %add3A_809 : vector<8x2048xi32>
    %select_n3A_811 = arith.select %lt3A_806, %add3A_810, %select_n3A_804 : vector<8x2048xi1>, vector<8x2048xi32>
    %slice3A_812 = vector.extract_strided_slice %add3A_474 {offsets = [392, 0], sizes = [8, 2048], strides = [1, 1]} : vector<512x2048xf32> to vector<8x2048xf32>
    %lt3A_813 = arith.cmpf olt, %slice3A_812, %select_n3A_807 : vector<8x2048xf32>
    %select_n3A_814 = arith.select %lt3A_813, %slice3A_812, %select_n3A_807 : vector<8x2048xi1>, vector<8x2048xf32>
    %add3A_815 = arith.constant 392 : i32
    %add3A_816 = vector.broadcast %add3A_815 : i32 to vector<8x2048xi32>
    %add3A_817 = arith.addi %iota3A, %add3A_816 : vector<8x2048xi32>
    %select_n3A_818 = arith.select %lt3A_813, %add3A_817, %select_n3A_811 : vector<8x2048xi1>, vector<8x2048xi32>
    %slice3A_819 = vector.extract_strided_slice %add3A_474 {offsets = [400, 0], sizes = [8, 2048], strides = [1, 1]} : vector<512x2048xf32> to vector<8x2048xf32>
    %lt3A_820 = arith.cmpf olt, %slice3A_819, %select_n3A_814 : vector<8x2048xf32>
    %select_n3A_821 = arith.select %lt3A_820, %slice3A_819, %select_n3A_814 : vector<8x2048xi1>, vector<8x2048xf32>
    %add3A_822 = arith.constant 400 : i32
    %add3A_823 = vector.broadcast %add3A_822 : i32 to vector<8x2048xi32>
    %add3A_824 = arith.addi %iota3A, %add3A_823 : vector<8x2048xi32>
    %select_n3A_825 = arith.select %lt3A_820, %add3A_824, %select_n3A_818 : vector<8x2048xi1>, vector<8x2048xi32>
    %slice3A_826 = vector.extract_strided_slice %add3A_474 {offsets = [408, 0], sizes = [8, 2048], strides = [1, 1]} : vector<512x2048xf32> to vector<8x2048xf32>
    %lt3A_827 = arith.cmpf olt, %slice3A_826, %select_n3A_821 : vector<8x2048xf32>
    %select_n3A_828 = arith.select %lt3A_827, %slice3A_826, %select_n3A_821 : vector<8x2048xi1>, vector<8x2048xf32>
    %add3A_829 = arith.constant 408 : i32
    %add3A_830 = vector.broadcast %add3A_829 : i32 to vector<8x2048xi32>
    %add3A_831 = arith.addi %iota3A, %add3A_830 : vector<8x2048xi32>
    %select_n3A_832 = arith.select %lt3A_827, %add3A_831, %select_n3A_825 : vector<8x2048xi1>, vector<8x2048xi32>
    %slice3A_833 = vector.extract_strided_slice %add3A_474 {offsets = [416, 0], sizes = [8, 2048], strides = [1, 1]} : vector<512x2048xf32> to vector<8x2048xf32>
    %lt3A_834 = arith.cmpf olt, %slice3A_833, %select_n3A_828 : vector<8x2048xf32>
    %select_n3A_835 = arith.select %lt3A_834, %slice3A_833, %select_n3A_828 : vector<8x2048xi1>, vector<8x2048xf32>
    %add3A_836 = arith.constant 416 : i32
    %add3A_837 = vector.broadcast %add3A_836 : i32 to vector<8x2048xi32>
    %add3A_838 = arith.addi %iota3A, %add3A_837 : vector<8x2048xi32>
    %select_n3A_839 = arith.select %lt3A_834, %add3A_838, %select_n3A_832 : vector<8x2048xi1>, vector<8x2048xi32>
    %slice3A_840 = vector.extract_strided_slice %add3A_474 {offsets = [424, 0], sizes = [8, 2048], strides = [1, 1]} : vector<512x2048xf32> to vector<8x2048xf32>
    %lt3A_841 = arith.cmpf olt, %slice3A_840, %select_n3A_835 : vector<8x2048xf32>
    %select_n3A_842 = arith.select %lt3A_841, %slice3A_840, %select_n3A_835 : vector<8x2048xi1>, vector<8x2048xf32>
    %add3A_843 = arith.constant 424 : i32
    %add3A_844 = vector.broadcast %add3A_843 : i32 to vector<8x2048xi32>
    %add3A_845 = arith.addi %iota3A, %add3A_844 : vector<8x2048xi32>
    %select_n3A_846 = arith.select %lt3A_841, %add3A_845, %select_n3A_839 : vector<8x2048xi1>, vector<8x2048xi32>
    %slice3A_847 = vector.extract_strided_slice %add3A_474 {offsets = [432, 0], sizes = [8, 2048], strides = [1, 1]} : vector<512x2048xf32> to vector<8x2048xf32>
    %lt3A_848 = arith.cmpf olt, %slice3A_847, %select_n3A_842 : vector<8x2048xf32>
    %select_n3A_849 = arith.select %lt3A_848, %slice3A_847, %select_n3A_842 : vector<8x2048xi1>, vector<8x2048xf32>
    %add3A_850 = arith.constant 432 : i32
    %add3A_851 = vector.broadcast %add3A_850 : i32 to vector<8x2048xi32>
    %add3A_852 = arith.addi %iota3A, %add3A_851 : vector<8x2048xi32>
    %select_n3A_853 = arith.select %lt3A_848, %add3A_852, %select_n3A_846 : vector<8x2048xi1>, vector<8x2048xi32>
    %slice3A_854 = vector.extract_strided_slice %add3A_474 {offsets = [440, 0], sizes = [8, 2048], strides = [1, 1]} : vector<512x2048xf32> to vector<8x2048xf32>
    %lt3A_855 = arith.cmpf olt, %slice3A_854, %select_n3A_849 : vector<8x2048xf32>
    %select_n3A_856 = arith.select %lt3A_855, %slice3A_854, %select_n3A_849 : vector<8x2048xi1>, vector<8x2048xf32>
    %add3A_857 = arith.constant 440 : i32
    %add3A_858 = vector.broadcast %add3A_857 : i32 to vector<8x2048xi32>
    %add3A_859 = arith.addi %iota3A, %add3A_858 : vector<8x2048xi32>
    %select_n3A_860 = arith.select %lt3A_855, %add3A_859, %select_n3A_853 : vector<8x2048xi1>, vector<8x2048xi32>
    %slice3A_861 = vector.extract_strided_slice %add3A_474 {offsets = [448, 0], sizes = [8, 2048], strides = [1, 1]} : vector<512x2048xf32> to vector<8x2048xf32>
    %lt3A_862 = arith.cmpf olt, %slice3A_861, %select_n3A_856 : vector<8x2048xf32>
    %select_n3A_863 = arith.select %lt3A_862, %slice3A_861, %select_n3A_856 : vector<8x2048xi1>, vector<8x2048xf32>
    %add3A_864 = arith.constant 448 : i32
    %add3A_865 = vector.broadcast %add3A_864 : i32 to vector<8x2048xi32>
    %add3A_866 = arith.addi %iota3A, %add3A_865 : vector<8x2048xi32>
    %select_n3A_867 = arith.select %lt3A_862, %add3A_866, %select_n3A_860 : vector<8x2048xi1>, vector<8x2048xi32>
    %slice3A_868 = vector.extract_strided_slice %add3A_474 {offsets = [456, 0], sizes = [8, 2048], strides = [1, 1]} : vector<512x2048xf32> to vector<8x2048xf32>
    %lt3A_869 = arith.cmpf olt, %slice3A_868, %select_n3A_863 : vector<8x2048xf32>
    %select_n3A_870 = arith.select %lt3A_869, %slice3A_868, %select_n3A_863 : vector<8x2048xi1>, vector<8x2048xf32>
    %add3A_871 = arith.constant 456 : i32
    %add3A_872 = vector.broadcast %add3A_871 : i32 to vector<8x2048xi32>
    %add3A_873 = arith.addi %iota3A, %add3A_872 : vector<8x2048xi32>
    %select_n3A_874 = arith.select %lt3A_869, %add3A_873, %select_n3A_867 : vector<8x2048xi1>, vector<8x2048xi32>
    %slice3A_875 = vector.extract_strided_slice %add3A_474 {offsets = [464, 0], sizes = [8, 2048], strides = [1, 1]} : vector<512x2048xf32> to vector<8x2048xf32>
    %lt3A_876 = arith.cmpf olt, %slice3A_875, %select_n3A_870 : vector<8x2048xf32>
    %select_n3A_877 = arith.select %lt3A_876, %slice3A_875, %select_n3A_870 : vector<8x2048xi1>, vector<8x2048xf32>
    %add3A_878 = arith.constant 464 : i32
    %add3A_879 = vector.broadcast %add3A_878 : i32 to vector<8x2048xi32>
    %add3A_880 = arith.addi %iota3A, %add3A_879 : vector<8x2048xi32>
    %select_n3A_881 = arith.select %lt3A_876, %add3A_880, %select_n3A_874 : vector<8x2048xi1>, vector<8x2048xi32>
    %slice3A_882 = vector.extract_strided_slice %add3A_474 {offsets = [472, 0], sizes = [8, 2048], strides = [1, 1]} : vector<512x2048xf32> to vector<8x2048xf32>
    %lt3A_883 = arith.cmpf olt, %slice3A_882, %select_n3A_877 : vector<8x2048xf32>
    %select_n3A_884 = arith.select %lt3A_883, %slice3A_882, %select_n3A_877 : vector<8x2048xi1>, vector<8x2048xf32>
    %add3A_885 = arith.constant 472 : i32
    %add3A_886 = vector.broadcast %add3A_885 : i32 to vector<8x2048xi32>
    %add3A_887 = arith.addi %iota3A, %add3A_886 : vector<8x2048xi32>
    %select_n3A_888 = arith.select %lt3A_883, %add3A_887, %select_n3A_881 : vector<8x2048xi1>, vector<8x2048xi32>
    %slice3A_889 = vector.extract_strided_slice %add3A_474 {offsets = [480, 0], sizes = [8, 2048], strides = [1, 1]} : vector<512x2048xf32> to vector<8x2048xf32>
    %lt3A_890 = arith.cmpf olt, %slice3A_889, %select_n3A_884 : vector<8x2048xf32>
    %select_n3A_891 = arith.select %lt3A_890, %slice3A_889, %select_n3A_884 : vector<8x2048xi1>, vector<8x2048xf32>
    %add3A_892 = arith.constant 480 : i32
    %add3A_893 = vector.broadcast %add3A_892 : i32 to vector<8x2048xi32>
    %add3A_894 = arith.addi %iota3A, %add3A_893 : vector<8x2048xi32>
    %select_n3A_895 = arith.select %lt3A_890, %add3A_894, %select_n3A_888 : vector<8x2048xi1>, vector<8x2048xi32>
    %slice3A_896 = vector.extract_strided_slice %add3A_474 {offsets = [488, 0], sizes = [8, 2048], strides = [1, 1]} : vector<512x2048xf32> to vector<8x2048xf32>
    %lt3A_897 = arith.cmpf olt, %slice3A_896, %select_n3A_891 : vector<8x2048xf32>
    %select_n3A_898 = arith.select %lt3A_897, %slice3A_896, %select_n3A_891 : vector<8x2048xi1>, vector<8x2048xf32>
    %add3A_899 = arith.constant 488 : i32
    %add3A_900 = vector.broadcast %add3A_899 : i32 to vector<8x2048xi32>
    %add3A_901 = arith.addi %iota3A, %add3A_900 : vector<8x2048xi32>
    %select_n3A_902 = arith.select %lt3A_897, %add3A_901, %select_n3A_895 : vector<8x2048xi1>, vector<8x2048xi32>
    %slice3A_903 = vector.extract_strided_slice %add3A_474 {offsets = [496, 0], sizes = [8, 2048], strides = [1, 1]} : vector<512x2048xf32> to vector<8x2048xf32>
    %lt3A_904 = arith.cmpf olt, %slice3A_903, %select_n3A_898 : vector<8x2048xf32>
    %select_n3A_905 = arith.select %lt3A_904, %slice3A_903, %select_n3A_898 : vector<8x2048xi1>, vector<8x2048xf32>
    %add3A_906 = arith.constant 496 : i32
    %add3A_907 = vector.broadcast %add3A_906 : i32 to vector<8x2048xi32>
    %add3A_908 = arith.addi %iota3A, %add3A_907 : vector<8x2048xi32>
    %select_n3A_909 = arith.select %lt3A_904, %add3A_908, %select_n3A_902 : vector<8x2048xi1>, vector<8x2048xi32>
    %slice3A_910 = vector.extract_strided_slice %add3A_474 {offsets = [504, 0], sizes = [8, 2048], strides = [1, 1]} : vector<512x2048xf32> to vector<8x2048xf32>
    %lt3A_911 = arith.cmpf olt, %slice3A_910, %select_n3A_905 : vector<8x2048xf32>
    %select_n3A_912 = arith.select %lt3A_911, %slice3A_910, %select_n3A_905 : vector<8x2048xi1>, vector<8x2048xf32>
    %add3A_913 = arith.constant 504 : i32
    %add3A_914 = vector.broadcast %add3A_913 : i32 to vector<8x2048xi32>
    %add3A_915 = arith.addi %iota3A, %add3A_914 : vector<8x2048xi32>
    %select_n3A_916 = arith.select %lt3A_911, %add3A_915, %select_n3A_909 : vector<8x2048xi1>, vector<8x2048xi32>
    %reduce_min3A_917 = arith.constant dense<0x7F800000> : vector<2048xf32>
    %reduce_min3A_918 = vector.multi_reduction <minimumf>, %select_n3A_912, %reduce_min3A_917 [0] : vector<8x2048xf32> to vector<2048xf32>
    %broadcast_in_dim3A_919 = vector.shape_cast %reduce_min3A_918 : vector<2048xf32> to vector<1x2048xf32>
    %eq3A_920 = vector.broadcast %broadcast_in_dim3A_919 : vector<1x2048xf32> to vector<8x2048xf32>
    %eq3A_921 = arith.cmpf oeq, %select_n3A_912, %eq3A_920 : vector<8x2048xf32>
    %jit3A_922 = arith.constant 512 : i32
    %broadcast_in_dim3A_923 = vector.broadcast %jit3A_922 : i32 to vector<8x2048xi32>
    %select_n3A_924 = arith.select %eq3A_921, %select_n3A_916, %broadcast_in_dim3A_923 : vector<8x2048xi1>, vector<8x2048xi32>
    %reduce_min3A_925 = arith.constant dense<2147483647> : vector<2048xi32>
    %reduce_min3A_926 = vector.multi_reduction <minsi>, %select_n3A_924, %reduce_min3A_925 [0] : vector<8x2048xi32> to vector<2048xi32>
    %swap3A_927 = arith.constant 1 : index
    %swap3A_928 = arith.constant 0 : index
    %swap3A_929 = vector.load %arg4[%swap3A_927, %swap3A_928] : memref<8x2048xi32, #tpu.memory_space<vmem>>, vector<1x2048xi32>
    %swap3A_930 = vector.shape_cast %swap3A_929 : vector<1x2048xi32> to vector<2048xi32>
    %swap3A_931 = vector.shape_cast %reduce_min3A_926 : vector<2048xi32> to vector<1x2048xi32>
    tpu.vector_store %arg4[%swap3A_927, %swap3A_928], %swap3A_931 {strides = array<i32>} : memref<8x2048xi32, #tpu.memory_space<vmem>>, vector<1x2048xi32>,
    %reduce_sum3A_932 = vector.shape_cast %broadcast_in_dim3A_919 : vector<1x2048xf32> to vector<1x1x2048xf32>
    %reduce_sum3A_933 = arith.constant dense<0.000000e+00> : vector<1xf32>
    %reduce_sum3A_934 = vector.multi_reduction <add>, %reduce_sum3A_932, %reduce_sum3A_933 [1, 2] : vector<1x1x2048xf32> to vector<1xf32>
    %reduce_sum3A_935 = vector.shape_cast %reduce_sum3A_934 : vector<1xf32> to vector<1x1x1xf32>
    %reduce_sum3A_936 = vector.extract %reduce_sum3A_935[0, 0, 0] : f32 from vector<1x1x1xf32>
    %add3A_937 = arith.addf %add3A_469, %reduce_sum3A_936 : f32
    %slice3A_938 = vector.extract_strided_slice %get3A_1 {offsets = [64, 0], sizes = [32, 2048], strides = [1, 1]} : vector<256x2048xf32> to vector<32x2048xf32>
    %dot_general3A_939 = arith.constant dense<0.000000e+00> : vector<512x2048xf32>
    %dot_general3A_940 = tpu.matmul %get3A_4, %slice3A_938, %dot_general3A_939 {dimension_numbers = #tpu.dot_dimension_numbers<[1], [0], [0], [1], [0, 0, 1, 1], [], []>, transpose_lhs_hint = false} : vector<512x32xf32>, vector<32x2048xf32>, vector<512x2048xf32> -> vector<512x2048xf32>
    %add3A_941 = vector.broadcast %get3A_7 : vector<512x1xf32> to vector<512x2048xf32>
    %add3A_942 = arith.addf %dot_general3A_940, %add3A_941 : vector<512x2048xf32>
    %slice3A_943 = vector.extract_strided_slice %add3A_942 {offsets = [0, 0], sizes = [8, 2048], strides = [1, 1]} : vector<512x2048xf32> to vector<8x2048xf32>
    %slice3A_944 = vector.extract_strided_slice %add3A_942 {offsets = [8, 0], sizes = [8, 2048], strides = [1, 1]} : vector<512x2048xf32> to vector<8x2048xf32>
    %lt3A_945 = arith.cmpf olt, %slice3A_944, %slice3A_943 : vector<8x2048xf32>
    %select_n3A_946 = arith.select %lt3A_945, %slice3A_944, %slice3A_943 : vector<8x2048xi1>, vector<8x2048xf32>
    %add3A_947 = arith.constant 8 : i32
    %add3A_948 = vector.broadcast %add3A_947 : i32 to vector<8x2048xi32>
    %add3A_949 = arith.addi %iota3A, %add3A_948 : vector<8x2048xi32>
    %select_n3A_950 = arith.select %lt3A_945, %add3A_949, %iota3A : vector<8x2048xi1>, vector<8x2048xi32>
    %slice3A_951 = vector.extract_strided_slice %add3A_942 {offsets = [16, 0], sizes = [8, 2048], strides = [1, 1]} : vector<512x2048xf32> to vector<8x2048xf32>
    %lt3A_952 = arith.cmpf olt, %slice3A_951, %select_n3A_946 : vector<8x2048xf32>
    %select_n3A_953 = arith.select %lt3A_952, %slice3A_951, %select_n3A_946 : vector<8x2048xi1>, vector<8x2048xf32>
    %add3A_954 = arith.constant 16 : i32
    %add3A_955 = vector.broadcast %add3A_954 : i32 to vector<8x2048xi32>
    %add3A_956 = arith.addi %iota3A, %add3A_955 : vector<8x2048xi32>
    %select_n3A_957 = arith.select %lt3A_952, %add3A_956, %select_n3A_950 : vector<8x2048xi1>, vector<8x2048xi32>
    %slice3A_958 = vector.extract_strided_slice %add3A_942 {offsets = [24, 0], sizes = [8, 2048], strides = [1, 1]} : vector<512x2048xf32> to vector<8x2048xf32>
    %lt3A_959 = arith.cmpf olt, %slice3A_958, %select_n3A_953 : vector<8x2048xf32>
    %select_n3A_960 = arith.select %lt3A_959, %slice3A_958, %select_n3A_953 : vector<8x2048xi1>, vector<8x2048xf32>
    %add3A_961 = arith.constant 24 : i32
    %add3A_962 = vector.broadcast %add3A_961 : i32 to vector<8x2048xi32>
    %add3A_963 = arith.addi %iota3A, %add3A_962 : vector<8x2048xi32>
    %select_n3A_964 = arith.select %lt3A_959, %add3A_963, %select_n3A_957 : vector<8x2048xi1>, vector<8x2048xi32>
    %slice3A_965 = vector.extract_strided_slice %add3A_942 {offsets = [32, 0], sizes = [8, 2048], strides = [1, 1]} : vector<512x2048xf32> to vector<8x2048xf32>
    %lt3A_966 = arith.cmpf olt, %slice3A_965, %select_n3A_960 : vector<8x2048xf32>
    %select_n3A_967 = arith.select %lt3A_966, %slice3A_965, %select_n3A_960 : vector<8x2048xi1>, vector<8x2048xf32>
    %add3A_968 = arith.constant 32 : i32
    %add3A_969 = vector.broadcast %add3A_968 : i32 to vector<8x2048xi32>
    %add3A_970 = arith.addi %iota3A, %add3A_969 : vector<8x2048xi32>
    %select_n3A_971 = arith.select %lt3A_966, %add3A_970, %select_n3A_964 : vector<8x2048xi1>, vector<8x2048xi32>
    %slice3A_972 = vector.extract_strided_slice %add3A_942 {offsets = [40, 0], sizes = [8, 2048], strides = [1, 1]} : vector<512x2048xf32> to vector<8x2048xf32>
    %lt3A_973 = arith.cmpf olt, %slice3A_972, %select_n3A_967 : vector<8x2048xf32>
    %select_n3A_974 = arith.select %lt3A_973, %slice3A_972, %select_n3A_967 : vector<8x2048xi1>, vector<8x2048xf32>
    %add3A_975 = arith.constant 40 : i32
    %add3A_976 = vector.broadcast %add3A_975 : i32 to vector<8x2048xi32>
    %add3A_977 = arith.addi %iota3A, %add3A_976 : vector<8x2048xi32>
    %select_n3A_978 = arith.select %lt3A_973, %add3A_977, %select_n3A_971 : vector<8x2048xi1>, vector<8x2048xi32>
    %slice3A_979 = vector.extract_strided_slice %add3A_942 {offsets = [48, 0], sizes = [8, 2048], strides = [1, 1]} : vector<512x2048xf32> to vector<8x2048xf32>
    %lt3A_980 = arith.cmpf olt, %slice3A_979, %select_n3A_974 : vector<8x2048xf32>
    %select_n3A_981 = arith.select %lt3A_980, %slice3A_979, %select_n3A_974 : vector<8x2048xi1>, vector<8x2048xf32>
    %add3A_982 = arith.constant 48 : i32
    %add3A_983 = vector.broadcast %add3A_982 : i32 to vector<8x2048xi32>
    %add3A_984 = arith.addi %iota3A, %add3A_983 : vector<8x2048xi32>
    %select_n3A_985 = arith.select %lt3A_980, %add3A_984, %select_n3A_978 : vector<8x2048xi1>, vector<8x2048xi32>
    %slice3A_986 = vector.extract_strided_slice %add3A_942 {offsets = [56, 0], sizes = [8, 2048], strides = [1, 1]} : vector<512x2048xf32> to vector<8x2048xf32>
    %lt3A_987 = arith.cmpf olt, %slice3A_986, %select_n3A_981 : vector<8x2048xf32>
    %select_n3A_988 = arith.select %lt3A_987, %slice3A_986, %select_n3A_981 : vector<8x2048xi1>, vector<8x2048xf32>
    %add3A_989 = arith.constant 56 : i32
    %add3A_990 = vector.broadcast %add3A_989 : i32 to vector<8x2048xi32>
    %add3A_991 = arith.addi %iota3A, %add3A_990 : vector<8x2048xi32>
    %select_n3A_992 = arith.select %lt3A_987, %add3A_991, %select_n3A_985 : vector<8x2048xi1>, vector<8x2048xi32>
    %slice3A_993 = vector.extract_strided_slice %add3A_942 {offsets = [64, 0], sizes = [8, 2048], strides = [1, 1]} : vector<512x2048xf32> to vector<8x2048xf32>
    %lt3A_994 = arith.cmpf olt, %slice3A_993, %select_n3A_988 : vector<8x2048xf32>
    %select_n3A_995 = arith.select %lt3A_994, %slice3A_993, %select_n3A_988 : vector<8x2048xi1>, vector<8x2048xf32>
    %add3A_996 = arith.constant 64 : i32
    %add3A_997 = vector.broadcast %add3A_996 : i32 to vector<8x2048xi32>
    %add3A_998 = arith.addi %iota3A, %add3A_997 : vector<8x2048xi32>
    %select_n3A_999 = arith.select %lt3A_994, %add3A_998, %select_n3A_992 : vector<8x2048xi1>, vector<8x2048xi32>
    %slice3A_1000 = vector.extract_strided_slice %add3A_942 {offsets = [72, 0], sizes = [8, 2048], strides = [1, 1]} : vector<512x2048xf32> to vector<8x2048xf32>
    %lt3A_1001 = arith.cmpf olt, %slice3A_1000, %select_n3A_995 : vector<8x2048xf32>
    %select_n3A_1002 = arith.select %lt3A_1001, %slice3A_1000, %select_n3A_995 : vector<8x2048xi1>, vector<8x2048xf32>
    %add3A_1003 = arith.constant 72 : i32
    %add3A_1004 = vector.broadcast %add3A_1003 : i32 to vector<8x2048xi32>
    %add3A_1005 = arith.addi %iota3A, %add3A_1004 : vector<8x2048xi32>
    %select_n3A_1006 = arith.select %lt3A_1001, %add3A_1005, %select_n3A_999 : vector<8x2048xi1>, vector<8x2048xi32>
    %slice3A_1007 = vector.extract_strided_slice %add3A_942 {offsets = [80, 0], sizes = [8, 2048], strides = [1, 1]} : vector<512x2048xf32> to vector<8x2048xf32>
    %lt3A_1008 = arith.cmpf olt, %slice3A_1007, %select_n3A_1002 : vector<8x2048xf32>
    %select_n3A_1009 = arith.select %lt3A_1008, %slice3A_1007, %select_n3A_1002 : vector<8x2048xi1>, vector<8x2048xf32>
    %add3A_1010 = arith.constant 80 : i32
    %add3A_1011 = vector.broadcast %add3A_1010 : i32 to vector<8x2048xi32>
    %add3A_1012 = arith.addi %iota3A, %add3A_1011 : vector<8x2048xi32>
    %select_n3A_1013 = arith.select %lt3A_1008, %add3A_1012, %select_n3A_1006 : vector<8x2048xi1>, vector<8x2048xi32>
    %slice3A_1014 = vector.extract_strided_slice %add3A_942 {offsets = [88, 0], sizes = [8, 2048], strides = [1, 1]} : vector<512x2048xf32> to vector<8x2048xf32>
    %lt3A_1015 = arith.cmpf olt, %slice3A_1014, %select_n3A_1009 : vector<8x2048xf32>
    %select_n3A_1016 = arith.select %lt3A_1015, %slice3A_1014, %select_n3A_1009 : vector<8x2048xi1>, vector<8x2048xf32>
    %add3A_1017 = arith.constant 88 : i32
    %add3A_1018 = vector.broadcast %add3A_1017 : i32 to vector<8x2048xi32>
    %add3A_1019 = arith.addi %iota3A, %add3A_1018 : vector<8x2048xi32>
    %select_n3A_1020 = arith.select %lt3A_1015, %add3A_1019, %select_n3A_1013 : vector<8x2048xi1>, vector<8x2048xi32>
    %slice3A_1021 = vector.extract_strided_slice %add3A_942 {offsets = [96, 0], sizes = [8, 2048], strides = [1, 1]} : vector<512x2048xf32> to vector<8x2048xf32>
    %lt3A_1022 = arith.cmpf olt, %slice3A_1021, %select_n3A_1016 : vector<8x2048xf32>
    %select_n3A_1023 = arith.select %lt3A_1022, %slice3A_1021, %select_n3A_1016 : vector<8x2048xi1>, vector<8x2048xf32>
    %add3A_1024 = arith.constant 96 : i32
    %add3A_1025 = vector.broadcast %add3A_1024 : i32 to vector<8x2048xi32>
    %add3A_1026 = arith.addi %iota3A, %add3A_1025 : vector<8x2048xi32>
    %select_n3A_1027 = arith.select %lt3A_1022, %add3A_1026, %select_n3A_1020 : vector<8x2048xi1>, vector<8x2048xi32>
    %slice3A_1028 = vector.extract_strided_slice %add3A_942 {offsets = [104, 0], sizes = [8, 2048], strides = [1, 1]} : vector<512x2048xf32> to vector<8x2048xf32>
    %lt3A_1029 = arith.cmpf olt, %slice3A_1028, %select_n3A_1023 : vector<8x2048xf32>
    %select_n3A_1030 = arith.select %lt3A_1029, %slice3A_1028, %select_n3A_1023 : vector<8x2048xi1>, vector<8x2048xf32>
    %add3A_1031 = arith.constant 104 : i32
    %add3A_1032 = vector.broadcast %add3A_1031 : i32 to vector<8x2048xi32>
    %add3A_1033 = arith.addi %iota3A, %add3A_1032 : vector<8x2048xi32>
    %select_n3A_1034 = arith.select %lt3A_1029, %add3A_1033, %select_n3A_1027 : vector<8x2048xi1>, vector<8x2048xi32>
    %slice3A_1035 = vector.extract_strided_slice %add3A_942 {offsets = [112, 0], sizes = [8, 2048], strides = [1, 1]} : vector<512x2048xf32> to vector<8x2048xf32>
    %lt3A_1036 = arith.cmpf olt, %slice3A_1035, %select_n3A_1030 : vector<8x2048xf32>
    %select_n3A_1037 = arith.select %lt3A_1036, %slice3A_1035, %select_n3A_1030 : vector<8x2048xi1>, vector<8x2048xf32>
    %add3A_1038 = arith.constant 112 : i32
    %add3A_1039 = vector.broadcast %add3A_1038 : i32 to vector<8x2048xi32>
    %add3A_1040 = arith.addi %iota3A, %add3A_1039 : vector<8x2048xi32>
    %select_n3A_1041 = arith.select %lt3A_1036, %add3A_1040, %select_n3A_1034 : vector<8x2048xi1>, vector<8x2048xi32>
    %slice3A_1042 = vector.extract_strided_slice %add3A_942 {offsets = [120, 0], sizes = [8, 2048], strides = [1, 1]} : vector<512x2048xf32> to vector<8x2048xf32>
    %lt3A_1043 = arith.cmpf olt, %slice3A_1042, %select_n3A_1037 : vector<8x2048xf32>
    %select_n3A_1044 = arith.select %lt3A_1043, %slice3A_1042, %select_n3A_1037 : vector<8x2048xi1>, vector<8x2048xf32>
    %add3A_1045 = arith.constant 120 : i32
    %add3A_1046 = vector.broadcast %add3A_1045 : i32 to vector<8x2048xi32>
    %add3A_1047 = arith.addi %iota3A, %add3A_1046 : vector<8x2048xi32>
    %select_n3A_1048 = arith.select %lt3A_1043, %add3A_1047, %select_n3A_1041 : vector<8x2048xi1>, vector<8x2048xi32>
    %slice3A_1049 = vector.extract_strided_slice %add3A_942 {offsets = [128, 0], sizes = [8, 2048], strides = [1, 1]} : vector<512x2048xf32> to vector<8x2048xf32>
    %lt3A_1050 = arith.cmpf olt, %slice3A_1049, %select_n3A_1044 : vector<8x2048xf32>
    %select_n3A_1051 = arith.select %lt3A_1050, %slice3A_1049, %select_n3A_1044 : vector<8x2048xi1>, vector<8x2048xf32>
    %add3A_1052 = arith.constant 128 : i32
    %add3A_1053 = vector.broadcast %add3A_1052 : i32 to vector<8x2048xi32>
    %add3A_1054 = arith.addi %iota3A, %add3A_1053 : vector<8x2048xi32>
    %select_n3A_1055 = arith.select %lt3A_1050, %add3A_1054, %select_n3A_1048 : vector<8x2048xi1>, vector<8x2048xi32>
    %slice3A_1056 = vector.extract_strided_slice %add3A_942 {offsets = [136, 0], sizes = [8, 2048], strides = [1, 1]} : vector<512x2048xf32> to vector<8x2048xf32>
    %lt3A_1057 = arith.cmpf olt, %slice3A_1056, %select_n3A_1051 : vector<8x2048xf32>
    %select_n3A_1058 = arith.select %lt3A_1057, %slice3A_1056, %select_n3A_1051 : vector<8x2048xi1>, vector<8x2048xf32>
    %add3A_1059 = arith.constant 136 : i32
    %add3A_1060 = vector.broadcast %add3A_1059 : i32 to vector<8x2048xi32>
    %add3A_1061 = arith.addi %iota3A, %add3A_1060 : vector<8x2048xi32>
    %select_n3A_1062 = arith.select %lt3A_1057, %add3A_1061, %select_n3A_1055 : vector<8x2048xi1>, vector<8x2048xi32>
    %slice3A_1063 = vector.extract_strided_slice %add3A_942 {offsets = [144, 0], sizes = [8, 2048], strides = [1, 1]} : vector<512x2048xf32> to vector<8x2048xf32>
    %lt3A_1064 = arith.cmpf olt, %slice3A_1063, %select_n3A_1058 : vector<8x2048xf32>
    %select_n3A_1065 = arith.select %lt3A_1064, %slice3A_1063, %select_n3A_1058 : vector<8x2048xi1>, vector<8x2048xf32>
    %add3A_1066 = arith.constant 144 : i32
    %add3A_1067 = vector.broadcast %add3A_1066 : i32 to vector<8x2048xi32>
    %add3A_1068 = arith.addi %iota3A, %add3A_1067 : vector<8x2048xi32>
    %select_n3A_1069 = arith.select %lt3A_1064, %add3A_1068, %select_n3A_1062 : vector<8x2048xi1>, vector<8x2048xi32>
    %slice3A_1070 = vector.extract_strided_slice %add3A_942 {offsets = [152, 0], sizes = [8, 2048], strides = [1, 1]} : vector<512x2048xf32> to vector<8x2048xf32>
    %lt3A_1071 = arith.cmpf olt, %slice3A_1070, %select_n3A_1065 : vector<8x2048xf32>
    %select_n3A_1072 = arith.select %lt3A_1071, %slice3A_1070, %select_n3A_1065 : vector<8x2048xi1>, vector<8x2048xf32>
    %add3A_1073 = arith.constant 152 : i32
    %add3A_1074 = vector.broadcast %add3A_1073 : i32 to vector<8x2048xi32>
    %add3A_1075 = arith.addi %iota3A, %add3A_1074 : vector<8x2048xi32>
    %select_n3A_1076 = arith.select %lt3A_1071, %add3A_1075, %select_n3A_1069 : vector<8x2048xi1>, vector<8x2048xi32>
    %slice3A_1077 = vector.extract_strided_slice %add3A_942 {offsets = [160, 0], sizes = [8, 2048], strides = [1, 1]} : vector<512x2048xf32> to vector<8x2048xf32>
    %lt3A_1078 = arith.cmpf olt, %slice3A_1077, %select_n3A_1072 : vector<8x2048xf32>
    %select_n3A_1079 = arith.select %lt3A_1078, %slice3A_1077, %select_n3A_1072 : vector<8x2048xi1>, vector<8x2048xf32>
    %add3A_1080 = arith.constant 160 : i32
    %add3A_1081 = vector.broadcast %add3A_1080 : i32 to vector<8x2048xi32>
    %add3A_1082 = arith.addi %iota3A, %add3A_1081 : vector<8x2048xi32>
    %select_n3A_1083 = arith.select %lt3A_1078, %add3A_1082, %select_n3A_1076 : vector<8x2048xi1>, vector<8x2048xi32>
    %slice3A_1084 = vector.extract_strided_slice %add3A_942 {offsets = [168, 0], sizes = [8, 2048], strides = [1, 1]} : vector<512x2048xf32> to vector<8x2048xf32>
    %lt3A_1085 = arith.cmpf olt, %slice3A_1084, %select_n3A_1079 : vector<8x2048xf32>
    %select_n3A_1086 = arith.select %lt3A_1085, %slice3A_1084, %select_n3A_1079 : vector<8x2048xi1>, vector<8x2048xf32>
    %add3A_1087 = arith.constant 168 : i32
    %add3A_1088 = vector.broadcast %add3A_1087 : i32 to vector<8x2048xi32>
    %add3A_1089 = arith.addi %iota3A, %add3A_1088 : vector<8x2048xi32>
    %select_n3A_1090 = arith.select %lt3A_1085, %add3A_1089, %select_n3A_1083 : vector<8x2048xi1>, vector<8x2048xi32>
    %slice3A_1091 = vector.extract_strided_slice %add3A_942 {offsets = [176, 0], sizes = [8, 2048], strides = [1, 1]} : vector<512x2048xf32> to vector<8x2048xf32>
    %lt3A_1092 = arith.cmpf olt, %slice3A_1091, %select_n3A_1086 : vector<8x2048xf32>
    %select_n3A_1093 = arith.select %lt3A_1092, %slice3A_1091, %select_n3A_1086 : vector<8x2048xi1>, vector<8x2048xf32>
    %add3A_1094 = arith.constant 176 : i32
    %add3A_1095 = vector.broadcast %add3A_1094 : i32 to vector<8x2048xi32>
    %add3A_1096 = arith.addi %iota3A, %add3A_1095 : vector<8x2048xi32>
    %select_n3A_1097 = arith.select %lt3A_1092, %add3A_1096, %select_n3A_1090 : vector<8x2048xi1>, vector<8x2048xi32>
    %slice3A_1098 = vector.extract_strided_slice %add3A_942 {offsets = [184, 0], sizes = [8, 2048], strides = [1, 1]} : vector<512x2048xf32> to vector<8x2048xf32>
    %lt3A_1099 = arith.cmpf olt, %slice3A_1098, %select_n3A_1093 : vector<8x2048xf32>
    %select_n3A_1100 = arith.select %lt3A_1099, %slice3A_1098, %select_n3A_1093 : vector<8x2048xi1>, vector<8x2048xf32>
    %add3A_1101 = arith.constant 184 : i32
    %add3A_1102 = vector.broadcast %add3A_1101 : i32 to vector<8x2048xi32>
    %add3A_1103 = arith.addi %iota3A, %add3A_1102 : vector<8x2048xi32>
    %select_n3A_1104 = arith.select %lt3A_1099, %add3A_1103, %select_n3A_1097 : vector<8x2048xi1>, vector<8x2048xi32>
    %slice3A_1105 = vector.extract_strided_slice %add3A_942 {offsets = [192, 0], sizes = [8, 2048], strides = [1, 1]} : vector<512x2048xf32> to vector<8x2048xf32>
    %lt3A_1106 = arith.cmpf olt, %slice3A_1105, %select_n3A_1100 : vector<8x2048xf32>
    %select_n3A_1107 = arith.select %lt3A_1106, %slice3A_1105, %select_n3A_1100 : vector<8x2048xi1>, vector<8x2048xf32>
    %add3A_1108 = arith.constant 192 : i32
    %add3A_1109 = vector.broadcast %add3A_1108 : i32 to vector<8x2048xi32>
    %add3A_1110 = arith.addi %iota3A, %add3A_1109 : vector<8x2048xi32>
    %select_n3A_1111 = arith.select %lt3A_1106, %add3A_1110, %select_n3A_1104 : vector<8x2048xi1>, vector<8x2048xi32>
    %slice3A_1112 = vector.extract_strided_slice %add3A_942 {offsets = [200, 0], sizes = [8, 2048], strides = [1, 1]} : vector<512x2048xf32> to vector<8x2048xf32>
    %lt3A_1113 = arith.cmpf olt, %slice3A_1112, %select_n3A_1107 : vector<8x2048xf32>
    %select_n3A_1114 = arith.select %lt3A_1113, %slice3A_1112, %select_n3A_1107 : vector<8x2048xi1>, vector<8x2048xf32>
    %add3A_1115 = arith.constant 200 : i32
    %add3A_1116 = vector.broadcast %add3A_1115 : i32 to vector<8x2048xi32>
    %add3A_1117 = arith.addi %iota3A, %add3A_1116 : vector<8x2048xi32>
    %select_n3A_1118 = arith.select %lt3A_1113, %add3A_1117, %select_n3A_1111 : vector<8x2048xi1>, vector<8x2048xi32>
    %slice3A_1119 = vector.extract_strided_slice %add3A_942 {offsets = [208, 0], sizes = [8, 2048], strides = [1, 1]} : vector<512x2048xf32> to vector<8x2048xf32>
    %lt3A_1120 = arith.cmpf olt, %slice3A_1119, %select_n3A_1114 : vector<8x2048xf32>
    %select_n3A_1121 = arith.select %lt3A_1120, %slice3A_1119, %select_n3A_1114 : vector<8x2048xi1>, vector<8x2048xf32>
    %add3A_1122 = arith.constant 208 : i32
    %add3A_1123 = vector.broadcast %add3A_1122 : i32 to vector<8x2048xi32>
    %add3A_1124 = arith.addi %iota3A, %add3A_1123 : vector<8x2048xi32>
    %select_n3A_1125 = arith.select %lt3A_1120, %add3A_1124, %select_n3A_1118 : vector<8x2048xi1>, vector<8x2048xi32>
    %slice3A_1126 = vector.extract_strided_slice %add3A_942 {offsets = [216, 0], sizes = [8, 2048], strides = [1, 1]} : vector<512x2048xf32> to vector<8x2048xf32>
    %lt3A_1127 = arith.cmpf olt, %slice3A_1126, %select_n3A_1121 : vector<8x2048xf32>
    %select_n3A_1128 = arith.select %lt3A_1127, %slice3A_1126, %select_n3A_1121 : vector<8x2048xi1>, vector<8x2048xf32>
    %add3A_1129 = arith.constant 216 : i32
    %add3A_1130 = vector.broadcast %add3A_1129 : i32 to vector<8x2048xi32>
    %add3A_1131 = arith.addi %iota3A, %add3A_1130 : vector<8x2048xi32>
    %select_n3A_1132 = arith.select %lt3A_1127, %add3A_1131, %select_n3A_1125 : vector<8x2048xi1>, vector<8x2048xi32>
    %slice3A_1133 = vector.extract_strided_slice %add3A_942 {offsets = [224, 0], sizes = [8, 2048], strides = [1, 1]} : vector<512x2048xf32> to vector<8x2048xf32>
    %lt3A_1134 = arith.cmpf olt, %slice3A_1133, %select_n3A_1128 : vector<8x2048xf32>
    %select_n3A_1135 = arith.select %lt3A_1134, %slice3A_1133, %select_n3A_1128 : vector<8x2048xi1>, vector<8x2048xf32>
    %add3A_1136 = arith.constant 224 : i32
    %add3A_1137 = vector.broadcast %add3A_1136 : i32 to vector<8x2048xi32>
    %add3A_1138 = arith.addi %iota3A, %add3A_1137 : vector<8x2048xi32>
    %select_n3A_1139 = arith.select %lt3A_1134, %add3A_1138, %select_n3A_1132 : vector<8x2048xi1>, vector<8x2048xi32>
    %slice3A_1140 = vector.extract_strided_slice %add3A_942 {offsets = [232, 0], sizes = [8, 2048], strides = [1, 1]} : vector<512x2048xf32> to vector<8x2048xf32>
    %lt3A_1141 = arith.cmpf olt, %slice3A_1140, %select_n3A_1135 : vector<8x2048xf32>
    %select_n3A_1142 = arith.select %lt3A_1141, %slice3A_1140, %select_n3A_1135 : vector<8x2048xi1>, vector<8x2048xf32>
    %add3A_1143 = arith.constant 232 : i32
    %add3A_1144 = vector.broadcast %add3A_1143 : i32 to vector<8x2048xi32>
    %add3A_1145 = arith.addi %iota3A, %add3A_1144 : vector<8x2048xi32>
    %select_n3A_1146 = arith.select %lt3A_1141, %add3A_1145, %select_n3A_1139 : vector<8x2048xi1>, vector<8x2048xi32>
    %slice3A_1147 = vector.extract_strided_slice %add3A_942 {offsets = [240, 0], sizes = [8, 2048], strides = [1, 1]} : vector<512x2048xf32> to vector<8x2048xf32>
    %lt3A_1148 = arith.cmpf olt, %slice3A_1147, %select_n3A_1142 : vector<8x2048xf32>
    %select_n3A_1149 = arith.select %lt3A_1148, %slice3A_1147, %select_n3A_1142 : vector<8x2048xi1>, vector<8x2048xf32>
    %add3A_1150 = arith.constant 240 : i32
    %add3A_1151 = vector.broadcast %add3A_1150 : i32 to vector<8x2048xi32>
    %add3A_1152 = arith.addi %iota3A, %add3A_1151 : vector<8x2048xi32>
    %select_n3A_1153 = arith.select %lt3A_1148, %add3A_1152, %select_n3A_1146 : vector<8x2048xi1>, vector<8x2048xi32>
    %slice3A_1154 = vector.extract_strided_slice %add3A_942 {offsets = [248, 0], sizes = [8, 2048], strides = [1, 1]} : vector<512x2048xf32> to vector<8x2048xf32>
    %lt3A_1155 = arith.cmpf olt, %slice3A_1154, %select_n3A_1149 : vector<8x2048xf32>
    %select_n3A_1156 = arith.select %lt3A_1155, %slice3A_1154, %select_n3A_1149 : vector<8x2048xi1>, vector<8x2048xf32>
    %add3A_1157 = arith.constant 248 : i32
    %add3A_1158 = vector.broadcast %add3A_1157 : i32 to vector<8x2048xi32>
    %add3A_1159 = arith.addi %iota3A, %add3A_1158 : vector<8x2048xi32>
    %select_n3A_1160 = arith.select %lt3A_1155, %add3A_1159, %select_n3A_1153 : vector<8x2048xi1>, vector<8x2048xi32>
    %slice3A_1161 = vector.extract_strided_slice %add3A_942 {offsets = [256, 0], sizes = [8, 2048], strides = [1, 1]} : vector<512x2048xf32> to vector<8x2048xf32>
    %lt3A_1162 = arith.cmpf olt, %slice3A_1161, %select_n3A_1156 : vector<8x2048xf32>
    %select_n3A_1163 = arith.select %lt3A_1162, %slice3A_1161, %select_n3A_1156 : vector<8x2048xi1>, vector<8x2048xf32>
    %add3A_1164 = arith.constant 256 : i32
    %add3A_1165 = vector.broadcast %add3A_1164 : i32 to vector<8x2048xi32>
    %add3A_1166 = arith.addi %iota3A, %add3A_1165 : vector<8x2048xi32>
    %select_n3A_1167 = arith.select %lt3A_1162, %add3A_1166, %select_n3A_1160 : vector<8x2048xi1>, vector<8x2048xi32>
    %slice3A_1168 = vector.extract_strided_slice %add3A_942 {offsets = [264, 0], sizes = [8, 2048], strides = [1, 1]} : vector<512x2048xf32> to vector<8x2048xf32>
    %lt3A_1169 = arith.cmpf olt, %slice3A_1168, %select_n3A_1163 : vector<8x2048xf32>
    %select_n3A_1170 = arith.select %lt3A_1169, %slice3A_1168, %select_n3A_1163 : vector<8x2048xi1>, vector<8x2048xf32>
    %add3A_1171 = arith.constant 264 : i32
    %add3A_1172 = vector.broadcast %add3A_1171 : i32 to vector<8x2048xi32>
    %add3A_1173 = arith.addi %iota3A, %add3A_1172 : vector<8x2048xi32>
    %select_n3A_1174 = arith.select %lt3A_1169, %add3A_1173, %select_n3A_1167 : vector<8x2048xi1>, vector<8x2048xi32>
    %slice3A_1175 = vector.extract_strided_slice %add3A_942 {offsets = [272, 0], sizes = [8, 2048], strides = [1, 1]} : vector<512x2048xf32> to vector<8x2048xf32>
    %lt3A_1176 = arith.cmpf olt, %slice3A_1175, %select_n3A_1170 : vector<8x2048xf32>
    %select_n3A_1177 = arith.select %lt3A_1176, %slice3A_1175, %select_n3A_1170 : vector<8x2048xi1>, vector<8x2048xf32>
    %add3A_1178 = arith.constant 272 : i32
    %add3A_1179 = vector.broadcast %add3A_1178 : i32 to vector<8x2048xi32>
    %add3A_1180 = arith.addi %iota3A, %add3A_1179 : vector<8x2048xi32>
    %select_n3A_1181 = arith.select %lt3A_1176, %add3A_1180, %select_n3A_1174 : vector<8x2048xi1>, vector<8x2048xi32>
    %slice3A_1182 = vector.extract_strided_slice %add3A_942 {offsets = [280, 0], sizes = [8, 2048], strides = [1, 1]} : vector<512x2048xf32> to vector<8x2048xf32>
    %lt3A_1183 = arith.cmpf olt, %slice3A_1182, %select_n3A_1177 : vector<8x2048xf32>
    %select_n3A_1184 = arith.select %lt3A_1183, %slice3A_1182, %select_n3A_1177 : vector<8x2048xi1>, vector<8x2048xf32>
    %add3A_1185 = arith.constant 280 : i32
    %add3A_1186 = vector.broadcast %add3A_1185 : i32 to vector<8x2048xi32>
    %add3A_1187 = arith.addi %iota3A, %add3A_1186 : vector<8x2048xi32>
    %select_n3A_1188 = arith.select %lt3A_1183, %add3A_1187, %select_n3A_1181 : vector<8x2048xi1>, vector<8x2048xi32>
    %slice3A_1189 = vector.extract_strided_slice %add3A_942 {offsets = [288, 0], sizes = [8, 2048], strides = [1, 1]} : vector<512x2048xf32> to vector<8x2048xf32>
    %lt3A_1190 = arith.cmpf olt, %slice3A_1189, %select_n3A_1184 : vector<8x2048xf32>
    %select_n3A_1191 = arith.select %lt3A_1190, %slice3A_1189, %select_n3A_1184 : vector<8x2048xi1>, vector<8x2048xf32>
    %add3A_1192 = arith.constant 288 : i32
    %add3A_1193 = vector.broadcast %add3A_1192 : i32 to vector<8x2048xi32>
    %add3A_1194 = arith.addi %iota3A, %add3A_1193 : vector<8x2048xi32>
    %select_n3A_1195 = arith.select %lt3A_1190, %add3A_1194, %select_n3A_1188 : vector<8x2048xi1>, vector<8x2048xi32>
    %slice3A_1196 = vector.extract_strided_slice %add3A_942 {offsets = [296, 0], sizes = [8, 2048], strides = [1, 1]} : vector<512x2048xf32> to vector<8x2048xf32>
    %lt3A_1197 = arith.cmpf olt, %slice3A_1196, %select_n3A_1191 : vector<8x2048xf32>
    %select_n3A_1198 = arith.select %lt3A_1197, %slice3A_1196, %select_n3A_1191 : vector<8x2048xi1>, vector<8x2048xf32>
    %add3A_1199 = arith.constant 296 : i32
    %add3A_1200 = vector.broadcast %add3A_1199 : i32 to vector<8x2048xi32>
    %add3A_1201 = arith.addi %iota3A, %add3A_1200 : vector<8x2048xi32>
    %select_n3A_1202 = arith.select %lt3A_1197, %add3A_1201, %select_n3A_1195 : vector<8x2048xi1>, vector<8x2048xi32>
    %slice3A_1203 = vector.extract_strided_slice %add3A_942 {offsets = [304, 0], sizes = [8, 2048], strides = [1, 1]} : vector<512x2048xf32> to vector<8x2048xf32>
    %lt3A_1204 = arith.cmpf olt, %slice3A_1203, %select_n3A_1198 : vector<8x2048xf32>
    %select_n3A_1205 = arith.select %lt3A_1204, %slice3A_1203, %select_n3A_1198 : vector<8x2048xi1>, vector<8x2048xf32>
    %add3A_1206 = arith.constant 304 : i32
    %add3A_1207 = vector.broadcast %add3A_1206 : i32 to vector<8x2048xi32>
    %add3A_1208 = arith.addi %iota3A, %add3A_1207 : vector<8x2048xi32>
    %select_n3A_1209 = arith.select %lt3A_1204, %add3A_1208, %select_n3A_1202 : vector<8x2048xi1>, vector<8x2048xi32>
    %slice3A_1210 = vector.extract_strided_slice %add3A_942 {offsets = [312, 0], sizes = [8, 2048], strides = [1, 1]} : vector<512x2048xf32> to vector<8x2048xf32>
    %lt3A_1211 = arith.cmpf olt, %slice3A_1210, %select_n3A_1205 : vector<8x2048xf32>
    %select_n3A_1212 = arith.select %lt3A_1211, %slice3A_1210, %select_n3A_1205 : vector<8x2048xi1>, vector<8x2048xf32>
    %add3A_1213 = arith.constant 312 : i32
    %add3A_1214 = vector.broadcast %add3A_1213 : i32 to vector<8x2048xi32>
    %add3A_1215 = arith.addi %iota3A, %add3A_1214 : vector<8x2048xi32>
    %select_n3A_1216 = arith.select %lt3A_1211, %add3A_1215, %select_n3A_1209 : vector<8x2048xi1>, vector<8x2048xi32>
    %slice3A_1217 = vector.extract_strided_slice %add3A_942 {offsets = [320, 0], sizes = [8, 2048], strides = [1, 1]} : vector<512x2048xf32> to vector<8x2048xf32>
    %lt3A_1218 = arith.cmpf olt, %slice3A_1217, %select_n3A_1212 : vector<8x2048xf32>
    %select_n3A_1219 = arith.select %lt3A_1218, %slice3A_1217, %select_n3A_1212 : vector<8x2048xi1>, vector<8x2048xf32>
    %add3A_1220 = arith.constant 320 : i32
    %add3A_1221 = vector.broadcast %add3A_1220 : i32 to vector<8x2048xi32>
    %add3A_1222 = arith.addi %iota3A, %add3A_1221 : vector<8x2048xi32>
    %select_n3A_1223 = arith.select %lt3A_1218, %add3A_1222, %select_n3A_1216 : vector<8x2048xi1>, vector<8x2048xi32>
    %slice3A_1224 = vector.extract_strided_slice %add3A_942 {offsets = [328, 0], sizes = [8, 2048], strides = [1, 1]} : vector<512x2048xf32> to vector<8x2048xf32>
    %lt3A_1225 = arith.cmpf olt, %slice3A_1224, %select_n3A_1219 : vector<8x2048xf32>
    %select_n3A_1226 = arith.select %lt3A_1225, %slice3A_1224, %select_n3A_1219 : vector<8x2048xi1>, vector<8x2048xf32>
    %add3A_1227 = arith.constant 328 : i32
    %add3A_1228 = vector.broadcast %add3A_1227 : i32 to vector<8x2048xi32>
    %add3A_1229 = arith.addi %iota3A, %add3A_1228 : vector<8x2048xi32>
    %select_n3A_1230 = arith.select %lt3A_1225, %add3A_1229, %select_n3A_1223 : vector<8x2048xi1>, vector<8x2048xi32>
    %slice3A_1231 = vector.extract_strided_slice %add3A_942 {offsets = [336, 0], sizes = [8, 2048], strides = [1, 1]} : vector<512x2048xf32> to vector<8x2048xf32>
    %lt3A_1232 = arith.cmpf olt, %slice3A_1231, %select_n3A_1226 : vector<8x2048xf32>
    %select_n3A_1233 = arith.select %lt3A_1232, %slice3A_1231, %select_n3A_1226 : vector<8x2048xi1>, vector<8x2048xf32>
    %add3A_1234 = arith.constant 336 : i32
    %add3A_1235 = vector.broadcast %add3A_1234 : i32 to vector<8x2048xi32>
    %add3A_1236 = arith.addi %iota3A, %add3A_1235 : vector<8x2048xi32>
    %select_n3A_1237 = arith.select %lt3A_1232, %add3A_1236, %select_n3A_1230 : vector<8x2048xi1>, vector<8x2048xi32>
    %slice3A_1238 = vector.extract_strided_slice %add3A_942 {offsets = [344, 0], sizes = [8, 2048], strides = [1, 1]} : vector<512x2048xf32> to vector<8x2048xf32>
    %lt3A_1239 = arith.cmpf olt, %slice3A_1238, %select_n3A_1233 : vector<8x2048xf32>
    %select_n3A_1240 = arith.select %lt3A_1239, %slice3A_1238, %select_n3A_1233 : vector<8x2048xi1>, vector<8x2048xf32>
    %add3A_1241 = arith.constant 344 : i32
    %add3A_1242 = vector.broadcast %add3A_1241 : i32 to vector<8x2048xi32>
    %add3A_1243 = arith.addi %iota3A, %add3A_1242 : vector<8x2048xi32>
    %select_n3A_1244 = arith.select %lt3A_1239, %add3A_1243, %select_n3A_1237 : vector<8x2048xi1>, vector<8x2048xi32>
    %slice3A_1245 = vector.extract_strided_slice %add3A_942 {offsets = [352, 0], sizes = [8, 2048], strides = [1, 1]} : vector<512x2048xf32> to vector<8x2048xf32>
    %lt3A_1246 = arith.cmpf olt, %slice3A_1245, %select_n3A_1240 : vector<8x2048xf32>
    %select_n3A_1247 = arith.select %lt3A_1246, %slice3A_1245, %select_n3A_1240 : vector<8x2048xi1>, vector<8x2048xf32>
    %add3A_1248 = arith.constant 352 : i32
    %add3A_1249 = vector.broadcast %add3A_1248 : i32 to vector<8x2048xi32>
    %add3A_1250 = arith.addi %iota3A, %add3A_1249 : vector<8x2048xi32>
    %select_n3A_1251 = arith.select %lt3A_1246, %add3A_1250, %select_n3A_1244 : vector<8x2048xi1>, vector<8x2048xi32>
    %slice3A_1252 = vector.extract_strided_slice %add3A_942 {offsets = [360, 0], sizes = [8, 2048], strides = [1, 1]} : vector<512x2048xf32> to vector<8x2048xf32>
    %lt3A_1253 = arith.cmpf olt, %slice3A_1252, %select_n3A_1247 : vector<8x2048xf32>
    %select_n3A_1254 = arith.select %lt3A_1253, %slice3A_1252, %select_n3A_1247 : vector<8x2048xi1>, vector<8x2048xf32>
    %add3A_1255 = arith.constant 360 : i32
    %add3A_1256 = vector.broadcast %add3A_1255 : i32 to vector<8x2048xi32>
    %add3A_1257 = arith.addi %iota3A, %add3A_1256 : vector<8x2048xi32>
    %select_n3A_1258 = arith.select %lt3A_1253, %add3A_1257, %select_n3A_1251 : vector<8x2048xi1>, vector<8x2048xi32>
    %slice3A_1259 = vector.extract_strided_slice %add3A_942 {offsets = [368, 0], sizes = [8, 2048], strides = [1, 1]} : vector<512x2048xf32> to vector<8x2048xf32>
    %lt3A_1260 = arith.cmpf olt, %slice3A_1259, %select_n3A_1254 : vector<8x2048xf32>
    %select_n3A_1261 = arith.select %lt3A_1260, %slice3A_1259, %select_n3A_1254 : vector<8x2048xi1>, vector<8x2048xf32>
    %add3A_1262 = arith.constant 368 : i32
    %add3A_1263 = vector.broadcast %add3A_1262 : i32 to vector<8x2048xi32>
    %add3A_1264 = arith.addi %iota3A, %add3A_1263 : vector<8x2048xi32>
    %select_n3A_1265 = arith.select %lt3A_1260, %add3A_1264, %select_n3A_1258 : vector<8x2048xi1>, vector<8x2048xi32>
    %slice3A_1266 = vector.extract_strided_slice %add3A_942 {offsets = [376, 0], sizes = [8, 2048], strides = [1, 1]} : vector<512x2048xf32> to vector<8x2048xf32>
    %lt3A_1267 = arith.cmpf olt, %slice3A_1266, %select_n3A_1261 : vector<8x2048xf32>
    %select_n3A_1268 = arith.select %lt3A_1267, %slice3A_1266, %select_n3A_1261 : vector<8x2048xi1>, vector<8x2048xf32>
    %add3A_1269 = arith.constant 376 : i32
    %add3A_1270 = vector.broadcast %add3A_1269 : i32 to vector<8x2048xi32>
    %add3A_1271 = arith.addi %iota3A, %add3A_1270 : vector<8x2048xi32>
    %select_n3A_1272 = arith.select %lt3A_1267, %add3A_1271, %select_n3A_1265 : vector<8x2048xi1>, vector<8x2048xi32>
    %slice3A_1273 = vector.extract_strided_slice %add3A_942 {offsets = [384, 0], sizes = [8, 2048], strides = [1, 1]} : vector<512x2048xf32> to vector<8x2048xf32>
    %lt3A_1274 = arith.cmpf olt, %slice3A_1273, %select_n3A_1268 : vector<8x2048xf32>
    %select_n3A_1275 = arith.select %lt3A_1274, %slice3A_1273, %select_n3A_1268 : vector<8x2048xi1>, vector<8x2048xf32>
    %add3A_1276 = arith.constant 384 : i32
    %add3A_1277 = vector.broadcast %add3A_1276 : i32 to vector<8x2048xi32>
    %add3A_1278 = arith.addi %iota3A, %add3A_1277 : vector<8x2048xi32>
    %select_n3A_1279 = arith.select %lt3A_1274, %add3A_1278, %select_n3A_1272 : vector<8x2048xi1>, vector<8x2048xi32>
    %slice3A_1280 = vector.extract_strided_slice %add3A_942 {offsets = [392, 0], sizes = [8, 2048], strides = [1, 1]} : vector<512x2048xf32> to vector<8x2048xf32>
    %lt3A_1281 = arith.cmpf olt, %slice3A_1280, %select_n3A_1275 : vector<8x2048xf32>
    %select_n3A_1282 = arith.select %lt3A_1281, %slice3A_1280, %select_n3A_1275 : vector<8x2048xi1>, vector<8x2048xf32>
    %add3A_1283 = arith.constant 392 : i32
    %add3A_1284 = vector.broadcast %add3A_1283 : i32 to vector<8x2048xi32>
    %add3A_1285 = arith.addi %iota3A, %add3A_1284 : vector<8x2048xi32>
    %select_n3A_1286 = arith.select %lt3A_1281, %add3A_1285, %select_n3A_1279 : vector<8x2048xi1>, vector<8x2048xi32>
    %slice3A_1287 = vector.extract_strided_slice %add3A_942 {offsets = [400, 0], sizes = [8, 2048], strides = [1, 1]} : vector<512x2048xf32> to vector<8x2048xf32>
    %lt3A_1288 = arith.cmpf olt, %slice3A_1287, %select_n3A_1282 : vector<8x2048xf32>
    %select_n3A_1289 = arith.select %lt3A_1288, %slice3A_1287, %select_n3A_1282 : vector<8x2048xi1>, vector<8x2048xf32>
    %add3A_1290 = arith.constant 400 : i32
    %add3A_1291 = vector.broadcast %add3A_1290 : i32 to vector<8x2048xi32>
    %add3A_1292 = arith.addi %iota3A, %add3A_1291 : vector<8x2048xi32>
    %select_n3A_1293 = arith.select %lt3A_1288, %add3A_1292, %select_n3A_1286 : vector<8x2048xi1>, vector<8x2048xi32>
    %slice3A_1294 = vector.extract_strided_slice %add3A_942 {offsets = [408, 0], sizes = [8, 2048], strides = [1, 1]} : vector<512x2048xf32> to vector<8x2048xf32>
    %lt3A_1295 = arith.cmpf olt, %slice3A_1294, %select_n3A_1289 : vector<8x2048xf32>
    %select_n3A_1296 = arith.select %lt3A_1295, %slice3A_1294, %select_n3A_1289 : vector<8x2048xi1>, vector<8x2048xf32>
    %add3A_1297 = arith.constant 408 : i32
    %add3A_1298 = vector.broadcast %add3A_1297 : i32 to vector<8x2048xi32>
    %add3A_1299 = arith.addi %iota3A, %add3A_1298 : vector<8x2048xi32>
    %select_n3A_1300 = arith.select %lt3A_1295, %add3A_1299, %select_n3A_1293 : vector<8x2048xi1>, vector<8x2048xi32>
    %slice3A_1301 = vector.extract_strided_slice %add3A_942 {offsets = [416, 0], sizes = [8, 2048], strides = [1, 1]} : vector<512x2048xf32> to vector<8x2048xf32>
    %lt3A_1302 = arith.cmpf olt, %slice3A_1301, %select_n3A_1296 : vector<8x2048xf32>
    %select_n3A_1303 = arith.select %lt3A_1302, %slice3A_1301, %select_n3A_1296 : vector<8x2048xi1>, vector<8x2048xf32>
    %add3A_1304 = arith.constant 416 : i32
    %add3A_1305 = vector.broadcast %add3A_1304 : i32 to vector<8x2048xi32>
    %add3A_1306 = arith.addi %iota3A, %add3A_1305 : vector<8x2048xi32>
    %select_n3A_1307 = arith.select %lt3A_1302, %add3A_1306, %select_n3A_1300 : vector<8x2048xi1>, vector<8x2048xi32>
    %slice3A_1308 = vector.extract_strided_slice %add3A_942 {offsets = [424, 0], sizes = [8, 2048], strides = [1, 1]} : vector<512x2048xf32> to vector<8x2048xf32>
    %lt3A_1309 = arith.cmpf olt, %slice3A_1308, %select_n3A_1303 : vector<8x2048xf32>
    %select_n3A_1310 = arith.select %lt3A_1309, %slice3A_1308, %select_n3A_1303 : vector<8x2048xi1>, vector<8x2048xf32>
    %add3A_1311 = arith.constant 424 : i32
    %add3A_1312 = vector.broadcast %add3A_1311 : i32 to vector<8x2048xi32>
    %add3A_1313 = arith.addi %iota3A, %add3A_1312 : vector<8x2048xi32>
    %select_n3A_1314 = arith.select %lt3A_1309, %add3A_1313, %select_n3A_1307 : vector<8x2048xi1>, vector<8x2048xi32>
    %slice3A_1315 = vector.extract_strided_slice %add3A_942 {offsets = [432, 0], sizes = [8, 2048], strides = [1, 1]} : vector<512x2048xf32> to vector<8x2048xf32>
    %lt3A_1316 = arith.cmpf olt, %slice3A_1315, %select_n3A_1310 : vector<8x2048xf32>
    %select_n3A_1317 = arith.select %lt3A_1316, %slice3A_1315, %select_n3A_1310 : vector<8x2048xi1>, vector<8x2048xf32>
    %add3A_1318 = arith.constant 432 : i32
    %add3A_1319 = vector.broadcast %add3A_1318 : i32 to vector<8x2048xi32>
    %add3A_1320 = arith.addi %iota3A, %add3A_1319 : vector<8x2048xi32>
    %select_n3A_1321 = arith.select %lt3A_1316, %add3A_1320, %select_n3A_1314 : vector<8x2048xi1>, vector<8x2048xi32>
    %slice3A_1322 = vector.extract_strided_slice %add3A_942 {offsets = [440, 0], sizes = [8, 2048], strides = [1, 1]} : vector<512x2048xf32> to vector<8x2048xf32>
    %lt3A_1323 = arith.cmpf olt, %slice3A_1322, %select_n3A_1317 : vector<8x2048xf32>
    %select_n3A_1324 = arith.select %lt3A_1323, %slice3A_1322, %select_n3A_1317 : vector<8x2048xi1>, vector<8x2048xf32>
    %add3A_1325 = arith.constant 440 : i32
    %add3A_1326 = vector.broadcast %add3A_1325 : i32 to vector<8x2048xi32>
    %add3A_1327 = arith.addi %iota3A, %add3A_1326 : vector<8x2048xi32>
    %select_n3A_1328 = arith.select %lt3A_1323, %add3A_1327, %select_n3A_1321 : vector<8x2048xi1>, vector<8x2048xi32>
    %slice3A_1329 = vector.extract_strided_slice %add3A_942 {offsets = [448, 0], sizes = [8, 2048], strides = [1, 1]} : vector<512x2048xf32> to vector<8x2048xf32>
    %lt3A_1330 = arith.cmpf olt, %slice3A_1329, %select_n3A_1324 : vector<8x2048xf32>
    %select_n3A_1331 = arith.select %lt3A_1330, %slice3A_1329, %select_n3A_1324 : vector<8x2048xi1>, vector<8x2048xf32>
    %add3A_1332 = arith.constant 448 : i32
    %add3A_1333 = vector.broadcast %add3A_1332 : i32 to vector<8x2048xi32>
    %add3A_1334 = arith.addi %iota3A, %add3A_1333 : vector<8x2048xi32>
    %select_n3A_1335 = arith.select %lt3A_1330, %add3A_1334, %select_n3A_1328 : vector<8x2048xi1>, vector<8x2048xi32>
    %slice3A_1336 = vector.extract_strided_slice %add3A_942 {offsets = [456, 0], sizes = [8, 2048], strides = [1, 1]} : vector<512x2048xf32> to vector<8x2048xf32>
    %lt3A_1337 = arith.cmpf olt, %slice3A_1336, %select_n3A_1331 : vector<8x2048xf32>
    %select_n3A_1338 = arith.select %lt3A_1337, %slice3A_1336, %select_n3A_1331 : vector<8x2048xi1>, vector<8x2048xf32>
    %add3A_1339 = arith.constant 456 : i32
    %add3A_1340 = vector.broadcast %add3A_1339 : i32 to vector<8x2048xi32>
    %add3A_1341 = arith.addi %iota3A, %add3A_1340 : vector<8x2048xi32>
    %select_n3A_1342 = arith.select %lt3A_1337, %add3A_1341, %select_n3A_1335 : vector<8x2048xi1>, vector<8x2048xi32>
    %slice3A_1343 = vector.extract_strided_slice %add3A_942 {offsets = [464, 0], sizes = [8, 2048], strides = [1, 1]} : vector<512x2048xf32> to vector<8x2048xf32>
    %lt3A_1344 = arith.cmpf olt, %slice3A_1343, %select_n3A_1338 : vector<8x2048xf32>
    %select_n3A_1345 = arith.select %lt3A_1344, %slice3A_1343, %select_n3A_1338 : vector<8x2048xi1>, vector<8x2048xf32>
    %add3A_1346 = arith.constant 464 : i32
    %add3A_1347 = vector.broadcast %add3A_1346 : i32 to vector<8x2048xi32>
    %add3A_1348 = arith.addi %iota3A, %add3A_1347 : vector<8x2048xi32>
    %select_n3A_1349 = arith.select %lt3A_1344, %add3A_1348, %select_n3A_1342 : vector<8x2048xi1>, vector<8x2048xi32>
    %slice3A_1350 = vector.extract_strided_slice %add3A_942 {offsets = [472, 0], sizes = [8, 2048], strides = [1, 1]} : vector<512x2048xf32> to vector<8x2048xf32>
    %lt3A_1351 = arith.cmpf olt, %slice3A_1350, %select_n3A_1345 : vector<8x2048xf32>
    %select_n3A_1352 = arith.select %lt3A_1351, %slice3A_1350, %select_n3A_1345 : vector<8x2048xi1>, vector<8x2048xf32>
    %add3A_1353 = arith.constant 472 : i32
    %add3A_1354 = vector.broadcast %add3A_1353 : i32 to vector<8x2048xi32>
    %add3A_1355 = arith.addi %iota3A, %add3A_1354 : vector<8x2048xi32>
    %select_n3A_1356 = arith.select %lt3A_1351, %add3A_1355, %select_n3A_1349 : vector<8x2048xi1>, vector<8x2048xi32>
    %slice3A_1357 = vector.extract_strided_slice %add3A_942 {offsets = [480, 0], sizes = [8, 2048], strides = [1, 1]} : vector<512x2048xf32> to vector<8x2048xf32>
    %lt3A_1358 = arith.cmpf olt, %slice3A_1357, %select_n3A_1352 : vector<8x2048xf32>
    %select_n3A_1359 = arith.select %lt3A_1358, %slice3A_1357, %select_n3A_1352 : vector<8x2048xi1>, vector<8x2048xf32>
    %add3A_1360 = arith.constant 480 : i32
    %add3A_1361 = vector.broadcast %add3A_1360 : i32 to vector<8x2048xi32>
    %add3A_1362 = arith.addi %iota3A, %add3A_1361 : vector<8x2048xi32>
    %select_n3A_1363 = arith.select %lt3A_1358, %add3A_1362, %select_n3A_1356 : vector<8x2048xi1>, vector<8x2048xi32>
    %slice3A_1364 = vector.extract_strided_slice %add3A_942 {offsets = [488, 0], sizes = [8, 2048], strides = [1, 1]} : vector<512x2048xf32> to vector<8x2048xf32>
    %lt3A_1365 = arith.cmpf olt, %slice3A_1364, %select_n3A_1359 : vector<8x2048xf32>
    %select_n3A_1366 = arith.select %lt3A_1365, %slice3A_1364, %select_n3A_1359 : vector<8x2048xi1>, vector<8x2048xf32>
    %add3A_1367 = arith.constant 488 : i32
    %add3A_1368 = vector.broadcast %add3A_1367 : i32 to vector<8x2048xi32>
    %add3A_1369 = arith.addi %iota3A, %add3A_1368 : vector<8x2048xi32>
    %select_n3A_1370 = arith.select %lt3A_1365, %add3A_1369, %select_n3A_1363 : vector<8x2048xi1>, vector<8x2048xi32>
    %slice3A_1371 = vector.extract_strided_slice %add3A_942 {offsets = [496, 0], sizes = [8, 2048], strides = [1, 1]} : vector<512x2048xf32> to vector<8x2048xf32>
    %lt3A_1372 = arith.cmpf olt, %slice3A_1371, %select_n3A_1366 : vector<8x2048xf32>
    %select_n3A_1373 = arith.select %lt3A_1372, %slice3A_1371, %select_n3A_1366 : vector<8x2048xi1>, vector<8x2048xf32>
    %add3A_1374 = arith.constant 496 : i32
    %add3A_1375 = vector.broadcast %add3A_1374 : i32 to vector<8x2048xi32>
    %add3A_1376 = arith.addi %iota3A, %add3A_1375 : vector<8x2048xi32>
    %select_n3A_1377 = arith.select %lt3A_1372, %add3A_1376, %select_n3A_1370 : vector<8x2048xi1>, vector<8x2048xi32>
    %slice3A_1378 = vector.extract_strided_slice %add3A_942 {offsets = [504, 0], sizes = [8, 2048], strides = [1, 1]} : vector<512x2048xf32> to vector<8x2048xf32>
    %lt3A_1379 = arith.cmpf olt, %slice3A_1378, %select_n3A_1373 : vector<8x2048xf32>
    %select_n3A_1380 = arith.select %lt3A_1379, %slice3A_1378, %select_n3A_1373 : vector<8x2048xi1>, vector<8x2048xf32>
    %add3A_1381 = arith.constant 504 : i32
    %add3A_1382 = vector.broadcast %add3A_1381 : i32 to vector<8x2048xi32>
    %add3A_1383 = arith.addi %iota3A, %add3A_1382 : vector<8x2048xi32>
    %select_n3A_1384 = arith.select %lt3A_1379, %add3A_1383, %select_n3A_1377 : vector<8x2048xi1>, vector<8x2048xi32>
    %reduce_min3A_1385 = arith.constant dense<0x7F800000> : vector<2048xf32>
    %reduce_min3A_1386 = vector.multi_reduction <minimumf>, %select_n3A_1380, %reduce_min3A_1385 [0] : vector<8x2048xf32> to vector<2048xf32>
    %broadcast_in_dim3A_1387 = vector.shape_cast %reduce_min3A_1386 : vector<2048xf32> to vector<1x2048xf32>
    %eq3A_1388 = vector.broadcast %broadcast_in_dim3A_1387 : vector<1x2048xf32> to vector<8x2048xf32>
    %eq3A_1389 = arith.cmpf oeq, %select_n3A_1380, %eq3A_1388 : vector<8x2048xf32>
    %jit3A_1390 = arith.constant 512 : i32
    %broadcast_in_dim3A_1391 = vector.broadcast %jit3A_1390 : i32 to vector<8x2048xi32>
    %select_n3A_1392 = arith.select %eq3A_1389, %select_n3A_1384, %broadcast_in_dim3A_1391 : vector<8x2048xi1>, vector<8x2048xi32>
    %reduce_min3A_1393 = arith.constant dense<2147483647> : vector<2048xi32>
    %reduce_min3A_1394 = vector.multi_reduction <minsi>, %select_n3A_1392, %reduce_min3A_1393 [0] : vector<8x2048xi32> to vector<2048xi32>
    %swap3A_1395 = arith.constant 2 : index
    %swap3A_1396 = arith.constant 0 : index
    %swap3A_1397 = vector.load %arg4[%swap3A_1395, %swap3A_1396] : memref<8x2048xi32, #tpu.memory_space<vmem>>, vector<1x2048xi32>
    %swap3A_1398 = vector.shape_cast %swap3A_1397 : vector<1x2048xi32> to vector<2048xi32>
    %swap3A_1399 = vector.shape_cast %reduce_min3A_1394 : vector<2048xi32> to vector<1x2048xi32>
    tpu.vector_store %arg4[%swap3A_1395, %swap3A_1396], %swap3A_1399 {strides = array<i32>} : memref<8x2048xi32, #tpu.memory_space<vmem>>, vector<1x2048xi32>,
    %reduce_sum3A_1400 = vector.shape_cast %broadcast_in_dim3A_1387 : vector<1x2048xf32> to vector<1x1x2048xf32>
    %reduce_sum3A_1401 = arith.constant dense<0.000000e+00> : vector<1xf32>
    %reduce_sum3A_1402 = vector.multi_reduction <add>, %reduce_sum3A_1400, %reduce_sum3A_1401 [1, 2] : vector<1x1x2048xf32> to vector<1xf32>
    %reduce_sum3A_1403 = vector.shape_cast %reduce_sum3A_1402 : vector<1xf32> to vector<1x1x1xf32>
    %reduce_sum3A_1404 = vector.extract %reduce_sum3A_1403[0, 0, 0] : f32 from vector<1x1x1xf32>
    %add3A_1405 = arith.addf %add3A_937, %reduce_sum3A_1404 : f32
    %slice3A_1406 = vector.extract_strided_slice %get3A_1 {offsets = [96, 0], sizes = [32, 2048], strides = [1, 1]} : vector<256x2048xf32> to vector<32x2048xf32>
    %dot_general3A_1407 = arith.constant dense<0.000000e+00> : vector<512x2048xf32>
    %dot_general3A_1408 = tpu.matmul %get3A_4, %slice3A_1406, %dot_general3A_1407 {dimension_numbers = #tpu.dot_dimension_numbers<[1], [0], [0], [1], [0, 0, 1, 1], [], []>, transpose_lhs_hint = false} : vector<512x32xf32>, vector<32x2048xf32>, vector<512x2048xf32> -> vector<512x2048xf32>
    %add3A_1409 = vector.broadcast %get3A_7 : vector<512x1xf32> to vector<512x2048xf32>
    %add3A_1410 = arith.addf %dot_general3A_1408, %add3A_1409 : vector<512x2048xf32>
    %slice3A_1411 = vector.extract_strided_slice %add3A_1410 {offsets = [0, 0], sizes = [8, 2048], strides = [1, 1]} : vector<512x2048xf32> to vector<8x2048xf32>
    %slice3A_1412 = vector.extract_strided_slice %add3A_1410 {offsets = [8, 0], sizes = [8, 2048], strides = [1, 1]} : vector<512x2048xf32> to vector<8x2048xf32>
    %lt3A_1413 = arith.cmpf olt, %slice3A_1412, %slice3A_1411 : vector<8x2048xf32>
    %select_n3A_1414 = arith.select %lt3A_1413, %slice3A_1412, %slice3A_1411 : vector<8x2048xi1>, vector<8x2048xf32>
    %add3A_1415 = arith.constant 8 : i32
    %add3A_1416 = vector.broadcast %add3A_1415 : i32 to vector<8x2048xi32>
    %add3A_1417 = arith.addi %iota3A, %add3A_1416 : vector<8x2048xi32>
    %select_n3A_1418 = arith.select %lt3A_1413, %add3A_1417, %iota3A : vector<8x2048xi1>, vector<8x2048xi32>
    %slice3A_1419 = vector.extract_strided_slice %add3A_1410 {offsets = [16, 0], sizes = [8, 2048], strides = [1, 1]} : vector<512x2048xf32> to vector<8x2048xf32>
    %lt3A_1420 = arith.cmpf olt, %slice3A_1419, %select_n3A_1414 : vector<8x2048xf32>
    %select_n3A_1421 = arith.select %lt3A_1420, %slice3A_1419, %select_n3A_1414 : vector<8x2048xi1>, vector<8x2048xf32>
    %add3A_1422 = arith.constant 16 : i32
    %add3A_1423 = vector.broadcast %add3A_1422 : i32 to vector<8x2048xi32>
    %add3A_1424 = arith.addi %iota3A, %add3A_1423 : vector<8x2048xi32>
    %select_n3A_1425 = arith.select %lt3A_1420, %add3A_1424, %select_n3A_1418 : vector<8x2048xi1>, vector<8x2048xi32>
    %slice3A_1426 = vector.extract_strided_slice %add3A_1410 {offsets = [24, 0], sizes = [8, 2048], strides = [1, 1]} : vector<512x2048xf32> to vector<8x2048xf32>
    %lt3A_1427 = arith.cmpf olt, %slice3A_1426, %select_n3A_1421 : vector<8x2048xf32>
    %select_n3A_1428 = arith.select %lt3A_1427, %slice3A_1426, %select_n3A_1421 : vector<8x2048xi1>, vector<8x2048xf32>
    %add3A_1429 = arith.constant 24 : i32
    %add3A_1430 = vector.broadcast %add3A_1429 : i32 to vector<8x2048xi32>
    %add3A_1431 = arith.addi %iota3A, %add3A_1430 : vector<8x2048xi32>
    %select_n3A_1432 = arith.select %lt3A_1427, %add3A_1431, %select_n3A_1425 : vector<8x2048xi1>, vector<8x2048xi32>
    %slice3A_1433 = vector.extract_strided_slice %add3A_1410 {offsets = [32, 0], sizes = [8, 2048], strides = [1, 1]} : vector<512x2048xf32> to vector<8x2048xf32>
    %lt3A_1434 = arith.cmpf olt, %slice3A_1433, %select_n3A_1428 : vector<8x2048xf32>
    %select_n3A_1435 = arith.select %lt3A_1434, %slice3A_1433, %select_n3A_1428 : vector<8x2048xi1>, vector<8x2048xf32>
    %add3A_1436 = arith.constant 32 : i32
    %add3A_1437 = vector.broadcast %add3A_1436 : i32 to vector<8x2048xi32>
    %add3A_1438 = arith.addi %iota3A, %add3A_1437 : vector<8x2048xi32>
    %select_n3A_1439 = arith.select %lt3A_1434, %add3A_1438, %select_n3A_1432 : vector<8x2048xi1>, vector<8x2048xi32>
    %slice3A_1440 = vector.extract_strided_slice %add3A_1410 {offsets = [40, 0], sizes = [8, 2048], strides = [1, 1]} : vector<512x2048xf32> to vector<8x2048xf32>
    %lt3A_1441 = arith.cmpf olt, %slice3A_1440, %select_n3A_1435 : vector<8x2048xf32>
    %select_n3A_1442 = arith.select %lt3A_1441, %slice3A_1440, %select_n3A_1435 : vector<8x2048xi1>, vector<8x2048xf32>
    %add3A_1443 = arith.constant 40 : i32
    %add3A_1444 = vector.broadcast %add3A_1443 : i32 to vector<8x2048xi32>
    %add3A_1445 = arith.addi %iota3A, %add3A_1444 : vector<8x2048xi32>
    %select_n3A_1446 = arith.select %lt3A_1441, %add3A_1445, %select_n3A_1439 : vector<8x2048xi1>, vector<8x2048xi32>
    %slice3A_1447 = vector.extract_strided_slice %add3A_1410 {offsets = [48, 0], sizes = [8, 2048], strides = [1, 1]} : vector<512x2048xf32> to vector<8x2048xf32>
    %lt3A_1448 = arith.cmpf olt, %slice3A_1447, %select_n3A_1442 : vector<8x2048xf32>
    %select_n3A_1449 = arith.select %lt3A_1448, %slice3A_1447, %select_n3A_1442 : vector<8x2048xi1>, vector<8x2048xf32>
    %add3A_1450 = arith.constant 48 : i32
    %add3A_1451 = vector.broadcast %add3A_1450 : i32 to vector<8x2048xi32>
    %add3A_1452 = arith.addi %iota3A, %add3A_1451 : vector<8x2048xi32>
    %select_n3A_1453 = arith.select %lt3A_1448, %add3A_1452, %select_n3A_1446 : vector<8x2048xi1>, vector<8x2048xi32>
    %slice3A_1454 = vector.extract_strided_slice %add3A_1410 {offsets = [56, 0], sizes = [8, 2048], strides = [1, 1]} : vector<512x2048xf32> to vector<8x2048xf32>
    %lt3A_1455 = arith.cmpf olt, %slice3A_1454, %select_n3A_1449 : vector<8x2048xf32>
    %select_n3A_1456 = arith.select %lt3A_1455, %slice3A_1454, %select_n3A_1449 : vector<8x2048xi1>, vector<8x2048xf32>
    %add3A_1457 = arith.constant 56 : i32
    %add3A_1458 = vector.broadcast %add3A_1457 : i32 to vector<8x2048xi32>
    %add3A_1459 = arith.addi %iota3A, %add3A_1458 : vector<8x2048xi32>
    %select_n3A_1460 = arith.select %lt3A_1455, %add3A_1459, %select_n3A_1453 : vector<8x2048xi1>, vector<8x2048xi32>
    %slice3A_1461 = vector.extract_strided_slice %add3A_1410 {offsets = [64, 0], sizes = [8, 2048], strides = [1, 1]} : vector<512x2048xf32> to vector<8x2048xf32>
    %lt3A_1462 = arith.cmpf olt, %slice3A_1461, %select_n3A_1456 : vector<8x2048xf32>
    %select_n3A_1463 = arith.select %lt3A_1462, %slice3A_1461, %select_n3A_1456 : vector<8x2048xi1>, vector<8x2048xf32>
    %add3A_1464 = arith.constant 64 : i32
    %add3A_1465 = vector.broadcast %add3A_1464 : i32 to vector<8x2048xi32>
    %add3A_1466 = arith.addi %iota3A, %add3A_1465 : vector<8x2048xi32>
    %select_n3A_1467 = arith.select %lt3A_1462, %add3A_1466, %select_n3A_1460 : vector<8x2048xi1>, vector<8x2048xi32>
    %slice3A_1468 = vector.extract_strided_slice %add3A_1410 {offsets = [72, 0], sizes = [8, 2048], strides = [1, 1]} : vector<512x2048xf32> to vector<8x2048xf32>
    %lt3A_1469 = arith.cmpf olt, %slice3A_1468, %select_n3A_1463 : vector<8x2048xf32>
    %select_n3A_1470 = arith.select %lt3A_1469, %slice3A_1468, %select_n3A_1463 : vector<8x2048xi1>, vector<8x2048xf32>
    %add3A_1471 = arith.constant 72 : i32
    %add3A_1472 = vector.broadcast %add3A_1471 : i32 to vector<8x2048xi32>
    %add3A_1473 = arith.addi %iota3A, %add3A_1472 : vector<8x2048xi32>
    %select_n3A_1474 = arith.select %lt3A_1469, %add3A_1473, %select_n3A_1467 : vector<8x2048xi1>, vector<8x2048xi32>
    %slice3A_1475 = vector.extract_strided_slice %add3A_1410 {offsets = [80, 0], sizes = [8, 2048], strides = [1, 1]} : vector<512x2048xf32> to vector<8x2048xf32>
    %lt3A_1476 = arith.cmpf olt, %slice3A_1475, %select_n3A_1470 : vector<8x2048xf32>
    %select_n3A_1477 = arith.select %lt3A_1476, %slice3A_1475, %select_n3A_1470 : vector<8x2048xi1>, vector<8x2048xf32>
    %add3A_1478 = arith.constant 80 : i32
    %add3A_1479 = vector.broadcast %add3A_1478 : i32 to vector<8x2048xi32>
    %add3A_1480 = arith.addi %iota3A, %add3A_1479 : vector<8x2048xi32>
    %select_n3A_1481 = arith.select %lt3A_1476, %add3A_1480, %select_n3A_1474 : vector<8x2048xi1>, vector<8x2048xi32>
    %slice3A_1482 = vector.extract_strided_slice %add3A_1410 {offsets = [88, 0], sizes = [8, 2048], strides = [1, 1]} : vector<512x2048xf32> to vector<8x2048xf32>
    %lt3A_1483 = arith.cmpf olt, %slice3A_1482, %select_n3A_1477 : vector<8x2048xf32>
    %select_n3A_1484 = arith.select %lt3A_1483, %slice3A_1482, %select_n3A_1477 : vector<8x2048xi1>, vector<8x2048xf32>
    %add3A_1485 = arith.constant 88 : i32
    %add3A_1486 = vector.broadcast %add3A_1485 : i32 to vector<8x2048xi32>
    %add3A_1487 = arith.addi %iota3A, %add3A_1486 : vector<8x2048xi32>
    %select_n3A_1488 = arith.select %lt3A_1483, %add3A_1487, %select_n3A_1481 : vector<8x2048xi1>, vector<8x2048xi32>
    %slice3A_1489 = vector.extract_strided_slice %add3A_1410 {offsets = [96, 0], sizes = [8, 2048], strides = [1, 1]} : vector<512x2048xf32> to vector<8x2048xf32>
    %lt3A_1490 = arith.cmpf olt, %slice3A_1489, %select_n3A_1484 : vector<8x2048xf32>
    %select_n3A_1491 = arith.select %lt3A_1490, %slice3A_1489, %select_n3A_1484 : vector<8x2048xi1>, vector<8x2048xf32>
    %add3A_1492 = arith.constant 96 : i32
    %add3A_1493 = vector.broadcast %add3A_1492 : i32 to vector<8x2048xi32>
    %add3A_1494 = arith.addi %iota3A, %add3A_1493 : vector<8x2048xi32>
    %select_n3A_1495 = arith.select %lt3A_1490, %add3A_1494, %select_n3A_1488 : vector<8x2048xi1>, vector<8x2048xi32>
    %slice3A_1496 = vector.extract_strided_slice %add3A_1410 {offsets = [104, 0], sizes = [8, 2048], strides = [1, 1]} : vector<512x2048xf32> to vector<8x2048xf32>
    %lt3A_1497 = arith.cmpf olt, %slice3A_1496, %select_n3A_1491 : vector<8x2048xf32>
    %select_n3A_1498 = arith.select %lt3A_1497, %slice3A_1496, %select_n3A_1491 : vector<8x2048xi1>, vector<8x2048xf32>
    %add3A_1499 = arith.constant 104 : i32
    %add3A_1500 = vector.broadcast %add3A_1499 : i32 to vector<8x2048xi32>
    %add3A_1501 = arith.addi %iota3A, %add3A_1500 : vector<8x2048xi32>
    %select_n3A_1502 = arith.select %lt3A_1497, %add3A_1501, %select_n3A_1495 : vector<8x2048xi1>, vector<8x2048xi32>
    %slice3A_1503 = vector.extract_strided_slice %add3A_1410 {offsets = [112, 0], sizes = [8, 2048], strides = [1, 1]} : vector<512x2048xf32> to vector<8x2048xf32>
    %lt3A_1504 = arith.cmpf olt, %slice3A_1503, %select_n3A_1498 : vector<8x2048xf32>
    %select_n3A_1505 = arith.select %lt3A_1504, %slice3A_1503, %select_n3A_1498 : vector<8x2048xi1>, vector<8x2048xf32>
    %add3A_1506 = arith.constant 112 : i32
    %add3A_1507 = vector.broadcast %add3A_1506 : i32 to vector<8x2048xi32>
    %add3A_1508 = arith.addi %iota3A, %add3A_1507 : vector<8x2048xi32>
    %select_n3A_1509 = arith.select %lt3A_1504, %add3A_1508, %select_n3A_1502 : vector<8x2048xi1>, vector<8x2048xi32>
    %slice3A_1510 = vector.extract_strided_slice %add3A_1410 {offsets = [120, 0], sizes = [8, 2048], strides = [1, 1]} : vector<512x2048xf32> to vector<8x2048xf32>
    %lt3A_1511 = arith.cmpf olt, %slice3A_1510, %select_n3A_1505 : vector<8x2048xf32>
    %select_n3A_1512 = arith.select %lt3A_1511, %slice3A_1510, %select_n3A_1505 : vector<8x2048xi1>, vector<8x2048xf32>
    %add3A_1513 = arith.constant 120 : i32
    %add3A_1514 = vector.broadcast %add3A_1513 : i32 to vector<8x2048xi32>
    %add3A_1515 = arith.addi %iota3A, %add3A_1514 : vector<8x2048xi32>
    %select_n3A_1516 = arith.select %lt3A_1511, %add3A_1515, %select_n3A_1509 : vector<8x2048xi1>, vector<8x2048xi32>
    %slice3A_1517 = vector.extract_strided_slice %add3A_1410 {offsets = [128, 0], sizes = [8, 2048], strides = [1, 1]} : vector<512x2048xf32> to vector<8x2048xf32>
    %lt3A_1518 = arith.cmpf olt, %slice3A_1517, %select_n3A_1512 : vector<8x2048xf32>
    %select_n3A_1519 = arith.select %lt3A_1518, %slice3A_1517, %select_n3A_1512 : vector<8x2048xi1>, vector<8x2048xf32>
    %add3A_1520 = arith.constant 128 : i32
    %add3A_1521 = vector.broadcast %add3A_1520 : i32 to vector<8x2048xi32>
    %add3A_1522 = arith.addi %iota3A, %add3A_1521 : vector<8x2048xi32>
    %select_n3A_1523 = arith.select %lt3A_1518, %add3A_1522, %select_n3A_1516 : vector<8x2048xi1>, vector<8x2048xi32>
    %slice3A_1524 = vector.extract_strided_slice %add3A_1410 {offsets = [136, 0], sizes = [8, 2048], strides = [1, 1]} : vector<512x2048xf32> to vector<8x2048xf32>
    %lt3A_1525 = arith.cmpf olt, %slice3A_1524, %select_n3A_1519 : vector<8x2048xf32>
    %select_n3A_1526 = arith.select %lt3A_1525, %slice3A_1524, %select_n3A_1519 : vector<8x2048xi1>, vector<8x2048xf32>
    %add3A_1527 = arith.constant 136 : i32
    %add3A_1528 = vector.broadcast %add3A_1527 : i32 to vector<8x2048xi32>
    %add3A_1529 = arith.addi %iota3A, %add3A_1528 : vector<8x2048xi32>
    %select_n3A_1530 = arith.select %lt3A_1525, %add3A_1529, %select_n3A_1523 : vector<8x2048xi1>, vector<8x2048xi32>
    %slice3A_1531 = vector.extract_strided_slice %add3A_1410 {offsets = [144, 0], sizes = [8, 2048], strides = [1, 1]} : vector<512x2048xf32> to vector<8x2048xf32>
    %lt3A_1532 = arith.cmpf olt, %slice3A_1531, %select_n3A_1526 : vector<8x2048xf32>
    %select_n3A_1533 = arith.select %lt3A_1532, %slice3A_1531, %select_n3A_1526 : vector<8x2048xi1>, vector<8x2048xf32>
    %add3A_1534 = arith.constant 144 : i32
    %add3A_1535 = vector.broadcast %add3A_1534 : i32 to vector<8x2048xi32>
    %add3A_1536 = arith.addi %iota3A, %add3A_1535 : vector<8x2048xi32>
    %select_n3A_1537 = arith.select %lt3A_1532, %add3A_1536, %select_n3A_1530 : vector<8x2048xi1>, vector<8x2048xi32>
    %slice3A_1538 = vector.extract_strided_slice %add3A_1410 {offsets = [152, 0], sizes = [8, 2048], strides = [1, 1]} : vector<512x2048xf32> to vector<8x2048xf32>
    %lt3A_1539 = arith.cmpf olt, %slice3A_1538, %select_n3A_1533 : vector<8x2048xf32>
    %select_n3A_1540 = arith.select %lt3A_1539, %slice3A_1538, %select_n3A_1533 : vector<8x2048xi1>, vector<8x2048xf32>
    %add3A_1541 = arith.constant 152 : i32
    %add3A_1542 = vector.broadcast %add3A_1541 : i32 to vector<8x2048xi32>
    %add3A_1543 = arith.addi %iota3A, %add3A_1542 : vector<8x2048xi32>
    %select_n3A_1544 = arith.select %lt3A_1539, %add3A_1543, %select_n3A_1537 : vector<8x2048xi1>, vector<8x2048xi32>
    %slice3A_1545 = vector.extract_strided_slice %add3A_1410 {offsets = [160, 0], sizes = [8, 2048], strides = [1, 1]} : vector<512x2048xf32> to vector<8x2048xf32>
    %lt3A_1546 = arith.cmpf olt, %slice3A_1545, %select_n3A_1540 : vector<8x2048xf32>
    %select_n3A_1547 = arith.select %lt3A_1546, %slice3A_1545, %select_n3A_1540 : vector<8x2048xi1>, vector<8x2048xf32>
    %add3A_1548 = arith.constant 160 : i32
    %add3A_1549 = vector.broadcast %add3A_1548 : i32 to vector<8x2048xi32>
    %add3A_1550 = arith.addi %iota3A, %add3A_1549 : vector<8x2048xi32>
    %select_n3A_1551 = arith.select %lt3A_1546, %add3A_1550, %select_n3A_1544 : vector<8x2048xi1>, vector<8x2048xi32>
    %slice3A_1552 = vector.extract_strided_slice %add3A_1410 {offsets = [168, 0], sizes = [8, 2048], strides = [1, 1]} : vector<512x2048xf32> to vector<8x2048xf32>
    %lt3A_1553 = arith.cmpf olt, %slice3A_1552, %select_n3A_1547 : vector<8x2048xf32>
    %select_n3A_1554 = arith.select %lt3A_1553, %slice3A_1552, %select_n3A_1547 : vector<8x2048xi1>, vector<8x2048xf32>
    %add3A_1555 = arith.constant 168 : i32
    %add3A_1556 = vector.broadcast %add3A_1555 : i32 to vector<8x2048xi32>
    %add3A_1557 = arith.addi %iota3A, %add3A_1556 : vector<8x2048xi32>
    %select_n3A_1558 = arith.select %lt3A_1553, %add3A_1557, %select_n3A_1551 : vector<8x2048xi1>, vector<8x2048xi32>
    %slice3A_1559 = vector.extract_strided_slice %add3A_1410 {offsets = [176, 0], sizes = [8, 2048], strides = [1, 1]} : vector<512x2048xf32> to vector<8x2048xf32>
    %lt3A_1560 = arith.cmpf olt, %slice3A_1559, %select_n3A_1554 : vector<8x2048xf32>
    %select_n3A_1561 = arith.select %lt3A_1560, %slice3A_1559, %select_n3A_1554 : vector<8x2048xi1>, vector<8x2048xf32>
    %add3A_1562 = arith.constant 176 : i32
    %add3A_1563 = vector.broadcast %add3A_1562 : i32 to vector<8x2048xi32>
    %add3A_1564 = arith.addi %iota3A, %add3A_1563 : vector<8x2048xi32>
    %select_n3A_1565 = arith.select %lt3A_1560, %add3A_1564, %select_n3A_1558 : vector<8x2048xi1>, vector<8x2048xi32>
    %slice3A_1566 = vector.extract_strided_slice %add3A_1410 {offsets = [184, 0], sizes = [8, 2048], strides = [1, 1]} : vector<512x2048xf32> to vector<8x2048xf32>
    %lt3A_1567 = arith.cmpf olt, %slice3A_1566, %select_n3A_1561 : vector<8x2048xf32>
    %select_n3A_1568 = arith.select %lt3A_1567, %slice3A_1566, %select_n3A_1561 : vector<8x2048xi1>, vector<8x2048xf32>
    %add3A_1569 = arith.constant 184 : i32
    %add3A_1570 = vector.broadcast %add3A_1569 : i32 to vector<8x2048xi32>
    %add3A_1571 = arith.addi %iota3A, %add3A_1570 : vector<8x2048xi32>
    %select_n3A_1572 = arith.select %lt3A_1567, %add3A_1571, %select_n3A_1565 : vector<8x2048xi1>, vector<8x2048xi32>
    %slice3A_1573 = vector.extract_strided_slice %add3A_1410 {offsets = [192, 0], sizes = [8, 2048], strides = [1, 1]} : vector<512x2048xf32> to vector<8x2048xf32>
    %lt3A_1574 = arith.cmpf olt, %slice3A_1573, %select_n3A_1568 : vector<8x2048xf32>
    %select_n3A_1575 = arith.select %lt3A_1574, %slice3A_1573, %select_n3A_1568 : vector<8x2048xi1>, vector<8x2048xf32>
    %add3A_1576 = arith.constant 192 : i32
    %add3A_1577 = vector.broadcast %add3A_1576 : i32 to vector<8x2048xi32>
    %add3A_1578 = arith.addi %iota3A, %add3A_1577 : vector<8x2048xi32>
    %select_n3A_1579 = arith.select %lt3A_1574, %add3A_1578, %select_n3A_1572 : vector<8x2048xi1>, vector<8x2048xi32>
    %slice3A_1580 = vector.extract_strided_slice %add3A_1410 {offsets = [200, 0], sizes = [8, 2048], strides = [1, 1]} : vector<512x2048xf32> to vector<8x2048xf32>
    %lt3A_1581 = arith.cmpf olt, %slice3A_1580, %select_n3A_1575 : vector<8x2048xf32>
    %select_n3A_1582 = arith.select %lt3A_1581, %slice3A_1580, %select_n3A_1575 : vector<8x2048xi1>, vector<8x2048xf32>
    %add3A_1583 = arith.constant 200 : i32
    %add3A_1584 = vector.broadcast %add3A_1583 : i32 to vector<8x2048xi32>
    %add3A_1585 = arith.addi %iota3A, %add3A_1584 : vector<8x2048xi32>
    %select_n3A_1586 = arith.select %lt3A_1581, %add3A_1585, %select_n3A_1579 : vector<8x2048xi1>, vector<8x2048xi32>
    %slice3A_1587 = vector.extract_strided_slice %add3A_1410 {offsets = [208, 0], sizes = [8, 2048], strides = [1, 1]} : vector<512x2048xf32> to vector<8x2048xf32>
    %lt3A_1588 = arith.cmpf olt, %slice3A_1587, %select_n3A_1582 : vector<8x2048xf32>
    %select_n3A_1589 = arith.select %lt3A_1588, %slice3A_1587, %select_n3A_1582 : vector<8x2048xi1>, vector<8x2048xf32>
    %add3A_1590 = arith.constant 208 : i32
    %add3A_1591 = vector.broadcast %add3A_1590 : i32 to vector<8x2048xi32>
    %add3A_1592 = arith.addi %iota3A, %add3A_1591 : vector<8x2048xi32>
    %select_n3A_1593 = arith.select %lt3A_1588, %add3A_1592, %select_n3A_1586 : vector<8x2048xi1>, vector<8x2048xi32>
    %slice3A_1594 = vector.extract_strided_slice %add3A_1410 {offsets = [216, 0], sizes = [8, 2048], strides = [1, 1]} : vector<512x2048xf32> to vector<8x2048xf32>
    %lt3A_1595 = arith.cmpf olt, %slice3A_1594, %select_n3A_1589 : vector<8x2048xf32>
    %select_n3A_1596 = arith.select %lt3A_1595, %slice3A_1594, %select_n3A_1589 : vector<8x2048xi1>, vector<8x2048xf32>
    %add3A_1597 = arith.constant 216 : i32
    %add3A_1598 = vector.broadcast %add3A_1597 : i32 to vector<8x2048xi32>
    %add3A_1599 = arith.addi %iota3A, %add3A_1598 : vector<8x2048xi32>
    %select_n3A_1600 = arith.select %lt3A_1595, %add3A_1599, %select_n3A_1593 : vector<8x2048xi1>, vector<8x2048xi32>
    %slice3A_1601 = vector.extract_strided_slice %add3A_1410 {offsets = [224, 0], sizes = [8, 2048], strides = [1, 1]} : vector<512x2048xf32> to vector<8x2048xf32>
    %lt3A_1602 = arith.cmpf olt, %slice3A_1601, %select_n3A_1596 : vector<8x2048xf32>
    %select_n3A_1603 = arith.select %lt3A_1602, %slice3A_1601, %select_n3A_1596 : vector<8x2048xi1>, vector<8x2048xf32>
    %add3A_1604 = arith.constant 224 : i32
    %add3A_1605 = vector.broadcast %add3A_1604 : i32 to vector<8x2048xi32>
    %add3A_1606 = arith.addi %iota3A, %add3A_1605 : vector<8x2048xi32>
    %select_n3A_1607 = arith.select %lt3A_1602, %add3A_1606, %select_n3A_1600 : vector<8x2048xi1>, vector<8x2048xi32>
    %slice3A_1608 = vector.extract_strided_slice %add3A_1410 {offsets = [232, 0], sizes = [8, 2048], strides = [1, 1]} : vector<512x2048xf32> to vector<8x2048xf32>
    %lt3A_1609 = arith.cmpf olt, %slice3A_1608, %select_n3A_1603 : vector<8x2048xf32>
    %select_n3A_1610 = arith.select %lt3A_1609, %slice3A_1608, %select_n3A_1603 : vector<8x2048xi1>, vector<8x2048xf32>
    %add3A_1611 = arith.constant 232 : i32
    %add3A_1612 = vector.broadcast %add3A_1611 : i32 to vector<8x2048xi32>
    %add3A_1613 = arith.addi %iota3A, %add3A_1612 : vector<8x2048xi32>
    %select_n3A_1614 = arith.select %lt3A_1609, %add3A_1613, %select_n3A_1607 : vector<8x2048xi1>, vector<8x2048xi32>
    %slice3A_1615 = vector.extract_strided_slice %add3A_1410 {offsets = [240, 0], sizes = [8, 2048], strides = [1, 1]} : vector<512x2048xf32> to vector<8x2048xf32>
    %lt3A_1616 = arith.cmpf olt, %slice3A_1615, %select_n3A_1610 : vector<8x2048xf32>
    %select_n3A_1617 = arith.select %lt3A_1616, %slice3A_1615, %select_n3A_1610 : vector<8x2048xi1>, vector<8x2048xf32>
    %add3A_1618 = arith.constant 240 : i32
    %add3A_1619 = vector.broadcast %add3A_1618 : i32 to vector<8x2048xi32>
    %add3A_1620 = arith.addi %iota3A, %add3A_1619 : vector<8x2048xi32>
    %select_n3A_1621 = arith.select %lt3A_1616, %add3A_1620, %select_n3A_1614 : vector<8x2048xi1>, vector<8x2048xi32>
    %slice3A_1622 = vector.extract_strided_slice %add3A_1410 {offsets = [248, 0], sizes = [8, 2048], strides = [1, 1]} : vector<512x2048xf32> to vector<8x2048xf32>
    %lt3A_1623 = arith.cmpf olt, %slice3A_1622, %select_n3A_1617 : vector<8x2048xf32>
    %select_n3A_1624 = arith.select %lt3A_1623, %slice3A_1622, %select_n3A_1617 : vector<8x2048xi1>, vector<8x2048xf32>
    %add3A_1625 = arith.constant 248 : i32
    %add3A_1626 = vector.broadcast %add3A_1625 : i32 to vector<8x2048xi32>
    %add3A_1627 = arith.addi %iota3A, %add3A_1626 : vector<8x2048xi32>
    %select_n3A_1628 = arith.select %lt3A_1623, %add3A_1627, %select_n3A_1621 : vector<8x2048xi1>, vector<8x2048xi32>
    %slice3A_1629 = vector.extract_strided_slice %add3A_1410 {offsets = [256, 0], sizes = [8, 2048], strides = [1, 1]} : vector<512x2048xf32> to vector<8x2048xf32>
    %lt3A_1630 = arith.cmpf olt, %slice3A_1629, %select_n3A_1624 : vector<8x2048xf32>
    %select_n3A_1631 = arith.select %lt3A_1630, %slice3A_1629, %select_n3A_1624 : vector<8x2048xi1>, vector<8x2048xf32>
    %add3A_1632 = arith.constant 256 : i32
    %add3A_1633 = vector.broadcast %add3A_1632 : i32 to vector<8x2048xi32>
    %add3A_1634 = arith.addi %iota3A, %add3A_1633 : vector<8x2048xi32>
    %select_n3A_1635 = arith.select %lt3A_1630, %add3A_1634, %select_n3A_1628 : vector<8x2048xi1>, vector<8x2048xi32>
    %slice3A_1636 = vector.extract_strided_slice %add3A_1410 {offsets = [264, 0], sizes = [8, 2048], strides = [1, 1]} : vector<512x2048xf32> to vector<8x2048xf32>
    %lt3A_1637 = arith.cmpf olt, %slice3A_1636, %select_n3A_1631 : vector<8x2048xf32>
    %select_n3A_1638 = arith.select %lt3A_1637, %slice3A_1636, %select_n3A_1631 : vector<8x2048xi1>, vector<8x2048xf32>
    %add3A_1639 = arith.constant 264 : i32
    %add3A_1640 = vector.broadcast %add3A_1639 : i32 to vector<8x2048xi32>
    %add3A_1641 = arith.addi %iota3A, %add3A_1640 : vector<8x2048xi32>
    %select_n3A_1642 = arith.select %lt3A_1637, %add3A_1641, %select_n3A_1635 : vector<8x2048xi1>, vector<8x2048xi32>
    %slice3A_1643 = vector.extract_strided_slice %add3A_1410 {offsets = [272, 0], sizes = [8, 2048], strides = [1, 1]} : vector<512x2048xf32> to vector<8x2048xf32>
    %lt3A_1644 = arith.cmpf olt, %slice3A_1643, %select_n3A_1638 : vector<8x2048xf32>
    %select_n3A_1645 = arith.select %lt3A_1644, %slice3A_1643, %select_n3A_1638 : vector<8x2048xi1>, vector<8x2048xf32>
    %add3A_1646 = arith.constant 272 : i32
    %add3A_1647 = vector.broadcast %add3A_1646 : i32 to vector<8x2048xi32>
    %add3A_1648 = arith.addi %iota3A, %add3A_1647 : vector<8x2048xi32>
    %select_n3A_1649 = arith.select %lt3A_1644, %add3A_1648, %select_n3A_1642 : vector<8x2048xi1>, vector<8x2048xi32>
    %slice3A_1650 = vector.extract_strided_slice %add3A_1410 {offsets = [280, 0], sizes = [8, 2048], strides = [1, 1]} : vector<512x2048xf32> to vector<8x2048xf32>
    %lt3A_1651 = arith.cmpf olt, %slice3A_1650, %select_n3A_1645 : vector<8x2048xf32>
    %select_n3A_1652 = arith.select %lt3A_1651, %slice3A_1650, %select_n3A_1645 : vector<8x2048xi1>, vector<8x2048xf32>
    %add3A_1653 = arith.constant 280 : i32
    %add3A_1654 = vector.broadcast %add3A_1653 : i32 to vector<8x2048xi32>
    %add3A_1655 = arith.addi %iota3A, %add3A_1654 : vector<8x2048xi32>
    %select_n3A_1656 = arith.select %lt3A_1651, %add3A_1655, %select_n3A_1649 : vector<8x2048xi1>, vector<8x2048xi32>
    %slice3A_1657 = vector.extract_strided_slice %add3A_1410 {offsets = [288, 0], sizes = [8, 2048], strides = [1, 1]} : vector<512x2048xf32> to vector<8x2048xf32>
    %lt3A_1658 = arith.cmpf olt, %slice3A_1657, %select_n3A_1652 : vector<8x2048xf32>
    %select_n3A_1659 = arith.select %lt3A_1658, %slice3A_1657, %select_n3A_1652 : vector<8x2048xi1>, vector<8x2048xf32>
    %add3A_1660 = arith.constant 288 : i32
    %add3A_1661 = vector.broadcast %add3A_1660 : i32 to vector<8x2048xi32>
    %add3A_1662 = arith.addi %iota3A, %add3A_1661 : vector<8x2048xi32>
    %select_n3A_1663 = arith.select %lt3A_1658, %add3A_1662, %select_n3A_1656 : vector<8x2048xi1>, vector<8x2048xi32>
    %slice3A_1664 = vector.extract_strided_slice %add3A_1410 {offsets = [296, 0], sizes = [8, 2048], strides = [1, 1]} : vector<512x2048xf32> to vector<8x2048xf32>
    %lt3A_1665 = arith.cmpf olt, %slice3A_1664, %select_n3A_1659 : vector<8x2048xf32>
    %select_n3A_1666 = arith.select %lt3A_1665, %slice3A_1664, %select_n3A_1659 : vector<8x2048xi1>, vector<8x2048xf32>
    %add3A_1667 = arith.constant 296 : i32
    %add3A_1668 = vector.broadcast %add3A_1667 : i32 to vector<8x2048xi32>
    %add3A_1669 = arith.addi %iota3A, %add3A_1668 : vector<8x2048xi32>
    %select_n3A_1670 = arith.select %lt3A_1665, %add3A_1669, %select_n3A_1663 : vector<8x2048xi1>, vector<8x2048xi32>
    %slice3A_1671 = vector.extract_strided_slice %add3A_1410 {offsets = [304, 0], sizes = [8, 2048], strides = [1, 1]} : vector<512x2048xf32> to vector<8x2048xf32>
    %lt3A_1672 = arith.cmpf olt, %slice3A_1671, %select_n3A_1666 : vector<8x2048xf32>
    %select_n3A_1673 = arith.select %lt3A_1672, %slice3A_1671, %select_n3A_1666 : vector<8x2048xi1>, vector<8x2048xf32>
    %add3A_1674 = arith.constant 304 : i32
    %add3A_1675 = vector.broadcast %add3A_1674 : i32 to vector<8x2048xi32>
    %add3A_1676 = arith.addi %iota3A, %add3A_1675 : vector<8x2048xi32>
    %select_n3A_1677 = arith.select %lt3A_1672, %add3A_1676, %select_n3A_1670 : vector<8x2048xi1>, vector<8x2048xi32>
    %slice3A_1678 = vector.extract_strided_slice %add3A_1410 {offsets = [312, 0], sizes = [8, 2048], strides = [1, 1]} : vector<512x2048xf32> to vector<8x2048xf32>
    %lt3A_1679 = arith.cmpf olt, %slice3A_1678, %select_n3A_1673 : vector<8x2048xf32>
    %select_n3A_1680 = arith.select %lt3A_1679, %slice3A_1678, %select_n3A_1673 : vector<8x2048xi1>, vector<8x2048xf32>
    %add3A_1681 = arith.constant 312 : i32
    %add3A_1682 = vector.broadcast %add3A_1681 : i32 to vector<8x2048xi32>
    %add3A_1683 = arith.addi %iota3A, %add3A_1682 : vector<8x2048xi32>
    %select_n3A_1684 = arith.select %lt3A_1679, %add3A_1683, %select_n3A_1677 : vector<8x2048xi1>, vector<8x2048xi32>
    %slice3A_1685 = vector.extract_strided_slice %add3A_1410 {offsets = [320, 0], sizes = [8, 2048], strides = [1, 1]} : vector<512x2048xf32> to vector<8x2048xf32>
    %lt3A_1686 = arith.cmpf olt, %slice3A_1685, %select_n3A_1680 : vector<8x2048xf32>
    %select_n3A_1687 = arith.select %lt3A_1686, %slice3A_1685, %select_n3A_1680 : vector<8x2048xi1>, vector<8x2048xf32>
    %add3A_1688 = arith.constant 320 : i32
    %add3A_1689 = vector.broadcast %add3A_1688 : i32 to vector<8x2048xi32>
    %add3A_1690 = arith.addi %iota3A, %add3A_1689 : vector<8x2048xi32>
    %select_n3A_1691 = arith.select %lt3A_1686, %add3A_1690, %select_n3A_1684 : vector<8x2048xi1>, vector<8x2048xi32>
    %slice3A_1692 = vector.extract_strided_slice %add3A_1410 {offsets = [328, 0], sizes = [8, 2048], strides = [1, 1]} : vector<512x2048xf32> to vector<8x2048xf32>
    %lt3A_1693 = arith.cmpf olt, %slice3A_1692, %select_n3A_1687 : vector<8x2048xf32>
    %select_n3A_1694 = arith.select %lt3A_1693, %slice3A_1692, %select_n3A_1687 : vector<8x2048xi1>, vector<8x2048xf32>
    %add3A_1695 = arith.constant 328 : i32
    %add3A_1696 = vector.broadcast %add3A_1695 : i32 to vector<8x2048xi32>
    %add3A_1697 = arith.addi %iota3A, %add3A_1696 : vector<8x2048xi32>
    %select_n3A_1698 = arith.select %lt3A_1693, %add3A_1697, %select_n3A_1691 : vector<8x2048xi1>, vector<8x2048xi32>
    %slice3A_1699 = vector.extract_strided_slice %add3A_1410 {offsets = [336, 0], sizes = [8, 2048], strides = [1, 1]} : vector<512x2048xf32> to vector<8x2048xf32>
    %lt3A_1700 = arith.cmpf olt, %slice3A_1699, %select_n3A_1694 : vector<8x2048xf32>
    %select_n3A_1701 = arith.select %lt3A_1700, %slice3A_1699, %select_n3A_1694 : vector<8x2048xi1>, vector<8x2048xf32>
    %add3A_1702 = arith.constant 336 : i32
    %add3A_1703 = vector.broadcast %add3A_1702 : i32 to vector<8x2048xi32>
    %add3A_1704 = arith.addi %iota3A, %add3A_1703 : vector<8x2048xi32>
    %select_n3A_1705 = arith.select %lt3A_1700, %add3A_1704, %select_n3A_1698 : vector<8x2048xi1>, vector<8x2048xi32>
    %slice3A_1706 = vector.extract_strided_slice %add3A_1410 {offsets = [344, 0], sizes = [8, 2048], strides = [1, 1]} : vector<512x2048xf32> to vector<8x2048xf32>
    %lt3A_1707 = arith.cmpf olt, %slice3A_1706, %select_n3A_1701 : vector<8x2048xf32>
    %select_n3A_1708 = arith.select %lt3A_1707, %slice3A_1706, %select_n3A_1701 : vector<8x2048xi1>, vector<8x2048xf32>
    %add3A_1709 = arith.constant 344 : i32
    %add3A_1710 = vector.broadcast %add3A_1709 : i32 to vector<8x2048xi32>
    %add3A_1711 = arith.addi %iota3A, %add3A_1710 : vector<8x2048xi32>
    %select_n3A_1712 = arith.select %lt3A_1707, %add3A_1711, %select_n3A_1705 : vector<8x2048xi1>, vector<8x2048xi32>
    %slice3A_1713 = vector.extract_strided_slice %add3A_1410 {offsets = [352, 0], sizes = [8, 2048], strides = [1, 1]} : vector<512x2048xf32> to vector<8x2048xf32>
    %lt3A_1714 = arith.cmpf olt, %slice3A_1713, %select_n3A_1708 : vector<8x2048xf32>
    %select_n3A_1715 = arith.select %lt3A_1714, %slice3A_1713, %select_n3A_1708 : vector<8x2048xi1>, vector<8x2048xf32>
    %add3A_1716 = arith.constant 352 : i32
    %add3A_1717 = vector.broadcast %add3A_1716 : i32 to vector<8x2048xi32>
    %add3A_1718 = arith.addi %iota3A, %add3A_1717 : vector<8x2048xi32>
    %select_n3A_1719 = arith.select %lt3A_1714, %add3A_1718, %select_n3A_1712 : vector<8x2048xi1>, vector<8x2048xi32>
    %slice3A_1720 = vector.extract_strided_slice %add3A_1410 {offsets = [360, 0], sizes = [8, 2048], strides = [1, 1]} : vector<512x2048xf32> to vector<8x2048xf32>
    %lt3A_1721 = arith.cmpf olt, %slice3A_1720, %select_n3A_1715 : vector<8x2048xf32>
    %select_n3A_1722 = arith.select %lt3A_1721, %slice3A_1720, %select_n3A_1715 : vector<8x2048xi1>, vector<8x2048xf32>
    %add3A_1723 = arith.constant 360 : i32
    %add3A_1724 = vector.broadcast %add3A_1723 : i32 to vector<8x2048xi32>
    %add3A_1725 = arith.addi %iota3A, %add3A_1724 : vector<8x2048xi32>
    %select_n3A_1726 = arith.select %lt3A_1721, %add3A_1725, %select_n3A_1719 : vector<8x2048xi1>, vector<8x2048xi32>
    %slice3A_1727 = vector.extract_strided_slice %add3A_1410 {offsets = [368, 0], sizes = [8, 2048], strides = [1, 1]} : vector<512x2048xf32> to vector<8x2048xf32>
    %lt3A_1728 = arith.cmpf olt, %slice3A_1727, %select_n3A_1722 : vector<8x2048xf32>
    %select_n3A_1729 = arith.select %lt3A_1728, %slice3A_1727, %select_n3A_1722 : vector<8x2048xi1>, vector<8x2048xf32>
    %add3A_1730 = arith.constant 368 : i32
    %add3A_1731 = vector.broadcast %add3A_1730 : i32 to vector<8x2048xi32>
    %add3A_1732 = arith.addi %iota3A, %add3A_1731 : vector<8x2048xi32>
    %select_n3A_1733 = arith.select %lt3A_1728, %add3A_1732, %select_n3A_1726 : vector<8x2048xi1>, vector<8x2048xi32>
    %slice3A_1734 = vector.extract_strided_slice %add3A_1410 {offsets = [376, 0], sizes = [8, 2048], strides = [1, 1]} : vector<512x2048xf32> to vector<8x2048xf32>
    %lt3A_1735 = arith.cmpf olt, %slice3A_1734, %select_n3A_1729 : vector<8x2048xf32>
    %select_n3A_1736 = arith.select %lt3A_1735, %slice3A_1734, %select_n3A_1729 : vector<8x2048xi1>, vector<8x2048xf32>
    %add3A_1737 = arith.constant 376 : i32
    %add3A_1738 = vector.broadcast %add3A_1737 : i32 to vector<8x2048xi32>
    %add3A_1739 = arith.addi %iota3A, %add3A_1738 : vector<8x2048xi32>
    %select_n3A_1740 = arith.select %lt3A_1735, %add3A_1739, %select_n3A_1733 : vector<8x2048xi1>, vector<8x2048xi32>
    %slice3A_1741 = vector.extract_strided_slice %add3A_1410 {offsets = [384, 0], sizes = [8, 2048], strides = [1, 1]} : vector<512x2048xf32> to vector<8x2048xf32>
    %lt3A_1742 = arith.cmpf olt, %slice3A_1741, %select_n3A_1736 : vector<8x2048xf32>
    %select_n3A_1743 = arith.select %lt3A_1742, %slice3A_1741, %select_n3A_1736 : vector<8x2048xi1>, vector<8x2048xf32>
    %add3A_1744 = arith.constant 384 : i32
    %add3A_1745 = vector.broadcast %add3A_1744 : i32 to vector<8x2048xi32>
    %add3A_1746 = arith.addi %iota3A, %add3A_1745 : vector<8x2048xi32>
    %select_n3A_1747 = arith.select %lt3A_1742, %add3A_1746, %select_n3A_1740 : vector<8x2048xi1>, vector<8x2048xi32>
    %slice3A_1748 = vector.extract_strided_slice %add3A_1410 {offsets = [392, 0], sizes = [8, 2048], strides = [1, 1]} : vector<512x2048xf32> to vector<8x2048xf32>
    %lt3A_1749 = arith.cmpf olt, %slice3A_1748, %select_n3A_1743 : vector<8x2048xf32>
    %select_n3A_1750 = arith.select %lt3A_1749, %slice3A_1748, %select_n3A_1743 : vector<8x2048xi1>, vector<8x2048xf32>
    %add3A_1751 = arith.constant 392 : i32
    %add3A_1752 = vector.broadcast %add3A_1751 : i32 to vector<8x2048xi32>
    %add3A_1753 = arith.addi %iota3A, %add3A_1752 : vector<8x2048xi32>
    %select_n3A_1754 = arith.select %lt3A_1749, %add3A_1753, %select_n3A_1747 : vector<8x2048xi1>, vector<8x2048xi32>
    %slice3A_1755 = vector.extract_strided_slice %add3A_1410 {offsets = [400, 0], sizes = [8, 2048], strides = [1, 1]} : vector<512x2048xf32> to vector<8x2048xf32>
    %lt3A_1756 = arith.cmpf olt, %slice3A_1755, %select_n3A_1750 : vector<8x2048xf32>
    %select_n3A_1757 = arith.select %lt3A_1756, %slice3A_1755, %select_n3A_1750 : vector<8x2048xi1>, vector<8x2048xf32>
    %add3A_1758 = arith.constant 400 : i32
    %add3A_1759 = vector.broadcast %add3A_1758 : i32 to vector<8x2048xi32>
    %add3A_1760 = arith.addi %iota3A, %add3A_1759 : vector<8x2048xi32>
    %select_n3A_1761 = arith.select %lt3A_1756, %add3A_1760, %select_n3A_1754 : vector<8x2048xi1>, vector<8x2048xi32>
    %slice3A_1762 = vector.extract_strided_slice %add3A_1410 {offsets = [408, 0], sizes = [8, 2048], strides = [1, 1]} : vector<512x2048xf32> to vector<8x2048xf32>
    %lt3A_1763 = arith.cmpf olt, %slice3A_1762, %select_n3A_1757 : vector<8x2048xf32>
    %select_n3A_1764 = arith.select %lt3A_1763, %slice3A_1762, %select_n3A_1757 : vector<8x2048xi1>, vector<8x2048xf32>
    %add3A_1765 = arith.constant 408 : i32
    %add3A_1766 = vector.broadcast %add3A_1765 : i32 to vector<8x2048xi32>
    %add3A_1767 = arith.addi %iota3A, %add3A_1766 : vector<8x2048xi32>
    %select_n3A_1768 = arith.select %lt3A_1763, %add3A_1767, %select_n3A_1761 : vector<8x2048xi1>, vector<8x2048xi32>
    %slice3A_1769 = vector.extract_strided_slice %add3A_1410 {offsets = [416, 0], sizes = [8, 2048], strides = [1, 1]} : vector<512x2048xf32> to vector<8x2048xf32>
    %lt3A_1770 = arith.cmpf olt, %slice3A_1769, %select_n3A_1764 : vector<8x2048xf32>
    %select_n3A_1771 = arith.select %lt3A_1770, %slice3A_1769, %select_n3A_1764 : vector<8x2048xi1>, vector<8x2048xf32>
    %add3A_1772 = arith.constant 416 : i32
    %add3A_1773 = vector.broadcast %add3A_1772 : i32 to vector<8x2048xi32>
    %add3A_1774 = arith.addi %iota3A, %add3A_1773 : vector<8x2048xi32>
    %select_n3A_1775 = arith.select %lt3A_1770, %add3A_1774, %select_n3A_1768 : vector<8x2048xi1>, vector<8x2048xi32>
    %slice3A_1776 = vector.extract_strided_slice %add3A_1410 {offsets = [424, 0], sizes = [8, 2048], strides = [1, 1]} : vector<512x2048xf32> to vector<8x2048xf32>
    %lt3A_1777 = arith.cmpf olt, %slice3A_1776, %select_n3A_1771 : vector<8x2048xf32>
    %select_n3A_1778 = arith.select %lt3A_1777, %slice3A_1776, %select_n3A_1771 : vector<8x2048xi1>, vector<8x2048xf32>
    %add3A_1779 = arith.constant 424 : i32
    %add3A_1780 = vector.broadcast %add3A_1779 : i32 to vector<8x2048xi32>
    %add3A_1781 = arith.addi %iota3A, %add3A_1780 : vector<8x2048xi32>
    %select_n3A_1782 = arith.select %lt3A_1777, %add3A_1781, %select_n3A_1775 : vector<8x2048xi1>, vector<8x2048xi32>
    %slice3A_1783 = vector.extract_strided_slice %add3A_1410 {offsets = [432, 0], sizes = [8, 2048], strides = [1, 1]} : vector<512x2048xf32> to vector<8x2048xf32>
    %lt3A_1784 = arith.cmpf olt, %slice3A_1783, %select_n3A_1778 : vector<8x2048xf32>
    %select_n3A_1785 = arith.select %lt3A_1784, %slice3A_1783, %select_n3A_1778 : vector<8x2048xi1>, vector<8x2048xf32>
    %add3A_1786 = arith.constant 432 : i32
    %add3A_1787 = vector.broadcast %add3A_1786 : i32 to vector<8x2048xi32>
    %add3A_1788 = arith.addi %iota3A, %add3A_1787 : vector<8x2048xi32>
    %select_n3A_1789 = arith.select %lt3A_1784, %add3A_1788, %select_n3A_1782 : vector<8x2048xi1>, vector<8x2048xi32>
    %slice3A_1790 = vector.extract_strided_slice %add3A_1410 {offsets = [440, 0], sizes = [8, 2048], strides = [1, 1]} : vector<512x2048xf32> to vector<8x2048xf32>
    %lt3A_1791 = arith.cmpf olt, %slice3A_1790, %select_n3A_1785 : vector<8x2048xf32>
    %select_n3A_1792 = arith.select %lt3A_1791, %slice3A_1790, %select_n3A_1785 : vector<8x2048xi1>, vector<8x2048xf32>
    %add3A_1793 = arith.constant 440 : i32
    %add3A_1794 = vector.broadcast %add3A_1793 : i32 to vector<8x2048xi32>
    %add3A_1795 = arith.addi %iota3A, %add3A_1794 : vector<8x2048xi32>
    %select_n3A_1796 = arith.select %lt3A_1791, %add3A_1795, %select_n3A_1789 : vector<8x2048xi1>, vector<8x2048xi32>
    %slice3A_1797 = vector.extract_strided_slice %add3A_1410 {offsets = [448, 0], sizes = [8, 2048], strides = [1, 1]} : vector<512x2048xf32> to vector<8x2048xf32>
    %lt3A_1798 = arith.cmpf olt, %slice3A_1797, %select_n3A_1792 : vector<8x2048xf32>
    %select_n3A_1799 = arith.select %lt3A_1798, %slice3A_1797, %select_n3A_1792 : vector<8x2048xi1>, vector<8x2048xf32>
    %add3A_1800 = arith.constant 448 : i32
    %add3A_1801 = vector.broadcast %add3A_1800 : i32 to vector<8x2048xi32>
    %add3A_1802 = arith.addi %iota3A, %add3A_1801 : vector<8x2048xi32>
    %select_n3A_1803 = arith.select %lt3A_1798, %add3A_1802, %select_n3A_1796 : vector<8x2048xi1>, vector<8x2048xi32>
    %slice3A_1804 = vector.extract_strided_slice %add3A_1410 {offsets = [456, 0], sizes = [8, 2048], strides = [1, 1]} : vector<512x2048xf32> to vector<8x2048xf32>
    %lt3A_1805 = arith.cmpf olt, %slice3A_1804, %select_n3A_1799 : vector<8x2048xf32>
    %select_n3A_1806 = arith.select %lt3A_1805, %slice3A_1804, %select_n3A_1799 : vector<8x2048xi1>, vector<8x2048xf32>
    %add3A_1807 = arith.constant 456 : i32
    %add3A_1808 = vector.broadcast %add3A_1807 : i32 to vector<8x2048xi32>
    %add3A_1809 = arith.addi %iota3A, %add3A_1808 : vector<8x2048xi32>
    %select_n3A_1810 = arith.select %lt3A_1805, %add3A_1809, %select_n3A_1803 : vector<8x2048xi1>, vector<8x2048xi32>
    %slice3A_1811 = vector.extract_strided_slice %add3A_1410 {offsets = [464, 0], sizes = [8, 2048], strides = [1, 1]} : vector<512x2048xf32> to vector<8x2048xf32>
    %lt3A_1812 = arith.cmpf olt, %slice3A_1811, %select_n3A_1806 : vector<8x2048xf32>
    %select_n3A_1813 = arith.select %lt3A_1812, %slice3A_1811, %select_n3A_1806 : vector<8x2048xi1>, vector<8x2048xf32>
    %add3A_1814 = arith.constant 464 : i32
    %add3A_1815 = vector.broadcast %add3A_1814 : i32 to vector<8x2048xi32>
    %add3A_1816 = arith.addi %iota3A, %add3A_1815 : vector<8x2048xi32>
    %select_n3A_1817 = arith.select %lt3A_1812, %add3A_1816, %select_n3A_1810 : vector<8x2048xi1>, vector<8x2048xi32>
    %slice3A_1818 = vector.extract_strided_slice %add3A_1410 {offsets = [472, 0], sizes = [8, 2048], strides = [1, 1]} : vector<512x2048xf32> to vector<8x2048xf32>
    %lt3A_1819 = arith.cmpf olt, %slice3A_1818, %select_n3A_1813 : vector<8x2048xf32>
    %select_n3A_1820 = arith.select %lt3A_1819, %slice3A_1818, %select_n3A_1813 : vector<8x2048xi1>, vector<8x2048xf32>
    %add3A_1821 = arith.constant 472 : i32
    %add3A_1822 = vector.broadcast %add3A_1821 : i32 to vector<8x2048xi32>
    %add3A_1823 = arith.addi %iota3A, %add3A_1822 : vector<8x2048xi32>
    %select_n3A_1824 = arith.select %lt3A_1819, %add3A_1823, %select_n3A_1817 : vector<8x2048xi1>, vector<8x2048xi32>
    %slice3A_1825 = vector.extract_strided_slice %add3A_1410 {offsets = [480, 0], sizes = [8, 2048], strides = [1, 1]} : vector<512x2048xf32> to vector<8x2048xf32>
    %lt3A_1826 = arith.cmpf olt, %slice3A_1825, %select_n3A_1820 : vector<8x2048xf32>
    %select_n3A_1827 = arith.select %lt3A_1826, %slice3A_1825, %select_n3A_1820 : vector<8x2048xi1>, vector<8x2048xf32>
    %add3A_1828 = arith.constant 480 : i32
    %add3A_1829 = vector.broadcast %add3A_1828 : i32 to vector<8x2048xi32>
    %add3A_1830 = arith.addi %iota3A, %add3A_1829 : vector<8x2048xi32>
    %select_n3A_1831 = arith.select %lt3A_1826, %add3A_1830, %select_n3A_1824 : vector<8x2048xi1>, vector<8x2048xi32>
    %slice3A_1832 = vector.extract_strided_slice %add3A_1410 {offsets = [488, 0], sizes = [8, 2048], strides = [1, 1]} : vector<512x2048xf32> to vector<8x2048xf32>
    %lt3A_1833 = arith.cmpf olt, %slice3A_1832, %select_n3A_1827 : vector<8x2048xf32>
    %select_n3A_1834 = arith.select %lt3A_1833, %slice3A_1832, %select_n3A_1827 : vector<8x2048xi1>, vector<8x2048xf32>
    %add3A_1835 = arith.constant 488 : i32
    %add3A_1836 = vector.broadcast %add3A_1835 : i32 to vector<8x2048xi32>
    %add3A_1837 = arith.addi %iota3A, %add3A_1836 : vector<8x2048xi32>
    %select_n3A_1838 = arith.select %lt3A_1833, %add3A_1837, %select_n3A_1831 : vector<8x2048xi1>, vector<8x2048xi32>
    %slice3A_1839 = vector.extract_strided_slice %add3A_1410 {offsets = [496, 0], sizes = [8, 2048], strides = [1, 1]} : vector<512x2048xf32> to vector<8x2048xf32>
    %lt3A_1840 = arith.cmpf olt, %slice3A_1839, %select_n3A_1834 : vector<8x2048xf32>
    %select_n3A_1841 = arith.select %lt3A_1840, %slice3A_1839, %select_n3A_1834 : vector<8x2048xi1>, vector<8x2048xf32>
    %add3A_1842 = arith.constant 496 : i32
    %add3A_1843 = vector.broadcast %add3A_1842 : i32 to vector<8x2048xi32>
    %add3A_1844 = arith.addi %iota3A, %add3A_1843 : vector<8x2048xi32>
    %select_n3A_1845 = arith.select %lt3A_1840, %add3A_1844, %select_n3A_1838 : vector<8x2048xi1>, vector<8x2048xi32>
    %slice3A_1846 = vector.extract_strided_slice %add3A_1410 {offsets = [504, 0], sizes = [8, 2048], strides = [1, 1]} : vector<512x2048xf32> to vector<8x2048xf32>
    %lt3A_1847 = arith.cmpf olt, %slice3A_1846, %select_n3A_1841 : vector<8x2048xf32>
    %select_n3A_1848 = arith.select %lt3A_1847, %slice3A_1846, %select_n3A_1841 : vector<8x2048xi1>, vector<8x2048xf32>
    %add3A_1849 = arith.constant 504 : i32
    %add3A_1850 = vector.broadcast %add3A_1849 : i32 to vector<8x2048xi32>
    %add3A_1851 = arith.addi %iota3A, %add3A_1850 : vector<8x2048xi32>
    %select_n3A_1852 = arith.select %lt3A_1847, %add3A_1851, %select_n3A_1845 : vector<8x2048xi1>, vector<8x2048xi32>
    %reduce_min3A_1853 = arith.constant dense<0x7F800000> : vector<2048xf32>
    %reduce_min3A_1854 = vector.multi_reduction <minimumf>, %select_n3A_1848, %reduce_min3A_1853 [0] : vector<8x2048xf32> to vector<2048xf32>
    %broadcast_in_dim3A_1855 = vector.shape_cast %reduce_min3A_1854 : vector<2048xf32> to vector<1x2048xf32>
    %eq3A_1856 = vector.broadcast %broadcast_in_dim3A_1855 : vector<1x2048xf32> to vector<8x2048xf32>
    %eq3A_1857 = arith.cmpf oeq, %select_n3A_1848, %eq3A_1856 : vector<8x2048xf32>
    %jit3A_1858 = arith.constant 512 : i32
    %broadcast_in_dim3A_1859 = vector.broadcast %jit3A_1858 : i32 to vector<8x2048xi32>
    %select_n3A_1860 = arith.select %eq3A_1857, %select_n3A_1852, %broadcast_in_dim3A_1859 : vector<8x2048xi1>, vector<8x2048xi32>
    %reduce_min3A_1861 = arith.constant dense<2147483647> : vector<2048xi32>
    %reduce_min3A_1862 = vector.multi_reduction <minsi>, %select_n3A_1860, %reduce_min3A_1861 [0] : vector<8x2048xi32> to vector<2048xi32>
    %swap3A_1863 = arith.constant 3 : index
    %swap3A_1864 = arith.constant 0 : index
    %swap3A_1865 = vector.load %arg4[%swap3A_1863, %swap3A_1864] : memref<8x2048xi32, #tpu.memory_space<vmem>>, vector<1x2048xi32>
    %swap3A_1866 = vector.shape_cast %swap3A_1865 : vector<1x2048xi32> to vector<2048xi32>
    %swap3A_1867 = vector.shape_cast %reduce_min3A_1862 : vector<2048xi32> to vector<1x2048xi32>
    tpu.vector_store %arg4[%swap3A_1863, %swap3A_1864], %swap3A_1867 {strides = array<i32>} : memref<8x2048xi32, #tpu.memory_space<vmem>>, vector<1x2048xi32>,
    %reduce_sum3A_1868 = vector.shape_cast %broadcast_in_dim3A_1855 : vector<1x2048xf32> to vector<1x1x2048xf32>
    %reduce_sum3A_1869 = arith.constant dense<0.000000e+00> : vector<1xf32>
    %reduce_sum3A_1870 = vector.multi_reduction <add>, %reduce_sum3A_1868, %reduce_sum3A_1869 [1, 2] : vector<1x1x2048xf32> to vector<1xf32>
    %reduce_sum3A_1871 = vector.shape_cast %reduce_sum3A_1870 : vector<1xf32> to vector<1x1x1xf32>
    %reduce_sum3A_1872 = vector.extract %reduce_sum3A_1871[0, 0, 0] : f32 from vector<1x1x1xf32>
    %add3A_1873 = arith.addf %add3A_1405, %reduce_sum3A_1872 : f32
    %slice3A_1874 = vector.extract_strided_slice %get3A_1 {offsets = [128, 0], sizes = [32, 2048], strides = [1, 1]} : vector<256x2048xf32> to vector<32x2048xf32>
    %dot_general3A_1875 = arith.constant dense<0.000000e+00> : vector<512x2048xf32>
    %dot_general3A_1876 = tpu.matmul %get3A_4, %slice3A_1874, %dot_general3A_1875 {dimension_numbers = #tpu.dot_dimension_numbers<[1], [0], [0], [1], [0, 0, 1, 1], [], []>, transpose_lhs_hint = false} : vector<512x32xf32>, vector<32x2048xf32>, vector<512x2048xf32> -> vector<512x2048xf32>
    %add3A_1877 = vector.broadcast %get3A_7 : vector<512x1xf32> to vector<512x2048xf32>
    %add3A_1878 = arith.addf %dot_general3A_1876, %add3A_1877 : vector<512x2048xf32>
    %slice3A_1879 = vector.extract_strided_slice %add3A_1878 {offsets = [0, 0], sizes = [8, 2048], strides = [1, 1]} : vector<512x2048xf32> to vector<8x2048xf32>
    %slice3A_1880 = vector.extract_strided_slice %add3A_1878 {offsets = [8, 0], sizes = [8, 2048], strides = [1, 1]} : vector<512x2048xf32> to vector<8x2048xf32>
    %lt3A_1881 = arith.cmpf olt, %slice3A_1880, %slice3A_1879 : vector<8x2048xf32>
    %select_n3A_1882 = arith.select %lt3A_1881, %slice3A_1880, %slice3A_1879 : vector<8x2048xi1>, vector<8x2048xf32>
    %add3A_1883 = arith.constant 8 : i32
    %add3A_1884 = vector.broadcast %add3A_1883 : i32 to vector<8x2048xi32>
    %add3A_1885 = arith.addi %iota3A, %add3A_1884 : vector<8x2048xi32>
    %select_n3A_1886 = arith.select %lt3A_1881, %add3A_1885, %iota3A : vector<8x2048xi1>, vector<8x2048xi32>
    %slice3A_1887 = vector.extract_strided_slice %add3A_1878 {offsets = [16, 0], sizes = [8, 2048], strides = [1, 1]} : vector<512x2048xf32> to vector<8x2048xf32>
    %lt3A_1888 = arith.cmpf olt, %slice3A_1887, %select_n3A_1882 : vector<8x2048xf32>
    %select_n3A_1889 = arith.select %lt3A_1888, %slice3A_1887, %select_n3A_1882 : vector<8x2048xi1>, vector<8x2048xf32>
    %add3A_1890 = arith.constant 16 : i32
    %add3A_1891 = vector.broadcast %add3A_1890 : i32 to vector<8x2048xi32>
    %add3A_1892 = arith.addi %iota3A, %add3A_1891 : vector<8x2048xi32>
    %select_n3A_1893 = arith.select %lt3A_1888, %add3A_1892, %select_n3A_1886 : vector<8x2048xi1>, vector<8x2048xi32>
    %slice3A_1894 = vector.extract_strided_slice %add3A_1878 {offsets = [24, 0], sizes = [8, 2048], strides = [1, 1]} : vector<512x2048xf32> to vector<8x2048xf32>
    %lt3A_1895 = arith.cmpf olt, %slice3A_1894, %select_n3A_1889 : vector<8x2048xf32>
    %select_n3A_1896 = arith.select %lt3A_1895, %slice3A_1894, %select_n3A_1889 : vector<8x2048xi1>, vector<8x2048xf32>
    %add3A_1897 = arith.constant 24 : i32
    %add3A_1898 = vector.broadcast %add3A_1897 : i32 to vector<8x2048xi32>
    %add3A_1899 = arith.addi %iota3A, %add3A_1898 : vector<8x2048xi32>
    %select_n3A_1900 = arith.select %lt3A_1895, %add3A_1899, %select_n3A_1893 : vector<8x2048xi1>, vector<8x2048xi32>
    %slice3A_1901 = vector.extract_strided_slice %add3A_1878 {offsets = [32, 0], sizes = [8, 2048], strides = [1, 1]} : vector<512x2048xf32> to vector<8x2048xf32>
    %lt3A_1902 = arith.cmpf olt, %slice3A_1901, %select_n3A_1896 : vector<8x2048xf32>
    %select_n3A_1903 = arith.select %lt3A_1902, %slice3A_1901, %select_n3A_1896 : vector<8x2048xi1>, vector<8x2048xf32>
    %add3A_1904 = arith.constant 32 : i32
    %add3A_1905 = vector.broadcast %add3A_1904 : i32 to vector<8x2048xi32>
    %add3A_1906 = arith.addi %iota3A, %add3A_1905 : vector<8x2048xi32>
    %select_n3A_1907 = arith.select %lt3A_1902, %add3A_1906, %select_n3A_1900 : vector<8x2048xi1>, vector<8x2048xi32>
    %slice3A_1908 = vector.extract_strided_slice %add3A_1878 {offsets = [40, 0], sizes = [8, 2048], strides = [1, 1]} : vector<512x2048xf32> to vector<8x2048xf32>
    %lt3A_1909 = arith.cmpf olt, %slice3A_1908, %select_n3A_1903 : vector<8x2048xf32>
    %select_n3A_1910 = arith.select %lt3A_1909, %slice3A_1908, %select_n3A_1903 : vector<8x2048xi1>, vector<8x2048xf32>
    %add3A_1911 = arith.constant 40 : i32
    %add3A_1912 = vector.broadcast %add3A_1911 : i32 to vector<8x2048xi32>
    %add3A_1913 = arith.addi %iota3A, %add3A_1912 : vector<8x2048xi32>
    %select_n3A_1914 = arith.select %lt3A_1909, %add3A_1913, %select_n3A_1907 : vector<8x2048xi1>, vector<8x2048xi32>
    %slice3A_1915 = vector.extract_strided_slice %add3A_1878 {offsets = [48, 0], sizes = [8, 2048], strides = [1, 1]} : vector<512x2048xf32> to vector<8x2048xf32>
    %lt3A_1916 = arith.cmpf olt, %slice3A_1915, %select_n3A_1910 : vector<8x2048xf32>
    %select_n3A_1917 = arith.select %lt3A_1916, %slice3A_1915, %select_n3A_1910 : vector<8x2048xi1>, vector<8x2048xf32>
    %add3A_1918 = arith.constant 48 : i32
    %add3A_1919 = vector.broadcast %add3A_1918 : i32 to vector<8x2048xi32>
    %add3A_1920 = arith.addi %iota3A, %add3A_1919 : vector<8x2048xi32>
    %select_n3A_1921 = arith.select %lt3A_1916, %add3A_1920, %select_n3A_1914 : vector<8x2048xi1>, vector<8x2048xi32>
    %slice3A_1922 = vector.extract_strided_slice %add3A_1878 {offsets = [56, 0], sizes = [8, 2048], strides = [1, 1]} : vector<512x2048xf32> to vector<8x2048xf32>
    %lt3A_1923 = arith.cmpf olt, %slice3A_1922, %select_n3A_1917 : vector<8x2048xf32>
    %select_n3A_1924 = arith.select %lt3A_1923, %slice3A_1922, %select_n3A_1917 : vector<8x2048xi1>, vector<8x2048xf32>
    %add3A_1925 = arith.constant 56 : i32
    %add3A_1926 = vector.broadcast %add3A_1925 : i32 to vector<8x2048xi32>
    %add3A_1927 = arith.addi %iota3A, %add3A_1926 : vector<8x2048xi32>
    %select_n3A_1928 = arith.select %lt3A_1923, %add3A_1927, %select_n3A_1921 : vector<8x2048xi1>, vector<8x2048xi32>
    %slice3A_1929 = vector.extract_strided_slice %add3A_1878 {offsets = [64, 0], sizes = [8, 2048], strides = [1, 1]} : vector<512x2048xf32> to vector<8x2048xf32>
    %lt3A_1930 = arith.cmpf olt, %slice3A_1929, %select_n3A_1924 : vector<8x2048xf32>
    %select_n3A_1931 = arith.select %lt3A_1930, %slice3A_1929, %select_n3A_1924 : vector<8x2048xi1>, vector<8x2048xf32>
    %add3A_1932 = arith.constant 64 : i32
    %add3A_1933 = vector.broadcast %add3A_1932 : i32 to vector<8x2048xi32>
    %add3A_1934 = arith.addi %iota3A, %add3A_1933 : vector<8x2048xi32>
    %select_n3A_1935 = arith.select %lt3A_1930, %add3A_1934, %select_n3A_1928 : vector<8x2048xi1>, vector<8x2048xi32>
    %slice3A_1936 = vector.extract_strided_slice %add3A_1878 {offsets = [72, 0], sizes = [8, 2048], strides = [1, 1]} : vector<512x2048xf32> to vector<8x2048xf32>
    %lt3A_1937 = arith.cmpf olt, %slice3A_1936, %select_n3A_1931 : vector<8x2048xf32>
    %select_n3A_1938 = arith.select %lt3A_1937, %slice3A_1936, %select_n3A_1931 : vector<8x2048xi1>, vector<8x2048xf32>
    %add3A_1939 = arith.constant 72 : i32
    %add3A_1940 = vector.broadcast %add3A_1939 : i32 to vector<8x2048xi32>
    %add3A_1941 = arith.addi %iota3A, %add3A_1940 : vector<8x2048xi32>
    %select_n3A_1942 = arith.select %lt3A_1937, %add3A_1941, %select_n3A_1935 : vector<8x2048xi1>, vector<8x2048xi32>
    %slice3A_1943 = vector.extract_strided_slice %add3A_1878 {offsets = [80, 0], sizes = [8, 2048], strides = [1, 1]} : vector<512x2048xf32> to vector<8x2048xf32>
    %lt3A_1944 = arith.cmpf olt, %slice3A_1943, %select_n3A_1938 : vector<8x2048xf32>
    %select_n3A_1945 = arith.select %lt3A_1944, %slice3A_1943, %select_n3A_1938 : vector<8x2048xi1>, vector<8x2048xf32>
    %add3A_1946 = arith.constant 80 : i32
    %add3A_1947 = vector.broadcast %add3A_1946 : i32 to vector<8x2048xi32>
    %add3A_1948 = arith.addi %iota3A, %add3A_1947 : vector<8x2048xi32>
    %select_n3A_1949 = arith.select %lt3A_1944, %add3A_1948, %select_n3A_1942 : vector<8x2048xi1>, vector<8x2048xi32>
    %slice3A_1950 = vector.extract_strided_slice %add3A_1878 {offsets = [88, 0], sizes = [8, 2048], strides = [1, 1]} : vector<512x2048xf32> to vector<8x2048xf32>
    %lt3A_1951 = arith.cmpf olt, %slice3A_1950, %select_n3A_1945 : vector<8x2048xf32>
    %select_n3A_1952 = arith.select %lt3A_1951, %slice3A_1950, %select_n3A_1945 : vector<8x2048xi1>, vector<8x2048xf32>
    %add3A_1953 = arith.constant 88 : i32
    %add3A_1954 = vector.broadcast %add3A_1953 : i32 to vector<8x2048xi32>
    %add3A_1955 = arith.addi %iota3A, %add3A_1954 : vector<8x2048xi32>
    %select_n3A_1956 = arith.select %lt3A_1951, %add3A_1955, %select_n3A_1949 : vector<8x2048xi1>, vector<8x2048xi32>
    %slice3A_1957 = vector.extract_strided_slice %add3A_1878 {offsets = [96, 0], sizes = [8, 2048], strides = [1, 1]} : vector<512x2048xf32> to vector<8x2048xf32>
    %lt3A_1958 = arith.cmpf olt, %slice3A_1957, %select_n3A_1952 : vector<8x2048xf32>
    %select_n3A_1959 = arith.select %lt3A_1958, %slice3A_1957, %select_n3A_1952 : vector<8x2048xi1>, vector<8x2048xf32>
    %add3A_1960 = arith.constant 96 : i32
    %add3A_1961 = vector.broadcast %add3A_1960 : i32 to vector<8x2048xi32>
    %add3A_1962 = arith.addi %iota3A, %add3A_1961 : vector<8x2048xi32>
    %select_n3A_1963 = arith.select %lt3A_1958, %add3A_1962, %select_n3A_1956 : vector<8x2048xi1>, vector<8x2048xi32>
    %slice3A_1964 = vector.extract_strided_slice %add3A_1878 {offsets = [104, 0], sizes = [8, 2048], strides = [1, 1]} : vector<512x2048xf32> to vector<8x2048xf32>
    %lt3A_1965 = arith.cmpf olt, %slice3A_1964, %select_n3A_1959 : vector<8x2048xf32>
    %select_n3A_1966 = arith.select %lt3A_1965, %slice3A_1964, %select_n3A_1959 : vector<8x2048xi1>, vector<8x2048xf32>
    %add3A_1967 = arith.constant 104 : i32
    %add3A_1968 = vector.broadcast %add3A_1967 : i32 to vector<8x2048xi32>
    %add3A_1969 = arith.addi %iota3A, %add3A_1968 : vector<8x2048xi32>
    %select_n3A_1970 = arith.select %lt3A_1965, %add3A_1969, %select_n3A_1963 : vector<8x2048xi1>, vector<8x2048xi32>
    %slice3A_1971 = vector.extract_strided_slice %add3A_1878 {offsets = [112, 0], sizes = [8, 2048], strides = [1, 1]} : vector<512x2048xf32> to vector<8x2048xf32>
    %lt3A_1972 = arith.cmpf olt, %slice3A_1971, %select_n3A_1966 : vector<8x2048xf32>
    %select_n3A_1973 = arith.select %lt3A_1972, %slice3A_1971, %select_n3A_1966 : vector<8x2048xi1>, vector<8x2048xf32>
    %add3A_1974 = arith.constant 112 : i32
    %add3A_1975 = vector.broadcast %add3A_1974 : i32 to vector<8x2048xi32>
    %add3A_1976 = arith.addi %iota3A, %add3A_1975 : vector<8x2048xi32>
    %select_n3A_1977 = arith.select %lt3A_1972, %add3A_1976, %select_n3A_1970 : vector<8x2048xi1>, vector<8x2048xi32>
    %slice3A_1978 = vector.extract_strided_slice %add3A_1878 {offsets = [120, 0], sizes = [8, 2048], strides = [1, 1]} : vector<512x2048xf32> to vector<8x2048xf32>
    %lt3A_1979 = arith.cmpf olt, %slice3A_1978, %select_n3A_1973 : vector<8x2048xf32>
    %select_n3A_1980 = arith.select %lt3A_1979, %slice3A_1978, %select_n3A_1973 : vector<8x2048xi1>, vector<8x2048xf32>
    %add3A_1981 = arith.constant 120 : i32
    %add3A_1982 = vector.broadcast %add3A_1981 : i32 to vector<8x2048xi32>
    %add3A_1983 = arith.addi %iota3A, %add3A_1982 : vector<8x2048xi32>
    %select_n3A_1984 = arith.select %lt3A_1979, %add3A_1983, %select_n3A_1977 : vector<8x2048xi1>, vector<8x2048xi32>
    %slice3A_1985 = vector.extract_strided_slice %add3A_1878 {offsets = [128, 0], sizes = [8, 2048], strides = [1, 1]} : vector<512x2048xf32> to vector<8x2048xf32>
    %lt3A_1986 = arith.cmpf olt, %slice3A_1985, %select_n3A_1980 : vector<8x2048xf32>
    %select_n3A_1987 = arith.select %lt3A_1986, %slice3A_1985, %select_n3A_1980 : vector<8x2048xi1>, vector<8x2048xf32>
    %add3A_1988 = arith.constant 128 : i32
    %add3A_1989 = vector.broadcast %add3A_1988 : i32 to vector<8x2048xi32>
    %add3A_1990 = arith.addi %iota3A, %add3A_1989 : vector<8x2048xi32>
    %select_n3A_1991 = arith.select %lt3A_1986, %add3A_1990, %select_n3A_1984 : vector<8x2048xi1>, vector<8x2048xi32>
    %slice3A_1992 = vector.extract_strided_slice %add3A_1878 {offsets = [136, 0], sizes = [8, 2048], strides = [1, 1]} : vector<512x2048xf32> to vector<8x2048xf32>
    %lt3A_1993 = arith.cmpf olt, %slice3A_1992, %select_n3A_1987 : vector<8x2048xf32>
    %select_n3A_1994 = arith.select %lt3A_1993, %slice3A_1992, %select_n3A_1987 : vector<8x2048xi1>, vector<8x2048xf32>
    %add3A_1995 = arith.constant 136 : i32
    %add3A_1996 = vector.broadcast %add3A_1995 : i32 to vector<8x2048xi32>
    %add3A_1997 = arith.addi %iota3A, %add3A_1996 : vector<8x2048xi32>
    %select_n3A_1998 = arith.select %lt3A_1993, %add3A_1997, %select_n3A_1991 : vector<8x2048xi1>, vector<8x2048xi32>
    %slice3A_1999 = vector.extract_strided_slice %add3A_1878 {offsets = [144, 0], sizes = [8, 2048], strides = [1, 1]} : vector<512x2048xf32> to vector<8x2048xf32>
    %lt3A_2000 = arith.cmpf olt, %slice3A_1999, %select_n3A_1994 : vector<8x2048xf32>
    %select_n3A_2001 = arith.select %lt3A_2000, %slice3A_1999, %select_n3A_1994 : vector<8x2048xi1>, vector<8x2048xf32>
    %add3A_2002 = arith.constant 144 : i32
    %add3A_2003 = vector.broadcast %add3A_2002 : i32 to vector<8x2048xi32>
    %add3A_2004 = arith.addi %iota3A, %add3A_2003 : vector<8x2048xi32>
    %select_n3A_2005 = arith.select %lt3A_2000, %add3A_2004, %select_n3A_1998 : vector<8x2048xi1>, vector<8x2048xi32>
    %slice3A_2006 = vector.extract_strided_slice %add3A_1878 {offsets = [152, 0], sizes = [8, 2048], strides = [1, 1]} : vector<512x2048xf32> to vector<8x2048xf32>
    %lt3A_2007 = arith.cmpf olt, %slice3A_2006, %select_n3A_2001 : vector<8x2048xf32>
    %select_n3A_2008 = arith.select %lt3A_2007, %slice3A_2006, %select_n3A_2001 : vector<8x2048xi1>, vector<8x2048xf32>
    %add3A_2009 = arith.constant 152 : i32
    %add3A_2010 = vector.broadcast %add3A_2009 : i32 to vector<8x2048xi32>
    %add3A_2011 = arith.addi %iota3A, %add3A_2010 : vector<8x2048xi32>
    %select_n3A_2012 = arith.select %lt3A_2007, %add3A_2011, %select_n3A_2005 : vector<8x2048xi1>, vector<8x2048xi32>
    %slice3A_2013 = vector.extract_strided_slice %add3A_1878 {offsets = [160, 0], sizes = [8, 2048], strides = [1, 1]} : vector<512x2048xf32> to vector<8x2048xf32>
    %lt3A_2014 = arith.cmpf olt, %slice3A_2013, %select_n3A_2008 : vector<8x2048xf32>
    %select_n3A_2015 = arith.select %lt3A_2014, %slice3A_2013, %select_n3A_2008 : vector<8x2048xi1>, vector<8x2048xf32>
    %add3A_2016 = arith.constant 160 : i32
    %add3A_2017 = vector.broadcast %add3A_2016 : i32 to vector<8x2048xi32>
    %add3A_2018 = arith.addi %iota3A, %add3A_2017 : vector<8x2048xi32>
    %select_n3A_2019 = arith.select %lt3A_2014, %add3A_2018, %select_n3A_2012 : vector<8x2048xi1>, vector<8x2048xi32>
    %slice3A_2020 = vector.extract_strided_slice %add3A_1878 {offsets = [168, 0], sizes = [8, 2048], strides = [1, 1]} : vector<512x2048xf32> to vector<8x2048xf32>
    %lt3A_2021 = arith.cmpf olt, %slice3A_2020, %select_n3A_2015 : vector<8x2048xf32>
    %select_n3A_2022 = arith.select %lt3A_2021, %slice3A_2020, %select_n3A_2015 : vector<8x2048xi1>, vector<8x2048xf32>
    %add3A_2023 = arith.constant 168 : i32
    %add3A_2024 = vector.broadcast %add3A_2023 : i32 to vector<8x2048xi32>
    %add3A_2025 = arith.addi %iota3A, %add3A_2024 : vector<8x2048xi32>
    %select_n3A_2026 = arith.select %lt3A_2021, %add3A_2025, %select_n3A_2019 : vector<8x2048xi1>, vector<8x2048xi32>
    %slice3A_2027 = vector.extract_strided_slice %add3A_1878 {offsets = [176, 0], sizes = [8, 2048], strides = [1, 1]} : vector<512x2048xf32> to vector<8x2048xf32>
    %lt3A_2028 = arith.cmpf olt, %slice3A_2027, %select_n3A_2022 : vector<8x2048xf32>
    %select_n3A_2029 = arith.select %lt3A_2028, %slice3A_2027, %select_n3A_2022 : vector<8x2048xi1>, vector<8x2048xf32>
    %add3A_2030 = arith.constant 176 : i32
    %add3A_2031 = vector.broadcast %add3A_2030 : i32 to vector<8x2048xi32>
    %add3A_2032 = arith.addi %iota3A, %add3A_2031 : vector<8x2048xi32>
    %select_n3A_2033 = arith.select %lt3A_2028, %add3A_2032, %select_n3A_2026 : vector<8x2048xi1>, vector<8x2048xi32>
    %slice3A_2034 = vector.extract_strided_slice %add3A_1878 {offsets = [184, 0], sizes = [8, 2048], strides = [1, 1]} : vector<512x2048xf32> to vector<8x2048xf32>
    %lt3A_2035 = arith.cmpf olt, %slice3A_2034, %select_n3A_2029 : vector<8x2048xf32>
    %select_n3A_2036 = arith.select %lt3A_2035, %slice3A_2034, %select_n3A_2029 : vector<8x2048xi1>, vector<8x2048xf32>
    %add3A_2037 = arith.constant 184 : i32
    %add3A_2038 = vector.broadcast %add3A_2037 : i32 to vector<8x2048xi32>
    %add3A_2039 = arith.addi %iota3A, %add3A_2038 : vector<8x2048xi32>
    %select_n3A_2040 = arith.select %lt3A_2035, %add3A_2039, %select_n3A_2033 : vector<8x2048xi1>, vector<8x2048xi32>
    %slice3A_2041 = vector.extract_strided_slice %add3A_1878 {offsets = [192, 0], sizes = [8, 2048], strides = [1, 1]} : vector<512x2048xf32> to vector<8x2048xf32>
    %lt3A_2042 = arith.cmpf olt, %slice3A_2041, %select_n3A_2036 : vector<8x2048xf32>
    %select_n3A_2043 = arith.select %lt3A_2042, %slice3A_2041, %select_n3A_2036 : vector<8x2048xi1>, vector<8x2048xf32>
    %add3A_2044 = arith.constant 192 : i32
    %add3A_2045 = vector.broadcast %add3A_2044 : i32 to vector<8x2048xi32>
    %add3A_2046 = arith.addi %iota3A, %add3A_2045 : vector<8x2048xi32>
    %select_n3A_2047 = arith.select %lt3A_2042, %add3A_2046, %select_n3A_2040 : vector<8x2048xi1>, vector<8x2048xi32>
    %slice3A_2048 = vector.extract_strided_slice %add3A_1878 {offsets = [200, 0], sizes = [8, 2048], strides = [1, 1]} : vector<512x2048xf32> to vector<8x2048xf32>
    %lt3A_2049 = arith.cmpf olt, %slice3A_2048, %select_n3A_2043 : vector<8x2048xf32>
    %select_n3A_2050 = arith.select %lt3A_2049, %slice3A_2048, %select_n3A_2043 : vector<8x2048xi1>, vector<8x2048xf32>
    %add3A_2051 = arith.constant 200 : i32
    %add3A_2052 = vector.broadcast %add3A_2051 : i32 to vector<8x2048xi32>
    %add3A_2053 = arith.addi %iota3A, %add3A_2052 : vector<8x2048xi32>
    %select_n3A_2054 = arith.select %lt3A_2049, %add3A_2053, %select_n3A_2047 : vector<8x2048xi1>, vector<8x2048xi32>
    %slice3A_2055 = vector.extract_strided_slice %add3A_1878 {offsets = [208, 0], sizes = [8, 2048], strides = [1, 1]} : vector<512x2048xf32> to vector<8x2048xf32>
    %lt3A_2056 = arith.cmpf olt, %slice3A_2055, %select_n3A_2050 : vector<8x2048xf32>
    %select_n3A_2057 = arith.select %lt3A_2056, %slice3A_2055, %select_n3A_2050 : vector<8x2048xi1>, vector<8x2048xf32>
    %add3A_2058 = arith.constant 208 : i32
    %add3A_2059 = vector.broadcast %add3A_2058 : i32 to vector<8x2048xi32>
    %add3A_2060 = arith.addi %iota3A, %add3A_2059 : vector<8x2048xi32>
    %select_n3A_2061 = arith.select %lt3A_2056, %add3A_2060, %select_n3A_2054 : vector<8x2048xi1>, vector<8x2048xi32>
    %slice3A_2062 = vector.extract_strided_slice %add3A_1878 {offsets = [216, 0], sizes = [8, 2048], strides = [1, 1]} : vector<512x2048xf32> to vector<8x2048xf32>
    %lt3A_2063 = arith.cmpf olt, %slice3A_2062, %select_n3A_2057 : vector<8x2048xf32>
    %select_n3A_2064 = arith.select %lt3A_2063, %slice3A_2062, %select_n3A_2057 : vector<8x2048xi1>, vector<8x2048xf32>
    %add3A_2065 = arith.constant 216 : i32
    %add3A_2066 = vector.broadcast %add3A_2065 : i32 to vector<8x2048xi32>
    %add3A_2067 = arith.addi %iota3A, %add3A_2066 : vector<8x2048xi32>
    %select_n3A_2068 = arith.select %lt3A_2063, %add3A_2067, %select_n3A_2061 : vector<8x2048xi1>, vector<8x2048xi32>
    %slice3A_2069 = vector.extract_strided_slice %add3A_1878 {offsets = [224, 0], sizes = [8, 2048], strides = [1, 1]} : vector<512x2048xf32> to vector<8x2048xf32>
    %lt3A_2070 = arith.cmpf olt, %slice3A_2069, %select_n3A_2064 : vector<8x2048xf32>
    %select_n3A_2071 = arith.select %lt3A_2070, %slice3A_2069, %select_n3A_2064 : vector<8x2048xi1>, vector<8x2048xf32>
    %add3A_2072 = arith.constant 224 : i32
    %add3A_2073 = vector.broadcast %add3A_2072 : i32 to vector<8x2048xi32>
    %add3A_2074 = arith.addi %iota3A, %add3A_2073 : vector<8x2048xi32>
    %select_n3A_2075 = arith.select %lt3A_2070, %add3A_2074, %select_n3A_2068 : vector<8x2048xi1>, vector<8x2048xi32>
    %slice3A_2076 = vector.extract_strided_slice %add3A_1878 {offsets = [232, 0], sizes = [8, 2048], strides = [1, 1]} : vector<512x2048xf32> to vector<8x2048xf32>
    %lt3A_2077 = arith.cmpf olt, %slice3A_2076, %select_n3A_2071 : vector<8x2048xf32>
    %select_n3A_2078 = arith.select %lt3A_2077, %slice3A_2076, %select_n3A_2071 : vector<8x2048xi1>, vector<8x2048xf32>
    %add3A_2079 = arith.constant 232 : i32
    %add3A_2080 = vector.broadcast %add3A_2079 : i32 to vector<8x2048xi32>
    %add3A_2081 = arith.addi %iota3A, %add3A_2080 : vector<8x2048xi32>
    %select_n3A_2082 = arith.select %lt3A_2077, %add3A_2081, %select_n3A_2075 : vector<8x2048xi1>, vector<8x2048xi32>
    %slice3A_2083 = vector.extract_strided_slice %add3A_1878 {offsets = [240, 0], sizes = [8, 2048], strides = [1, 1]} : vector<512x2048xf32> to vector<8x2048xf32>
    %lt3A_2084 = arith.cmpf olt, %slice3A_2083, %select_n3A_2078 : vector<8x2048xf32>
    %select_n3A_2085 = arith.select %lt3A_2084, %slice3A_2083, %select_n3A_2078 : vector<8x2048xi1>, vector<8x2048xf32>
    %add3A_2086 = arith.constant 240 : i32
    %add3A_2087 = vector.broadcast %add3A_2086 : i32 to vector<8x2048xi32>
    %add3A_2088 = arith.addi %iota3A, %add3A_2087 : vector<8x2048xi32>
    %select_n3A_2089 = arith.select %lt3A_2084, %add3A_2088, %select_n3A_2082 : vector<8x2048xi1>, vector<8x2048xi32>
    %slice3A_2090 = vector.extract_strided_slice %add3A_1878 {offsets = [248, 0], sizes = [8, 2048], strides = [1, 1]} : vector<512x2048xf32> to vector<8x2048xf32>
    %lt3A_2091 = arith.cmpf olt, %slice3A_2090, %select_n3A_2085 : vector<8x2048xf32>
    %select_n3A_2092 = arith.select %lt3A_2091, %slice3A_2090, %select_n3A_2085 : vector<8x2048xi1>, vector<8x2048xf32>
    %add3A_2093 = arith.constant 248 : i32
    %add3A_2094 = vector.broadcast %add3A_2093 : i32 to vector<8x2048xi32>
    %add3A_2095 = arith.addi %iota3A, %add3A_2094 : vector<8x2048xi32>
    %select_n3A_2096 = arith.select %lt3A_2091, %add3A_2095, %select_n3A_2089 : vector<8x2048xi1>, vector<8x2048xi32>
    %slice3A_2097 = vector.extract_strided_slice %add3A_1878 {offsets = [256, 0], sizes = [8, 2048], strides = [1, 1]} : vector<512x2048xf32> to vector<8x2048xf32>
    %lt3A_2098 = arith.cmpf olt, %slice3A_2097, %select_n3A_2092 : vector<8x2048xf32>
    %select_n3A_2099 = arith.select %lt3A_2098, %slice3A_2097, %select_n3A_2092 : vector<8x2048xi1>, vector<8x2048xf32>
    %add3A_2100 = arith.constant 256 : i32
    %add3A_2101 = vector.broadcast %add3A_2100 : i32 to vector<8x2048xi32>
    %add3A_2102 = arith.addi %iota3A, %add3A_2101 : vector<8x2048xi32>
    %select_n3A_2103 = arith.select %lt3A_2098, %add3A_2102, %select_n3A_2096 : vector<8x2048xi1>, vector<8x2048xi32>
    %slice3A_2104 = vector.extract_strided_slice %add3A_1878 {offsets = [264, 0], sizes = [8, 2048], strides = [1, 1]} : vector<512x2048xf32> to vector<8x2048xf32>
    %lt3A_2105 = arith.cmpf olt, %slice3A_2104, %select_n3A_2099 : vector<8x2048xf32>
    %select_n3A_2106 = arith.select %lt3A_2105, %slice3A_2104, %select_n3A_2099 : vector<8x2048xi1>, vector<8x2048xf32>
    %add3A_2107 = arith.constant 264 : i32
    %add3A_2108 = vector.broadcast %add3A_2107 : i32 to vector<8x2048xi32>
    %add3A_2109 = arith.addi %iota3A, %add3A_2108 : vector<8x2048xi32>
    %select_n3A_2110 = arith.select %lt3A_2105, %add3A_2109, %select_n3A_2103 : vector<8x2048xi1>, vector<8x2048xi32>
    %slice3A_2111 = vector.extract_strided_slice %add3A_1878 {offsets = [272, 0], sizes = [8, 2048], strides = [1, 1]} : vector<512x2048xf32> to vector<8x2048xf32>
    %lt3A_2112 = arith.cmpf olt, %slice3A_2111, %select_n3A_2106 : vector<8x2048xf32>
    %select_n3A_2113 = arith.select %lt3A_2112, %slice3A_2111, %select_n3A_2106 : vector<8x2048xi1>, vector<8x2048xf32>
    %add3A_2114 = arith.constant 272 : i32
    %add3A_2115 = vector.broadcast %add3A_2114 : i32 to vector<8x2048xi32>
    %add3A_2116 = arith.addi %iota3A, %add3A_2115 : vector<8x2048xi32>
    %select_n3A_2117 = arith.select %lt3A_2112, %add3A_2116, %select_n3A_2110 : vector<8x2048xi1>, vector<8x2048xi32>
    %slice3A_2118 = vector.extract_strided_slice %add3A_1878 {offsets = [280, 0], sizes = [8, 2048], strides = [1, 1]} : vector<512x2048xf32> to vector<8x2048xf32>
    %lt3A_2119 = arith.cmpf olt, %slice3A_2118, %select_n3A_2113 : vector<8x2048xf32>
    %select_n3A_2120 = arith.select %lt3A_2119, %slice3A_2118, %select_n3A_2113 : vector<8x2048xi1>, vector<8x2048xf32>
    %add3A_2121 = arith.constant 280 : i32
    %add3A_2122 = vector.broadcast %add3A_2121 : i32 to vector<8x2048xi32>
    %add3A_2123 = arith.addi %iota3A, %add3A_2122 : vector<8x2048xi32>
    %select_n3A_2124 = arith.select %lt3A_2119, %add3A_2123, %select_n3A_2117 : vector<8x2048xi1>, vector<8x2048xi32>
    %slice3A_2125 = vector.extract_strided_slice %add3A_1878 {offsets = [288, 0], sizes = [8, 2048], strides = [1, 1]} : vector<512x2048xf32> to vector<8x2048xf32>
    %lt3A_2126 = arith.cmpf olt, %slice3A_2125, %select_n3A_2120 : vector<8x2048xf32>
    %select_n3A_2127 = arith.select %lt3A_2126, %slice3A_2125, %select_n3A_2120 : vector<8x2048xi1>, vector<8x2048xf32>
    %add3A_2128 = arith.constant 288 : i32
    %add3A_2129 = vector.broadcast %add3A_2128 : i32 to vector<8x2048xi32>
    %add3A_2130 = arith.addi %iota3A, %add3A_2129 : vector<8x2048xi32>
    %select_n3A_2131 = arith.select %lt3A_2126, %add3A_2130, %select_n3A_2124 : vector<8x2048xi1>, vector<8x2048xi32>
    %slice3A_2132 = vector.extract_strided_slice %add3A_1878 {offsets = [296, 0], sizes = [8, 2048], strides = [1, 1]} : vector<512x2048xf32> to vector<8x2048xf32>
    %lt3A_2133 = arith.cmpf olt, %slice3A_2132, %select_n3A_2127 : vector<8x2048xf32>
    %select_n3A_2134 = arith.select %lt3A_2133, %slice3A_2132, %select_n3A_2127 : vector<8x2048xi1>, vector<8x2048xf32>
    %add3A_2135 = arith.constant 296 : i32
    %add3A_2136 = vector.broadcast %add3A_2135 : i32 to vector<8x2048xi32>
    %add3A_2137 = arith.addi %iota3A, %add3A_2136 : vector<8x2048xi32>
    %select_n3A_2138 = arith.select %lt3A_2133, %add3A_2137, %select_n3A_2131 : vector<8x2048xi1>, vector<8x2048xi32>
    %slice3A_2139 = vector.extract_strided_slice %add3A_1878 {offsets = [304, 0], sizes = [8, 2048], strides = [1, 1]} : vector<512x2048xf32> to vector<8x2048xf32>
    %lt3A_2140 = arith.cmpf olt, %slice3A_2139, %select_n3A_2134 : vector<8x2048xf32>
    %select_n3A_2141 = arith.select %lt3A_2140, %slice3A_2139, %select_n3A_2134 : vector<8x2048xi1>, vector<8x2048xf32>
    %add3A_2142 = arith.constant 304 : i32
    %add3A_2143 = vector.broadcast %add3A_2142 : i32 to vector<8x2048xi32>
    %add3A_2144 = arith.addi %iota3A, %add3A_2143 : vector<8x2048xi32>
    %select_n3A_2145 = arith.select %lt3A_2140, %add3A_2144, %select_n3A_2138 : vector<8x2048xi1>, vector<8x2048xi32>
    %slice3A_2146 = vector.extract_strided_slice %add3A_1878 {offsets = [312, 0], sizes = [8, 2048], strides = [1, 1]} : vector<512x2048xf32> to vector<8x2048xf32>
    %lt3A_2147 = arith.cmpf olt, %slice3A_2146, %select_n3A_2141 : vector<8x2048xf32>
    %select_n3A_2148 = arith.select %lt3A_2147, %slice3A_2146, %select_n3A_2141 : vector<8x2048xi1>, vector<8x2048xf32>
    %add3A_2149 = arith.constant 312 : i32
    %add3A_2150 = vector.broadcast %add3A_2149 : i32 to vector<8x2048xi32>
    %add3A_2151 = arith.addi %iota3A, %add3A_2150 : vector<8x2048xi32>
    %select_n3A_2152 = arith.select %lt3A_2147, %add3A_2151, %select_n3A_2145 : vector<8x2048xi1>, vector<8x2048xi32>
    %slice3A_2153 = vector.extract_strided_slice %add3A_1878 {offsets = [320, 0], sizes = [8, 2048], strides = [1, 1]} : vector<512x2048xf32> to vector<8x2048xf32>
    %lt3A_2154 = arith.cmpf olt, %slice3A_2153, %select_n3A_2148 : vector<8x2048xf32>
    %select_n3A_2155 = arith.select %lt3A_2154, %slice3A_2153, %select_n3A_2148 : vector<8x2048xi1>, vector<8x2048xf32>
    %add3A_2156 = arith.constant 320 : i32
    %add3A_2157 = vector.broadcast %add3A_2156 : i32 to vector<8x2048xi32>
    %add3A_2158 = arith.addi %iota3A, %add3A_2157 : vector<8x2048xi32>
    %select_n3A_2159 = arith.select %lt3A_2154, %add3A_2158, %select_n3A_2152 : vector<8x2048xi1>, vector<8x2048xi32>
    %slice3A_2160 = vector.extract_strided_slice %add3A_1878 {offsets = [328, 0], sizes = [8, 2048], strides = [1, 1]} : vector<512x2048xf32> to vector<8x2048xf32>
    %lt3A_2161 = arith.cmpf olt, %slice3A_2160, %select_n3A_2155 : vector<8x2048xf32>
    %select_n3A_2162 = arith.select %lt3A_2161, %slice3A_2160, %select_n3A_2155 : vector<8x2048xi1>, vector<8x2048xf32>
    %add3A_2163 = arith.constant 328 : i32
    %add3A_2164 = vector.broadcast %add3A_2163 : i32 to vector<8x2048xi32>
    %add3A_2165 = arith.addi %iota3A, %add3A_2164 : vector<8x2048xi32>
    %select_n3A_2166 = arith.select %lt3A_2161, %add3A_2165, %select_n3A_2159 : vector<8x2048xi1>, vector<8x2048xi32>
    %slice3A_2167 = vector.extract_strided_slice %add3A_1878 {offsets = [336, 0], sizes = [8, 2048], strides = [1, 1]} : vector<512x2048xf32> to vector<8x2048xf32>
    %lt3A_2168 = arith.cmpf olt, %slice3A_2167, %select_n3A_2162 : vector<8x2048xf32>
    %select_n3A_2169 = arith.select %lt3A_2168, %slice3A_2167, %select_n3A_2162 : vector<8x2048xi1>, vector<8x2048xf32>
    %add3A_2170 = arith.constant 336 : i32
    %add3A_2171 = vector.broadcast %add3A_2170 : i32 to vector<8x2048xi32>
    %add3A_2172 = arith.addi %iota3A, %add3A_2171 : vector<8x2048xi32>
    %select_n3A_2173 = arith.select %lt3A_2168, %add3A_2172, %select_n3A_2166 : vector<8x2048xi1>, vector<8x2048xi32>
    %slice3A_2174 = vector.extract_strided_slice %add3A_1878 {offsets = [344, 0], sizes = [8, 2048], strides = [1, 1]} : vector<512x2048xf32> to vector<8x2048xf32>
    %lt3A_2175 = arith.cmpf olt, %slice3A_2174, %select_n3A_2169 : vector<8x2048xf32>
    %select_n3A_2176 = arith.select %lt3A_2175, %slice3A_2174, %select_n3A_2169 : vector<8x2048xi1>, vector<8x2048xf32>
    %add3A_2177 = arith.constant 344 : i32
    %add3A_2178 = vector.broadcast %add3A_2177 : i32 to vector<8x2048xi32>
    %add3A_2179 = arith.addi %iota3A, %add3A_2178 : vector<8x2048xi32>
    %select_n3A_2180 = arith.select %lt3A_2175, %add3A_2179, %select_n3A_2173 : vector<8x2048xi1>, vector<8x2048xi32>
    %slice3A_2181 = vector.extract_strided_slice %add3A_1878 {offsets = [352, 0], sizes = [8, 2048], strides = [1, 1]} : vector<512x2048xf32> to vector<8x2048xf32>
    %lt3A_2182 = arith.cmpf olt, %slice3A_2181, %select_n3A_2176 : vector<8x2048xf32>
    %select_n3A_2183 = arith.select %lt3A_2182, %slice3A_2181, %select_n3A_2176 : vector<8x2048xi1>, vector<8x2048xf32>
    %add3A_2184 = arith.constant 352 : i32
    %add3A_2185 = vector.broadcast %add3A_2184 : i32 to vector<8x2048xi32>
    %add3A_2186 = arith.addi %iota3A, %add3A_2185 : vector<8x2048xi32>
    %select_n3A_2187 = arith.select %lt3A_2182, %add3A_2186, %select_n3A_2180 : vector<8x2048xi1>, vector<8x2048xi32>
    %slice3A_2188 = vector.extract_strided_slice %add3A_1878 {offsets = [360, 0], sizes = [8, 2048], strides = [1, 1]} : vector<512x2048xf32> to vector<8x2048xf32>
    %lt3A_2189 = arith.cmpf olt, %slice3A_2188, %select_n3A_2183 : vector<8x2048xf32>
    %select_n3A_2190 = arith.select %lt3A_2189, %slice3A_2188, %select_n3A_2183 : vector<8x2048xi1>, vector<8x2048xf32>
    %add3A_2191 = arith.constant 360 : i32
    %add3A_2192 = vector.broadcast %add3A_2191 : i32 to vector<8x2048xi32>
    %add3A_2193 = arith.addi %iota3A, %add3A_2192 : vector<8x2048xi32>
    %select_n3A_2194 = arith.select %lt3A_2189, %add3A_2193, %select_n3A_2187 : vector<8x2048xi1>, vector<8x2048xi32>
    %slice3A_2195 = vector.extract_strided_slice %add3A_1878 {offsets = [368, 0], sizes = [8, 2048], strides = [1, 1]} : vector<512x2048xf32> to vector<8x2048xf32>
    %lt3A_2196 = arith.cmpf olt, %slice3A_2195, %select_n3A_2190 : vector<8x2048xf32>
    %select_n3A_2197 = arith.select %lt3A_2196, %slice3A_2195, %select_n3A_2190 : vector<8x2048xi1>, vector<8x2048xf32>
    %add3A_2198 = arith.constant 368 : i32
    %add3A_2199 = vector.broadcast %add3A_2198 : i32 to vector<8x2048xi32>
    %add3A_2200 = arith.addi %iota3A, %add3A_2199 : vector<8x2048xi32>
    %select_n3A_2201 = arith.select %lt3A_2196, %add3A_2200, %select_n3A_2194 : vector<8x2048xi1>, vector<8x2048xi32>
    %slice3A_2202 = vector.extract_strided_slice %add3A_1878 {offsets = [376, 0], sizes = [8, 2048], strides = [1, 1]} : vector<512x2048xf32> to vector<8x2048xf32>
    %lt3A_2203 = arith.cmpf olt, %slice3A_2202, %select_n3A_2197 : vector<8x2048xf32>
    %select_n3A_2204 = arith.select %lt3A_2203, %slice3A_2202, %select_n3A_2197 : vector<8x2048xi1>, vector<8x2048xf32>
    %add3A_2205 = arith.constant 376 : i32
    %add3A_2206 = vector.broadcast %add3A_2205 : i32 to vector<8x2048xi32>
    %add3A_2207 = arith.addi %iota3A, %add3A_2206 : vector<8x2048xi32>
    %select_n3A_2208 = arith.select %lt3A_2203, %add3A_2207, %select_n3A_2201 : vector<8x2048xi1>, vector<8x2048xi32>
    %slice3A_2209 = vector.extract_strided_slice %add3A_1878 {offsets = [384, 0], sizes = [8, 2048], strides = [1, 1]} : vector<512x2048xf32> to vector<8x2048xf32>
    %lt3A_2210 = arith.cmpf olt, %slice3A_2209, %select_n3A_2204 : vector<8x2048xf32>
    %select_n3A_2211 = arith.select %lt3A_2210, %slice3A_2209, %select_n3A_2204 : vector<8x2048xi1>, vector<8x2048xf32>
    %add3A_2212 = arith.constant 384 : i32
    %add3A_2213 = vector.broadcast %add3A_2212 : i32 to vector<8x2048xi32>
    %add3A_2214 = arith.addi %iota3A, %add3A_2213 : vector<8x2048xi32>
    %select_n3A_2215 = arith.select %lt3A_2210, %add3A_2214, %select_n3A_2208 : vector<8x2048xi1>, vector<8x2048xi32>
    %slice3A_2216 = vector.extract_strided_slice %add3A_1878 {offsets = [392, 0], sizes = [8, 2048], strides = [1, 1]} : vector<512x2048xf32> to vector<8x2048xf32>
    %lt3A_2217 = arith.cmpf olt, %slice3A_2216, %select_n3A_2211 : vector<8x2048xf32>
    %select_n3A_2218 = arith.select %lt3A_2217, %slice3A_2216, %select_n3A_2211 : vector<8x2048xi1>, vector<8x2048xf32>
    %add3A_2219 = arith.constant 392 : i32
    %add3A_2220 = vector.broadcast %add3A_2219 : i32 to vector<8x2048xi32>
    %add3A_2221 = arith.addi %iota3A, %add3A_2220 : vector<8x2048xi32>
    %select_n3A_2222 = arith.select %lt3A_2217, %add3A_2221, %select_n3A_2215 : vector<8x2048xi1>, vector<8x2048xi32>
    %slice3A_2223 = vector.extract_strided_slice %add3A_1878 {offsets = [400, 0], sizes = [8, 2048], strides = [1, 1]} : vector<512x2048xf32> to vector<8x2048xf32>
    %lt3A_2224 = arith.cmpf olt, %slice3A_2223, %select_n3A_2218 : vector<8x2048xf32>
    %select_n3A_2225 = arith.select %lt3A_2224, %slice3A_2223, %select_n3A_2218 : vector<8x2048xi1>, vector<8x2048xf32>
    %add3A_2226 = arith.constant 400 : i32
    %add3A_2227 = vector.broadcast %add3A_2226 : i32 to vector<8x2048xi32>
    %add3A_2228 = arith.addi %iota3A, %add3A_2227 : vector<8x2048xi32>
    %select_n3A_2229 = arith.select %lt3A_2224, %add3A_2228, %select_n3A_2222 : vector<8x2048xi1>, vector<8x2048xi32>
    %slice3A_2230 = vector.extract_strided_slice %add3A_1878 {offsets = [408, 0], sizes = [8, 2048], strides = [1, 1]} : vector<512x2048xf32> to vector<8x2048xf32>
    %lt3A_2231 = arith.cmpf olt, %slice3A_2230, %select_n3A_2225 : vector<8x2048xf32>
    %select_n3A_2232 = arith.select %lt3A_2231, %slice3A_2230, %select_n3A_2225 : vector<8x2048xi1>, vector<8x2048xf32>
    %add3A_2233 = arith.constant 408 : i32
    %add3A_2234 = vector.broadcast %add3A_2233 : i32 to vector<8x2048xi32>
    %add3A_2235 = arith.addi %iota3A, %add3A_2234 : vector<8x2048xi32>
    %select_n3A_2236 = arith.select %lt3A_2231, %add3A_2235, %select_n3A_2229 : vector<8x2048xi1>, vector<8x2048xi32>
    %slice3A_2237 = vector.extract_strided_slice %add3A_1878 {offsets = [416, 0], sizes = [8, 2048], strides = [1, 1]} : vector<512x2048xf32> to vector<8x2048xf32>
    %lt3A_2238 = arith.cmpf olt, %slice3A_2237, %select_n3A_2232 : vector<8x2048xf32>
    %select_n3A_2239 = arith.select %lt3A_2238, %slice3A_2237, %select_n3A_2232 : vector<8x2048xi1>, vector<8x2048xf32>
    %add3A_2240 = arith.constant 416 : i32
    %add3A_2241 = vector.broadcast %add3A_2240 : i32 to vector<8x2048xi32>
    %add3A_2242 = arith.addi %iota3A, %add3A_2241 : vector<8x2048xi32>
    %select_n3A_2243 = arith.select %lt3A_2238, %add3A_2242, %select_n3A_2236 : vector<8x2048xi1>, vector<8x2048xi32>
    %slice3A_2244 = vector.extract_strided_slice %add3A_1878 {offsets = [424, 0], sizes = [8, 2048], strides = [1, 1]} : vector<512x2048xf32> to vector<8x2048xf32>
    %lt3A_2245 = arith.cmpf olt, %slice3A_2244, %select_n3A_2239 : vector<8x2048xf32>
    %select_n3A_2246 = arith.select %lt3A_2245, %slice3A_2244, %select_n3A_2239 : vector<8x2048xi1>, vector<8x2048xf32>
    %add3A_2247 = arith.constant 424 : i32
    %add3A_2248 = vector.broadcast %add3A_2247 : i32 to vector<8x2048xi32>
    %add3A_2249 = arith.addi %iota3A, %add3A_2248 : vector<8x2048xi32>
    %select_n3A_2250 = arith.select %lt3A_2245, %add3A_2249, %select_n3A_2243 : vector<8x2048xi1>, vector<8x2048xi32>
    %slice3A_2251 = vector.extract_strided_slice %add3A_1878 {offsets = [432, 0], sizes = [8, 2048], strides = [1, 1]} : vector<512x2048xf32> to vector<8x2048xf32>
    %lt3A_2252 = arith.cmpf olt, %slice3A_2251, %select_n3A_2246 : vector<8x2048xf32>
    %select_n3A_2253 = arith.select %lt3A_2252, %slice3A_2251, %select_n3A_2246 : vector<8x2048xi1>, vector<8x2048xf32>
    %add3A_2254 = arith.constant 432 : i32
    %add3A_2255 = vector.broadcast %add3A_2254 : i32 to vector<8x2048xi32>
    %add3A_2256 = arith.addi %iota3A, %add3A_2255 : vector<8x2048xi32>
    %select_n3A_2257 = arith.select %lt3A_2252, %add3A_2256, %select_n3A_2250 : vector<8x2048xi1>, vector<8x2048xi32>
    %slice3A_2258 = vector.extract_strided_slice %add3A_1878 {offsets = [440, 0], sizes = [8, 2048], strides = [1, 1]} : vector<512x2048xf32> to vector<8x2048xf32>
    %lt3A_2259 = arith.cmpf olt, %slice3A_2258, %select_n3A_2253 : vector<8x2048xf32>
    %select_n3A_2260 = arith.select %lt3A_2259, %slice3A_2258, %select_n3A_2253 : vector<8x2048xi1>, vector<8x2048xf32>
    %add3A_2261 = arith.constant 440 : i32
    %add3A_2262 = vector.broadcast %add3A_2261 : i32 to vector<8x2048xi32>
    %add3A_2263 = arith.addi %iota3A, %add3A_2262 : vector<8x2048xi32>
    %select_n3A_2264 = arith.select %lt3A_2259, %add3A_2263, %select_n3A_2257 : vector<8x2048xi1>, vector<8x2048xi32>
    %slice3A_2265 = vector.extract_strided_slice %add3A_1878 {offsets = [448, 0], sizes = [8, 2048], strides = [1, 1]} : vector<512x2048xf32> to vector<8x2048xf32>
    %lt3A_2266 = arith.cmpf olt, %slice3A_2265, %select_n3A_2260 : vector<8x2048xf32>
    %select_n3A_2267 = arith.select %lt3A_2266, %slice3A_2265, %select_n3A_2260 : vector<8x2048xi1>, vector<8x2048xf32>
    %add3A_2268 = arith.constant 448 : i32
    %add3A_2269 = vector.broadcast %add3A_2268 : i32 to vector<8x2048xi32>
    %add3A_2270 = arith.addi %iota3A, %add3A_2269 : vector<8x2048xi32>
    %select_n3A_2271 = arith.select %lt3A_2266, %add3A_2270, %select_n3A_2264 : vector<8x2048xi1>, vector<8x2048xi32>
    %slice3A_2272 = vector.extract_strided_slice %add3A_1878 {offsets = [456, 0], sizes = [8, 2048], strides = [1, 1]} : vector<512x2048xf32> to vector<8x2048xf32>
    %lt3A_2273 = arith.cmpf olt, %slice3A_2272, %select_n3A_2267 : vector<8x2048xf32>
    %select_n3A_2274 = arith.select %lt3A_2273, %slice3A_2272, %select_n3A_2267 : vector<8x2048xi1>, vector<8x2048xf32>
    %add3A_2275 = arith.constant 456 : i32
    %add3A_2276 = vector.broadcast %add3A_2275 : i32 to vector<8x2048xi32>
    %add3A_2277 = arith.addi %iota3A, %add3A_2276 : vector<8x2048xi32>
    %select_n3A_2278 = arith.select %lt3A_2273, %add3A_2277, %select_n3A_2271 : vector<8x2048xi1>, vector<8x2048xi32>
    %slice3A_2279 = vector.extract_strided_slice %add3A_1878 {offsets = [464, 0], sizes = [8, 2048], strides = [1, 1]} : vector<512x2048xf32> to vector<8x2048xf32>
    %lt3A_2280 = arith.cmpf olt, %slice3A_2279, %select_n3A_2274 : vector<8x2048xf32>
    %select_n3A_2281 = arith.select %lt3A_2280, %slice3A_2279, %select_n3A_2274 : vector<8x2048xi1>, vector<8x2048xf32>
    %add3A_2282 = arith.constant 464 : i32
    %add3A_2283 = vector.broadcast %add3A_2282 : i32 to vector<8x2048xi32>
    %add3A_2284 = arith.addi %iota3A, %add3A_2283 : vector<8x2048xi32>
    %select_n3A_2285 = arith.select %lt3A_2280, %add3A_2284, %select_n3A_2278 : vector<8x2048xi1>, vector<8x2048xi32>
    %slice3A_2286 = vector.extract_strided_slice %add3A_1878 {offsets = [472, 0], sizes = [8, 2048], strides = [1, 1]} : vector<512x2048xf32> to vector<8x2048xf32>
    %lt3A_2287 = arith.cmpf olt, %slice3A_2286, %select_n3A_2281 : vector<8x2048xf32>
    %select_n3A_2288 = arith.select %lt3A_2287, %slice3A_2286, %select_n3A_2281 : vector<8x2048xi1>, vector<8x2048xf32>
    %add3A_2289 = arith.constant 472 : i32
    %add3A_2290 = vector.broadcast %add3A_2289 : i32 to vector<8x2048xi32>
    %add3A_2291 = arith.addi %iota3A, %add3A_2290 : vector<8x2048xi32>
    %select_n3A_2292 = arith.select %lt3A_2287, %add3A_2291, %select_n3A_2285 : vector<8x2048xi1>, vector<8x2048xi32>
    %slice3A_2293 = vector.extract_strided_slice %add3A_1878 {offsets = [480, 0], sizes = [8, 2048], strides = [1, 1]} : vector<512x2048xf32> to vector<8x2048xf32>
    %lt3A_2294 = arith.cmpf olt, %slice3A_2293, %select_n3A_2288 : vector<8x2048xf32>
    %select_n3A_2295 = arith.select %lt3A_2294, %slice3A_2293, %select_n3A_2288 : vector<8x2048xi1>, vector<8x2048xf32>
    %add3A_2296 = arith.constant 480 : i32
    %add3A_2297 = vector.broadcast %add3A_2296 : i32 to vector<8x2048xi32>
    %add3A_2298 = arith.addi %iota3A, %add3A_2297 : vector<8x2048xi32>
    %select_n3A_2299 = arith.select %lt3A_2294, %add3A_2298, %select_n3A_2292 : vector<8x2048xi1>, vector<8x2048xi32>
    %slice3A_2300 = vector.extract_strided_slice %add3A_1878 {offsets = [488, 0], sizes = [8, 2048], strides = [1, 1]} : vector<512x2048xf32> to vector<8x2048xf32>
    %lt3A_2301 = arith.cmpf olt, %slice3A_2300, %select_n3A_2295 : vector<8x2048xf32>
    %select_n3A_2302 = arith.select %lt3A_2301, %slice3A_2300, %select_n3A_2295 : vector<8x2048xi1>, vector<8x2048xf32>
    %add3A_2303 = arith.constant 488 : i32
    %add3A_2304 = vector.broadcast %add3A_2303 : i32 to vector<8x2048xi32>
    %add3A_2305 = arith.addi %iota3A, %add3A_2304 : vector<8x2048xi32>
    %select_n3A_2306 = arith.select %lt3A_2301, %add3A_2305, %select_n3A_2299 : vector<8x2048xi1>, vector<8x2048xi32>
    %slice3A_2307 = vector.extract_strided_slice %add3A_1878 {offsets = [496, 0], sizes = [8, 2048], strides = [1, 1]} : vector<512x2048xf32> to vector<8x2048xf32>
    %lt3A_2308 = arith.cmpf olt, %slice3A_2307, %select_n3A_2302 : vector<8x2048xf32>
    %select_n3A_2309 = arith.select %lt3A_2308, %slice3A_2307, %select_n3A_2302 : vector<8x2048xi1>, vector<8x2048xf32>
    %add3A_2310 = arith.constant 496 : i32
    %add3A_2311 = vector.broadcast %add3A_2310 : i32 to vector<8x2048xi32>
    %add3A_2312 = arith.addi %iota3A, %add3A_2311 : vector<8x2048xi32>
    %select_n3A_2313 = arith.select %lt3A_2308, %add3A_2312, %select_n3A_2306 : vector<8x2048xi1>, vector<8x2048xi32>
    %slice3A_2314 = vector.extract_strided_slice %add3A_1878 {offsets = [504, 0], sizes = [8, 2048], strides = [1, 1]} : vector<512x2048xf32> to vector<8x2048xf32>
    %lt3A_2315 = arith.cmpf olt, %slice3A_2314, %select_n3A_2309 : vector<8x2048xf32>
    %select_n3A_2316 = arith.select %lt3A_2315, %slice3A_2314, %select_n3A_2309 : vector<8x2048xi1>, vector<8x2048xf32>
    %add3A_2317 = arith.constant 504 : i32
    %add3A_2318 = vector.broadcast %add3A_2317 : i32 to vector<8x2048xi32>
    %add3A_2319 = arith.addi %iota3A, %add3A_2318 : vector<8x2048xi32>
    %select_n3A_2320 = arith.select %lt3A_2315, %add3A_2319, %select_n3A_2313 : vector<8x2048xi1>, vector<8x2048xi32>
    %reduce_min3A_2321 = arith.constant dense<0x7F800000> : vector<2048xf32>
    %reduce_min3A_2322 = vector.multi_reduction <minimumf>, %select_n3A_2316, %reduce_min3A_2321 [0] : vector<8x2048xf32> to vector<2048xf32>
    %broadcast_in_dim3A_2323 = vector.shape_cast %reduce_min3A_2322 : vector<2048xf32> to vector<1x2048xf32>
    %eq3A_2324 = vector.broadcast %broadcast_in_dim3A_2323 : vector<1x2048xf32> to vector<8x2048xf32>
    %eq3A_2325 = arith.cmpf oeq, %select_n3A_2316, %eq3A_2324 : vector<8x2048xf32>
    %jit3A_2326 = arith.constant 512 : i32
    %broadcast_in_dim3A_2327 = vector.broadcast %jit3A_2326 : i32 to vector<8x2048xi32>
    %select_n3A_2328 = arith.select %eq3A_2325, %select_n3A_2320, %broadcast_in_dim3A_2327 : vector<8x2048xi1>, vector<8x2048xi32>
    %reduce_min3A_2329 = arith.constant dense<2147483647> : vector<2048xi32>
    %reduce_min3A_2330 = vector.multi_reduction <minsi>, %select_n3A_2328, %reduce_min3A_2329 [0] : vector<8x2048xi32> to vector<2048xi32>
    %swap3A_2331 = arith.constant 4 : index
    %swap3A_2332 = arith.constant 0 : index
    %swap3A_2333 = vector.load %arg4[%swap3A_2331, %swap3A_2332] : memref<8x2048xi32, #tpu.memory_space<vmem>>, vector<1x2048xi32>
    %swap3A_2334 = vector.shape_cast %swap3A_2333 : vector<1x2048xi32> to vector<2048xi32>
    %swap3A_2335 = vector.shape_cast %reduce_min3A_2330 : vector<2048xi32> to vector<1x2048xi32>
    tpu.vector_store %arg4[%swap3A_2331, %swap3A_2332], %swap3A_2335 {strides = array<i32>} : memref<8x2048xi32, #tpu.memory_space<vmem>>, vector<1x2048xi32>,
    %reduce_sum3A_2336 = vector.shape_cast %broadcast_in_dim3A_2323 : vector<1x2048xf32> to vector<1x1x2048xf32>
    %reduce_sum3A_2337 = arith.constant dense<0.000000e+00> : vector<1xf32>
    %reduce_sum3A_2338 = vector.multi_reduction <add>, %reduce_sum3A_2336, %reduce_sum3A_2337 [1, 2] : vector<1x1x2048xf32> to vector<1xf32>
    %reduce_sum3A_2339 = vector.shape_cast %reduce_sum3A_2338 : vector<1xf32> to vector<1x1x1xf32>
    %reduce_sum3A_2340 = vector.extract %reduce_sum3A_2339[0, 0, 0] : f32 from vector<1x1x1xf32>
    %add3A_2341 = arith.addf %add3A_1873, %reduce_sum3A_2340 : f32
    %slice3A_2342 = vector.extract_strided_slice %get3A_1 {offsets = [160, 0], sizes = [32, 2048], strides = [1, 1]} : vector<256x2048xf32> to vector<32x2048xf32>
    %dot_general3A_2343 = arith.constant dense<0.000000e+00> : vector<512x2048xf32>
    %dot_general3A_2344 = tpu.matmul %get3A_4, %slice3A_2342, %dot_general3A_2343 {dimension_numbers = #tpu.dot_dimension_numbers<[1], [0], [0], [1], [0, 0, 1, 1], [], []>, transpose_lhs_hint = false} : vector<512x32xf32>, vector<32x2048xf32>, vector<512x2048xf32> -> vector<512x2048xf32>
    %add3A_2345 = vector.broadcast %get3A_7 : vector<512x1xf32> to vector<512x2048xf32>
    %add3A_2346 = arith.addf %dot_general3A_2344, %add3A_2345 : vector<512x2048xf32>
    %slice3A_2347 = vector.extract_strided_slice %add3A_2346 {offsets = [0, 0], sizes = [8, 2048], strides = [1, 1]} : vector<512x2048xf32> to vector<8x2048xf32>
    %slice3A_2348 = vector.extract_strided_slice %add3A_2346 {offsets = [8, 0], sizes = [8, 2048], strides = [1, 1]} : vector<512x2048xf32> to vector<8x2048xf32>
    %lt3A_2349 = arith.cmpf olt, %slice3A_2348, %slice3A_2347 : vector<8x2048xf32>
    %select_n3A_2350 = arith.select %lt3A_2349, %slice3A_2348, %slice3A_2347 : vector<8x2048xi1>, vector<8x2048xf32>
    %add3A_2351 = arith.constant 8 : i32
    %add3A_2352 = vector.broadcast %add3A_2351 : i32 to vector<8x2048xi32>
    %add3A_2353 = arith.addi %iota3A, %add3A_2352 : vector<8x2048xi32>
    %select_n3A_2354 = arith.select %lt3A_2349, %add3A_2353, %iota3A : vector<8x2048xi1>, vector<8x2048xi32>
    %slice3A_2355 = vector.extract_strided_slice %add3A_2346 {offsets = [16, 0], sizes = [8, 2048], strides = [1, 1]} : vector<512x2048xf32> to vector<8x2048xf32>
    %lt3A_2356 = arith.cmpf olt, %slice3A_2355, %select_n3A_2350 : vector<8x2048xf32>
    %select_n3A_2357 = arith.select %lt3A_2356, %slice3A_2355, %select_n3A_2350 : vector<8x2048xi1>, vector<8x2048xf32>
    %add3A_2358 = arith.constant 16 : i32
    %add3A_2359 = vector.broadcast %add3A_2358 : i32 to vector<8x2048xi32>
    %add3A_2360 = arith.addi %iota3A, %add3A_2359 : vector<8x2048xi32>
    %select_n3A_2361 = arith.select %lt3A_2356, %add3A_2360, %select_n3A_2354 : vector<8x2048xi1>, vector<8x2048xi32>
    %slice3A_2362 = vector.extract_strided_slice %add3A_2346 {offsets = [24, 0], sizes = [8, 2048], strides = [1, 1]} : vector<512x2048xf32> to vector<8x2048xf32>
    %lt3A_2363 = arith.cmpf olt, %slice3A_2362, %select_n3A_2357 : vector<8x2048xf32>
    %select_n3A_2364 = arith.select %lt3A_2363, %slice3A_2362, %select_n3A_2357 : vector<8x2048xi1>, vector<8x2048xf32>
    %add3A_2365 = arith.constant 24 : i32
    %add3A_2366 = vector.broadcast %add3A_2365 : i32 to vector<8x2048xi32>
    %add3A_2367 = arith.addi %iota3A, %add3A_2366 : vector<8x2048xi32>
    %select_n3A_2368 = arith.select %lt3A_2363, %add3A_2367, %select_n3A_2361 : vector<8x2048xi1>, vector<8x2048xi32>
    %slice3A_2369 = vector.extract_strided_slice %add3A_2346 {offsets = [32, 0], sizes = [8, 2048], strides = [1, 1]} : vector<512x2048xf32> to vector<8x2048xf32>
    %lt3A_2370 = arith.cmpf olt, %slice3A_2369, %select_n3A_2364 : vector<8x2048xf32>
    %select_n3A_2371 = arith.select %lt3A_2370, %slice3A_2369, %select_n3A_2364 : vector<8x2048xi1>, vector<8x2048xf32>
    %add3A_2372 = arith.constant 32 : i32
    %add3A_2373 = vector.broadcast %add3A_2372 : i32 to vector<8x2048xi32>
    %add3A_2374 = arith.addi %iota3A, %add3A_2373 : vector<8x2048xi32>
    %select_n3A_2375 = arith.select %lt3A_2370, %add3A_2374, %select_n3A_2368 : vector<8x2048xi1>, vector<8x2048xi32>
    %slice3A_2376 = vector.extract_strided_slice %add3A_2346 {offsets = [40, 0], sizes = [8, 2048], strides = [1, 1]} : vector<512x2048xf32> to vector<8x2048xf32>
    %lt3A_2377 = arith.cmpf olt, %slice3A_2376, %select_n3A_2371 : vector<8x2048xf32>
    %select_n3A_2378 = arith.select %lt3A_2377, %slice3A_2376, %select_n3A_2371 : vector<8x2048xi1>, vector<8x2048xf32>
    %add3A_2379 = arith.constant 40 : i32
    %add3A_2380 = vector.broadcast %add3A_2379 : i32 to vector<8x2048xi32>
    %add3A_2381 = arith.addi %iota3A, %add3A_2380 : vector<8x2048xi32>
    %select_n3A_2382 = arith.select %lt3A_2377, %add3A_2381, %select_n3A_2375 : vector<8x2048xi1>, vector<8x2048xi32>
    %slice3A_2383 = vector.extract_strided_slice %add3A_2346 {offsets = [48, 0], sizes = [8, 2048], strides = [1, 1]} : vector<512x2048xf32> to vector<8x2048xf32>
    %lt3A_2384 = arith.cmpf olt, %slice3A_2383, %select_n3A_2378 : vector<8x2048xf32>
    %select_n3A_2385 = arith.select %lt3A_2384, %slice3A_2383, %select_n3A_2378 : vector<8x2048xi1>, vector<8x2048xf32>
    %add3A_2386 = arith.constant 48 : i32
    %add3A_2387 = vector.broadcast %add3A_2386 : i32 to vector<8x2048xi32>
    %add3A_2388 = arith.addi %iota3A, %add3A_2387 : vector<8x2048xi32>
    %select_n3A_2389 = arith.select %lt3A_2384, %add3A_2388, %select_n3A_2382 : vector<8x2048xi1>, vector<8x2048xi32>
    %slice3A_2390 = vector.extract_strided_slice %add3A_2346 {offsets = [56, 0], sizes = [8, 2048], strides = [1, 1]} : vector<512x2048xf32> to vector<8x2048xf32>
    %lt3A_2391 = arith.cmpf olt, %slice3A_2390, %select_n3A_2385 : vector<8x2048xf32>
    %select_n3A_2392 = arith.select %lt3A_2391, %slice3A_2390, %select_n3A_2385 : vector<8x2048xi1>, vector<8x2048xf32>
    %add3A_2393 = arith.constant 56 : i32
    %add3A_2394 = vector.broadcast %add3A_2393 : i32 to vector<8x2048xi32>
    %add3A_2395 = arith.addi %iota3A, %add3A_2394 : vector<8x2048xi32>
    %select_n3A_2396 = arith.select %lt3A_2391, %add3A_2395, %select_n3A_2389 : vector<8x2048xi1>, vector<8x2048xi32>
    %slice3A_2397 = vector.extract_strided_slice %add3A_2346 {offsets = [64, 0], sizes = [8, 2048], strides = [1, 1]} : vector<512x2048xf32> to vector<8x2048xf32>
    %lt3A_2398 = arith.cmpf olt, %slice3A_2397, %select_n3A_2392 : vector<8x2048xf32>
    %select_n3A_2399 = arith.select %lt3A_2398, %slice3A_2397, %select_n3A_2392 : vector<8x2048xi1>, vector<8x2048xf32>
    %add3A_2400 = arith.constant 64 : i32
    %add3A_2401 = vector.broadcast %add3A_2400 : i32 to vector<8x2048xi32>
    %add3A_2402 = arith.addi %iota3A, %add3A_2401 : vector<8x2048xi32>
    %select_n3A_2403 = arith.select %lt3A_2398, %add3A_2402, %select_n3A_2396 : vector<8x2048xi1>, vector<8x2048xi32>
    %slice3A_2404 = vector.extract_strided_slice %add3A_2346 {offsets = [72, 0], sizes = [8, 2048], strides = [1, 1]} : vector<512x2048xf32> to vector<8x2048xf32>
    %lt3A_2405 = arith.cmpf olt, %slice3A_2404, %select_n3A_2399 : vector<8x2048xf32>
    %select_n3A_2406 = arith.select %lt3A_2405, %slice3A_2404, %select_n3A_2399 : vector<8x2048xi1>, vector<8x2048xf32>
    %add3A_2407 = arith.constant 72 : i32
    %add3A_2408 = vector.broadcast %add3A_2407 : i32 to vector<8x2048xi32>
    %add3A_2409 = arith.addi %iota3A, %add3A_2408 : vector<8x2048xi32>
    %select_n3A_2410 = arith.select %lt3A_2405, %add3A_2409, %select_n3A_2403 : vector<8x2048xi1>, vector<8x2048xi32>
    %slice3A_2411 = vector.extract_strided_slice %add3A_2346 {offsets = [80, 0], sizes = [8, 2048], strides = [1, 1]} : vector<512x2048xf32> to vector<8x2048xf32>
    %lt3A_2412 = arith.cmpf olt, %slice3A_2411, %select_n3A_2406 : vector<8x2048xf32>
    %select_n3A_2413 = arith.select %lt3A_2412, %slice3A_2411, %select_n3A_2406 : vector<8x2048xi1>, vector<8x2048xf32>
    %add3A_2414 = arith.constant 80 : i32
    %add3A_2415 = vector.broadcast %add3A_2414 : i32 to vector<8x2048xi32>
    %add3A_2416 = arith.addi %iota3A, %add3A_2415 : vector<8x2048xi32>
    %select_n3A_2417 = arith.select %lt3A_2412, %add3A_2416, %select_n3A_2410 : vector<8x2048xi1>, vector<8x2048xi32>
    %slice3A_2418 = vector.extract_strided_slice %add3A_2346 {offsets = [88, 0], sizes = [8, 2048], strides = [1, 1]} : vector<512x2048xf32> to vector<8x2048xf32>
    %lt3A_2419 = arith.cmpf olt, %slice3A_2418, %select_n3A_2413 : vector<8x2048xf32>
    %select_n3A_2420 = arith.select %lt3A_2419, %slice3A_2418, %select_n3A_2413 : vector<8x2048xi1>, vector<8x2048xf32>
    %add3A_2421 = arith.constant 88 : i32
    %add3A_2422 = vector.broadcast %add3A_2421 : i32 to vector<8x2048xi32>
    %add3A_2423 = arith.addi %iota3A, %add3A_2422 : vector<8x2048xi32>
    %select_n3A_2424 = arith.select %lt3A_2419, %add3A_2423, %select_n3A_2417 : vector<8x2048xi1>, vector<8x2048xi32>
    %slice3A_2425 = vector.extract_strided_slice %add3A_2346 {offsets = [96, 0], sizes = [8, 2048], strides = [1, 1]} : vector<512x2048xf32> to vector<8x2048xf32>
    %lt3A_2426 = arith.cmpf olt, %slice3A_2425, %select_n3A_2420 : vector<8x2048xf32>
    %select_n3A_2427 = arith.select %lt3A_2426, %slice3A_2425, %select_n3A_2420 : vector<8x2048xi1>, vector<8x2048xf32>
    %add3A_2428 = arith.constant 96 : i32
    %add3A_2429 = vector.broadcast %add3A_2428 : i32 to vector<8x2048xi32>
    %add3A_2430 = arith.addi %iota3A, %add3A_2429 : vector<8x2048xi32>
    %select_n3A_2431 = arith.select %lt3A_2426, %add3A_2430, %select_n3A_2424 : vector<8x2048xi1>, vector<8x2048xi32>
    %slice3A_2432 = vector.extract_strided_slice %add3A_2346 {offsets = [104, 0], sizes = [8, 2048], strides = [1, 1]} : vector<512x2048xf32> to vector<8x2048xf32>
    %lt3A_2433 = arith.cmpf olt, %slice3A_2432, %select_n3A_2427 : vector<8x2048xf32>
    %select_n3A_2434 = arith.select %lt3A_2433, %slice3A_2432, %select_n3A_2427 : vector<8x2048xi1>, vector<8x2048xf32>
    %add3A_2435 = arith.constant 104 : i32
    %add3A_2436 = vector.broadcast %add3A_2435 : i32 to vector<8x2048xi32>
    %add3A_2437 = arith.addi %iota3A, %add3A_2436 : vector<8x2048xi32>
    %select_n3A_2438 = arith.select %lt3A_2433, %add3A_2437, %select_n3A_2431 : vector<8x2048xi1>, vector<8x2048xi32>
    %slice3A_2439 = vector.extract_strided_slice %add3A_2346 {offsets = [112, 0], sizes = [8, 2048], strides = [1, 1]} : vector<512x2048xf32> to vector<8x2048xf32>
    %lt3A_2440 = arith.cmpf olt, %slice3A_2439, %select_n3A_2434 : vector<8x2048xf32>
    %select_n3A_2441 = arith.select %lt3A_2440, %slice3A_2439, %select_n3A_2434 : vector<8x2048xi1>, vector<8x2048xf32>
    %add3A_2442 = arith.constant 112 : i32
    %add3A_2443 = vector.broadcast %add3A_2442 : i32 to vector<8x2048xi32>
    %add3A_2444 = arith.addi %iota3A, %add3A_2443 : vector<8x2048xi32>
    %select_n3A_2445 = arith.select %lt3A_2440, %add3A_2444, %select_n3A_2438 : vector<8x2048xi1>, vector<8x2048xi32>
    %slice3A_2446 = vector.extract_strided_slice %add3A_2346 {offsets = [120, 0], sizes = [8, 2048], strides = [1, 1]} : vector<512x2048xf32> to vector<8x2048xf32>
    %lt3A_2447 = arith.cmpf olt, %slice3A_2446, %select_n3A_2441 : vector<8x2048xf32>
    %select_n3A_2448 = arith.select %lt3A_2447, %slice3A_2446, %select_n3A_2441 : vector<8x2048xi1>, vector<8x2048xf32>
    %add3A_2449 = arith.constant 120 : i32
    %add3A_2450 = vector.broadcast %add3A_2449 : i32 to vector<8x2048xi32>
    %add3A_2451 = arith.addi %iota3A, %add3A_2450 : vector<8x2048xi32>
    %select_n3A_2452 = arith.select %lt3A_2447, %add3A_2451, %select_n3A_2445 : vector<8x2048xi1>, vector<8x2048xi32>
    %slice3A_2453 = vector.extract_strided_slice %add3A_2346 {offsets = [128, 0], sizes = [8, 2048], strides = [1, 1]} : vector<512x2048xf32> to vector<8x2048xf32>
    %lt3A_2454 = arith.cmpf olt, %slice3A_2453, %select_n3A_2448 : vector<8x2048xf32>
    %select_n3A_2455 = arith.select %lt3A_2454, %slice3A_2453, %select_n3A_2448 : vector<8x2048xi1>, vector<8x2048xf32>
    %add3A_2456 = arith.constant 128 : i32
    %add3A_2457 = vector.broadcast %add3A_2456 : i32 to vector<8x2048xi32>
    %add3A_2458 = arith.addi %iota3A, %add3A_2457 : vector<8x2048xi32>
    %select_n3A_2459 = arith.select %lt3A_2454, %add3A_2458, %select_n3A_2452 : vector<8x2048xi1>, vector<8x2048xi32>
    %slice3A_2460 = vector.extract_strided_slice %add3A_2346 {offsets = [136, 0], sizes = [8, 2048], strides = [1, 1]} : vector<512x2048xf32> to vector<8x2048xf32>
    %lt3A_2461 = arith.cmpf olt, %slice3A_2460, %select_n3A_2455 : vector<8x2048xf32>
    %select_n3A_2462 = arith.select %lt3A_2461, %slice3A_2460, %select_n3A_2455 : vector<8x2048xi1>, vector<8x2048xf32>
    %add3A_2463 = arith.constant 136 : i32
    %add3A_2464 = vector.broadcast %add3A_2463 : i32 to vector<8x2048xi32>
    %add3A_2465 = arith.addi %iota3A, %add3A_2464 : vector<8x2048xi32>
    %select_n3A_2466 = arith.select %lt3A_2461, %add3A_2465, %select_n3A_2459 : vector<8x2048xi1>, vector<8x2048xi32>
    %slice3A_2467 = vector.extract_strided_slice %add3A_2346 {offsets = [144, 0], sizes = [8, 2048], strides = [1, 1]} : vector<512x2048xf32> to vector<8x2048xf32>
    %lt3A_2468 = arith.cmpf olt, %slice3A_2467, %select_n3A_2462 : vector<8x2048xf32>
    %select_n3A_2469 = arith.select %lt3A_2468, %slice3A_2467, %select_n3A_2462 : vector<8x2048xi1>, vector<8x2048xf32>
    %add3A_2470 = arith.constant 144 : i32
    %add3A_2471 = vector.broadcast %add3A_2470 : i32 to vector<8x2048xi32>
    %add3A_2472 = arith.addi %iota3A, %add3A_2471 : vector<8x2048xi32>
    %select_n3A_2473 = arith.select %lt3A_2468, %add3A_2472, %select_n3A_2466 : vector<8x2048xi1>, vector<8x2048xi32>
    %slice3A_2474 = vector.extract_strided_slice %add3A_2346 {offsets = [152, 0], sizes = [8, 2048], strides = [1, 1]} : vector<512x2048xf32> to vector<8x2048xf32>
    %lt3A_2475 = arith.cmpf olt, %slice3A_2474, %select_n3A_2469 : vector<8x2048xf32>
    %select_n3A_2476 = arith.select %lt3A_2475, %slice3A_2474, %select_n3A_2469 : vector<8x2048xi1>, vector<8x2048xf32>
    %add3A_2477 = arith.constant 152 : i32
    %add3A_2478 = vector.broadcast %add3A_2477 : i32 to vector<8x2048xi32>
    %add3A_2479 = arith.addi %iota3A, %add3A_2478 : vector<8x2048xi32>
    %select_n3A_2480 = arith.select %lt3A_2475, %add3A_2479, %select_n3A_2473 : vector<8x2048xi1>, vector<8x2048xi32>
    %slice3A_2481 = vector.extract_strided_slice %add3A_2346 {offsets = [160, 0], sizes = [8, 2048], strides = [1, 1]} : vector<512x2048xf32> to vector<8x2048xf32>
    %lt3A_2482 = arith.cmpf olt, %slice3A_2481, %select_n3A_2476 : vector<8x2048xf32>
    %select_n3A_2483 = arith.select %lt3A_2482, %slice3A_2481, %select_n3A_2476 : vector<8x2048xi1>, vector<8x2048xf32>
    %add3A_2484 = arith.constant 160 : i32
    %add3A_2485 = vector.broadcast %add3A_2484 : i32 to vector<8x2048xi32>
    %add3A_2486 = arith.addi %iota3A, %add3A_2485 : vector<8x2048xi32>
    %select_n3A_2487 = arith.select %lt3A_2482, %add3A_2486, %select_n3A_2480 : vector<8x2048xi1>, vector<8x2048xi32>
    %slice3A_2488 = vector.extract_strided_slice %add3A_2346 {offsets = [168, 0], sizes = [8, 2048], strides = [1, 1]} : vector<512x2048xf32> to vector<8x2048xf32>
    %lt3A_2489 = arith.cmpf olt, %slice3A_2488, %select_n3A_2483 : vector<8x2048xf32>
    %select_n3A_2490 = arith.select %lt3A_2489, %slice3A_2488, %select_n3A_2483 : vector<8x2048xi1>, vector<8x2048xf32>
    %add3A_2491 = arith.constant 168 : i32
    %add3A_2492 = vector.broadcast %add3A_2491 : i32 to vector<8x2048xi32>
    %add3A_2493 = arith.addi %iota3A, %add3A_2492 : vector<8x2048xi32>
    %select_n3A_2494 = arith.select %lt3A_2489, %add3A_2493, %select_n3A_2487 : vector<8x2048xi1>, vector<8x2048xi32>
    %slice3A_2495 = vector.extract_strided_slice %add3A_2346 {offsets = [176, 0], sizes = [8, 2048], strides = [1, 1]} : vector<512x2048xf32> to vector<8x2048xf32>
    %lt3A_2496 = arith.cmpf olt, %slice3A_2495, %select_n3A_2490 : vector<8x2048xf32>
    %select_n3A_2497 = arith.select %lt3A_2496, %slice3A_2495, %select_n3A_2490 : vector<8x2048xi1>, vector<8x2048xf32>
    %add3A_2498 = arith.constant 176 : i32
    %add3A_2499 = vector.broadcast %add3A_2498 : i32 to vector<8x2048xi32>
    %add3A_2500 = arith.addi %iota3A, %add3A_2499 : vector<8x2048xi32>
    %select_n3A_2501 = arith.select %lt3A_2496, %add3A_2500, %select_n3A_2494 : vector<8x2048xi1>, vector<8x2048xi32>
    %slice3A_2502 = vector.extract_strided_slice %add3A_2346 {offsets = [184, 0], sizes = [8, 2048], strides = [1, 1]} : vector<512x2048xf32> to vector<8x2048xf32>
    %lt3A_2503 = arith.cmpf olt, %slice3A_2502, %select_n3A_2497 : vector<8x2048xf32>
    %select_n3A_2504 = arith.select %lt3A_2503, %slice3A_2502, %select_n3A_2497 : vector<8x2048xi1>, vector<8x2048xf32>
    %add3A_2505 = arith.constant 184 : i32
    %add3A_2506 = vector.broadcast %add3A_2505 : i32 to vector<8x2048xi32>
    %add3A_2507 = arith.addi %iota3A, %add3A_2506 : vector<8x2048xi32>
    %select_n3A_2508 = arith.select %lt3A_2503, %add3A_2507, %select_n3A_2501 : vector<8x2048xi1>, vector<8x2048xi32>
    %slice3A_2509 = vector.extract_strided_slice %add3A_2346 {offsets = [192, 0], sizes = [8, 2048], strides = [1, 1]} : vector<512x2048xf32> to vector<8x2048xf32>
    %lt3A_2510 = arith.cmpf olt, %slice3A_2509, %select_n3A_2504 : vector<8x2048xf32>
    %select_n3A_2511 = arith.select %lt3A_2510, %slice3A_2509, %select_n3A_2504 : vector<8x2048xi1>, vector<8x2048xf32>
    %add3A_2512 = arith.constant 192 : i32
    %add3A_2513 = vector.broadcast %add3A_2512 : i32 to vector<8x2048xi32>
    %add3A_2514 = arith.addi %iota3A, %add3A_2513 : vector<8x2048xi32>
    %select_n3A_2515 = arith.select %lt3A_2510, %add3A_2514, %select_n3A_2508 : vector<8x2048xi1>, vector<8x2048xi32>
    %slice3A_2516 = vector.extract_strided_slice %add3A_2346 {offsets = [200, 0], sizes = [8, 2048], strides = [1, 1]} : vector<512x2048xf32> to vector<8x2048xf32>
    %lt3A_2517 = arith.cmpf olt, %slice3A_2516, %select_n3A_2511 : vector<8x2048xf32>
    %select_n3A_2518 = arith.select %lt3A_2517, %slice3A_2516, %select_n3A_2511 : vector<8x2048xi1>, vector<8x2048xf32>
    %add3A_2519 = arith.constant 200 : i32
    %add3A_2520 = vector.broadcast %add3A_2519 : i32 to vector<8x2048xi32>
    %add3A_2521 = arith.addi %iota3A, %add3A_2520 : vector<8x2048xi32>
    %select_n3A_2522 = arith.select %lt3A_2517, %add3A_2521, %select_n3A_2515 : vector<8x2048xi1>, vector<8x2048xi32>
    %slice3A_2523 = vector.extract_strided_slice %add3A_2346 {offsets = [208, 0], sizes = [8, 2048], strides = [1, 1]} : vector<512x2048xf32> to vector<8x2048xf32>
    %lt3A_2524 = arith.cmpf olt, %slice3A_2523, %select_n3A_2518 : vector<8x2048xf32>
    %select_n3A_2525 = arith.select %lt3A_2524, %slice3A_2523, %select_n3A_2518 : vector<8x2048xi1>, vector<8x2048xf32>
    %add3A_2526 = arith.constant 208 : i32
    %add3A_2527 = vector.broadcast %add3A_2526 : i32 to vector<8x2048xi32>
    %add3A_2528 = arith.addi %iota3A, %add3A_2527 : vector<8x2048xi32>
    %select_n3A_2529 = arith.select %lt3A_2524, %add3A_2528, %select_n3A_2522 : vector<8x2048xi1>, vector<8x2048xi32>
    %slice3A_2530 = vector.extract_strided_slice %add3A_2346 {offsets = [216, 0], sizes = [8, 2048], strides = [1, 1]} : vector<512x2048xf32> to vector<8x2048xf32>
    %lt3A_2531 = arith.cmpf olt, %slice3A_2530, %select_n3A_2525 : vector<8x2048xf32>
    %select_n3A_2532 = arith.select %lt3A_2531, %slice3A_2530, %select_n3A_2525 : vector<8x2048xi1>, vector<8x2048xf32>
    %add3A_2533 = arith.constant 216 : i32
    %add3A_2534 = vector.broadcast %add3A_2533 : i32 to vector<8x2048xi32>
    %add3A_2535 = arith.addi %iota3A, %add3A_2534 : vector<8x2048xi32>
    %select_n3A_2536 = arith.select %lt3A_2531, %add3A_2535, %select_n3A_2529 : vector<8x2048xi1>, vector<8x2048xi32>
    %slice3A_2537 = vector.extract_strided_slice %add3A_2346 {offsets = [224, 0], sizes = [8, 2048], strides = [1, 1]} : vector<512x2048xf32> to vector<8x2048xf32>
    %lt3A_2538 = arith.cmpf olt, %slice3A_2537, %select_n3A_2532 : vector<8x2048xf32>
    %select_n3A_2539 = arith.select %lt3A_2538, %slice3A_2537, %select_n3A_2532 : vector<8x2048xi1>, vector<8x2048xf32>
    %add3A_2540 = arith.constant 224 : i32
    %add3A_2541 = vector.broadcast %add3A_2540 : i32 to vector<8x2048xi32>
    %add3A_2542 = arith.addi %iota3A, %add3A_2541 : vector<8x2048xi32>
    %select_n3A_2543 = arith.select %lt3A_2538, %add3A_2542, %select_n3A_2536 : vector<8x2048xi1>, vector<8x2048xi32>
    %slice3A_2544 = vector.extract_strided_slice %add3A_2346 {offsets = [232, 0], sizes = [8, 2048], strides = [1, 1]} : vector<512x2048xf32> to vector<8x2048xf32>
    %lt3A_2545 = arith.cmpf olt, %slice3A_2544, %select_n3A_2539 : vector<8x2048xf32>
    %select_n3A_2546 = arith.select %lt3A_2545, %slice3A_2544, %select_n3A_2539 : vector<8x2048xi1>, vector<8x2048xf32>
    %add3A_2547 = arith.constant 232 : i32
    %add3A_2548 = vector.broadcast %add3A_2547 : i32 to vector<8x2048xi32>
    %add3A_2549 = arith.addi %iota3A, %add3A_2548 : vector<8x2048xi32>
    %select_n3A_2550 = arith.select %lt3A_2545, %add3A_2549, %select_n3A_2543 : vector<8x2048xi1>, vector<8x2048xi32>
    %slice3A_2551 = vector.extract_strided_slice %add3A_2346 {offsets = [240, 0], sizes = [8, 2048], strides = [1, 1]} : vector<512x2048xf32> to vector<8x2048xf32>
    %lt3A_2552 = arith.cmpf olt, %slice3A_2551, %select_n3A_2546 : vector<8x2048xf32>
    %select_n3A_2553 = arith.select %lt3A_2552, %slice3A_2551, %select_n3A_2546 : vector<8x2048xi1>, vector<8x2048xf32>
    %add3A_2554 = arith.constant 240 : i32
    %add3A_2555 = vector.broadcast %add3A_2554 : i32 to vector<8x2048xi32>
    %add3A_2556 = arith.addi %iota3A, %add3A_2555 : vector<8x2048xi32>
    %select_n3A_2557 = arith.select %lt3A_2552, %add3A_2556, %select_n3A_2550 : vector<8x2048xi1>, vector<8x2048xi32>
    %slice3A_2558 = vector.extract_strided_slice %add3A_2346 {offsets = [248, 0], sizes = [8, 2048], strides = [1, 1]} : vector<512x2048xf32> to vector<8x2048xf32>
    %lt3A_2559 = arith.cmpf olt, %slice3A_2558, %select_n3A_2553 : vector<8x2048xf32>
    %select_n3A_2560 = arith.select %lt3A_2559, %slice3A_2558, %select_n3A_2553 : vector<8x2048xi1>, vector<8x2048xf32>
    %add3A_2561 = arith.constant 248 : i32
    %add3A_2562 = vector.broadcast %add3A_2561 : i32 to vector<8x2048xi32>
    %add3A_2563 = arith.addi %iota3A, %add3A_2562 : vector<8x2048xi32>
    %select_n3A_2564 = arith.select %lt3A_2559, %add3A_2563, %select_n3A_2557 : vector<8x2048xi1>, vector<8x2048xi32>
    %slice3A_2565 = vector.extract_strided_slice %add3A_2346 {offsets = [256, 0], sizes = [8, 2048], strides = [1, 1]} : vector<512x2048xf32> to vector<8x2048xf32>
    %lt3A_2566 = arith.cmpf olt, %slice3A_2565, %select_n3A_2560 : vector<8x2048xf32>
    %select_n3A_2567 = arith.select %lt3A_2566, %slice3A_2565, %select_n3A_2560 : vector<8x2048xi1>, vector<8x2048xf32>
    %add3A_2568 = arith.constant 256 : i32
    %add3A_2569 = vector.broadcast %add3A_2568 : i32 to vector<8x2048xi32>
    %add3A_2570 = arith.addi %iota3A, %add3A_2569 : vector<8x2048xi32>
    %select_n3A_2571 = arith.select %lt3A_2566, %add3A_2570, %select_n3A_2564 : vector<8x2048xi1>, vector<8x2048xi32>
    %slice3A_2572 = vector.extract_strided_slice %add3A_2346 {offsets = [264, 0], sizes = [8, 2048], strides = [1, 1]} : vector<512x2048xf32> to vector<8x2048xf32>
    %lt3A_2573 = arith.cmpf olt, %slice3A_2572, %select_n3A_2567 : vector<8x2048xf32>
    %select_n3A_2574 = arith.select %lt3A_2573, %slice3A_2572, %select_n3A_2567 : vector<8x2048xi1>, vector<8x2048xf32>
    %add3A_2575 = arith.constant 264 : i32
    %add3A_2576 = vector.broadcast %add3A_2575 : i32 to vector<8x2048xi32>
    %add3A_2577 = arith.addi %iota3A, %add3A_2576 : vector<8x2048xi32>
    %select_n3A_2578 = arith.select %lt3A_2573, %add3A_2577, %select_n3A_2571 : vector<8x2048xi1>, vector<8x2048xi32>
    %slice3A_2579 = vector.extract_strided_slice %add3A_2346 {offsets = [272, 0], sizes = [8, 2048], strides = [1, 1]} : vector<512x2048xf32> to vector<8x2048xf32>
    %lt3A_2580 = arith.cmpf olt, %slice3A_2579, %select_n3A_2574 : vector<8x2048xf32>
    %select_n3A_2581 = arith.select %lt3A_2580, %slice3A_2579, %select_n3A_2574 : vector<8x2048xi1>, vector<8x2048xf32>
    %add3A_2582 = arith.constant 272 : i32
    %add3A_2583 = vector.broadcast %add3A_2582 : i32 to vector<8x2048xi32>
    %add3A_2584 = arith.addi %iota3A, %add3A_2583 : vector<8x2048xi32>
    %select_n3A_2585 = arith.select %lt3A_2580, %add3A_2584, %select_n3A_2578 : vector<8x2048xi1>, vector<8x2048xi32>
    %slice3A_2586 = vector.extract_strided_slice %add3A_2346 {offsets = [280, 0], sizes = [8, 2048], strides = [1, 1]} : vector<512x2048xf32> to vector<8x2048xf32>
    %lt3A_2587 = arith.cmpf olt, %slice3A_2586, %select_n3A_2581 : vector<8x2048xf32>
    %select_n3A_2588 = arith.select %lt3A_2587, %slice3A_2586, %select_n3A_2581 : vector<8x2048xi1>, vector<8x2048xf32>
    %add3A_2589 = arith.constant 280 : i32
    %add3A_2590 = vector.broadcast %add3A_2589 : i32 to vector<8x2048xi32>
    %add3A_2591 = arith.addi %iota3A, %add3A_2590 : vector<8x2048xi32>
    %select_n3A_2592 = arith.select %lt3A_2587, %add3A_2591, %select_n3A_2585 : vector<8x2048xi1>, vector<8x2048xi32>
    %slice3A_2593 = vector.extract_strided_slice %add3A_2346 {offsets = [288, 0], sizes = [8, 2048], strides = [1, 1]} : vector<512x2048xf32> to vector<8x2048xf32>
    %lt3A_2594 = arith.cmpf olt, %slice3A_2593, %select_n3A_2588 : vector<8x2048xf32>
    %select_n3A_2595 = arith.select %lt3A_2594, %slice3A_2593, %select_n3A_2588 : vector<8x2048xi1>, vector<8x2048xf32>
    %add3A_2596 = arith.constant 288 : i32
    %add3A_2597 = vector.broadcast %add3A_2596 : i32 to vector<8x2048xi32>
    %add3A_2598 = arith.addi %iota3A, %add3A_2597 : vector<8x2048xi32>
    %select_n3A_2599 = arith.select %lt3A_2594, %add3A_2598, %select_n3A_2592 : vector<8x2048xi1>, vector<8x2048xi32>
    %slice3A_2600 = vector.extract_strided_slice %add3A_2346 {offsets = [296, 0], sizes = [8, 2048], strides = [1, 1]} : vector<512x2048xf32> to vector<8x2048xf32>
    %lt3A_2601 = arith.cmpf olt, %slice3A_2600, %select_n3A_2595 : vector<8x2048xf32>
    %select_n3A_2602 = arith.select %lt3A_2601, %slice3A_2600, %select_n3A_2595 : vector<8x2048xi1>, vector<8x2048xf32>
    %add3A_2603 = arith.constant 296 : i32
    %add3A_2604 = vector.broadcast %add3A_2603 : i32 to vector<8x2048xi32>
    %add3A_2605 = arith.addi %iota3A, %add3A_2604 : vector<8x2048xi32>
    %select_n3A_2606 = arith.select %lt3A_2601, %add3A_2605, %select_n3A_2599 : vector<8x2048xi1>, vector<8x2048xi32>
    %slice3A_2607 = vector.extract_strided_slice %add3A_2346 {offsets = [304, 0], sizes = [8, 2048], strides = [1, 1]} : vector<512x2048xf32> to vector<8x2048xf32>
    %lt3A_2608 = arith.cmpf olt, %slice3A_2607, %select_n3A_2602 : vector<8x2048xf32>
    %select_n3A_2609 = arith.select %lt3A_2608, %slice3A_2607, %select_n3A_2602 : vector<8x2048xi1>, vector<8x2048xf32>
    %add3A_2610 = arith.constant 304 : i32
    %add3A_2611 = vector.broadcast %add3A_2610 : i32 to vector<8x2048xi32>
    %add3A_2612 = arith.addi %iota3A, %add3A_2611 : vector<8x2048xi32>
    %select_n3A_2613 = arith.select %lt3A_2608, %add3A_2612, %select_n3A_2606 : vector<8x2048xi1>, vector<8x2048xi32>
    %slice3A_2614 = vector.extract_strided_slice %add3A_2346 {offsets = [312, 0], sizes = [8, 2048], strides = [1, 1]} : vector<512x2048xf32> to vector<8x2048xf32>
    %lt3A_2615 = arith.cmpf olt, %slice3A_2614, %select_n3A_2609 : vector<8x2048xf32>
    %select_n3A_2616 = arith.select %lt3A_2615, %slice3A_2614, %select_n3A_2609 : vector<8x2048xi1>, vector<8x2048xf32>
    %add3A_2617 = arith.constant 312 : i32
    %add3A_2618 = vector.broadcast %add3A_2617 : i32 to vector<8x2048xi32>
    %add3A_2619 = arith.addi %iota3A, %add3A_2618 : vector<8x2048xi32>
    %select_n3A_2620 = arith.select %lt3A_2615, %add3A_2619, %select_n3A_2613 : vector<8x2048xi1>, vector<8x2048xi32>
    %slice3A_2621 = vector.extract_strided_slice %add3A_2346 {offsets = [320, 0], sizes = [8, 2048], strides = [1, 1]} : vector<512x2048xf32> to vector<8x2048xf32>
    %lt3A_2622 = arith.cmpf olt, %slice3A_2621, %select_n3A_2616 : vector<8x2048xf32>
    %select_n3A_2623 = arith.select %lt3A_2622, %slice3A_2621, %select_n3A_2616 : vector<8x2048xi1>, vector<8x2048xf32>
    %add3A_2624 = arith.constant 320 : i32
    %add3A_2625 = vector.broadcast %add3A_2624 : i32 to vector<8x2048xi32>
    %add3A_2626 = arith.addi %iota3A, %add3A_2625 : vector<8x2048xi32>
    %select_n3A_2627 = arith.select %lt3A_2622, %add3A_2626, %select_n3A_2620 : vector<8x2048xi1>, vector<8x2048xi32>
    %slice3A_2628 = vector.extract_strided_slice %add3A_2346 {offsets = [328, 0], sizes = [8, 2048], strides = [1, 1]} : vector<512x2048xf32> to vector<8x2048xf32>
    %lt3A_2629 = arith.cmpf olt, %slice3A_2628, %select_n3A_2623 : vector<8x2048xf32>
    %select_n3A_2630 = arith.select %lt3A_2629, %slice3A_2628, %select_n3A_2623 : vector<8x2048xi1>, vector<8x2048xf32>
    %add3A_2631 = arith.constant 328 : i32
    %add3A_2632 = vector.broadcast %add3A_2631 : i32 to vector<8x2048xi32>
    %add3A_2633 = arith.addi %iota3A, %add3A_2632 : vector<8x2048xi32>
    %select_n3A_2634 = arith.select %lt3A_2629, %add3A_2633, %select_n3A_2627 : vector<8x2048xi1>, vector<8x2048xi32>
    %slice3A_2635 = vector.extract_strided_slice %add3A_2346 {offsets = [336, 0], sizes = [8, 2048], strides = [1, 1]} : vector<512x2048xf32> to vector<8x2048xf32>
    %lt3A_2636 = arith.cmpf olt, %slice3A_2635, %select_n3A_2630 : vector<8x2048xf32>
    %select_n3A_2637 = arith.select %lt3A_2636, %slice3A_2635, %select_n3A_2630 : vector<8x2048xi1>, vector<8x2048xf32>
    %add3A_2638 = arith.constant 336 : i32
    %add3A_2639 = vector.broadcast %add3A_2638 : i32 to vector<8x2048xi32>
    %add3A_2640 = arith.addi %iota3A, %add3A_2639 : vector<8x2048xi32>
    %select_n3A_2641 = arith.select %lt3A_2636, %add3A_2640, %select_n3A_2634 : vector<8x2048xi1>, vector<8x2048xi32>
    %slice3A_2642 = vector.extract_strided_slice %add3A_2346 {offsets = [344, 0], sizes = [8, 2048], strides = [1, 1]} : vector<512x2048xf32> to vector<8x2048xf32>
    %lt3A_2643 = arith.cmpf olt, %slice3A_2642, %select_n3A_2637 : vector<8x2048xf32>
    %select_n3A_2644 = arith.select %lt3A_2643, %slice3A_2642, %select_n3A_2637 : vector<8x2048xi1>, vector<8x2048xf32>
    %add3A_2645 = arith.constant 344 : i32
    %add3A_2646 = vector.broadcast %add3A_2645 : i32 to vector<8x2048xi32>
    %add3A_2647 = arith.addi %iota3A, %add3A_2646 : vector<8x2048xi32>
    %select_n3A_2648 = arith.select %lt3A_2643, %add3A_2647, %select_n3A_2641 : vector<8x2048xi1>, vector<8x2048xi32>
    %slice3A_2649 = vector.extract_strided_slice %add3A_2346 {offsets = [352, 0], sizes = [8, 2048], strides = [1, 1]} : vector<512x2048xf32> to vector<8x2048xf32>
    %lt3A_2650 = arith.cmpf olt, %slice3A_2649, %select_n3A_2644 : vector<8x2048xf32>
    %select_n3A_2651 = arith.select %lt3A_2650, %slice3A_2649, %select_n3A_2644 : vector<8x2048xi1>, vector<8x2048xf32>
    %add3A_2652 = arith.constant 352 : i32
    %add3A_2653 = vector.broadcast %add3A_2652 : i32 to vector<8x2048xi32>
    %add3A_2654 = arith.addi %iota3A, %add3A_2653 : vector<8x2048xi32>
    %select_n3A_2655 = arith.select %lt3A_2650, %add3A_2654, %select_n3A_2648 : vector<8x2048xi1>, vector<8x2048xi32>
    %slice3A_2656 = vector.extract_strided_slice %add3A_2346 {offsets = [360, 0], sizes = [8, 2048], strides = [1, 1]} : vector<512x2048xf32> to vector<8x2048xf32>
    %lt3A_2657 = arith.cmpf olt, %slice3A_2656, %select_n3A_2651 : vector<8x2048xf32>
    %select_n3A_2658 = arith.select %lt3A_2657, %slice3A_2656, %select_n3A_2651 : vector<8x2048xi1>, vector<8x2048xf32>
    %add3A_2659 = arith.constant 360 : i32
    %add3A_2660 = vector.broadcast %add3A_2659 : i32 to vector<8x2048xi32>
    %add3A_2661 = arith.addi %iota3A, %add3A_2660 : vector<8x2048xi32>
    %select_n3A_2662 = arith.select %lt3A_2657, %add3A_2661, %select_n3A_2655 : vector<8x2048xi1>, vector<8x2048xi32>
    %slice3A_2663 = vector.extract_strided_slice %add3A_2346 {offsets = [368, 0], sizes = [8, 2048], strides = [1, 1]} : vector<512x2048xf32> to vector<8x2048xf32>
    %lt3A_2664 = arith.cmpf olt, %slice3A_2663, %select_n3A_2658 : vector<8x2048xf32>
    %select_n3A_2665 = arith.select %lt3A_2664, %slice3A_2663, %select_n3A_2658 : vector<8x2048xi1>, vector<8x2048xf32>
    %add3A_2666 = arith.constant 368 : i32
    %add3A_2667 = vector.broadcast %add3A_2666 : i32 to vector<8x2048xi32>
    %add3A_2668 = arith.addi %iota3A, %add3A_2667 : vector<8x2048xi32>
    %select_n3A_2669 = arith.select %lt3A_2664, %add3A_2668, %select_n3A_2662 : vector<8x2048xi1>, vector<8x2048xi32>
    %slice3A_2670 = vector.extract_strided_slice %add3A_2346 {offsets = [376, 0], sizes = [8, 2048], strides = [1, 1]} : vector<512x2048xf32> to vector<8x2048xf32>
    %lt3A_2671 = arith.cmpf olt, %slice3A_2670, %select_n3A_2665 : vector<8x2048xf32>
    %select_n3A_2672 = arith.select %lt3A_2671, %slice3A_2670, %select_n3A_2665 : vector<8x2048xi1>, vector<8x2048xf32>
    %add3A_2673 = arith.constant 376 : i32
    %add3A_2674 = vector.broadcast %add3A_2673 : i32 to vector<8x2048xi32>
    %add3A_2675 = arith.addi %iota3A, %add3A_2674 : vector<8x2048xi32>
    %select_n3A_2676 = arith.select %lt3A_2671, %add3A_2675, %select_n3A_2669 : vector<8x2048xi1>, vector<8x2048xi32>
    %slice3A_2677 = vector.extract_strided_slice %add3A_2346 {offsets = [384, 0], sizes = [8, 2048], strides = [1, 1]} : vector<512x2048xf32> to vector<8x2048xf32>
    %lt3A_2678 = arith.cmpf olt, %slice3A_2677, %select_n3A_2672 : vector<8x2048xf32>
    %select_n3A_2679 = arith.select %lt3A_2678, %slice3A_2677, %select_n3A_2672 : vector<8x2048xi1>, vector<8x2048xf32>
    %add3A_2680 = arith.constant 384 : i32
    %add3A_2681 = vector.broadcast %add3A_2680 : i32 to vector<8x2048xi32>
    %add3A_2682 = arith.addi %iota3A, %add3A_2681 : vector<8x2048xi32>
    %select_n3A_2683 = arith.select %lt3A_2678, %add3A_2682, %select_n3A_2676 : vector<8x2048xi1>, vector<8x2048xi32>
    %slice3A_2684 = vector.extract_strided_slice %add3A_2346 {offsets = [392, 0], sizes = [8, 2048], strides = [1, 1]} : vector<512x2048xf32> to vector<8x2048xf32>
    %lt3A_2685 = arith.cmpf olt, %slice3A_2684, %select_n3A_2679 : vector<8x2048xf32>
    %select_n3A_2686 = arith.select %lt3A_2685, %slice3A_2684, %select_n3A_2679 : vector<8x2048xi1>, vector<8x2048xf32>
    %add3A_2687 = arith.constant 392 : i32
    %add3A_2688 = vector.broadcast %add3A_2687 : i32 to vector<8x2048xi32>
    %add3A_2689 = arith.addi %iota3A, %add3A_2688 : vector<8x2048xi32>
    %select_n3A_2690 = arith.select %lt3A_2685, %add3A_2689, %select_n3A_2683 : vector<8x2048xi1>, vector<8x2048xi32>
    %slice3A_2691 = vector.extract_strided_slice %add3A_2346 {offsets = [400, 0], sizes = [8, 2048], strides = [1, 1]} : vector<512x2048xf32> to vector<8x2048xf32>
    %lt3A_2692 = arith.cmpf olt, %slice3A_2691, %select_n3A_2686 : vector<8x2048xf32>
    %select_n3A_2693 = arith.select %lt3A_2692, %slice3A_2691, %select_n3A_2686 : vector<8x2048xi1>, vector<8x2048xf32>
    %add3A_2694 = arith.constant 400 : i32
    %add3A_2695 = vector.broadcast %add3A_2694 : i32 to vector<8x2048xi32>
    %add3A_2696 = arith.addi %iota3A, %add3A_2695 : vector<8x2048xi32>
    %select_n3A_2697 = arith.select %lt3A_2692, %add3A_2696, %select_n3A_2690 : vector<8x2048xi1>, vector<8x2048xi32>
    %slice3A_2698 = vector.extract_strided_slice %add3A_2346 {offsets = [408, 0], sizes = [8, 2048], strides = [1, 1]} : vector<512x2048xf32> to vector<8x2048xf32>
    %lt3A_2699 = arith.cmpf olt, %slice3A_2698, %select_n3A_2693 : vector<8x2048xf32>
    %select_n3A_2700 = arith.select %lt3A_2699, %slice3A_2698, %select_n3A_2693 : vector<8x2048xi1>, vector<8x2048xf32>
    %add3A_2701 = arith.constant 408 : i32
    %add3A_2702 = vector.broadcast %add3A_2701 : i32 to vector<8x2048xi32>
    %add3A_2703 = arith.addi %iota3A, %add3A_2702 : vector<8x2048xi32>
    %select_n3A_2704 = arith.select %lt3A_2699, %add3A_2703, %select_n3A_2697 : vector<8x2048xi1>, vector<8x2048xi32>
    %slice3A_2705 = vector.extract_strided_slice %add3A_2346 {offsets = [416, 0], sizes = [8, 2048], strides = [1, 1]} : vector<512x2048xf32> to vector<8x2048xf32>
    %lt3A_2706 = arith.cmpf olt, %slice3A_2705, %select_n3A_2700 : vector<8x2048xf32>
    %select_n3A_2707 = arith.select %lt3A_2706, %slice3A_2705, %select_n3A_2700 : vector<8x2048xi1>, vector<8x2048xf32>
    %add3A_2708 = arith.constant 416 : i32
    %add3A_2709 = vector.broadcast %add3A_2708 : i32 to vector<8x2048xi32>
    %add3A_2710 = arith.addi %iota3A, %add3A_2709 : vector<8x2048xi32>
    %select_n3A_2711 = arith.select %lt3A_2706, %add3A_2710, %select_n3A_2704 : vector<8x2048xi1>, vector<8x2048xi32>
    %slice3A_2712 = vector.extract_strided_slice %add3A_2346 {offsets = [424, 0], sizes = [8, 2048], strides = [1, 1]} : vector<512x2048xf32> to vector<8x2048xf32>
    %lt3A_2713 = arith.cmpf olt, %slice3A_2712, %select_n3A_2707 : vector<8x2048xf32>
    %select_n3A_2714 = arith.select %lt3A_2713, %slice3A_2712, %select_n3A_2707 : vector<8x2048xi1>, vector<8x2048xf32>
    %add3A_2715 = arith.constant 424 : i32
    %add3A_2716 = vector.broadcast %add3A_2715 : i32 to vector<8x2048xi32>
    %add3A_2717 = arith.addi %iota3A, %add3A_2716 : vector<8x2048xi32>
    %select_n3A_2718 = arith.select %lt3A_2713, %add3A_2717, %select_n3A_2711 : vector<8x2048xi1>, vector<8x2048xi32>
    %slice3A_2719 = vector.extract_strided_slice %add3A_2346 {offsets = [432, 0], sizes = [8, 2048], strides = [1, 1]} : vector<512x2048xf32> to vector<8x2048xf32>
    %lt3A_2720 = arith.cmpf olt, %slice3A_2719, %select_n3A_2714 : vector<8x2048xf32>
    %select_n3A_2721 = arith.select %lt3A_2720, %slice3A_2719, %select_n3A_2714 : vector<8x2048xi1>, vector<8x2048xf32>
    %add3A_2722 = arith.constant 432 : i32
    %add3A_2723 = vector.broadcast %add3A_2722 : i32 to vector<8x2048xi32>
    %add3A_2724 = arith.addi %iota3A, %add3A_2723 : vector<8x2048xi32>
    %select_n3A_2725 = arith.select %lt3A_2720, %add3A_2724, %select_n3A_2718 : vector<8x2048xi1>, vector<8x2048xi32>
    %slice3A_2726 = vector.extract_strided_slice %add3A_2346 {offsets = [440, 0], sizes = [8, 2048], strides = [1, 1]} : vector<512x2048xf32> to vector<8x2048xf32>
    %lt3A_2727 = arith.cmpf olt, %slice3A_2726, %select_n3A_2721 : vector<8x2048xf32>
    %select_n3A_2728 = arith.select %lt3A_2727, %slice3A_2726, %select_n3A_2721 : vector<8x2048xi1>, vector<8x2048xf32>
    %add3A_2729 = arith.constant 440 : i32
    %add3A_2730 = vector.broadcast %add3A_2729 : i32 to vector<8x2048xi32>
    %add3A_2731 = arith.addi %iota3A, %add3A_2730 : vector<8x2048xi32>
    %select_n3A_2732 = arith.select %lt3A_2727, %add3A_2731, %select_n3A_2725 : vector<8x2048xi1>, vector<8x2048xi32>
    %slice3A_2733 = vector.extract_strided_slice %add3A_2346 {offsets = [448, 0], sizes = [8, 2048], strides = [1, 1]} : vector<512x2048xf32> to vector<8x2048xf32>
    %lt3A_2734 = arith.cmpf olt, %slice3A_2733, %select_n3A_2728 : vector<8x2048xf32>
    %select_n3A_2735 = arith.select %lt3A_2734, %slice3A_2733, %select_n3A_2728 : vector<8x2048xi1>, vector<8x2048xf32>
    %add3A_2736 = arith.constant 448 : i32
    %add3A_2737 = vector.broadcast %add3A_2736 : i32 to vector<8x2048xi32>
    %add3A_2738 = arith.addi %iota3A, %add3A_2737 : vector<8x2048xi32>
    %select_n3A_2739 = arith.select %lt3A_2734, %add3A_2738, %select_n3A_2732 : vector<8x2048xi1>, vector<8x2048xi32>
    %slice3A_2740 = vector.extract_strided_slice %add3A_2346 {offsets = [456, 0], sizes = [8, 2048], strides = [1, 1]} : vector<512x2048xf32> to vector<8x2048xf32>
    %lt3A_2741 = arith.cmpf olt, %slice3A_2740, %select_n3A_2735 : vector<8x2048xf32>
    %select_n3A_2742 = arith.select %lt3A_2741, %slice3A_2740, %select_n3A_2735 : vector<8x2048xi1>, vector<8x2048xf32>
    %add3A_2743 = arith.constant 456 : i32
    %add3A_2744 = vector.broadcast %add3A_2743 : i32 to vector<8x2048xi32>
    %add3A_2745 = arith.addi %iota3A, %add3A_2744 : vector<8x2048xi32>
    %select_n3A_2746 = arith.select %lt3A_2741, %add3A_2745, %select_n3A_2739 : vector<8x2048xi1>, vector<8x2048xi32>
    %slice3A_2747 = vector.extract_strided_slice %add3A_2346 {offsets = [464, 0], sizes = [8, 2048], strides = [1, 1]} : vector<512x2048xf32> to vector<8x2048xf32>
    %lt3A_2748 = arith.cmpf olt, %slice3A_2747, %select_n3A_2742 : vector<8x2048xf32>
    %select_n3A_2749 = arith.select %lt3A_2748, %slice3A_2747, %select_n3A_2742 : vector<8x2048xi1>, vector<8x2048xf32>
    %add3A_2750 = arith.constant 464 : i32
    %add3A_2751 = vector.broadcast %add3A_2750 : i32 to vector<8x2048xi32>
    %add3A_2752 = arith.addi %iota3A, %add3A_2751 : vector<8x2048xi32>
    %select_n3A_2753 = arith.select %lt3A_2748, %add3A_2752, %select_n3A_2746 : vector<8x2048xi1>, vector<8x2048xi32>
    %slice3A_2754 = vector.extract_strided_slice %add3A_2346 {offsets = [472, 0], sizes = [8, 2048], strides = [1, 1]} : vector<512x2048xf32> to vector<8x2048xf32>
    %lt3A_2755 = arith.cmpf olt, %slice3A_2754, %select_n3A_2749 : vector<8x2048xf32>
    %select_n3A_2756 = arith.select %lt3A_2755, %slice3A_2754, %select_n3A_2749 : vector<8x2048xi1>, vector<8x2048xf32>
    %add3A_2757 = arith.constant 472 : i32
    %add3A_2758 = vector.broadcast %add3A_2757 : i32 to vector<8x2048xi32>
    %add3A_2759 = arith.addi %iota3A, %add3A_2758 : vector<8x2048xi32>
    %select_n3A_2760 = arith.select %lt3A_2755, %add3A_2759, %select_n3A_2753 : vector<8x2048xi1>, vector<8x2048xi32>
    %slice3A_2761 = vector.extract_strided_slice %add3A_2346 {offsets = [480, 0], sizes = [8, 2048], strides = [1, 1]} : vector<512x2048xf32> to vector<8x2048xf32>
    %lt3A_2762 = arith.cmpf olt, %slice3A_2761, %select_n3A_2756 : vector<8x2048xf32>
    %select_n3A_2763 = arith.select %lt3A_2762, %slice3A_2761, %select_n3A_2756 : vector<8x2048xi1>, vector<8x2048xf32>
    %add3A_2764 = arith.constant 480 : i32
    %add3A_2765 = vector.broadcast %add3A_2764 : i32 to vector<8x2048xi32>
    %add3A_2766 = arith.addi %iota3A, %add3A_2765 : vector<8x2048xi32>
    %select_n3A_2767 = arith.select %lt3A_2762, %add3A_2766, %select_n3A_2760 : vector<8x2048xi1>, vector<8x2048xi32>
    %slice3A_2768 = vector.extract_strided_slice %add3A_2346 {offsets = [488, 0], sizes = [8, 2048], strides = [1, 1]} : vector<512x2048xf32> to vector<8x2048xf32>
    %lt3A_2769 = arith.cmpf olt, %slice3A_2768, %select_n3A_2763 : vector<8x2048xf32>
    %select_n3A_2770 = arith.select %lt3A_2769, %slice3A_2768, %select_n3A_2763 : vector<8x2048xi1>, vector<8x2048xf32>
    %add3A_2771 = arith.constant 488 : i32
    %add3A_2772 = vector.broadcast %add3A_2771 : i32 to vector<8x2048xi32>
    %add3A_2773 = arith.addi %iota3A, %add3A_2772 : vector<8x2048xi32>
    %select_n3A_2774 = arith.select %lt3A_2769, %add3A_2773, %select_n3A_2767 : vector<8x2048xi1>, vector<8x2048xi32>
    %slice3A_2775 = vector.extract_strided_slice %add3A_2346 {offsets = [496, 0], sizes = [8, 2048], strides = [1, 1]} : vector<512x2048xf32> to vector<8x2048xf32>
    %lt3A_2776 = arith.cmpf olt, %slice3A_2775, %select_n3A_2770 : vector<8x2048xf32>
    %select_n3A_2777 = arith.select %lt3A_2776, %slice3A_2775, %select_n3A_2770 : vector<8x2048xi1>, vector<8x2048xf32>
    %add3A_2778 = arith.constant 496 : i32
    %add3A_2779 = vector.broadcast %add3A_2778 : i32 to vector<8x2048xi32>
    %add3A_2780 = arith.addi %iota3A, %add3A_2779 : vector<8x2048xi32>
    %select_n3A_2781 = arith.select %lt3A_2776, %add3A_2780, %select_n3A_2774 : vector<8x2048xi1>, vector<8x2048xi32>
    %slice3A_2782 = vector.extract_strided_slice %add3A_2346 {offsets = [504, 0], sizes = [8, 2048], strides = [1, 1]} : vector<512x2048xf32> to vector<8x2048xf32>
    %lt3A_2783 = arith.cmpf olt, %slice3A_2782, %select_n3A_2777 : vector<8x2048xf32>
    %select_n3A_2784 = arith.select %lt3A_2783, %slice3A_2782, %select_n3A_2777 : vector<8x2048xi1>, vector<8x2048xf32>
    %add3A_2785 = arith.constant 504 : i32
    %add3A_2786 = vector.broadcast %add3A_2785 : i32 to vector<8x2048xi32>
    %add3A_2787 = arith.addi %iota3A, %add3A_2786 : vector<8x2048xi32>
    %select_n3A_2788 = arith.select %lt3A_2783, %add3A_2787, %select_n3A_2781 : vector<8x2048xi1>, vector<8x2048xi32>
    %reduce_min3A_2789 = arith.constant dense<0x7F800000> : vector<2048xf32>
    %reduce_min3A_2790 = vector.multi_reduction <minimumf>, %select_n3A_2784, %reduce_min3A_2789 [0] : vector<8x2048xf32> to vector<2048xf32>
    %broadcast_in_dim3A_2791 = vector.shape_cast %reduce_min3A_2790 : vector<2048xf32> to vector<1x2048xf32>
    %eq3A_2792 = vector.broadcast %broadcast_in_dim3A_2791 : vector<1x2048xf32> to vector<8x2048xf32>
    %eq3A_2793 = arith.cmpf oeq, %select_n3A_2784, %eq3A_2792 : vector<8x2048xf32>
    %jit3A_2794 = arith.constant 512 : i32
    %broadcast_in_dim3A_2795 = vector.broadcast %jit3A_2794 : i32 to vector<8x2048xi32>
    %select_n3A_2796 = arith.select %eq3A_2793, %select_n3A_2788, %broadcast_in_dim3A_2795 : vector<8x2048xi1>, vector<8x2048xi32>
    %reduce_min3A_2797 = arith.constant dense<2147483647> : vector<2048xi32>
    %reduce_min3A_2798 = vector.multi_reduction <minsi>, %select_n3A_2796, %reduce_min3A_2797 [0] : vector<8x2048xi32> to vector<2048xi32>
    %swap3A_2799 = arith.constant 5 : index
    %swap3A_2800 = arith.constant 0 : index
    %swap3A_2801 = vector.load %arg4[%swap3A_2799, %swap3A_2800] : memref<8x2048xi32, #tpu.memory_space<vmem>>, vector<1x2048xi32>
    %swap3A_2802 = vector.shape_cast %swap3A_2801 : vector<1x2048xi32> to vector<2048xi32>
    %swap3A_2803 = vector.shape_cast %reduce_min3A_2798 : vector<2048xi32> to vector<1x2048xi32>
    tpu.vector_store %arg4[%swap3A_2799, %swap3A_2800], %swap3A_2803 {strides = array<i32>} : memref<8x2048xi32, #tpu.memory_space<vmem>>, vector<1x2048xi32>,
    %reduce_sum3A_2804 = vector.shape_cast %broadcast_in_dim3A_2791 : vector<1x2048xf32> to vector<1x1x2048xf32>
    %reduce_sum3A_2805 = arith.constant dense<0.000000e+00> : vector<1xf32>
    %reduce_sum3A_2806 = vector.multi_reduction <add>, %reduce_sum3A_2804, %reduce_sum3A_2805 [1, 2] : vector<1x1x2048xf32> to vector<1xf32>
    %reduce_sum3A_2807 = vector.shape_cast %reduce_sum3A_2806 : vector<1xf32> to vector<1x1x1xf32>
    %reduce_sum3A_2808 = vector.extract %reduce_sum3A_2807[0, 0, 0] : f32 from vector<1x1x1xf32>
    %add3A_2809 = arith.addf %add3A_2341, %reduce_sum3A_2808 : f32
    %slice3A_2810 = vector.extract_strided_slice %get3A_1 {offsets = [192, 0], sizes = [32, 2048], strides = [1, 1]} : vector<256x2048xf32> to vector<32x2048xf32>
    %dot_general3A_2811 = arith.constant dense<0.000000e+00> : vector<512x2048xf32>
    %dot_general3A_2812 = tpu.matmul %get3A_4, %slice3A_2810, %dot_general3A_2811 {dimension_numbers = #tpu.dot_dimension_numbers<[1], [0], [0], [1], [0, 0, 1, 1], [], []>, transpose_lhs_hint = false} : vector<512x32xf32>, vector<32x2048xf32>, vector<512x2048xf32> -> vector<512x2048xf32>
    %add3A_2813 = vector.broadcast %get3A_7 : vector<512x1xf32> to vector<512x2048xf32>
    %add3A_2814 = arith.addf %dot_general3A_2812, %add3A_2813 : vector<512x2048xf32>
    %slice3A_2815 = vector.extract_strided_slice %add3A_2814 {offsets = [0, 0], sizes = [8, 2048], strides = [1, 1]} : vector<512x2048xf32> to vector<8x2048xf32>
    %slice3A_2816 = vector.extract_strided_slice %add3A_2814 {offsets = [8, 0], sizes = [8, 2048], strides = [1, 1]} : vector<512x2048xf32> to vector<8x2048xf32>
    %lt3A_2817 = arith.cmpf olt, %slice3A_2816, %slice3A_2815 : vector<8x2048xf32>
    %select_n3A_2818 = arith.select %lt3A_2817, %slice3A_2816, %slice3A_2815 : vector<8x2048xi1>, vector<8x2048xf32>
    %add3A_2819 = arith.constant 8 : i32
    %add3A_2820 = vector.broadcast %add3A_2819 : i32 to vector<8x2048xi32>
    %add3A_2821 = arith.addi %iota3A, %add3A_2820 : vector<8x2048xi32>
    %select_n3A_2822 = arith.select %lt3A_2817, %add3A_2821, %iota3A : vector<8x2048xi1>, vector<8x2048xi32>
    %slice3A_2823 = vector.extract_strided_slice %add3A_2814 {offsets = [16, 0], sizes = [8, 2048], strides = [1, 1]} : vector<512x2048xf32> to vector<8x2048xf32>
    %lt3A_2824 = arith.cmpf olt, %slice3A_2823, %select_n3A_2818 : vector<8x2048xf32>
    %select_n3A_2825 = arith.select %lt3A_2824, %slice3A_2823, %select_n3A_2818 : vector<8x2048xi1>, vector<8x2048xf32>
    %add3A_2826 = arith.constant 16 : i32
    %add3A_2827 = vector.broadcast %add3A_2826 : i32 to vector<8x2048xi32>
    %add3A_2828 = arith.addi %iota3A, %add3A_2827 : vector<8x2048xi32>
    %select_n3A_2829 = arith.select %lt3A_2824, %add3A_2828, %select_n3A_2822 : vector<8x2048xi1>, vector<8x2048xi32>
    %slice3A_2830 = vector.extract_strided_slice %add3A_2814 {offsets = [24, 0], sizes = [8, 2048], strides = [1, 1]} : vector<512x2048xf32> to vector<8x2048xf32>
    %lt3A_2831 = arith.cmpf olt, %slice3A_2830, %select_n3A_2825 : vector<8x2048xf32>
    %select_n3A_2832 = arith.select %lt3A_2831, %slice3A_2830, %select_n3A_2825 : vector<8x2048xi1>, vector<8x2048xf32>
    %add3A_2833 = arith.constant 24 : i32
    %add3A_2834 = vector.broadcast %add3A_2833 : i32 to vector<8x2048xi32>
    %add3A_2835 = arith.addi %iota3A, %add3A_2834 : vector<8x2048xi32>
    %select_n3A_2836 = arith.select %lt3A_2831, %add3A_2835, %select_n3A_2829 : vector<8x2048xi1>, vector<8x2048xi32>
    %slice3A_2837 = vector.extract_strided_slice %add3A_2814 {offsets = [32, 0], sizes = [8, 2048], strides = [1, 1]} : vector<512x2048xf32> to vector<8x2048xf32>
    %lt3A_2838 = arith.cmpf olt, %slice3A_2837, %select_n3A_2832 : vector<8x2048xf32>
    %select_n3A_2839 = arith.select %lt3A_2838, %slice3A_2837, %select_n3A_2832 : vector<8x2048xi1>, vector<8x2048xf32>
    %add3A_2840 = arith.constant 32 : i32
    %add3A_2841 = vector.broadcast %add3A_2840 : i32 to vector<8x2048xi32>
    %add3A_2842 = arith.addi %iota3A, %add3A_2841 : vector<8x2048xi32>
    %select_n3A_2843 = arith.select %lt3A_2838, %add3A_2842, %select_n3A_2836 : vector<8x2048xi1>, vector<8x2048xi32>
    %slice3A_2844 = vector.extract_strided_slice %add3A_2814 {offsets = [40, 0], sizes = [8, 2048], strides = [1, 1]} : vector<512x2048xf32> to vector<8x2048xf32>
    %lt3A_2845 = arith.cmpf olt, %slice3A_2844, %select_n3A_2839 : vector<8x2048xf32>
    %select_n3A_2846 = arith.select %lt3A_2845, %slice3A_2844, %select_n3A_2839 : vector<8x2048xi1>, vector<8x2048xf32>
    %add3A_2847 = arith.constant 40 : i32
    %add3A_2848 = vector.broadcast %add3A_2847 : i32 to vector<8x2048xi32>
    %add3A_2849 = arith.addi %iota3A, %add3A_2848 : vector<8x2048xi32>
    %select_n3A_2850 = arith.select %lt3A_2845, %add3A_2849, %select_n3A_2843 : vector<8x2048xi1>, vector<8x2048xi32>
    %slice3A_2851 = vector.extract_strided_slice %add3A_2814 {offsets = [48, 0], sizes = [8, 2048], strides = [1, 1]} : vector<512x2048xf32> to vector<8x2048xf32>
    %lt3A_2852 = arith.cmpf olt, %slice3A_2851, %select_n3A_2846 : vector<8x2048xf32>
    %select_n3A_2853 = arith.select %lt3A_2852, %slice3A_2851, %select_n3A_2846 : vector<8x2048xi1>, vector<8x2048xf32>
    %add3A_2854 = arith.constant 48 : i32
    %add3A_2855 = vector.broadcast %add3A_2854 : i32 to vector<8x2048xi32>
    %add3A_2856 = arith.addi %iota3A, %add3A_2855 : vector<8x2048xi32>
    %select_n3A_2857 = arith.select %lt3A_2852, %add3A_2856, %select_n3A_2850 : vector<8x2048xi1>, vector<8x2048xi32>
    %slice3A_2858 = vector.extract_strided_slice %add3A_2814 {offsets = [56, 0], sizes = [8, 2048], strides = [1, 1]} : vector<512x2048xf32> to vector<8x2048xf32>
    %lt3A_2859 = arith.cmpf olt, %slice3A_2858, %select_n3A_2853 : vector<8x2048xf32>
    %select_n3A_2860 = arith.select %lt3A_2859, %slice3A_2858, %select_n3A_2853 : vector<8x2048xi1>, vector<8x2048xf32>
    %add3A_2861 = arith.constant 56 : i32
    %add3A_2862 = vector.broadcast %add3A_2861 : i32 to vector<8x2048xi32>
    %add3A_2863 = arith.addi %iota3A, %add3A_2862 : vector<8x2048xi32>
    %select_n3A_2864 = arith.select %lt3A_2859, %add3A_2863, %select_n3A_2857 : vector<8x2048xi1>, vector<8x2048xi32>
    %slice3A_2865 = vector.extract_strided_slice %add3A_2814 {offsets = [64, 0], sizes = [8, 2048], strides = [1, 1]} : vector<512x2048xf32> to vector<8x2048xf32>
    %lt3A_2866 = arith.cmpf olt, %slice3A_2865, %select_n3A_2860 : vector<8x2048xf32>
    %select_n3A_2867 = arith.select %lt3A_2866, %slice3A_2865, %select_n3A_2860 : vector<8x2048xi1>, vector<8x2048xf32>
    %add3A_2868 = arith.constant 64 : i32
    %add3A_2869 = vector.broadcast %add3A_2868 : i32 to vector<8x2048xi32>
    %add3A_2870 = arith.addi %iota3A, %add3A_2869 : vector<8x2048xi32>
    %select_n3A_2871 = arith.select %lt3A_2866, %add3A_2870, %select_n3A_2864 : vector<8x2048xi1>, vector<8x2048xi32>
    %slice3A_2872 = vector.extract_strided_slice %add3A_2814 {offsets = [72, 0], sizes = [8, 2048], strides = [1, 1]} : vector<512x2048xf32> to vector<8x2048xf32>
    %lt3A_2873 = arith.cmpf olt, %slice3A_2872, %select_n3A_2867 : vector<8x2048xf32>
    %select_n3A_2874 = arith.select %lt3A_2873, %slice3A_2872, %select_n3A_2867 : vector<8x2048xi1>, vector<8x2048xf32>
    %add3A_2875 = arith.constant 72 : i32
    %add3A_2876 = vector.broadcast %add3A_2875 : i32 to vector<8x2048xi32>
    %add3A_2877 = arith.addi %iota3A, %add3A_2876 : vector<8x2048xi32>
    %select_n3A_2878 = arith.select %lt3A_2873, %add3A_2877, %select_n3A_2871 : vector<8x2048xi1>, vector<8x2048xi32>
    %slice3A_2879 = vector.extract_strided_slice %add3A_2814 {offsets = [80, 0], sizes = [8, 2048], strides = [1, 1]} : vector<512x2048xf32> to vector<8x2048xf32>
    %lt3A_2880 = arith.cmpf olt, %slice3A_2879, %select_n3A_2874 : vector<8x2048xf32>
    %select_n3A_2881 = arith.select %lt3A_2880, %slice3A_2879, %select_n3A_2874 : vector<8x2048xi1>, vector<8x2048xf32>
    %add3A_2882 = arith.constant 80 : i32
    %add3A_2883 = vector.broadcast %add3A_2882 : i32 to vector<8x2048xi32>
    %add3A_2884 = arith.addi %iota3A, %add3A_2883 : vector<8x2048xi32>
    %select_n3A_2885 = arith.select %lt3A_2880, %add3A_2884, %select_n3A_2878 : vector<8x2048xi1>, vector<8x2048xi32>
    %slice3A_2886 = vector.extract_strided_slice %add3A_2814 {offsets = [88, 0], sizes = [8, 2048], strides = [1, 1]} : vector<512x2048xf32> to vector<8x2048xf32>
    %lt3A_2887 = arith.cmpf olt, %slice3A_2886, %select_n3A_2881 : vector<8x2048xf32>
    %select_n3A_2888 = arith.select %lt3A_2887, %slice3A_2886, %select_n3A_2881 : vector<8x2048xi1>, vector<8x2048xf32>
    %add3A_2889 = arith.constant 88 : i32
    %add3A_2890 = vector.broadcast %add3A_2889 : i32 to vector<8x2048xi32>
    %add3A_2891 = arith.addi %iota3A, %add3A_2890 : vector<8x2048xi32>
    %select_n3A_2892 = arith.select %lt3A_2887, %add3A_2891, %select_n3A_2885 : vector<8x2048xi1>, vector<8x2048xi32>
    %slice3A_2893 = vector.extract_strided_slice %add3A_2814 {offsets = [96, 0], sizes = [8, 2048], strides = [1, 1]} : vector<512x2048xf32> to vector<8x2048xf32>
    %lt3A_2894 = arith.cmpf olt, %slice3A_2893, %select_n3A_2888 : vector<8x2048xf32>
    %select_n3A_2895 = arith.select %lt3A_2894, %slice3A_2893, %select_n3A_2888 : vector<8x2048xi1>, vector<8x2048xf32>
    %add3A_2896 = arith.constant 96 : i32
    %add3A_2897 = vector.broadcast %add3A_2896 : i32 to vector<8x2048xi32>
    %add3A_2898 = arith.addi %iota3A, %add3A_2897 : vector<8x2048xi32>
    %select_n3A_2899 = arith.select %lt3A_2894, %add3A_2898, %select_n3A_2892 : vector<8x2048xi1>, vector<8x2048xi32>
    %slice3A_2900 = vector.extract_strided_slice %add3A_2814 {offsets = [104, 0], sizes = [8, 2048], strides = [1, 1]} : vector<512x2048xf32> to vector<8x2048xf32>
    %lt3A_2901 = arith.cmpf olt, %slice3A_2900, %select_n3A_2895 : vector<8x2048xf32>
    %select_n3A_2902 = arith.select %lt3A_2901, %slice3A_2900, %select_n3A_2895 : vector<8x2048xi1>, vector<8x2048xf32>
    %add3A_2903 = arith.constant 104 : i32
    %add3A_2904 = vector.broadcast %add3A_2903 : i32 to vector<8x2048xi32>
    %add3A_2905 = arith.addi %iota3A, %add3A_2904 : vector<8x2048xi32>
    %select_n3A_2906 = arith.select %lt3A_2901, %add3A_2905, %select_n3A_2899 : vector<8x2048xi1>, vector<8x2048xi32>
    %slice3A_2907 = vector.extract_strided_slice %add3A_2814 {offsets = [112, 0], sizes = [8, 2048], strides = [1, 1]} : vector<512x2048xf32> to vector<8x2048xf32>
    %lt3A_2908 = arith.cmpf olt, %slice3A_2907, %select_n3A_2902 : vector<8x2048xf32>
    %select_n3A_2909 = arith.select %lt3A_2908, %slice3A_2907, %select_n3A_2902 : vector<8x2048xi1>, vector<8x2048xf32>
    %add3A_2910 = arith.constant 112 : i32
    %add3A_2911 = vector.broadcast %add3A_2910 : i32 to vector<8x2048xi32>
    %add3A_2912 = arith.addi %iota3A, %add3A_2911 : vector<8x2048xi32>
    %select_n3A_2913 = arith.select %lt3A_2908, %add3A_2912, %select_n3A_2906 : vector<8x2048xi1>, vector<8x2048xi32>
    %slice3A_2914 = vector.extract_strided_slice %add3A_2814 {offsets = [120, 0], sizes = [8, 2048], strides = [1, 1]} : vector<512x2048xf32> to vector<8x2048xf32>
    %lt3A_2915 = arith.cmpf olt, %slice3A_2914, %select_n3A_2909 : vector<8x2048xf32>
    %select_n3A_2916 = arith.select %lt3A_2915, %slice3A_2914, %select_n3A_2909 : vector<8x2048xi1>, vector<8x2048xf32>
    %add3A_2917 = arith.constant 120 : i32
    %add3A_2918 = vector.broadcast %add3A_2917 : i32 to vector<8x2048xi32>
    %add3A_2919 = arith.addi %iota3A, %add3A_2918 : vector<8x2048xi32>
    %select_n3A_2920 = arith.select %lt3A_2915, %add3A_2919, %select_n3A_2913 : vector<8x2048xi1>, vector<8x2048xi32>
    %slice3A_2921 = vector.extract_strided_slice %add3A_2814 {offsets = [128, 0], sizes = [8, 2048], strides = [1, 1]} : vector<512x2048xf32> to vector<8x2048xf32>
    %lt3A_2922 = arith.cmpf olt, %slice3A_2921, %select_n3A_2916 : vector<8x2048xf32>
    %select_n3A_2923 = arith.select %lt3A_2922, %slice3A_2921, %select_n3A_2916 : vector<8x2048xi1>, vector<8x2048xf32>
    %add3A_2924 = arith.constant 128 : i32
    %add3A_2925 = vector.broadcast %add3A_2924 : i32 to vector<8x2048xi32>
    %add3A_2926 = arith.addi %iota3A, %add3A_2925 : vector<8x2048xi32>
    %select_n3A_2927 = arith.select %lt3A_2922, %add3A_2926, %select_n3A_2920 : vector<8x2048xi1>, vector<8x2048xi32>
    %slice3A_2928 = vector.extract_strided_slice %add3A_2814 {offsets = [136, 0], sizes = [8, 2048], strides = [1, 1]} : vector<512x2048xf32> to vector<8x2048xf32>
    %lt3A_2929 = arith.cmpf olt, %slice3A_2928, %select_n3A_2923 : vector<8x2048xf32>
    %select_n3A_2930 = arith.select %lt3A_2929, %slice3A_2928, %select_n3A_2923 : vector<8x2048xi1>, vector<8x2048xf32>
    %add3A_2931 = arith.constant 136 : i32
    %add3A_2932 = vector.broadcast %add3A_2931 : i32 to vector<8x2048xi32>
    %add3A_2933 = arith.addi %iota3A, %add3A_2932 : vector<8x2048xi32>
    %select_n3A_2934 = arith.select %lt3A_2929, %add3A_2933, %select_n3A_2927 : vector<8x2048xi1>, vector<8x2048xi32>
    %slice3A_2935 = vector.extract_strided_slice %add3A_2814 {offsets = [144, 0], sizes = [8, 2048], strides = [1, 1]} : vector<512x2048xf32> to vector<8x2048xf32>
    %lt3A_2936 = arith.cmpf olt, %slice3A_2935, %select_n3A_2930 : vector<8x2048xf32>
    %select_n3A_2937 = arith.select %lt3A_2936, %slice3A_2935, %select_n3A_2930 : vector<8x2048xi1>, vector<8x2048xf32>
    %add3A_2938 = arith.constant 144 : i32
    %add3A_2939 = vector.broadcast %add3A_2938 : i32 to vector<8x2048xi32>
    %add3A_2940 = arith.addi %iota3A, %add3A_2939 : vector<8x2048xi32>
    %select_n3A_2941 = arith.select %lt3A_2936, %add3A_2940, %select_n3A_2934 : vector<8x2048xi1>, vector<8x2048xi32>
    %slice3A_2942 = vector.extract_strided_slice %add3A_2814 {offsets = [152, 0], sizes = [8, 2048], strides = [1, 1]} : vector<512x2048xf32> to vector<8x2048xf32>
    %lt3A_2943 = arith.cmpf olt, %slice3A_2942, %select_n3A_2937 : vector<8x2048xf32>
    %select_n3A_2944 = arith.select %lt3A_2943, %slice3A_2942, %select_n3A_2937 : vector<8x2048xi1>, vector<8x2048xf32>
    %add3A_2945 = arith.constant 152 : i32
    %add3A_2946 = vector.broadcast %add3A_2945 : i32 to vector<8x2048xi32>
    %add3A_2947 = arith.addi %iota3A, %add3A_2946 : vector<8x2048xi32>
    %select_n3A_2948 = arith.select %lt3A_2943, %add3A_2947, %select_n3A_2941 : vector<8x2048xi1>, vector<8x2048xi32>
    %slice3A_2949 = vector.extract_strided_slice %add3A_2814 {offsets = [160, 0], sizes = [8, 2048], strides = [1, 1]} : vector<512x2048xf32> to vector<8x2048xf32>
    %lt3A_2950 = arith.cmpf olt, %slice3A_2949, %select_n3A_2944 : vector<8x2048xf32>
    %select_n3A_2951 = arith.select %lt3A_2950, %slice3A_2949, %select_n3A_2944 : vector<8x2048xi1>, vector<8x2048xf32>
    %add3A_2952 = arith.constant 160 : i32
    %add3A_2953 = vector.broadcast %add3A_2952 : i32 to vector<8x2048xi32>
    %add3A_2954 = arith.addi %iota3A, %add3A_2953 : vector<8x2048xi32>
    %select_n3A_2955 = arith.select %lt3A_2950, %add3A_2954, %select_n3A_2948 : vector<8x2048xi1>, vector<8x2048xi32>
    %slice3A_2956 = vector.extract_strided_slice %add3A_2814 {offsets = [168, 0], sizes = [8, 2048], strides = [1, 1]} : vector<512x2048xf32> to vector<8x2048xf32>
    %lt3A_2957 = arith.cmpf olt, %slice3A_2956, %select_n3A_2951 : vector<8x2048xf32>
    %select_n3A_2958 = arith.select %lt3A_2957, %slice3A_2956, %select_n3A_2951 : vector<8x2048xi1>, vector<8x2048xf32>
    %add3A_2959 = arith.constant 168 : i32
    %add3A_2960 = vector.broadcast %add3A_2959 : i32 to vector<8x2048xi32>
    %add3A_2961 = arith.addi %iota3A, %add3A_2960 : vector<8x2048xi32>
    %select_n3A_2962 = arith.select %lt3A_2957, %add3A_2961, %select_n3A_2955 : vector<8x2048xi1>, vector<8x2048xi32>
    %slice3A_2963 = vector.extract_strided_slice %add3A_2814 {offsets = [176, 0], sizes = [8, 2048], strides = [1, 1]} : vector<512x2048xf32> to vector<8x2048xf32>
    %lt3A_2964 = arith.cmpf olt, %slice3A_2963, %select_n3A_2958 : vector<8x2048xf32>
    %select_n3A_2965 = arith.select %lt3A_2964, %slice3A_2963, %select_n3A_2958 : vector<8x2048xi1>, vector<8x2048xf32>
    %add3A_2966 = arith.constant 176 : i32
    %add3A_2967 = vector.broadcast %add3A_2966 : i32 to vector<8x2048xi32>
    %add3A_2968 = arith.addi %iota3A, %add3A_2967 : vector<8x2048xi32>
    %select_n3A_2969 = arith.select %lt3A_2964, %add3A_2968, %select_n3A_2962 : vector<8x2048xi1>, vector<8x2048xi32>
    %slice3A_2970 = vector.extract_strided_slice %add3A_2814 {offsets = [184, 0], sizes = [8, 2048], strides = [1, 1]} : vector<512x2048xf32> to vector<8x2048xf32>
    %lt3A_2971 = arith.cmpf olt, %slice3A_2970, %select_n3A_2965 : vector<8x2048xf32>
    %select_n3A_2972 = arith.select %lt3A_2971, %slice3A_2970, %select_n3A_2965 : vector<8x2048xi1>, vector<8x2048xf32>
    %add3A_2973 = arith.constant 184 : i32
    %add3A_2974 = vector.broadcast %add3A_2973 : i32 to vector<8x2048xi32>
    %add3A_2975 = arith.addi %iota3A, %add3A_2974 : vector<8x2048xi32>
    %select_n3A_2976 = arith.select %lt3A_2971, %add3A_2975, %select_n3A_2969 : vector<8x2048xi1>, vector<8x2048xi32>
    %slice3A_2977 = vector.extract_strided_slice %add3A_2814 {offsets = [192, 0], sizes = [8, 2048], strides = [1, 1]} : vector<512x2048xf32> to vector<8x2048xf32>
    %lt3A_2978 = arith.cmpf olt, %slice3A_2977, %select_n3A_2972 : vector<8x2048xf32>
    %select_n3A_2979 = arith.select %lt3A_2978, %slice3A_2977, %select_n3A_2972 : vector<8x2048xi1>, vector<8x2048xf32>
    %add3A_2980 = arith.constant 192 : i32
    %add3A_2981 = vector.broadcast %add3A_2980 : i32 to vector<8x2048xi32>
    %add3A_2982 = arith.addi %iota3A, %add3A_2981 : vector<8x2048xi32>
    %select_n3A_2983 = arith.select %lt3A_2978, %add3A_2982, %select_n3A_2976 : vector<8x2048xi1>, vector<8x2048xi32>
    %slice3A_2984 = vector.extract_strided_slice %add3A_2814 {offsets = [200, 0], sizes = [8, 2048], strides = [1, 1]} : vector<512x2048xf32> to vector<8x2048xf32>
    %lt3A_2985 = arith.cmpf olt, %slice3A_2984, %select_n3A_2979 : vector<8x2048xf32>
    %select_n3A_2986 = arith.select %lt3A_2985, %slice3A_2984, %select_n3A_2979 : vector<8x2048xi1>, vector<8x2048xf32>
    %add3A_2987 = arith.constant 200 : i32
    %add3A_2988 = vector.broadcast %add3A_2987 : i32 to vector<8x2048xi32>
    %add3A_2989 = arith.addi %iota3A, %add3A_2988 : vector<8x2048xi32>
    %select_n3A_2990 = arith.select %lt3A_2985, %add3A_2989, %select_n3A_2983 : vector<8x2048xi1>, vector<8x2048xi32>
    %slice3A_2991 = vector.extract_strided_slice %add3A_2814 {offsets = [208, 0], sizes = [8, 2048], strides = [1, 1]} : vector<512x2048xf32> to vector<8x2048xf32>
    %lt3A_2992 = arith.cmpf olt, %slice3A_2991, %select_n3A_2986 : vector<8x2048xf32>
    %select_n3A_2993 = arith.select %lt3A_2992, %slice3A_2991, %select_n3A_2986 : vector<8x2048xi1>, vector<8x2048xf32>
    %add3A_2994 = arith.constant 208 : i32
    %add3A_2995 = vector.broadcast %add3A_2994 : i32 to vector<8x2048xi32>
    %add3A_2996 = arith.addi %iota3A, %add3A_2995 : vector<8x2048xi32>
    %select_n3A_2997 = arith.select %lt3A_2992, %add3A_2996, %select_n3A_2990 : vector<8x2048xi1>, vector<8x2048xi32>
    %slice3A_2998 = vector.extract_strided_slice %add3A_2814 {offsets = [216, 0], sizes = [8, 2048], strides = [1, 1]} : vector<512x2048xf32> to vector<8x2048xf32>
    %lt3A_2999 = arith.cmpf olt, %slice3A_2998, %select_n3A_2993 : vector<8x2048xf32>
    %select_n3A_3000 = arith.select %lt3A_2999, %slice3A_2998, %select_n3A_2993 : vector<8x2048xi1>, vector<8x2048xf32>
    %add3A_3001 = arith.constant 216 : i32
    %add3A_3002 = vector.broadcast %add3A_3001 : i32 to vector<8x2048xi32>
    %add3A_3003 = arith.addi %iota3A, %add3A_3002 : vector<8x2048xi32>
    %select_n3A_3004 = arith.select %lt3A_2999, %add3A_3003, %select_n3A_2997 : vector<8x2048xi1>, vector<8x2048xi32>
    %slice3A_3005 = vector.extract_strided_slice %add3A_2814 {offsets = [224, 0], sizes = [8, 2048], strides = [1, 1]} : vector<512x2048xf32> to vector<8x2048xf32>
    %lt3A_3006 = arith.cmpf olt, %slice3A_3005, %select_n3A_3000 : vector<8x2048xf32>
    %select_n3A_3007 = arith.select %lt3A_3006, %slice3A_3005, %select_n3A_3000 : vector<8x2048xi1>, vector<8x2048xf32>
    %add3A_3008 = arith.constant 224 : i32
    %add3A_3009 = vector.broadcast %add3A_3008 : i32 to vector<8x2048xi32>
    %add3A_3010 = arith.addi %iota3A, %add3A_3009 : vector<8x2048xi32>
    %select_n3A_3011 = arith.select %lt3A_3006, %add3A_3010, %select_n3A_3004 : vector<8x2048xi1>, vector<8x2048xi32>
    %slice3A_3012 = vector.extract_strided_slice %add3A_2814 {offsets = [232, 0], sizes = [8, 2048], strides = [1, 1]} : vector<512x2048xf32> to vector<8x2048xf32>
    %lt3A_3013 = arith.cmpf olt, %slice3A_3012, %select_n3A_3007 : vector<8x2048xf32>
    %select_n3A_3014 = arith.select %lt3A_3013, %slice3A_3012, %select_n3A_3007 : vector<8x2048xi1>, vector<8x2048xf32>
    %add3A_3015 = arith.constant 232 : i32
    %add3A_3016 = vector.broadcast %add3A_3015 : i32 to vector<8x2048xi32>
    %add3A_3017 = arith.addi %iota3A, %add3A_3016 : vector<8x2048xi32>
    %select_n3A_3018 = arith.select %lt3A_3013, %add3A_3017, %select_n3A_3011 : vector<8x2048xi1>, vector<8x2048xi32>
    %slice3A_3019 = vector.extract_strided_slice %add3A_2814 {offsets = [240, 0], sizes = [8, 2048], strides = [1, 1]} : vector<512x2048xf32> to vector<8x2048xf32>
    %lt3A_3020 = arith.cmpf olt, %slice3A_3019, %select_n3A_3014 : vector<8x2048xf32>
    %select_n3A_3021 = arith.select %lt3A_3020, %slice3A_3019, %select_n3A_3014 : vector<8x2048xi1>, vector<8x2048xf32>
    %add3A_3022 = arith.constant 240 : i32
    %add3A_3023 = vector.broadcast %add3A_3022 : i32 to vector<8x2048xi32>
    %add3A_3024 = arith.addi %iota3A, %add3A_3023 : vector<8x2048xi32>
    %select_n3A_3025 = arith.select %lt3A_3020, %add3A_3024, %select_n3A_3018 : vector<8x2048xi1>, vector<8x2048xi32>
    %slice3A_3026 = vector.extract_strided_slice %add3A_2814 {offsets = [248, 0], sizes = [8, 2048], strides = [1, 1]} : vector<512x2048xf32> to vector<8x2048xf32>
    %lt3A_3027 = arith.cmpf olt, %slice3A_3026, %select_n3A_3021 : vector<8x2048xf32>
    %select_n3A_3028 = arith.select %lt3A_3027, %slice3A_3026, %select_n3A_3021 : vector<8x2048xi1>, vector<8x2048xf32>
    %add3A_3029 = arith.constant 248 : i32
    %add3A_3030 = vector.broadcast %add3A_3029 : i32 to vector<8x2048xi32>
    %add3A_3031 = arith.addi %iota3A, %add3A_3030 : vector<8x2048xi32>
    %select_n3A_3032 = arith.select %lt3A_3027, %add3A_3031, %select_n3A_3025 : vector<8x2048xi1>, vector<8x2048xi32>
    %slice3A_3033 = vector.extract_strided_slice %add3A_2814 {offsets = [256, 0], sizes = [8, 2048], strides = [1, 1]} : vector<512x2048xf32> to vector<8x2048xf32>
    %lt3A_3034 = arith.cmpf olt, %slice3A_3033, %select_n3A_3028 : vector<8x2048xf32>
    %select_n3A_3035 = arith.select %lt3A_3034, %slice3A_3033, %select_n3A_3028 : vector<8x2048xi1>, vector<8x2048xf32>
    %add3A_3036 = arith.constant 256 : i32
    %add3A_3037 = vector.broadcast %add3A_3036 : i32 to vector<8x2048xi32>
    %add3A_3038 = arith.addi %iota3A, %add3A_3037 : vector<8x2048xi32>
    %select_n3A_3039 = arith.select %lt3A_3034, %add3A_3038, %select_n3A_3032 : vector<8x2048xi1>, vector<8x2048xi32>
    %slice3A_3040 = vector.extract_strided_slice %add3A_2814 {offsets = [264, 0], sizes = [8, 2048], strides = [1, 1]} : vector<512x2048xf32> to vector<8x2048xf32>
    %lt3A_3041 = arith.cmpf olt, %slice3A_3040, %select_n3A_3035 : vector<8x2048xf32>
    %select_n3A_3042 = arith.select %lt3A_3041, %slice3A_3040, %select_n3A_3035 : vector<8x2048xi1>, vector<8x2048xf32>
    %add3A_3043 = arith.constant 264 : i32
    %add3A_3044 = vector.broadcast %add3A_3043 : i32 to vector<8x2048xi32>
    %add3A_3045 = arith.addi %iota3A, %add3A_3044 : vector<8x2048xi32>
    %select_n3A_3046 = arith.select %lt3A_3041, %add3A_3045, %select_n3A_3039 : vector<8x2048xi1>, vector<8x2048xi32>
    %slice3A_3047 = vector.extract_strided_slice %add3A_2814 {offsets = [272, 0], sizes = [8, 2048], strides = [1, 1]} : vector<512x2048xf32> to vector<8x2048xf32>
    %lt3A_3048 = arith.cmpf olt, %slice3A_3047, %select_n3A_3042 : vector<8x2048xf32>
    %select_n3A_3049 = arith.select %lt3A_3048, %slice3A_3047, %select_n3A_3042 : vector<8x2048xi1>, vector<8x2048xf32>
    %add3A_3050 = arith.constant 272 : i32
    %add3A_3051 = vector.broadcast %add3A_3050 : i32 to vector<8x2048xi32>
    %add3A_3052 = arith.addi %iota3A, %add3A_3051 : vector<8x2048xi32>
    %select_n3A_3053 = arith.select %lt3A_3048, %add3A_3052, %select_n3A_3046 : vector<8x2048xi1>, vector<8x2048xi32>
    %slice3A_3054 = vector.extract_strided_slice %add3A_2814 {offsets = [280, 0], sizes = [8, 2048], strides = [1, 1]} : vector<512x2048xf32> to vector<8x2048xf32>
    %lt3A_3055 = arith.cmpf olt, %slice3A_3054, %select_n3A_3049 : vector<8x2048xf32>
    %select_n3A_3056 = arith.select %lt3A_3055, %slice3A_3054, %select_n3A_3049 : vector<8x2048xi1>, vector<8x2048xf32>
    %add3A_3057 = arith.constant 280 : i32
    %add3A_3058 = vector.broadcast %add3A_3057 : i32 to vector<8x2048xi32>
    %add3A_3059 = arith.addi %iota3A, %add3A_3058 : vector<8x2048xi32>
    %select_n3A_3060 = arith.select %lt3A_3055, %add3A_3059, %select_n3A_3053 : vector<8x2048xi1>, vector<8x2048xi32>
    %slice3A_3061 = vector.extract_strided_slice %add3A_2814 {offsets = [288, 0], sizes = [8, 2048], strides = [1, 1]} : vector<512x2048xf32> to vector<8x2048xf32>
    %lt3A_3062 = arith.cmpf olt, %slice3A_3061, %select_n3A_3056 : vector<8x2048xf32>
    %select_n3A_3063 = arith.select %lt3A_3062, %slice3A_3061, %select_n3A_3056 : vector<8x2048xi1>, vector<8x2048xf32>
    %add3A_3064 = arith.constant 288 : i32
    %add3A_3065 = vector.broadcast %add3A_3064 : i32 to vector<8x2048xi32>
    %add3A_3066 = arith.addi %iota3A, %add3A_3065 : vector<8x2048xi32>
    %select_n3A_3067 = arith.select %lt3A_3062, %add3A_3066, %select_n3A_3060 : vector<8x2048xi1>, vector<8x2048xi32>
    %slice3A_3068 = vector.extract_strided_slice %add3A_2814 {offsets = [296, 0], sizes = [8, 2048], strides = [1, 1]} : vector<512x2048xf32> to vector<8x2048xf32>
    %lt3A_3069 = arith.cmpf olt, %slice3A_3068, %select_n3A_3063 : vector<8x2048xf32>
    %select_n3A_3070 = arith.select %lt3A_3069, %slice3A_3068, %select_n3A_3063 : vector<8x2048xi1>, vector<8x2048xf32>
    %add3A_3071 = arith.constant 296 : i32
    %add3A_3072 = vector.broadcast %add3A_3071 : i32 to vector<8x2048xi32>
    %add3A_3073 = arith.addi %iota3A, %add3A_3072 : vector<8x2048xi32>
    %select_n3A_3074 = arith.select %lt3A_3069, %add3A_3073, %select_n3A_3067 : vector<8x2048xi1>, vector<8x2048xi32>
    %slice3A_3075 = vector.extract_strided_slice %add3A_2814 {offsets = [304, 0], sizes = [8, 2048], strides = [1, 1]} : vector<512x2048xf32> to vector<8x2048xf32>
    %lt3A_3076 = arith.cmpf olt, %slice3A_3075, %select_n3A_3070 : vector<8x2048xf32>
    %select_n3A_3077 = arith.select %lt3A_3076, %slice3A_3075, %select_n3A_3070 : vector<8x2048xi1>, vector<8x2048xf32>
    %add3A_3078 = arith.constant 304 : i32
    %add3A_3079 = vector.broadcast %add3A_3078 : i32 to vector<8x2048xi32>
    %add3A_3080 = arith.addi %iota3A, %add3A_3079 : vector<8x2048xi32>
    %select_n3A_3081 = arith.select %lt3A_3076, %add3A_3080, %select_n3A_3074 : vector<8x2048xi1>, vector<8x2048xi32>
    %slice3A_3082 = vector.extract_strided_slice %add3A_2814 {offsets = [312, 0], sizes = [8, 2048], strides = [1, 1]} : vector<512x2048xf32> to vector<8x2048xf32>
    %lt3A_3083 = arith.cmpf olt, %slice3A_3082, %select_n3A_3077 : vector<8x2048xf32>
    %select_n3A_3084 = arith.select %lt3A_3083, %slice3A_3082, %select_n3A_3077 : vector<8x2048xi1>, vector<8x2048xf32>
    %add3A_3085 = arith.constant 312 : i32
    %add3A_3086 = vector.broadcast %add3A_3085 : i32 to vector<8x2048xi32>
    %add3A_3087 = arith.addi %iota3A, %add3A_3086 : vector<8x2048xi32>
    %select_n3A_3088 = arith.select %lt3A_3083, %add3A_3087, %select_n3A_3081 : vector<8x2048xi1>, vector<8x2048xi32>
    %slice3A_3089 = vector.extract_strided_slice %add3A_2814 {offsets = [320, 0], sizes = [8, 2048], strides = [1, 1]} : vector<512x2048xf32> to vector<8x2048xf32>
    %lt3A_3090 = arith.cmpf olt, %slice3A_3089, %select_n3A_3084 : vector<8x2048xf32>
    %select_n3A_3091 = arith.select %lt3A_3090, %slice3A_3089, %select_n3A_3084 : vector<8x2048xi1>, vector<8x2048xf32>
    %add3A_3092 = arith.constant 320 : i32
    %add3A_3093 = vector.broadcast %add3A_3092 : i32 to vector<8x2048xi32>
    %add3A_3094 = arith.addi %iota3A, %add3A_3093 : vector<8x2048xi32>
    %select_n3A_3095 = arith.select %lt3A_3090, %add3A_3094, %select_n3A_3088 : vector<8x2048xi1>, vector<8x2048xi32>
    %slice3A_3096 = vector.extract_strided_slice %add3A_2814 {offsets = [328, 0], sizes = [8, 2048], strides = [1, 1]} : vector<512x2048xf32> to vector<8x2048xf32>
    %lt3A_3097 = arith.cmpf olt, %slice3A_3096, %select_n3A_3091 : vector<8x2048xf32>
    %select_n3A_3098 = arith.select %lt3A_3097, %slice3A_3096, %select_n3A_3091 : vector<8x2048xi1>, vector<8x2048xf32>
    %add3A_3099 = arith.constant 328 : i32
    %add3A_3100 = vector.broadcast %add3A_3099 : i32 to vector<8x2048xi32>
    %add3A_3101 = arith.addi %iota3A, %add3A_3100 : vector<8x2048xi32>
    %select_n3A_3102 = arith.select %lt3A_3097, %add3A_3101, %select_n3A_3095 : vector<8x2048xi1>, vector<8x2048xi32>
    %slice3A_3103 = vector.extract_strided_slice %add3A_2814 {offsets = [336, 0], sizes = [8, 2048], strides = [1, 1]} : vector<512x2048xf32> to vector<8x2048xf32>
    %lt3A_3104 = arith.cmpf olt, %slice3A_3103, %select_n3A_3098 : vector<8x2048xf32>
    %select_n3A_3105 = arith.select %lt3A_3104, %slice3A_3103, %select_n3A_3098 : vector<8x2048xi1>, vector<8x2048xf32>
    %add3A_3106 = arith.constant 336 : i32
    %add3A_3107 = vector.broadcast %add3A_3106 : i32 to vector<8x2048xi32>
    %add3A_3108 = arith.addi %iota3A, %add3A_3107 : vector<8x2048xi32>
    %select_n3A_3109 = arith.select %lt3A_3104, %add3A_3108, %select_n3A_3102 : vector<8x2048xi1>, vector<8x2048xi32>
    %slice3A_3110 = vector.extract_strided_slice %add3A_2814 {offsets = [344, 0], sizes = [8, 2048], strides = [1, 1]} : vector<512x2048xf32> to vector<8x2048xf32>
    %lt3A_3111 = arith.cmpf olt, %slice3A_3110, %select_n3A_3105 : vector<8x2048xf32>
    %select_n3A_3112 = arith.select %lt3A_3111, %slice3A_3110, %select_n3A_3105 : vector<8x2048xi1>, vector<8x2048xf32>
    %add3A_3113 = arith.constant 344 : i32
    %add3A_3114 = vector.broadcast %add3A_3113 : i32 to vector<8x2048xi32>
    %add3A_3115 = arith.addi %iota3A, %add3A_3114 : vector<8x2048xi32>
    %select_n3A_3116 = arith.select %lt3A_3111, %add3A_3115, %select_n3A_3109 : vector<8x2048xi1>, vector<8x2048xi32>
    %slice3A_3117 = vector.extract_strided_slice %add3A_2814 {offsets = [352, 0], sizes = [8, 2048], strides = [1, 1]} : vector<512x2048xf32> to vector<8x2048xf32>
    %lt3A_3118 = arith.cmpf olt, %slice3A_3117, %select_n3A_3112 : vector<8x2048xf32>
    %select_n3A_3119 = arith.select %lt3A_3118, %slice3A_3117, %select_n3A_3112 : vector<8x2048xi1>, vector<8x2048xf32>
    %add3A_3120 = arith.constant 352 : i32
    %add3A_3121 = vector.broadcast %add3A_3120 : i32 to vector<8x2048xi32>
    %add3A_3122 = arith.addi %iota3A, %add3A_3121 : vector<8x2048xi32>
    %select_n3A_3123 = arith.select %lt3A_3118, %add3A_3122, %select_n3A_3116 : vector<8x2048xi1>, vector<8x2048xi32>
    %slice3A_3124 = vector.extract_strided_slice %add3A_2814 {offsets = [360, 0], sizes = [8, 2048], strides = [1, 1]} : vector<512x2048xf32> to vector<8x2048xf32>
    %lt3A_3125 = arith.cmpf olt, %slice3A_3124, %select_n3A_3119 : vector<8x2048xf32>
    %select_n3A_3126 = arith.select %lt3A_3125, %slice3A_3124, %select_n3A_3119 : vector<8x2048xi1>, vector<8x2048xf32>
    %add3A_3127 = arith.constant 360 : i32
    %add3A_3128 = vector.broadcast %add3A_3127 : i32 to vector<8x2048xi32>
    %add3A_3129 = arith.addi %iota3A, %add3A_3128 : vector<8x2048xi32>
    %select_n3A_3130 = arith.select %lt3A_3125, %add3A_3129, %select_n3A_3123 : vector<8x2048xi1>, vector<8x2048xi32>
    %slice3A_3131 = vector.extract_strided_slice %add3A_2814 {offsets = [368, 0], sizes = [8, 2048], strides = [1, 1]} : vector<512x2048xf32> to vector<8x2048xf32>
    %lt3A_3132 = arith.cmpf olt, %slice3A_3131, %select_n3A_3126 : vector<8x2048xf32>
    %select_n3A_3133 = arith.select %lt3A_3132, %slice3A_3131, %select_n3A_3126 : vector<8x2048xi1>, vector<8x2048xf32>
    %add3A_3134 = arith.constant 368 : i32
    %add3A_3135 = vector.broadcast %add3A_3134 : i32 to vector<8x2048xi32>
    %add3A_3136 = arith.addi %iota3A, %add3A_3135 : vector<8x2048xi32>
    %select_n3A_3137 = arith.select %lt3A_3132, %add3A_3136, %select_n3A_3130 : vector<8x2048xi1>, vector<8x2048xi32>
    %slice3A_3138 = vector.extract_strided_slice %add3A_2814 {offsets = [376, 0], sizes = [8, 2048], strides = [1, 1]} : vector<512x2048xf32> to vector<8x2048xf32>
    %lt3A_3139 = arith.cmpf olt, %slice3A_3138, %select_n3A_3133 : vector<8x2048xf32>
    %select_n3A_3140 = arith.select %lt3A_3139, %slice3A_3138, %select_n3A_3133 : vector<8x2048xi1>, vector<8x2048xf32>
    %add3A_3141 = arith.constant 376 : i32
    %add3A_3142 = vector.broadcast %add3A_3141 : i32 to vector<8x2048xi32>
    %add3A_3143 = arith.addi %iota3A, %add3A_3142 : vector<8x2048xi32>
    %select_n3A_3144 = arith.select %lt3A_3139, %add3A_3143, %select_n3A_3137 : vector<8x2048xi1>, vector<8x2048xi32>
    %slice3A_3145 = vector.extract_strided_slice %add3A_2814 {offsets = [384, 0], sizes = [8, 2048], strides = [1, 1]} : vector<512x2048xf32> to vector<8x2048xf32>
    %lt3A_3146 = arith.cmpf olt, %slice3A_3145, %select_n3A_3140 : vector<8x2048xf32>
    %select_n3A_3147 = arith.select %lt3A_3146, %slice3A_3145, %select_n3A_3140 : vector<8x2048xi1>, vector<8x2048xf32>
    %add3A_3148 = arith.constant 384 : i32
    %add3A_3149 = vector.broadcast %add3A_3148 : i32 to vector<8x2048xi32>
    %add3A_3150 = arith.addi %iota3A, %add3A_3149 : vector<8x2048xi32>
    %select_n3A_3151 = arith.select %lt3A_3146, %add3A_3150, %select_n3A_3144 : vector<8x2048xi1>, vector<8x2048xi32>
    %slice3A_3152 = vector.extract_strided_slice %add3A_2814 {offsets = [392, 0], sizes = [8, 2048], strides = [1, 1]} : vector<512x2048xf32> to vector<8x2048xf32>
    %lt3A_3153 = arith.cmpf olt, %slice3A_3152, %select_n3A_3147 : vector<8x2048xf32>
    %select_n3A_3154 = arith.select %lt3A_3153, %slice3A_3152, %select_n3A_3147 : vector<8x2048xi1>, vector<8x2048xf32>
    %add3A_3155 = arith.constant 392 : i32
    %add3A_3156 = vector.broadcast %add3A_3155 : i32 to vector<8x2048xi32>
    %add3A_3157 = arith.addi %iota3A, %add3A_3156 : vector<8x2048xi32>
    %select_n3A_3158 = arith.select %lt3A_3153, %add3A_3157, %select_n3A_3151 : vector<8x2048xi1>, vector<8x2048xi32>
    %slice3A_3159 = vector.extract_strided_slice %add3A_2814 {offsets = [400, 0], sizes = [8, 2048], strides = [1, 1]} : vector<512x2048xf32> to vector<8x2048xf32>
    %lt3A_3160 = arith.cmpf olt, %slice3A_3159, %select_n3A_3154 : vector<8x2048xf32>
    %select_n3A_3161 = arith.select %lt3A_3160, %slice3A_3159, %select_n3A_3154 : vector<8x2048xi1>, vector<8x2048xf32>
    %add3A_3162 = arith.constant 400 : i32
    %add3A_3163 = vector.broadcast %add3A_3162 : i32 to vector<8x2048xi32>
    %add3A_3164 = arith.addi %iota3A, %add3A_3163 : vector<8x2048xi32>
    %select_n3A_3165 = arith.select %lt3A_3160, %add3A_3164, %select_n3A_3158 : vector<8x2048xi1>, vector<8x2048xi32>
    %slice3A_3166 = vector.extract_strided_slice %add3A_2814 {offsets = [408, 0], sizes = [8, 2048], strides = [1, 1]} : vector<512x2048xf32> to vector<8x2048xf32>
    %lt3A_3167 = arith.cmpf olt, %slice3A_3166, %select_n3A_3161 : vector<8x2048xf32>
    %select_n3A_3168 = arith.select %lt3A_3167, %slice3A_3166, %select_n3A_3161 : vector<8x2048xi1>, vector<8x2048xf32>
    %add3A_3169 = arith.constant 408 : i32
    %add3A_3170 = vector.broadcast %add3A_3169 : i32 to vector<8x2048xi32>
    %add3A_3171 = arith.addi %iota3A, %add3A_3170 : vector<8x2048xi32>
    %select_n3A_3172 = arith.select %lt3A_3167, %add3A_3171, %select_n3A_3165 : vector<8x2048xi1>, vector<8x2048xi32>
    %slice3A_3173 = vector.extract_strided_slice %add3A_2814 {offsets = [416, 0], sizes = [8, 2048], strides = [1, 1]} : vector<512x2048xf32> to vector<8x2048xf32>
    %lt3A_3174 = arith.cmpf olt, %slice3A_3173, %select_n3A_3168 : vector<8x2048xf32>
    %select_n3A_3175 = arith.select %lt3A_3174, %slice3A_3173, %select_n3A_3168 : vector<8x2048xi1>, vector<8x2048xf32>
    %add3A_3176 = arith.constant 416 : i32
    %add3A_3177 = vector.broadcast %add3A_3176 : i32 to vector<8x2048xi32>
    %add3A_3178 = arith.addi %iota3A, %add3A_3177 : vector<8x2048xi32>
    %select_n3A_3179 = arith.select %lt3A_3174, %add3A_3178, %select_n3A_3172 : vector<8x2048xi1>, vector<8x2048xi32>
    %slice3A_3180 = vector.extract_strided_slice %add3A_2814 {offsets = [424, 0], sizes = [8, 2048], strides = [1, 1]} : vector<512x2048xf32> to vector<8x2048xf32>
    %lt3A_3181 = arith.cmpf olt, %slice3A_3180, %select_n3A_3175 : vector<8x2048xf32>
    %select_n3A_3182 = arith.select %lt3A_3181, %slice3A_3180, %select_n3A_3175 : vector<8x2048xi1>, vector<8x2048xf32>
    %add3A_3183 = arith.constant 424 : i32
    %add3A_3184 = vector.broadcast %add3A_3183 : i32 to vector<8x2048xi32>
    %add3A_3185 = arith.addi %iota3A, %add3A_3184 : vector<8x2048xi32>
    %select_n3A_3186 = arith.select %lt3A_3181, %add3A_3185, %select_n3A_3179 : vector<8x2048xi1>, vector<8x2048xi32>
    %slice3A_3187 = vector.extract_strided_slice %add3A_2814 {offsets = [432, 0], sizes = [8, 2048], strides = [1, 1]} : vector<512x2048xf32> to vector<8x2048xf32>
    %lt3A_3188 = arith.cmpf olt, %slice3A_3187, %select_n3A_3182 : vector<8x2048xf32>
    %select_n3A_3189 = arith.select %lt3A_3188, %slice3A_3187, %select_n3A_3182 : vector<8x2048xi1>, vector<8x2048xf32>
    %add3A_3190 = arith.constant 432 : i32
    %add3A_3191 = vector.broadcast %add3A_3190 : i32 to vector<8x2048xi32>
    %add3A_3192 = arith.addi %iota3A, %add3A_3191 : vector<8x2048xi32>
    %select_n3A_3193 = arith.select %lt3A_3188, %add3A_3192, %select_n3A_3186 : vector<8x2048xi1>, vector<8x2048xi32>
    %slice3A_3194 = vector.extract_strided_slice %add3A_2814 {offsets = [440, 0], sizes = [8, 2048], strides = [1, 1]} : vector<512x2048xf32> to vector<8x2048xf32>
    %lt3A_3195 = arith.cmpf olt, %slice3A_3194, %select_n3A_3189 : vector<8x2048xf32>
    %select_n3A_3196 = arith.select %lt3A_3195, %slice3A_3194, %select_n3A_3189 : vector<8x2048xi1>, vector<8x2048xf32>
    %add3A_3197 = arith.constant 440 : i32
    %add3A_3198 = vector.broadcast %add3A_3197 : i32 to vector<8x2048xi32>
    %add3A_3199 = arith.addi %iota3A, %add3A_3198 : vector<8x2048xi32>
    %select_n3A_3200 = arith.select %lt3A_3195, %add3A_3199, %select_n3A_3193 : vector<8x2048xi1>, vector<8x2048xi32>
    %slice3A_3201 = vector.extract_strided_slice %add3A_2814 {offsets = [448, 0], sizes = [8, 2048], strides = [1, 1]} : vector<512x2048xf32> to vector<8x2048xf32>
    %lt3A_3202 = arith.cmpf olt, %slice3A_3201, %select_n3A_3196 : vector<8x2048xf32>
    %select_n3A_3203 = arith.select %lt3A_3202, %slice3A_3201, %select_n3A_3196 : vector<8x2048xi1>, vector<8x2048xf32>
    %add3A_3204 = arith.constant 448 : i32
    %add3A_3205 = vector.broadcast %add3A_3204 : i32 to vector<8x2048xi32>
    %add3A_3206 = arith.addi %iota3A, %add3A_3205 : vector<8x2048xi32>
    %select_n3A_3207 = arith.select %lt3A_3202, %add3A_3206, %select_n3A_3200 : vector<8x2048xi1>, vector<8x2048xi32>
    %slice3A_3208 = vector.extract_strided_slice %add3A_2814 {offsets = [456, 0], sizes = [8, 2048], strides = [1, 1]} : vector<512x2048xf32> to vector<8x2048xf32>
    %lt3A_3209 = arith.cmpf olt, %slice3A_3208, %select_n3A_3203 : vector<8x2048xf32>
    %select_n3A_3210 = arith.select %lt3A_3209, %slice3A_3208, %select_n3A_3203 : vector<8x2048xi1>, vector<8x2048xf32>
    %add3A_3211 = arith.constant 456 : i32
    %add3A_3212 = vector.broadcast %add3A_3211 : i32 to vector<8x2048xi32>
    %add3A_3213 = arith.addi %iota3A, %add3A_3212 : vector<8x2048xi32>
    %select_n3A_3214 = arith.select %lt3A_3209, %add3A_3213, %select_n3A_3207 : vector<8x2048xi1>, vector<8x2048xi32>
    %slice3A_3215 = vector.extract_strided_slice %add3A_2814 {offsets = [464, 0], sizes = [8, 2048], strides = [1, 1]} : vector<512x2048xf32> to vector<8x2048xf32>
    %lt3A_3216 = arith.cmpf olt, %slice3A_3215, %select_n3A_3210 : vector<8x2048xf32>
    %select_n3A_3217 = arith.select %lt3A_3216, %slice3A_3215, %select_n3A_3210 : vector<8x2048xi1>, vector<8x2048xf32>
    %add3A_3218 = arith.constant 464 : i32
    %add3A_3219 = vector.broadcast %add3A_3218 : i32 to vector<8x2048xi32>
    %add3A_3220 = arith.addi %iota3A, %add3A_3219 : vector<8x2048xi32>
    %select_n3A_3221 = arith.select %lt3A_3216, %add3A_3220, %select_n3A_3214 : vector<8x2048xi1>, vector<8x2048xi32>
    %slice3A_3222 = vector.extract_strided_slice %add3A_2814 {offsets = [472, 0], sizes = [8, 2048], strides = [1, 1]} : vector<512x2048xf32> to vector<8x2048xf32>
    %lt3A_3223 = arith.cmpf olt, %slice3A_3222, %select_n3A_3217 : vector<8x2048xf32>
    %select_n3A_3224 = arith.select %lt3A_3223, %slice3A_3222, %select_n3A_3217 : vector<8x2048xi1>, vector<8x2048xf32>
    %add3A_3225 = arith.constant 472 : i32
    %add3A_3226 = vector.broadcast %add3A_3225 : i32 to vector<8x2048xi32>
    %add3A_3227 = arith.addi %iota3A, %add3A_3226 : vector<8x2048xi32>
    %select_n3A_3228 = arith.select %lt3A_3223, %add3A_3227, %select_n3A_3221 : vector<8x2048xi1>, vector<8x2048xi32>
    %slice3A_3229 = vector.extract_strided_slice %add3A_2814 {offsets = [480, 0], sizes = [8, 2048], strides = [1, 1]} : vector<512x2048xf32> to vector<8x2048xf32>
    %lt3A_3230 = arith.cmpf olt, %slice3A_3229, %select_n3A_3224 : vector<8x2048xf32>
    %select_n3A_3231 = arith.select %lt3A_3230, %slice3A_3229, %select_n3A_3224 : vector<8x2048xi1>, vector<8x2048xf32>
    %add3A_3232 = arith.constant 480 : i32
    %add3A_3233 = vector.broadcast %add3A_3232 : i32 to vector<8x2048xi32>
    %add3A_3234 = arith.addi %iota3A, %add3A_3233 : vector<8x2048xi32>
    %select_n3A_3235 = arith.select %lt3A_3230, %add3A_3234, %select_n3A_3228 : vector<8x2048xi1>, vector<8x2048xi32>
    %slice3A_3236 = vector.extract_strided_slice %add3A_2814 {offsets = [488, 0], sizes = [8, 2048], strides = [1, 1]} : vector<512x2048xf32> to vector<8x2048xf32>
    %lt3A_3237 = arith.cmpf olt, %slice3A_3236, %select_n3A_3231 : vector<8x2048xf32>
    %select_n3A_3238 = arith.select %lt3A_3237, %slice3A_3236, %select_n3A_3231 : vector<8x2048xi1>, vector<8x2048xf32>
    %add3A_3239 = arith.constant 488 : i32
    %add3A_3240 = vector.broadcast %add3A_3239 : i32 to vector<8x2048xi32>
    %add3A_3241 = arith.addi %iota3A, %add3A_3240 : vector<8x2048xi32>
    %select_n3A_3242 = arith.select %lt3A_3237, %add3A_3241, %select_n3A_3235 : vector<8x2048xi1>, vector<8x2048xi32>
    %slice3A_3243 = vector.extract_strided_slice %add3A_2814 {offsets = [496, 0], sizes = [8, 2048], strides = [1, 1]} : vector<512x2048xf32> to vector<8x2048xf32>
    %lt3A_3244 = arith.cmpf olt, %slice3A_3243, %select_n3A_3238 : vector<8x2048xf32>
    %select_n3A_3245 = arith.select %lt3A_3244, %slice3A_3243, %select_n3A_3238 : vector<8x2048xi1>, vector<8x2048xf32>
    %add3A_3246 = arith.constant 496 : i32
    %add3A_3247 = vector.broadcast %add3A_3246 : i32 to vector<8x2048xi32>
    %add3A_3248 = arith.addi %iota3A, %add3A_3247 : vector<8x2048xi32>
    %select_n3A_3249 = arith.select %lt3A_3244, %add3A_3248, %select_n3A_3242 : vector<8x2048xi1>, vector<8x2048xi32>
    %slice3A_3250 = vector.extract_strided_slice %add3A_2814 {offsets = [504, 0], sizes = [8, 2048], strides = [1, 1]} : vector<512x2048xf32> to vector<8x2048xf32>
    %lt3A_3251 = arith.cmpf olt, %slice3A_3250, %select_n3A_3245 : vector<8x2048xf32>
    %select_n3A_3252 = arith.select %lt3A_3251, %slice3A_3250, %select_n3A_3245 : vector<8x2048xi1>, vector<8x2048xf32>
    %add3A_3253 = arith.constant 504 : i32
    %add3A_3254 = vector.broadcast %add3A_3253 : i32 to vector<8x2048xi32>
    %add3A_3255 = arith.addi %iota3A, %add3A_3254 : vector<8x2048xi32>
    %select_n3A_3256 = arith.select %lt3A_3251, %add3A_3255, %select_n3A_3249 : vector<8x2048xi1>, vector<8x2048xi32>
    %reduce_min3A_3257 = arith.constant dense<0x7F800000> : vector<2048xf32>
    %reduce_min3A_3258 = vector.multi_reduction <minimumf>, %select_n3A_3252, %reduce_min3A_3257 [0] : vector<8x2048xf32> to vector<2048xf32>
    %broadcast_in_dim3A_3259 = vector.shape_cast %reduce_min3A_3258 : vector<2048xf32> to vector<1x2048xf32>
    %eq3A_3260 = vector.broadcast %broadcast_in_dim3A_3259 : vector<1x2048xf32> to vector<8x2048xf32>
    %eq3A_3261 = arith.cmpf oeq, %select_n3A_3252, %eq3A_3260 : vector<8x2048xf32>
    %jit3A_3262 = arith.constant 512 : i32
    %broadcast_in_dim3A_3263 = vector.broadcast %jit3A_3262 : i32 to vector<8x2048xi32>
    %select_n3A_3264 = arith.select %eq3A_3261, %select_n3A_3256, %broadcast_in_dim3A_3263 : vector<8x2048xi1>, vector<8x2048xi32>
    %reduce_min3A_3265 = arith.constant dense<2147483647> : vector<2048xi32>
    %reduce_min3A_3266 = vector.multi_reduction <minsi>, %select_n3A_3264, %reduce_min3A_3265 [0] : vector<8x2048xi32> to vector<2048xi32>
    %swap3A_3267 = arith.constant 6 : index
    %swap3A_3268 = arith.constant 0 : index
    %swap3A_3269 = vector.load %arg4[%swap3A_3267, %swap3A_3268] : memref<8x2048xi32, #tpu.memory_space<vmem>>, vector<1x2048xi32>
    %swap3A_3270 = vector.shape_cast %swap3A_3269 : vector<1x2048xi32> to vector<2048xi32>
    %swap3A_3271 = vector.shape_cast %reduce_min3A_3266 : vector<2048xi32> to vector<1x2048xi32>
    tpu.vector_store %arg4[%swap3A_3267, %swap3A_3268], %swap3A_3271 {strides = array<i32>} : memref<8x2048xi32, #tpu.memory_space<vmem>>, vector<1x2048xi32>,
    %reduce_sum3A_3272 = vector.shape_cast %broadcast_in_dim3A_3259 : vector<1x2048xf32> to vector<1x1x2048xf32>
    %reduce_sum3A_3273 = arith.constant dense<0.000000e+00> : vector<1xf32>
    %reduce_sum3A_3274 = vector.multi_reduction <add>, %reduce_sum3A_3272, %reduce_sum3A_3273 [1, 2] : vector<1x1x2048xf32> to vector<1xf32>
    %reduce_sum3A_3275 = vector.shape_cast %reduce_sum3A_3274 : vector<1xf32> to vector<1x1x1xf32>
    %reduce_sum3A_3276 = vector.extract %reduce_sum3A_3275[0, 0, 0] : f32 from vector<1x1x1xf32>
    %add3A_3277 = arith.addf %add3A_2809, %reduce_sum3A_3276 : f32
    %slice3A_3278 = vector.extract_strided_slice %get3A_1 {offsets = [224, 0], sizes = [32, 2048], strides = [1, 1]} : vector<256x2048xf32> to vector<32x2048xf32>
    %dot_general3A_3279 = arith.constant dense<0.000000e+00> : vector<512x2048xf32>
    %dot_general3A_3280 = tpu.matmul %get3A_4, %slice3A_3278, %dot_general3A_3279 {dimension_numbers = #tpu.dot_dimension_numbers<[1], [0], [0], [1], [0, 0, 1, 1], [], []>, transpose_lhs_hint = false} : vector<512x32xf32>, vector<32x2048xf32>, vector<512x2048xf32> -> vector<512x2048xf32>
    %add3A_3281 = vector.broadcast %get3A_7 : vector<512x1xf32> to vector<512x2048xf32>
    %add3A_3282 = arith.addf %dot_general3A_3280, %add3A_3281 : vector<512x2048xf32>
    %slice3A_3283 = vector.extract_strided_slice %add3A_3282 {offsets = [0, 0], sizes = [8, 2048], strides = [1, 1]} : vector<512x2048xf32> to vector<8x2048xf32>
    %slice3A_3284 = vector.extract_strided_slice %add3A_3282 {offsets = [8, 0], sizes = [8, 2048], strides = [1, 1]} : vector<512x2048xf32> to vector<8x2048xf32>
    %lt3A_3285 = arith.cmpf olt, %slice3A_3284, %slice3A_3283 : vector<8x2048xf32>
    %select_n3A_3286 = arith.select %lt3A_3285, %slice3A_3284, %slice3A_3283 : vector<8x2048xi1>, vector<8x2048xf32>
    %add3A_3287 = arith.constant 8 : i32
    %add3A_3288 = vector.broadcast %add3A_3287 : i32 to vector<8x2048xi32>
    %add3A_3289 = arith.addi %iota3A, %add3A_3288 : vector<8x2048xi32>
    %select_n3A_3290 = arith.select %lt3A_3285, %add3A_3289, %iota3A : vector<8x2048xi1>, vector<8x2048xi32>
    %slice3A_3291 = vector.extract_strided_slice %add3A_3282 {offsets = [16, 0], sizes = [8, 2048], strides = [1, 1]} : vector<512x2048xf32> to vector<8x2048xf32>
    %lt3A_3292 = arith.cmpf olt, %slice3A_3291, %select_n3A_3286 : vector<8x2048xf32>
    %select_n3A_3293 = arith.select %lt3A_3292, %slice3A_3291, %select_n3A_3286 : vector<8x2048xi1>, vector<8x2048xf32>
    %add3A_3294 = arith.constant 16 : i32
    %add3A_3295 = vector.broadcast %add3A_3294 : i32 to vector<8x2048xi32>
    %add3A_3296 = arith.addi %iota3A, %add3A_3295 : vector<8x2048xi32>
    %select_n3A_3297 = arith.select %lt3A_3292, %add3A_3296, %select_n3A_3290 : vector<8x2048xi1>, vector<8x2048xi32>
    %slice3A_3298 = vector.extract_strided_slice %add3A_3282 {offsets = [24, 0], sizes = [8, 2048], strides = [1, 1]} : vector<512x2048xf32> to vector<8x2048xf32>
    %lt3A_3299 = arith.cmpf olt, %slice3A_3298, %select_n3A_3293 : vector<8x2048xf32>
    %select_n3A_3300 = arith.select %lt3A_3299, %slice3A_3298, %select_n3A_3293 : vector<8x2048xi1>, vector<8x2048xf32>
    %add3A_3301 = arith.constant 24 : i32
    %add3A_3302 = vector.broadcast %add3A_3301 : i32 to vector<8x2048xi32>
    %add3A_3303 = arith.addi %iota3A, %add3A_3302 : vector<8x2048xi32>
    %select_n3A_3304 = arith.select %lt3A_3299, %add3A_3303, %select_n3A_3297 : vector<8x2048xi1>, vector<8x2048xi32>
    %slice3A_3305 = vector.extract_strided_slice %add3A_3282 {offsets = [32, 0], sizes = [8, 2048], strides = [1, 1]} : vector<512x2048xf32> to vector<8x2048xf32>
    %lt3A_3306 = arith.cmpf olt, %slice3A_3305, %select_n3A_3300 : vector<8x2048xf32>
    %select_n3A_3307 = arith.select %lt3A_3306, %slice3A_3305, %select_n3A_3300 : vector<8x2048xi1>, vector<8x2048xf32>
    %add3A_3308 = arith.constant 32 : i32
    %add3A_3309 = vector.broadcast %add3A_3308 : i32 to vector<8x2048xi32>
    %add3A_3310 = arith.addi %iota3A, %add3A_3309 : vector<8x2048xi32>
    %select_n3A_3311 = arith.select %lt3A_3306, %add3A_3310, %select_n3A_3304 : vector<8x2048xi1>, vector<8x2048xi32>
    %slice3A_3312 = vector.extract_strided_slice %add3A_3282 {offsets = [40, 0], sizes = [8, 2048], strides = [1, 1]} : vector<512x2048xf32> to vector<8x2048xf32>
    %lt3A_3313 = arith.cmpf olt, %slice3A_3312, %select_n3A_3307 : vector<8x2048xf32>
    %select_n3A_3314 = arith.select %lt3A_3313, %slice3A_3312, %select_n3A_3307 : vector<8x2048xi1>, vector<8x2048xf32>
    %add3A_3315 = arith.constant 40 : i32
    %add3A_3316 = vector.broadcast %add3A_3315 : i32 to vector<8x2048xi32>
    %add3A_3317 = arith.addi %iota3A, %add3A_3316 : vector<8x2048xi32>
    %select_n3A_3318 = arith.select %lt3A_3313, %add3A_3317, %select_n3A_3311 : vector<8x2048xi1>, vector<8x2048xi32>
    %slice3A_3319 = vector.extract_strided_slice %add3A_3282 {offsets = [48, 0], sizes = [8, 2048], strides = [1, 1]} : vector<512x2048xf32> to vector<8x2048xf32>
    %lt3A_3320 = arith.cmpf olt, %slice3A_3319, %select_n3A_3314 : vector<8x2048xf32>
    %select_n3A_3321 = arith.select %lt3A_3320, %slice3A_3319, %select_n3A_3314 : vector<8x2048xi1>, vector<8x2048xf32>
    %add3A_3322 = arith.constant 48 : i32
    %add3A_3323 = vector.broadcast %add3A_3322 : i32 to vector<8x2048xi32>
    %add3A_3324 = arith.addi %iota3A, %add3A_3323 : vector<8x2048xi32>
    %select_n3A_3325 = arith.select %lt3A_3320, %add3A_3324, %select_n3A_3318 : vector<8x2048xi1>, vector<8x2048xi32>
    %slice3A_3326 = vector.extract_strided_slice %add3A_3282 {offsets = [56, 0], sizes = [8, 2048], strides = [1, 1]} : vector<512x2048xf32> to vector<8x2048xf32>
    %lt3A_3327 = arith.cmpf olt, %slice3A_3326, %select_n3A_3321 : vector<8x2048xf32>
    %select_n3A_3328 = arith.select %lt3A_3327, %slice3A_3326, %select_n3A_3321 : vector<8x2048xi1>, vector<8x2048xf32>
    %add3A_3329 = arith.constant 56 : i32
    %add3A_3330 = vector.broadcast %add3A_3329 : i32 to vector<8x2048xi32>
    %add3A_3331 = arith.addi %iota3A, %add3A_3330 : vector<8x2048xi32>
    %select_n3A_3332 = arith.select %lt3A_3327, %add3A_3331, %select_n3A_3325 : vector<8x2048xi1>, vector<8x2048xi32>
    %slice3A_3333 = vector.extract_strided_slice %add3A_3282 {offsets = [64, 0], sizes = [8, 2048], strides = [1, 1]} : vector<512x2048xf32> to vector<8x2048xf32>
    %lt3A_3334 = arith.cmpf olt, %slice3A_3333, %select_n3A_3328 : vector<8x2048xf32>
    %select_n3A_3335 = arith.select %lt3A_3334, %slice3A_3333, %select_n3A_3328 : vector<8x2048xi1>, vector<8x2048xf32>
    %add3A_3336 = arith.constant 64 : i32
    %add3A_3337 = vector.broadcast %add3A_3336 : i32 to vector<8x2048xi32>
    %add3A_3338 = arith.addi %iota3A, %add3A_3337 : vector<8x2048xi32>
    %select_n3A_3339 = arith.select %lt3A_3334, %add3A_3338, %select_n3A_3332 : vector<8x2048xi1>, vector<8x2048xi32>
    %slice3A_3340 = vector.extract_strided_slice %add3A_3282 {offsets = [72, 0], sizes = [8, 2048], strides = [1, 1]} : vector<512x2048xf32> to vector<8x2048xf32>
    %lt3A_3341 = arith.cmpf olt, %slice3A_3340, %select_n3A_3335 : vector<8x2048xf32>
    %select_n3A_3342 = arith.select %lt3A_3341, %slice3A_3340, %select_n3A_3335 : vector<8x2048xi1>, vector<8x2048xf32>
    %add3A_3343 = arith.constant 72 : i32
    %add3A_3344 = vector.broadcast %add3A_3343 : i32 to vector<8x2048xi32>
    %add3A_3345 = arith.addi %iota3A, %add3A_3344 : vector<8x2048xi32>
    %select_n3A_3346 = arith.select %lt3A_3341, %add3A_3345, %select_n3A_3339 : vector<8x2048xi1>, vector<8x2048xi32>
    %slice3A_3347 = vector.extract_strided_slice %add3A_3282 {offsets = [80, 0], sizes = [8, 2048], strides = [1, 1]} : vector<512x2048xf32> to vector<8x2048xf32>
    %lt3A_3348 = arith.cmpf olt, %slice3A_3347, %select_n3A_3342 : vector<8x2048xf32>
    %select_n3A_3349 = arith.select %lt3A_3348, %slice3A_3347, %select_n3A_3342 : vector<8x2048xi1>, vector<8x2048xf32>
    %add3A_3350 = arith.constant 80 : i32
    %add3A_3351 = vector.broadcast %add3A_3350 : i32 to vector<8x2048xi32>
    %add3A_3352 = arith.addi %iota3A, %add3A_3351 : vector<8x2048xi32>
    %select_n3A_3353 = arith.select %lt3A_3348, %add3A_3352, %select_n3A_3346 : vector<8x2048xi1>, vector<8x2048xi32>
    %slice3A_3354 = vector.extract_strided_slice %add3A_3282 {offsets = [88, 0], sizes = [8, 2048], strides = [1, 1]} : vector<512x2048xf32> to vector<8x2048xf32>
    %lt3A_3355 = arith.cmpf olt, %slice3A_3354, %select_n3A_3349 : vector<8x2048xf32>
    %select_n3A_3356 = arith.select %lt3A_3355, %slice3A_3354, %select_n3A_3349 : vector<8x2048xi1>, vector<8x2048xf32>
    %add3A_3357 = arith.constant 88 : i32
    %add3A_3358 = vector.broadcast %add3A_3357 : i32 to vector<8x2048xi32>
    %add3A_3359 = arith.addi %iota3A, %add3A_3358 : vector<8x2048xi32>
    %select_n3A_3360 = arith.select %lt3A_3355, %add3A_3359, %select_n3A_3353 : vector<8x2048xi1>, vector<8x2048xi32>
    %slice3A_3361 = vector.extract_strided_slice %add3A_3282 {offsets = [96, 0], sizes = [8, 2048], strides = [1, 1]} : vector<512x2048xf32> to vector<8x2048xf32>
    %lt3A_3362 = arith.cmpf olt, %slice3A_3361, %select_n3A_3356 : vector<8x2048xf32>
    %select_n3A_3363 = arith.select %lt3A_3362, %slice3A_3361, %select_n3A_3356 : vector<8x2048xi1>, vector<8x2048xf32>
    %add3A_3364 = arith.constant 96 : i32
    %add3A_3365 = vector.broadcast %add3A_3364 : i32 to vector<8x2048xi32>
    %add3A_3366 = arith.addi %iota3A, %add3A_3365 : vector<8x2048xi32>
    %select_n3A_3367 = arith.select %lt3A_3362, %add3A_3366, %select_n3A_3360 : vector<8x2048xi1>, vector<8x2048xi32>
    %slice3A_3368 = vector.extract_strided_slice %add3A_3282 {offsets = [104, 0], sizes = [8, 2048], strides = [1, 1]} : vector<512x2048xf32> to vector<8x2048xf32>
    %lt3A_3369 = arith.cmpf olt, %slice3A_3368, %select_n3A_3363 : vector<8x2048xf32>
    %select_n3A_3370 = arith.select %lt3A_3369, %slice3A_3368, %select_n3A_3363 : vector<8x2048xi1>, vector<8x2048xf32>
    %add3A_3371 = arith.constant 104 : i32
    %add3A_3372 = vector.broadcast %add3A_3371 : i32 to vector<8x2048xi32>
    %add3A_3373 = arith.addi %iota3A, %add3A_3372 : vector<8x2048xi32>
    %select_n3A_3374 = arith.select %lt3A_3369, %add3A_3373, %select_n3A_3367 : vector<8x2048xi1>, vector<8x2048xi32>
    %slice3A_3375 = vector.extract_strided_slice %add3A_3282 {offsets = [112, 0], sizes = [8, 2048], strides = [1, 1]} : vector<512x2048xf32> to vector<8x2048xf32>
    %lt3A_3376 = arith.cmpf olt, %slice3A_3375, %select_n3A_3370 : vector<8x2048xf32>
    %select_n3A_3377 = arith.select %lt3A_3376, %slice3A_3375, %select_n3A_3370 : vector<8x2048xi1>, vector<8x2048xf32>
    %add3A_3378 = arith.constant 112 : i32
    %add3A_3379 = vector.broadcast %add3A_3378 : i32 to vector<8x2048xi32>
    %add3A_3380 = arith.addi %iota3A, %add3A_3379 : vector<8x2048xi32>
    %select_n3A_3381 = arith.select %lt3A_3376, %add3A_3380, %select_n3A_3374 : vector<8x2048xi1>, vector<8x2048xi32>
    %slice3A_3382 = vector.extract_strided_slice %add3A_3282 {offsets = [120, 0], sizes = [8, 2048], strides = [1, 1]} : vector<512x2048xf32> to vector<8x2048xf32>
    %lt3A_3383 = arith.cmpf olt, %slice3A_3382, %select_n3A_3377 : vector<8x2048xf32>
    %select_n3A_3384 = arith.select %lt3A_3383, %slice3A_3382, %select_n3A_3377 : vector<8x2048xi1>, vector<8x2048xf32>
    %add3A_3385 = arith.constant 120 : i32
    %add3A_3386 = vector.broadcast %add3A_3385 : i32 to vector<8x2048xi32>
    %add3A_3387 = arith.addi %iota3A, %add3A_3386 : vector<8x2048xi32>
    %select_n3A_3388 = arith.select %lt3A_3383, %add3A_3387, %select_n3A_3381 : vector<8x2048xi1>, vector<8x2048xi32>
    %slice3A_3389 = vector.extract_strided_slice %add3A_3282 {offsets = [128, 0], sizes = [8, 2048], strides = [1, 1]} : vector<512x2048xf32> to vector<8x2048xf32>
    %lt3A_3390 = arith.cmpf olt, %slice3A_3389, %select_n3A_3384 : vector<8x2048xf32>
    %select_n3A_3391 = arith.select %lt3A_3390, %slice3A_3389, %select_n3A_3384 : vector<8x2048xi1>, vector<8x2048xf32>
    %add3A_3392 = arith.constant 128 : i32
    %add3A_3393 = vector.broadcast %add3A_3392 : i32 to vector<8x2048xi32>
    %add3A_3394 = arith.addi %iota3A, %add3A_3393 : vector<8x2048xi32>
    %select_n3A_3395 = arith.select %lt3A_3390, %add3A_3394, %select_n3A_3388 : vector<8x2048xi1>, vector<8x2048xi32>
    %slice3A_3396 = vector.extract_strided_slice %add3A_3282 {offsets = [136, 0], sizes = [8, 2048], strides = [1, 1]} : vector<512x2048xf32> to vector<8x2048xf32>
    %lt3A_3397 = arith.cmpf olt, %slice3A_3396, %select_n3A_3391 : vector<8x2048xf32>
    %select_n3A_3398 = arith.select %lt3A_3397, %slice3A_3396, %select_n3A_3391 : vector<8x2048xi1>, vector<8x2048xf32>
    %add3A_3399 = arith.constant 136 : i32
    %add3A_3400 = vector.broadcast %add3A_3399 : i32 to vector<8x2048xi32>
    %add3A_3401 = arith.addi %iota3A, %add3A_3400 : vector<8x2048xi32>
    %select_n3A_3402 = arith.select %lt3A_3397, %add3A_3401, %select_n3A_3395 : vector<8x2048xi1>, vector<8x2048xi32>
    %slice3A_3403 = vector.extract_strided_slice %add3A_3282 {offsets = [144, 0], sizes = [8, 2048], strides = [1, 1]} : vector<512x2048xf32> to vector<8x2048xf32>
    %lt3A_3404 = arith.cmpf olt, %slice3A_3403, %select_n3A_3398 : vector<8x2048xf32>
    %select_n3A_3405 = arith.select %lt3A_3404, %slice3A_3403, %select_n3A_3398 : vector<8x2048xi1>, vector<8x2048xf32>
    %add3A_3406 = arith.constant 144 : i32
    %add3A_3407 = vector.broadcast %add3A_3406 : i32 to vector<8x2048xi32>
    %add3A_3408 = arith.addi %iota3A, %add3A_3407 : vector<8x2048xi32>
    %select_n3A_3409 = arith.select %lt3A_3404, %add3A_3408, %select_n3A_3402 : vector<8x2048xi1>, vector<8x2048xi32>
    %slice3A_3410 = vector.extract_strided_slice %add3A_3282 {offsets = [152, 0], sizes = [8, 2048], strides = [1, 1]} : vector<512x2048xf32> to vector<8x2048xf32>
    %lt3A_3411 = arith.cmpf olt, %slice3A_3410, %select_n3A_3405 : vector<8x2048xf32>
    %select_n3A_3412 = arith.select %lt3A_3411, %slice3A_3410, %select_n3A_3405 : vector<8x2048xi1>, vector<8x2048xf32>
    %add3A_3413 = arith.constant 152 : i32
    %add3A_3414 = vector.broadcast %add3A_3413 : i32 to vector<8x2048xi32>
    %add3A_3415 = arith.addi %iota3A, %add3A_3414 : vector<8x2048xi32>
    %select_n3A_3416 = arith.select %lt3A_3411, %add3A_3415, %select_n3A_3409 : vector<8x2048xi1>, vector<8x2048xi32>
    %slice3A_3417 = vector.extract_strided_slice %add3A_3282 {offsets = [160, 0], sizes = [8, 2048], strides = [1, 1]} : vector<512x2048xf32> to vector<8x2048xf32>
    %lt3A_3418 = arith.cmpf olt, %slice3A_3417, %select_n3A_3412 : vector<8x2048xf32>
    %select_n3A_3419 = arith.select %lt3A_3418, %slice3A_3417, %select_n3A_3412 : vector<8x2048xi1>, vector<8x2048xf32>
    %add3A_3420 = arith.constant 160 : i32
    %add3A_3421 = vector.broadcast %add3A_3420 : i32 to vector<8x2048xi32>
    %add3A_3422 = arith.addi %iota3A, %add3A_3421 : vector<8x2048xi32>
    %select_n3A_3423 = arith.select %lt3A_3418, %add3A_3422, %select_n3A_3416 : vector<8x2048xi1>, vector<8x2048xi32>
    %slice3A_3424 = vector.extract_strided_slice %add3A_3282 {offsets = [168, 0], sizes = [8, 2048], strides = [1, 1]} : vector<512x2048xf32> to vector<8x2048xf32>
    %lt3A_3425 = arith.cmpf olt, %slice3A_3424, %select_n3A_3419 : vector<8x2048xf32>
    %select_n3A_3426 = arith.select %lt3A_3425, %slice3A_3424, %select_n3A_3419 : vector<8x2048xi1>, vector<8x2048xf32>
    %add3A_3427 = arith.constant 168 : i32
    %add3A_3428 = vector.broadcast %add3A_3427 : i32 to vector<8x2048xi32>
    %add3A_3429 = arith.addi %iota3A, %add3A_3428 : vector<8x2048xi32>
    %select_n3A_3430 = arith.select %lt3A_3425, %add3A_3429, %select_n3A_3423 : vector<8x2048xi1>, vector<8x2048xi32>
    %slice3A_3431 = vector.extract_strided_slice %add3A_3282 {offsets = [176, 0], sizes = [8, 2048], strides = [1, 1]} : vector<512x2048xf32> to vector<8x2048xf32>
    %lt3A_3432 = arith.cmpf olt, %slice3A_3431, %select_n3A_3426 : vector<8x2048xf32>
    %select_n3A_3433 = arith.select %lt3A_3432, %slice3A_3431, %select_n3A_3426 : vector<8x2048xi1>, vector<8x2048xf32>
    %add3A_3434 = arith.constant 176 : i32
    %add3A_3435 = vector.broadcast %add3A_3434 : i32 to vector<8x2048xi32>
    %add3A_3436 = arith.addi %iota3A, %add3A_3435 : vector<8x2048xi32>
    %select_n3A_3437 = arith.select %lt3A_3432, %add3A_3436, %select_n3A_3430 : vector<8x2048xi1>, vector<8x2048xi32>
    %slice3A_3438 = vector.extract_strided_slice %add3A_3282 {offsets = [184, 0], sizes = [8, 2048], strides = [1, 1]} : vector<512x2048xf32> to vector<8x2048xf32>
    %lt3A_3439 = arith.cmpf olt, %slice3A_3438, %select_n3A_3433 : vector<8x2048xf32>
    %select_n3A_3440 = arith.select %lt3A_3439, %slice3A_3438, %select_n3A_3433 : vector<8x2048xi1>, vector<8x2048xf32>
    %add3A_3441 = arith.constant 184 : i32
    %add3A_3442 = vector.broadcast %add3A_3441 : i32 to vector<8x2048xi32>
    %add3A_3443 = arith.addi %iota3A, %add3A_3442 : vector<8x2048xi32>
    %select_n3A_3444 = arith.select %lt3A_3439, %add3A_3443, %select_n3A_3437 : vector<8x2048xi1>, vector<8x2048xi32>
    %slice3A_3445 = vector.extract_strided_slice %add3A_3282 {offsets = [192, 0], sizes = [8, 2048], strides = [1, 1]} : vector<512x2048xf32> to vector<8x2048xf32>
    %lt3A_3446 = arith.cmpf olt, %slice3A_3445, %select_n3A_3440 : vector<8x2048xf32>
    %select_n3A_3447 = arith.select %lt3A_3446, %slice3A_3445, %select_n3A_3440 : vector<8x2048xi1>, vector<8x2048xf32>
    %add3A_3448 = arith.constant 192 : i32
    %add3A_3449 = vector.broadcast %add3A_3448 : i32 to vector<8x2048xi32>
    %add3A_3450 = arith.addi %iota3A, %add3A_3449 : vector<8x2048xi32>
    %select_n3A_3451 = arith.select %lt3A_3446, %add3A_3450, %select_n3A_3444 : vector<8x2048xi1>, vector<8x2048xi32>
    %slice3A_3452 = vector.extract_strided_slice %add3A_3282 {offsets = [200, 0], sizes = [8, 2048], strides = [1, 1]} : vector<512x2048xf32> to vector<8x2048xf32>
    %lt3A_3453 = arith.cmpf olt, %slice3A_3452, %select_n3A_3447 : vector<8x2048xf32>
    %select_n3A_3454 = arith.select %lt3A_3453, %slice3A_3452, %select_n3A_3447 : vector<8x2048xi1>, vector<8x2048xf32>
    %add3A_3455 = arith.constant 200 : i32
    %add3A_3456 = vector.broadcast %add3A_3455 : i32 to vector<8x2048xi32>
    %add3A_3457 = arith.addi %iota3A, %add3A_3456 : vector<8x2048xi32>
    %select_n3A_3458 = arith.select %lt3A_3453, %add3A_3457, %select_n3A_3451 : vector<8x2048xi1>, vector<8x2048xi32>
    %slice3A_3459 = vector.extract_strided_slice %add3A_3282 {offsets = [208, 0], sizes = [8, 2048], strides = [1, 1]} : vector<512x2048xf32> to vector<8x2048xf32>
    %lt3A_3460 = arith.cmpf olt, %slice3A_3459, %select_n3A_3454 : vector<8x2048xf32>
    %select_n3A_3461 = arith.select %lt3A_3460, %slice3A_3459, %select_n3A_3454 : vector<8x2048xi1>, vector<8x2048xf32>
    %add3A_3462 = arith.constant 208 : i32
    %add3A_3463 = vector.broadcast %add3A_3462 : i32 to vector<8x2048xi32>
    %add3A_3464 = arith.addi %iota3A, %add3A_3463 : vector<8x2048xi32>
    %select_n3A_3465 = arith.select %lt3A_3460, %add3A_3464, %select_n3A_3458 : vector<8x2048xi1>, vector<8x2048xi32>
    %slice3A_3466 = vector.extract_strided_slice %add3A_3282 {offsets = [216, 0], sizes = [8, 2048], strides = [1, 1]} : vector<512x2048xf32> to vector<8x2048xf32>
    %lt3A_3467 = arith.cmpf olt, %slice3A_3466, %select_n3A_3461 : vector<8x2048xf32>
    %select_n3A_3468 = arith.select %lt3A_3467, %slice3A_3466, %select_n3A_3461 : vector<8x2048xi1>, vector<8x2048xf32>
    %add3A_3469 = arith.constant 216 : i32
    %add3A_3470 = vector.broadcast %add3A_3469 : i32 to vector<8x2048xi32>
    %add3A_3471 = arith.addi %iota3A, %add3A_3470 : vector<8x2048xi32>
    %select_n3A_3472 = arith.select %lt3A_3467, %add3A_3471, %select_n3A_3465 : vector<8x2048xi1>, vector<8x2048xi32>
    %slice3A_3473 = vector.extract_strided_slice %add3A_3282 {offsets = [224, 0], sizes = [8, 2048], strides = [1, 1]} : vector<512x2048xf32> to vector<8x2048xf32>
    %lt3A_3474 = arith.cmpf olt, %slice3A_3473, %select_n3A_3468 : vector<8x2048xf32>
    %select_n3A_3475 = arith.select %lt3A_3474, %slice3A_3473, %select_n3A_3468 : vector<8x2048xi1>, vector<8x2048xf32>
    %add3A_3476 = arith.constant 224 : i32
    %add3A_3477 = vector.broadcast %add3A_3476 : i32 to vector<8x2048xi32>
    %add3A_3478 = arith.addi %iota3A, %add3A_3477 : vector<8x2048xi32>
    %select_n3A_3479 = arith.select %lt3A_3474, %add3A_3478, %select_n3A_3472 : vector<8x2048xi1>, vector<8x2048xi32>
    %slice3A_3480 = vector.extract_strided_slice %add3A_3282 {offsets = [232, 0], sizes = [8, 2048], strides = [1, 1]} : vector<512x2048xf32> to vector<8x2048xf32>
    %lt3A_3481 = arith.cmpf olt, %slice3A_3480, %select_n3A_3475 : vector<8x2048xf32>
    %select_n3A_3482 = arith.select %lt3A_3481, %slice3A_3480, %select_n3A_3475 : vector<8x2048xi1>, vector<8x2048xf32>
    %add3A_3483 = arith.constant 232 : i32
    %add3A_3484 = vector.broadcast %add3A_3483 : i32 to vector<8x2048xi32>
    %add3A_3485 = arith.addi %iota3A, %add3A_3484 : vector<8x2048xi32>
    %select_n3A_3486 = arith.select %lt3A_3481, %add3A_3485, %select_n3A_3479 : vector<8x2048xi1>, vector<8x2048xi32>
    %slice3A_3487 = vector.extract_strided_slice %add3A_3282 {offsets = [240, 0], sizes = [8, 2048], strides = [1, 1]} : vector<512x2048xf32> to vector<8x2048xf32>
    %lt3A_3488 = arith.cmpf olt, %slice3A_3487, %select_n3A_3482 : vector<8x2048xf32>
    %select_n3A_3489 = arith.select %lt3A_3488, %slice3A_3487, %select_n3A_3482 : vector<8x2048xi1>, vector<8x2048xf32>
    %add3A_3490 = arith.constant 240 : i32
    %add3A_3491 = vector.broadcast %add3A_3490 : i32 to vector<8x2048xi32>
    %add3A_3492 = arith.addi %iota3A, %add3A_3491 : vector<8x2048xi32>
    %select_n3A_3493 = arith.select %lt3A_3488, %add3A_3492, %select_n3A_3486 : vector<8x2048xi1>, vector<8x2048xi32>
    %slice3A_3494 = vector.extract_strided_slice %add3A_3282 {offsets = [248, 0], sizes = [8, 2048], strides = [1, 1]} : vector<512x2048xf32> to vector<8x2048xf32>
    %lt3A_3495 = arith.cmpf olt, %slice3A_3494, %select_n3A_3489 : vector<8x2048xf32>
    %select_n3A_3496 = arith.select %lt3A_3495, %slice3A_3494, %select_n3A_3489 : vector<8x2048xi1>, vector<8x2048xf32>
    %add3A_3497 = arith.constant 248 : i32
    %add3A_3498 = vector.broadcast %add3A_3497 : i32 to vector<8x2048xi32>
    %add3A_3499 = arith.addi %iota3A, %add3A_3498 : vector<8x2048xi32>
    %select_n3A_3500 = arith.select %lt3A_3495, %add3A_3499, %select_n3A_3493 : vector<8x2048xi1>, vector<8x2048xi32>
    %slice3A_3501 = vector.extract_strided_slice %add3A_3282 {offsets = [256, 0], sizes = [8, 2048], strides = [1, 1]} : vector<512x2048xf32> to vector<8x2048xf32>
    %lt3A_3502 = arith.cmpf olt, %slice3A_3501, %select_n3A_3496 : vector<8x2048xf32>
    %select_n3A_3503 = arith.select %lt3A_3502, %slice3A_3501, %select_n3A_3496 : vector<8x2048xi1>, vector<8x2048xf32>
    %add3A_3504 = arith.constant 256 : i32
    %add3A_3505 = vector.broadcast %add3A_3504 : i32 to vector<8x2048xi32>
    %add3A_3506 = arith.addi %iota3A, %add3A_3505 : vector<8x2048xi32>
    %select_n3A_3507 = arith.select %lt3A_3502, %add3A_3506, %select_n3A_3500 : vector<8x2048xi1>, vector<8x2048xi32>
    %slice3A_3508 = vector.extract_strided_slice %add3A_3282 {offsets = [264, 0], sizes = [8, 2048], strides = [1, 1]} : vector<512x2048xf32> to vector<8x2048xf32>
    %lt3A_3509 = arith.cmpf olt, %slice3A_3508, %select_n3A_3503 : vector<8x2048xf32>
    %select_n3A_3510 = arith.select %lt3A_3509, %slice3A_3508, %select_n3A_3503 : vector<8x2048xi1>, vector<8x2048xf32>
    %add3A_3511 = arith.constant 264 : i32
    %add3A_3512 = vector.broadcast %add3A_3511 : i32 to vector<8x2048xi32>
    %add3A_3513 = arith.addi %iota3A, %add3A_3512 : vector<8x2048xi32>
    %select_n3A_3514 = arith.select %lt3A_3509, %add3A_3513, %select_n3A_3507 : vector<8x2048xi1>, vector<8x2048xi32>
    %slice3A_3515 = vector.extract_strided_slice %add3A_3282 {offsets = [272, 0], sizes = [8, 2048], strides = [1, 1]} : vector<512x2048xf32> to vector<8x2048xf32>
    %lt3A_3516 = arith.cmpf olt, %slice3A_3515, %select_n3A_3510 : vector<8x2048xf32>
    %select_n3A_3517 = arith.select %lt3A_3516, %slice3A_3515, %select_n3A_3510 : vector<8x2048xi1>, vector<8x2048xf32>
    %add3A_3518 = arith.constant 272 : i32
    %add3A_3519 = vector.broadcast %add3A_3518 : i32 to vector<8x2048xi32>
    %add3A_3520 = arith.addi %iota3A, %add3A_3519 : vector<8x2048xi32>
    %select_n3A_3521 = arith.select %lt3A_3516, %add3A_3520, %select_n3A_3514 : vector<8x2048xi1>, vector<8x2048xi32>
    %slice3A_3522 = vector.extract_strided_slice %add3A_3282 {offsets = [280, 0], sizes = [8, 2048], strides = [1, 1]} : vector<512x2048xf32> to vector<8x2048xf32>
    %lt3A_3523 = arith.cmpf olt, %slice3A_3522, %select_n3A_3517 : vector<8x2048xf32>
    %select_n3A_3524 = arith.select %lt3A_3523, %slice3A_3522, %select_n3A_3517 : vector<8x2048xi1>, vector<8x2048xf32>
    %add3A_3525 = arith.constant 280 : i32
    %add3A_3526 = vector.broadcast %add3A_3525 : i32 to vector<8x2048xi32>
    %add3A_3527 = arith.addi %iota3A, %add3A_3526 : vector<8x2048xi32>
    %select_n3A_3528 = arith.select %lt3A_3523, %add3A_3527, %select_n3A_3521 : vector<8x2048xi1>, vector<8x2048xi32>
    %slice3A_3529 = vector.extract_strided_slice %add3A_3282 {offsets = [288, 0], sizes = [8, 2048], strides = [1, 1]} : vector<512x2048xf32> to vector<8x2048xf32>
    %lt3A_3530 = arith.cmpf olt, %slice3A_3529, %select_n3A_3524 : vector<8x2048xf32>
    %select_n3A_3531 = arith.select %lt3A_3530, %slice3A_3529, %select_n3A_3524 : vector<8x2048xi1>, vector<8x2048xf32>
    %add3A_3532 = arith.constant 288 : i32
    %add3A_3533 = vector.broadcast %add3A_3532 : i32 to vector<8x2048xi32>
    %add3A_3534 = arith.addi %iota3A, %add3A_3533 : vector<8x2048xi32>
    %select_n3A_3535 = arith.select %lt3A_3530, %add3A_3534, %select_n3A_3528 : vector<8x2048xi1>, vector<8x2048xi32>
    %slice3A_3536 = vector.extract_strided_slice %add3A_3282 {offsets = [296, 0], sizes = [8, 2048], strides = [1, 1]} : vector<512x2048xf32> to vector<8x2048xf32>
    %lt3A_3537 = arith.cmpf olt, %slice3A_3536, %select_n3A_3531 : vector<8x2048xf32>
    %select_n3A_3538 = arith.select %lt3A_3537, %slice3A_3536, %select_n3A_3531 : vector<8x2048xi1>, vector<8x2048xf32>
    %add3A_3539 = arith.constant 296 : i32
    %add3A_3540 = vector.broadcast %add3A_3539 : i32 to vector<8x2048xi32>
    %add3A_3541 = arith.addi %iota3A, %add3A_3540 : vector<8x2048xi32>
    %select_n3A_3542 = arith.select %lt3A_3537, %add3A_3541, %select_n3A_3535 : vector<8x2048xi1>, vector<8x2048xi32>
    %slice3A_3543 = vector.extract_strided_slice %add3A_3282 {offsets = [304, 0], sizes = [8, 2048], strides = [1, 1]} : vector<512x2048xf32> to vector<8x2048xf32>
    %lt3A_3544 = arith.cmpf olt, %slice3A_3543, %select_n3A_3538 : vector<8x2048xf32>
    %select_n3A_3545 = arith.select %lt3A_3544, %slice3A_3543, %select_n3A_3538 : vector<8x2048xi1>, vector<8x2048xf32>
    %add3A_3546 = arith.constant 304 : i32
    %add3A_3547 = vector.broadcast %add3A_3546 : i32 to vector<8x2048xi32>
    %add3A_3548 = arith.addi %iota3A, %add3A_3547 : vector<8x2048xi32>
    %select_n3A_3549 = arith.select %lt3A_3544, %add3A_3548, %select_n3A_3542 : vector<8x2048xi1>, vector<8x2048xi32>
    %slice3A_3550 = vector.extract_strided_slice %add3A_3282 {offsets = [312, 0], sizes = [8, 2048], strides = [1, 1]} : vector<512x2048xf32> to vector<8x2048xf32>
    %lt3A_3551 = arith.cmpf olt, %slice3A_3550, %select_n3A_3545 : vector<8x2048xf32>
    %select_n3A_3552 = arith.select %lt3A_3551, %slice3A_3550, %select_n3A_3545 : vector<8x2048xi1>, vector<8x2048xf32>
    %add3A_3553 = arith.constant 312 : i32
    %add3A_3554 = vector.broadcast %add3A_3553 : i32 to vector<8x2048xi32>
    %add3A_3555 = arith.addi %iota3A, %add3A_3554 : vector<8x2048xi32>
    %select_n3A_3556 = arith.select %lt3A_3551, %add3A_3555, %select_n3A_3549 : vector<8x2048xi1>, vector<8x2048xi32>
    %slice3A_3557 = vector.extract_strided_slice %add3A_3282 {offsets = [320, 0], sizes = [8, 2048], strides = [1, 1]} : vector<512x2048xf32> to vector<8x2048xf32>
    %lt3A_3558 = arith.cmpf olt, %slice3A_3557, %select_n3A_3552 : vector<8x2048xf32>
    %select_n3A_3559 = arith.select %lt3A_3558, %slice3A_3557, %select_n3A_3552 : vector<8x2048xi1>, vector<8x2048xf32>
    %add3A_3560 = arith.constant 320 : i32
    %add3A_3561 = vector.broadcast %add3A_3560 : i32 to vector<8x2048xi32>
    %add3A_3562 = arith.addi %iota3A, %add3A_3561 : vector<8x2048xi32>
    %select_n3A_3563 = arith.select %lt3A_3558, %add3A_3562, %select_n3A_3556 : vector<8x2048xi1>, vector<8x2048xi32>
    %slice3A_3564 = vector.extract_strided_slice %add3A_3282 {offsets = [328, 0], sizes = [8, 2048], strides = [1, 1]} : vector<512x2048xf32> to vector<8x2048xf32>
    %lt3A_3565 = arith.cmpf olt, %slice3A_3564, %select_n3A_3559 : vector<8x2048xf32>
    %select_n3A_3566 = arith.select %lt3A_3565, %slice3A_3564, %select_n3A_3559 : vector<8x2048xi1>, vector<8x2048xf32>
    %add3A_3567 = arith.constant 328 : i32
    %add3A_3568 = vector.broadcast %add3A_3567 : i32 to vector<8x2048xi32>
    %add3A_3569 = arith.addi %iota3A, %add3A_3568 : vector<8x2048xi32>
    %select_n3A_3570 = arith.select %lt3A_3565, %add3A_3569, %select_n3A_3563 : vector<8x2048xi1>, vector<8x2048xi32>
    %slice3A_3571 = vector.extract_strided_slice %add3A_3282 {offsets = [336, 0], sizes = [8, 2048], strides = [1, 1]} : vector<512x2048xf32> to vector<8x2048xf32>
    %lt3A_3572 = arith.cmpf olt, %slice3A_3571, %select_n3A_3566 : vector<8x2048xf32>
    %select_n3A_3573 = arith.select %lt3A_3572, %slice3A_3571, %select_n3A_3566 : vector<8x2048xi1>, vector<8x2048xf32>
    %add3A_3574 = arith.constant 336 : i32
    %add3A_3575 = vector.broadcast %add3A_3574 : i32 to vector<8x2048xi32>
    %add3A_3576 = arith.addi %iota3A, %add3A_3575 : vector<8x2048xi32>
    %select_n3A_3577 = arith.select %lt3A_3572, %add3A_3576, %select_n3A_3570 : vector<8x2048xi1>, vector<8x2048xi32>
    %slice3A_3578 = vector.extract_strided_slice %add3A_3282 {offsets = [344, 0], sizes = [8, 2048], strides = [1, 1]} : vector<512x2048xf32> to vector<8x2048xf32>
    %lt3A_3579 = arith.cmpf olt, %slice3A_3578, %select_n3A_3573 : vector<8x2048xf32>
    %select_n3A_3580 = arith.select %lt3A_3579, %slice3A_3578, %select_n3A_3573 : vector<8x2048xi1>, vector<8x2048xf32>
    %add3A_3581 = arith.constant 344 : i32
    %add3A_3582 = vector.broadcast %add3A_3581 : i32 to vector<8x2048xi32>
    %add3A_3583 = arith.addi %iota3A, %add3A_3582 : vector<8x2048xi32>
    %select_n3A_3584 = arith.select %lt3A_3579, %add3A_3583, %select_n3A_3577 : vector<8x2048xi1>, vector<8x2048xi32>
    %slice3A_3585 = vector.extract_strided_slice %add3A_3282 {offsets = [352, 0], sizes = [8, 2048], strides = [1, 1]} : vector<512x2048xf32> to vector<8x2048xf32>
    %lt3A_3586 = arith.cmpf olt, %slice3A_3585, %select_n3A_3580 : vector<8x2048xf32>
    %select_n3A_3587 = arith.select %lt3A_3586, %slice3A_3585, %select_n3A_3580 : vector<8x2048xi1>, vector<8x2048xf32>
    %add3A_3588 = arith.constant 352 : i32
    %add3A_3589 = vector.broadcast %add3A_3588 : i32 to vector<8x2048xi32>
    %add3A_3590 = arith.addi %iota3A, %add3A_3589 : vector<8x2048xi32>
    %select_n3A_3591 = arith.select %lt3A_3586, %add3A_3590, %select_n3A_3584 : vector<8x2048xi1>, vector<8x2048xi32>
    %slice3A_3592 = vector.extract_strided_slice %add3A_3282 {offsets = [360, 0], sizes = [8, 2048], strides = [1, 1]} : vector<512x2048xf32> to vector<8x2048xf32>
    %lt3A_3593 = arith.cmpf olt, %slice3A_3592, %select_n3A_3587 : vector<8x2048xf32>
    %select_n3A_3594 = arith.select %lt3A_3593, %slice3A_3592, %select_n3A_3587 : vector<8x2048xi1>, vector<8x2048xf32>
    %add3A_3595 = arith.constant 360 : i32
    %add3A_3596 = vector.broadcast %add3A_3595 : i32 to vector<8x2048xi32>
    %add3A_3597 = arith.addi %iota3A, %add3A_3596 : vector<8x2048xi32>
    %select_n3A_3598 = arith.select %lt3A_3593, %add3A_3597, %select_n3A_3591 : vector<8x2048xi1>, vector<8x2048xi32>
    %slice3A_3599 = vector.extract_strided_slice %add3A_3282 {offsets = [368, 0], sizes = [8, 2048], strides = [1, 1]} : vector<512x2048xf32> to vector<8x2048xf32>
    %lt3A_3600 = arith.cmpf olt, %slice3A_3599, %select_n3A_3594 : vector<8x2048xf32>
    %select_n3A_3601 = arith.select %lt3A_3600, %slice3A_3599, %select_n3A_3594 : vector<8x2048xi1>, vector<8x2048xf32>
    %add3A_3602 = arith.constant 368 : i32
    %add3A_3603 = vector.broadcast %add3A_3602 : i32 to vector<8x2048xi32>
    %add3A_3604 = arith.addi %iota3A, %add3A_3603 : vector<8x2048xi32>
    %select_n3A_3605 = arith.select %lt3A_3600, %add3A_3604, %select_n3A_3598 : vector<8x2048xi1>, vector<8x2048xi32>
    %slice3A_3606 = vector.extract_strided_slice %add3A_3282 {offsets = [376, 0], sizes = [8, 2048], strides = [1, 1]} : vector<512x2048xf32> to vector<8x2048xf32>
    %lt3A_3607 = arith.cmpf olt, %slice3A_3606, %select_n3A_3601 : vector<8x2048xf32>
    %select_n3A_3608 = arith.select %lt3A_3607, %slice3A_3606, %select_n3A_3601 : vector<8x2048xi1>, vector<8x2048xf32>
    %add3A_3609 = arith.constant 376 : i32
    %add3A_3610 = vector.broadcast %add3A_3609 : i32 to vector<8x2048xi32>
    %add3A_3611 = arith.addi %iota3A, %add3A_3610 : vector<8x2048xi32>
    %select_n3A_3612 = arith.select %lt3A_3607, %add3A_3611, %select_n3A_3605 : vector<8x2048xi1>, vector<8x2048xi32>
    %slice3A_3613 = vector.extract_strided_slice %add3A_3282 {offsets = [384, 0], sizes = [8, 2048], strides = [1, 1]} : vector<512x2048xf32> to vector<8x2048xf32>
    %lt3A_3614 = arith.cmpf olt, %slice3A_3613, %select_n3A_3608 : vector<8x2048xf32>
    %select_n3A_3615 = arith.select %lt3A_3614, %slice3A_3613, %select_n3A_3608 : vector<8x2048xi1>, vector<8x2048xf32>
    %add3A_3616 = arith.constant 384 : i32
    %add3A_3617 = vector.broadcast %add3A_3616 : i32 to vector<8x2048xi32>
    %add3A_3618 = arith.addi %iota3A, %add3A_3617 : vector<8x2048xi32>
    %select_n3A_3619 = arith.select %lt3A_3614, %add3A_3618, %select_n3A_3612 : vector<8x2048xi1>, vector<8x2048xi32>
    %slice3A_3620 = vector.extract_strided_slice %add3A_3282 {offsets = [392, 0], sizes = [8, 2048], strides = [1, 1]} : vector<512x2048xf32> to vector<8x2048xf32>
    %lt3A_3621 = arith.cmpf olt, %slice3A_3620, %select_n3A_3615 : vector<8x2048xf32>
    %select_n3A_3622 = arith.select %lt3A_3621, %slice3A_3620, %select_n3A_3615 : vector<8x2048xi1>, vector<8x2048xf32>
    %add3A_3623 = arith.constant 392 : i32
    %add3A_3624 = vector.broadcast %add3A_3623 : i32 to vector<8x2048xi32>
    %add3A_3625 = arith.addi %iota3A, %add3A_3624 : vector<8x2048xi32>
    %select_n3A_3626 = arith.select %lt3A_3621, %add3A_3625, %select_n3A_3619 : vector<8x2048xi1>, vector<8x2048xi32>
    %slice3A_3627 = vector.extract_strided_slice %add3A_3282 {offsets = [400, 0], sizes = [8, 2048], strides = [1, 1]} : vector<512x2048xf32> to vector<8x2048xf32>
    %lt3A_3628 = arith.cmpf olt, %slice3A_3627, %select_n3A_3622 : vector<8x2048xf32>
    %select_n3A_3629 = arith.select %lt3A_3628, %slice3A_3627, %select_n3A_3622 : vector<8x2048xi1>, vector<8x2048xf32>
    %add3A_3630 = arith.constant 400 : i32
    %add3A_3631 = vector.broadcast %add3A_3630 : i32 to vector<8x2048xi32>
    %add3A_3632 = arith.addi %iota3A, %add3A_3631 : vector<8x2048xi32>
    %select_n3A_3633 = arith.select %lt3A_3628, %add3A_3632, %select_n3A_3626 : vector<8x2048xi1>, vector<8x2048xi32>
    %slice3A_3634 = vector.extract_strided_slice %add3A_3282 {offsets = [408, 0], sizes = [8, 2048], strides = [1, 1]} : vector<512x2048xf32> to vector<8x2048xf32>
    %lt3A_3635 = arith.cmpf olt, %slice3A_3634, %select_n3A_3629 : vector<8x2048xf32>
    %select_n3A_3636 = arith.select %lt3A_3635, %slice3A_3634, %select_n3A_3629 : vector<8x2048xi1>, vector<8x2048xf32>
    %add3A_3637 = arith.constant 408 : i32
    %add3A_3638 = vector.broadcast %add3A_3637 : i32 to vector<8x2048xi32>
    %add3A_3639 = arith.addi %iota3A, %add3A_3638 : vector<8x2048xi32>
    %select_n3A_3640 = arith.select %lt3A_3635, %add3A_3639, %select_n3A_3633 : vector<8x2048xi1>, vector<8x2048xi32>
    %slice3A_3641 = vector.extract_strided_slice %add3A_3282 {offsets = [416, 0], sizes = [8, 2048], strides = [1, 1]} : vector<512x2048xf32> to vector<8x2048xf32>
    %lt3A_3642 = arith.cmpf olt, %slice3A_3641, %select_n3A_3636 : vector<8x2048xf32>
    %select_n3A_3643 = arith.select %lt3A_3642, %slice3A_3641, %select_n3A_3636 : vector<8x2048xi1>, vector<8x2048xf32>
    %add3A_3644 = arith.constant 416 : i32
    %add3A_3645 = vector.broadcast %add3A_3644 : i32 to vector<8x2048xi32>
    %add3A_3646 = arith.addi %iota3A, %add3A_3645 : vector<8x2048xi32>
    %select_n3A_3647 = arith.select %lt3A_3642, %add3A_3646, %select_n3A_3640 : vector<8x2048xi1>, vector<8x2048xi32>
    %slice3A_3648 = vector.extract_strided_slice %add3A_3282 {offsets = [424, 0], sizes = [8, 2048], strides = [1, 1]} : vector<512x2048xf32> to vector<8x2048xf32>
    %lt3A_3649 = arith.cmpf olt, %slice3A_3648, %select_n3A_3643 : vector<8x2048xf32>
    %select_n3A_3650 = arith.select %lt3A_3649, %slice3A_3648, %select_n3A_3643 : vector<8x2048xi1>, vector<8x2048xf32>
    %add3A_3651 = arith.constant 424 : i32
    %add3A_3652 = vector.broadcast %add3A_3651 : i32 to vector<8x2048xi32>
    %add3A_3653 = arith.addi %iota3A, %add3A_3652 : vector<8x2048xi32>
    %select_n3A_3654 = arith.select %lt3A_3649, %add3A_3653, %select_n3A_3647 : vector<8x2048xi1>, vector<8x2048xi32>
    %slice3A_3655 = vector.extract_strided_slice %add3A_3282 {offsets = [432, 0], sizes = [8, 2048], strides = [1, 1]} : vector<512x2048xf32> to vector<8x2048xf32>
    %lt3A_3656 = arith.cmpf olt, %slice3A_3655, %select_n3A_3650 : vector<8x2048xf32>
    %select_n3A_3657 = arith.select %lt3A_3656, %slice3A_3655, %select_n3A_3650 : vector<8x2048xi1>, vector<8x2048xf32>
    %add3A_3658 = arith.constant 432 : i32
    %add3A_3659 = vector.broadcast %add3A_3658 : i32 to vector<8x2048xi32>
    %add3A_3660 = arith.addi %iota3A, %add3A_3659 : vector<8x2048xi32>
    %select_n3A_3661 = arith.select %lt3A_3656, %add3A_3660, %select_n3A_3654 : vector<8x2048xi1>, vector<8x2048xi32>
    %slice3A_3662 = vector.extract_strided_slice %add3A_3282 {offsets = [440, 0], sizes = [8, 2048], strides = [1, 1]} : vector<512x2048xf32> to vector<8x2048xf32>
    %lt3A_3663 = arith.cmpf olt, %slice3A_3662, %select_n3A_3657 : vector<8x2048xf32>
    %select_n3A_3664 = arith.select %lt3A_3663, %slice3A_3662, %select_n3A_3657 : vector<8x2048xi1>, vector<8x2048xf32>
    %add3A_3665 = arith.constant 440 : i32
    %add3A_3666 = vector.broadcast %add3A_3665 : i32 to vector<8x2048xi32>
    %add3A_3667 = arith.addi %iota3A, %add3A_3666 : vector<8x2048xi32>
    %select_n3A_3668 = arith.select %lt3A_3663, %add3A_3667, %select_n3A_3661 : vector<8x2048xi1>, vector<8x2048xi32>
    %slice3A_3669 = vector.extract_strided_slice %add3A_3282 {offsets = [448, 0], sizes = [8, 2048], strides = [1, 1]} : vector<512x2048xf32> to vector<8x2048xf32>
    %lt3A_3670 = arith.cmpf olt, %slice3A_3669, %select_n3A_3664 : vector<8x2048xf32>
    %select_n3A_3671 = arith.select %lt3A_3670, %slice3A_3669, %select_n3A_3664 : vector<8x2048xi1>, vector<8x2048xf32>
    %add3A_3672 = arith.constant 448 : i32
    %add3A_3673 = vector.broadcast %add3A_3672 : i32 to vector<8x2048xi32>
    %add3A_3674 = arith.addi %iota3A, %add3A_3673 : vector<8x2048xi32>
    %select_n3A_3675 = arith.select %lt3A_3670, %add3A_3674, %select_n3A_3668 : vector<8x2048xi1>, vector<8x2048xi32>
    %slice3A_3676 = vector.extract_strided_slice %add3A_3282 {offsets = [456, 0], sizes = [8, 2048], strides = [1, 1]} : vector<512x2048xf32> to vector<8x2048xf32>
    %lt3A_3677 = arith.cmpf olt, %slice3A_3676, %select_n3A_3671 : vector<8x2048xf32>
    %select_n3A_3678 = arith.select %lt3A_3677, %slice3A_3676, %select_n3A_3671 : vector<8x2048xi1>, vector<8x2048xf32>
    %add3A_3679 = arith.constant 456 : i32
    %add3A_3680 = vector.broadcast %add3A_3679 : i32 to vector<8x2048xi32>
    %add3A_3681 = arith.addi %iota3A, %add3A_3680 : vector<8x2048xi32>
    %select_n3A_3682 = arith.select %lt3A_3677, %add3A_3681, %select_n3A_3675 : vector<8x2048xi1>, vector<8x2048xi32>
    %slice3A_3683 = vector.extract_strided_slice %add3A_3282 {offsets = [464, 0], sizes = [8, 2048], strides = [1, 1]} : vector<512x2048xf32> to vector<8x2048xf32>
    %lt3A_3684 = arith.cmpf olt, %slice3A_3683, %select_n3A_3678 : vector<8x2048xf32>
    %select_n3A_3685 = arith.select %lt3A_3684, %slice3A_3683, %select_n3A_3678 : vector<8x2048xi1>, vector<8x2048xf32>
    %add3A_3686 = arith.constant 464 : i32
    %add3A_3687 = vector.broadcast %add3A_3686 : i32 to vector<8x2048xi32>
    %add3A_3688 = arith.addi %iota3A, %add3A_3687 : vector<8x2048xi32>
    %select_n3A_3689 = arith.select %lt3A_3684, %add3A_3688, %select_n3A_3682 : vector<8x2048xi1>, vector<8x2048xi32>
    %slice3A_3690 = vector.extract_strided_slice %add3A_3282 {offsets = [472, 0], sizes = [8, 2048], strides = [1, 1]} : vector<512x2048xf32> to vector<8x2048xf32>
    %lt3A_3691 = arith.cmpf olt, %slice3A_3690, %select_n3A_3685 : vector<8x2048xf32>
    %select_n3A_3692 = arith.select %lt3A_3691, %slice3A_3690, %select_n3A_3685 : vector<8x2048xi1>, vector<8x2048xf32>
    %add3A_3693 = arith.constant 472 : i32
    %add3A_3694 = vector.broadcast %add3A_3693 : i32 to vector<8x2048xi32>
    %add3A_3695 = arith.addi %iota3A, %add3A_3694 : vector<8x2048xi32>
    %select_n3A_3696 = arith.select %lt3A_3691, %add3A_3695, %select_n3A_3689 : vector<8x2048xi1>, vector<8x2048xi32>
    %slice3A_3697 = vector.extract_strided_slice %add3A_3282 {offsets = [480, 0], sizes = [8, 2048], strides = [1, 1]} : vector<512x2048xf32> to vector<8x2048xf32>
    %lt3A_3698 = arith.cmpf olt, %slice3A_3697, %select_n3A_3692 : vector<8x2048xf32>
    %select_n3A_3699 = arith.select %lt3A_3698, %slice3A_3697, %select_n3A_3692 : vector<8x2048xi1>, vector<8x2048xf32>
    %add3A_3700 = arith.constant 480 : i32
    %add3A_3701 = vector.broadcast %add3A_3700 : i32 to vector<8x2048xi32>
    %add3A_3702 = arith.addi %iota3A, %add3A_3701 : vector<8x2048xi32>
    %select_n3A_3703 = arith.select %lt3A_3698, %add3A_3702, %select_n3A_3696 : vector<8x2048xi1>, vector<8x2048xi32>
    %slice3A_3704 = vector.extract_strided_slice %add3A_3282 {offsets = [488, 0], sizes = [8, 2048], strides = [1, 1]} : vector<512x2048xf32> to vector<8x2048xf32>
    %lt3A_3705 = arith.cmpf olt, %slice3A_3704, %select_n3A_3699 : vector<8x2048xf32>
    %select_n3A_3706 = arith.select %lt3A_3705, %slice3A_3704, %select_n3A_3699 : vector<8x2048xi1>, vector<8x2048xf32>
    %add3A_3707 = arith.constant 488 : i32
    %add3A_3708 = vector.broadcast %add3A_3707 : i32 to vector<8x2048xi32>
    %add3A_3709 = arith.addi %iota3A, %add3A_3708 : vector<8x2048xi32>
    %select_n3A_3710 = arith.select %lt3A_3705, %add3A_3709, %select_n3A_3703 : vector<8x2048xi1>, vector<8x2048xi32>
    %slice3A_3711 = vector.extract_strided_slice %add3A_3282 {offsets = [496, 0], sizes = [8, 2048], strides = [1, 1]} : vector<512x2048xf32> to vector<8x2048xf32>
    %lt3A_3712 = arith.cmpf olt, %slice3A_3711, %select_n3A_3706 : vector<8x2048xf32>
    %select_n3A_3713 = arith.select %lt3A_3712, %slice3A_3711, %select_n3A_3706 : vector<8x2048xi1>, vector<8x2048xf32>
    %add3A_3714 = arith.constant 496 : i32
    %add3A_3715 = vector.broadcast %add3A_3714 : i32 to vector<8x2048xi32>
    %add3A_3716 = arith.addi %iota3A, %add3A_3715 : vector<8x2048xi32>
    %select_n3A_3717 = arith.select %lt3A_3712, %add3A_3716, %select_n3A_3710 : vector<8x2048xi1>, vector<8x2048xi32>
    %slice3A_3718 = vector.extract_strided_slice %add3A_3282 {offsets = [504, 0], sizes = [8, 2048], strides = [1, 1]} : vector<512x2048xf32> to vector<8x2048xf32>
    %lt3A_3719 = arith.cmpf olt, %slice3A_3718, %select_n3A_3713 : vector<8x2048xf32>
    %select_n3A_3720 = arith.select %lt3A_3719, %slice3A_3718, %select_n3A_3713 : vector<8x2048xi1>, vector<8x2048xf32>
    %add3A_3721 = arith.constant 504 : i32
    %add3A_3722 = vector.broadcast %add3A_3721 : i32 to vector<8x2048xi32>
    %add3A_3723 = arith.addi %iota3A, %add3A_3722 : vector<8x2048xi32>
    %select_n3A_3724 = arith.select %lt3A_3719, %add3A_3723, %select_n3A_3717 : vector<8x2048xi1>, vector<8x2048xi32>
    %reduce_min3A_3725 = arith.constant dense<0x7F800000> : vector<2048xf32>
    %reduce_min3A_3726 = vector.multi_reduction <minimumf>, %select_n3A_3720, %reduce_min3A_3725 [0] : vector<8x2048xf32> to vector<2048xf32>
    %broadcast_in_dim3A_3727 = vector.shape_cast %reduce_min3A_3726 : vector<2048xf32> to vector<1x2048xf32>
    %eq3A_3728 = vector.broadcast %broadcast_in_dim3A_3727 : vector<1x2048xf32> to vector<8x2048xf32>
    %eq3A_3729 = arith.cmpf oeq, %select_n3A_3720, %eq3A_3728 : vector<8x2048xf32>
    %jit3A_3730 = arith.constant 512 : i32
    %broadcast_in_dim3A_3731 = vector.broadcast %jit3A_3730 : i32 to vector<8x2048xi32>
    %select_n3A_3732 = arith.select %eq3A_3729, %select_n3A_3724, %broadcast_in_dim3A_3731 : vector<8x2048xi1>, vector<8x2048xi32>
    %reduce_min3A_3733 = arith.constant dense<2147483647> : vector<2048xi32>
    %reduce_min3A_3734 = vector.multi_reduction <minsi>, %select_n3A_3732, %reduce_min3A_3733 [0] : vector<8x2048xi32> to vector<2048xi32>
    %swap3A_3735 = arith.constant 7 : index
    %swap3A_3736 = arith.constant 0 : index
    %swap3A_3737 = vector.load %arg4[%swap3A_3735, %swap3A_3736] : memref<8x2048xi32, #tpu.memory_space<vmem>>, vector<1x2048xi32>
    %swap3A_3738 = vector.shape_cast %swap3A_3737 : vector<1x2048xi32> to vector<2048xi32>
    %swap3A_3739 = vector.shape_cast %reduce_min3A_3734 : vector<2048xi32> to vector<1x2048xi32>
    tpu.vector_store %arg4[%swap3A_3735, %swap3A_3736], %swap3A_3739 {strides = array<i32>} : memref<8x2048xi32, #tpu.memory_space<vmem>>, vector<1x2048xi32>,
    %reduce_sum3A_3740 = vector.shape_cast %broadcast_in_dim3A_3727 : vector<1x2048xf32> to vector<1x1x2048xf32>
    %reduce_sum3A_3741 = arith.constant dense<0.000000e+00> : vector<1xf32>
    %reduce_sum3A_3742 = vector.multi_reduction <add>, %reduce_sum3A_3740, %reduce_sum3A_3741 [1, 2] : vector<1x1x2048xf32> to vector<1xf32>
    %reduce_sum3A_3743 = vector.shape_cast %reduce_sum3A_3742 : vector<1xf32> to vector<1x1x1xf32>
    %reduce_sum3A_3744 = vector.extract %reduce_sum3A_3743[0, 0, 0] : f32 from vector<1x1x1xf32>
    %add3A_3745 = arith.addf %add3A_3277, %reduce_sum3A_3744 : f32
    %eq3A_3746 = arith.constant 0 : i32
    %eq3A_3747 = arith.cmpi eq, %arg0, %eq3A_3746 : i32
    %convert_element_type3A = arith.extui %eq3A_3747 : i1 to i32
    %cond3A = arith.constant 0 : i32
    %cond3A_3748 = arith.cmpi ne, %convert_element_type3A, %cond3A : i32
    scf.if %cond3A_3748 {
      %swap3A_3756 = arith.constant 0.000000e+00 : f32
      %swap3A_3757 = arith.constant 0 : index
      %swap3A_3758 = arith.constant 0 : index
      %swap3A_3759 = memref.load %arg5[%swap3A_3757, %swap3A_3758] : memref<1x1xf32, #tpu.memory_space<smem>>
      memref.store %swap3A_3756, %arg5[%swap3A_3757, %swap3A_3758] : memref<1x1xf32, #tpu.memory_space<smem>>
    } else {
    }
    %get3A_3749 = arith.constant 0 : index
    %get3A_3750 = arith.constant 0 : index
    %get3A_3751 = memref.load %arg5[%get3A_3749, %get3A_3750] : memref<1x1xf32, #tpu.memory_space<smem>>
    %add3A_3752 = arith.addf %get3A_3751, %add3A_3745 : f32
    %swap3A_3753 = arith.constant 0 : index
    %swap3A_3754 = arith.constant 0 : index
    %swap3A_3755 = memref.load %arg5[%swap3A_3753, %swap3A_3754] : memref<1x1xf32, #tpu.memory_space<smem>>
    memref.store %add3A_3752, %arg5[%swap3A_3753, %swap3A_3754] : memref<1x1xf32, #tpu.memory_space<smem>>
    return
  }
  func.func @transform_0(%arg0: i32) -> (i32, i32) {
    %c0_i32 = arith.constant 0 : i32
    %c0_i32_0 = arith.constant 0 : i32
    return %c0_i32, %arg0 : i32, i32
  }
  func.func @transform_1(%arg0: i32) -> (i32, i32) {
    %c0_i32 = arith.constant 0 : i32
    %c0_i32_0 = arith.constant 0 : i32
    %c0_i32_1 = arith.constant 0 : i32
    return %c0_i32, %c0_i32_0 : i32, i32
  }
  func.func @transform_2(%arg0: i32) -> (i32, i32) {
    %c0_i32 = arith.constant 0 : i32
    %c0_i32_0 = arith.constant 0 : i32
    %c0_i32_1 = arith.constant 0 : i32
    return %c0_i32, %c0_i32_0 : i32, i32
  }
  func.func @transform_3(%arg0: i32) -> (i32, i32) {
    %c0_i32 = arith.constant 0 : i32
    %c0_i32_0 = arith.constant 0 : i32
    return %c0_i32, %arg0 : i32, i32
  }
  func.func @transform_4(%arg0: i32) -> (i32, i32) {
    %c0_i32 = arith.constant 0 : i32
    %c0_i32_0 = arith.constant 0 : i32
    %c0_i32_1 = arith.constant 0 : i32
    return %c0_i32, %c0_i32_0 : i32, i32
  }
}

</mosaic_0001>

<sc_bundles>
// kernel: sparse-core-data-format-call.cloned.1.call-start
scs
called_computation_lowered:
.L_overlay_start_0:
0x0: {  	s1 =	sld [smem:$0x3FD9]  }
0x1: {  	s2 =	sld [smem:$0x3FFE];
	_ =	sdelay $0x1  }
0x2: {  	s3 =	srdreg.scid  }
0x3: {  	s0 =	sand.u32 $0x1, s3  }
0x4: {  	s17 =	sshll.u32 s0, $0xA;
	s1 =	sadd.s32 s2, s1  }
0x5: {  	s1 =	sadd.s32 s1, s17  }
0x6: {  	[smem:$0x3FC6] =	sst s1  }
0x7: {  	_ = 	snop  }
0x8: {  	(tm) =	ssettm $0x1  }
0x9: {  	s18 =	sld [smem:$0x3FFB];
	_ =	sdelay $0x3  }
0xa: {  	_ =	strace s18  }
0xb: {  	s1 =	sld [smem:$0x3FFC];
	_ =	sdelay $0x3  }
0xc: {  	_ =	strace s1  }
0xd: {  	s1 =	sld [smem:$0x3FFD];
	_ =	sdelay $0x3  }
0xe: {  	_ =	strace s1  }
0xf: {  	_ =	strace $0x8FFFFFFF  }
0x10: {  	s19 =	sld [smem:$0x3FDB];
	_ =	sdelay $0x1  }
0x11: {  	s20 =	simm.s32 $_scs_section_size  }
0x12: {  	s4 =	simm.s32 $_size__tile_overlayer_lowered;
	s5 =	simm.s32 $_tile_overlayer_lowered  }
0x13: {  	s23 =	simm.s32 $0x1BFF;
	s22 =	sshll.u32 s5, $0x1;
	s1 =	sadd.s32 s20, s19  }
0x14: {  	s6 =	simm.s32 $0x0;
	s21 =	sshll.u32 s4, $0x1;
	s4 =	sadd.s32 s22, s1  }
0x15: {  	[timem:s6], [sflag:s23] =	dma.local [hbm:s4], s21  }
0x16: {  	_ =	swait.ge [sflag:s23], s21  }
0x17: {  	s2 =	ssub.s32 $0x0, s21;
	[sflag:s23] =	ssyncset.done $0x0  }
0x18: {  	[sflag:s23] =	ssyncadd.s32 s2;
	_ =	sdelay $0x1  }
0x19: {  	s24 =	simm.s32 $0x1B8B  }
0x1a: {  	_ =	swait.ge [sflag:s24], $0x1  }
0x1b: {  	[sflag:s24] =	ssyncset.done $0x0  }
0x1c: {  	s26 =	simm.s32 $0x1B8E;
	s25 =	sld [smem:$0x3FFE];
	[sflag:s24] =	ssyncadd.s32 $0xFFFFFFFF  }
0x1d: {  	s27 =	simm.s32 $execute0_lowered;
	[smem:$0x3FD2] =	sst s26  }
0x1e: {  	s4 =	sshll.u32 s27, $0x1;
	_ =	strace $0x80000046;
	[dreg:$0x1] =	wrdreg $0xFFFFFFFF  }
0x1f: {  	s28 =	simm.s32 $_size_execute0_lowered;
	s1 =	sadd.s32 s1, s4;
	[dreg:$0x0] =	wrdreg $0x0  }
0x20: {  	s4 =	sshll.u32 s28, $0x1;
	[dreg:$0x2] =	wrdreg s1  }
0x21: {  	[dreg:$0x3] =	wrdreg s4  }
0x22: {  	[dreg:$0x4] =	wrdreg $0xC0  }
0x23: {  	_ =	task [dreg:s6], $0x5FFFF  }
0x24: {  	[dreg:$0x1] =	wrdreg $0xFFFFFFFF  }
0x25: {  	[dreg:$0x0] =	wrdreg $0x60  }
0x26: {  	[dreg:$0x2] =	wrdreg s25  }
0x27: {  	[dreg:$0x3] =	wrdreg $0x9  }
0x28: {  	_ =	task.clear_ibuf [dreg:s6], $0x4FFFF;
	_ =	strace $0x90000046  }
0x29: {  	s29 =	simm.s32 $0x9;
	_ =	strace $0x80000048  }
0x2a: {  	_ =	swait.ge [sflag:s29], $0x1  }
0x2b: {  	[sflag:s29] =	ssyncadd.s32 $0xFFFFFFFF  }
0x2c: {  	_ =	strace $0x90000048  }
0x2d: {  	_ =	sfence  }
0x2e: {  	s30 =	sld [smem:$0x0];
	_ =	sdelay $0x2  }
0x2f: {  	s31 =	sshll.u32 s3, $0xD;
	s3 =	sshrl.u32 s3, $0x2  }
0x30: {  	s2 =	sand.u32 $0x4000, s31;
	s1 =	sadd.s32 s3, s30  }
0x31: {  	s0 =	sor.u32 s2, s0;
	s1 =	sshll.u32 s1, $0x11  }
0x32: {  	s0 =	sor.u32 s1, s0  }
0x33: {  	s0 =	sadd.s32 $0x8F2B, s0  }
0x34: {  	[sflag:s0] =	ssyncadd.remote.s32 $0x1  }
0x35: {  	_ =	sfence.sel $0xFFFF  }
0x36: {  	[dreg:$0x0] =	wrdreg $0xFFFFFFFF;
	(pc) =	sbr.abs _section_cstart, $3  }
0x37: {  	[dreg:$0x1] =	wrdreg $0xFFFFFFFF  }
0x38: {  	_ =	task.clear_ibuf [dreg:s6], $0x2FFFF;
	_ =	strace $0x9FFFFFFF  }
0x39: {  	(tm) =	ssettm $0x7FFFFFFF  }
tec
execute0_lowered:
.L_overlay_start_1:
0x0: {  	(tag) =	ssettag $0x1  }
0x1: {  	s0 =	srdreg.scid;
	s4 =	rddreg [dreg:$0x0]  }
0x2: {  	s7 =	simm.s32 $0x1;
	s8 =	simm.s32 $0x2;
	s1 =	sshll.u32 s0, $0x4  }
0x3: {  	s13 =	simm.s32 $0x0;
	s0 =	stileid.u32;
	s1 =	sand.u32 $0x10, s1  }
0x4: {  	s12 =	simm.s32 $0x0;
	s9 =	simm.s32 $0x0;
	s2 =	sor.u32 s0, s1  }
0x5: {  	s11 =	simm.s32 $0x0;
	s3 =	sadd.s32 $0x400400, s4;
	s2 =	sshll.u32 s2, $0x7  }
0x6: {  	s4 =	sadd.s32 $0x400, s4;
	s1 =	rddreg [dreg:$0x1];
	s6 =	ssub.s32 $0x8000, s2  }
.Ltmp0:
0x7: {  	_ =	strace $0x80000047;
	s5 =	sand.u32 $0xF80, s6;
	(pc) =	sbr.rel .LBB1_1-.Ltmp0, $4  }
0x8: {  	s10 =	smov.u32 s2;
	p0 =	sne.s32 s5, $0x0;
	s5 =	simm.s32 $0x1  }
0x9: {  	s6 =	sshrl.u32 s6, $0xC;
	s7 =	simm.s32 @!p0 $0x0;
	[sflag:s5] =	ssyncpa.u1 $0x0  }
0xa: {  	p0 =	por $0x0, $0x0;
	s7 =	sadd.s32 s7, s6;
	[sflag:s8] =	ssyncpa.u1 $0x0  }
0xb: {  	s8 =	simm.s32 $0x40000;
	s6 =	sshll.u32 s7, $0x1;
	s7 =	sshllo.u32 s7, $0x1  }
.LBB1_4:
0xc: {  	v5 =	vld [tilespmem:s16+$0xFFFFFFD0]  }
0xd: {  	[tilespmem:s17+$0x2040 ss:$0x81] =	vst.msk $0xffff, v1;
	v58 =	vld [tilespmem:s16+$0xFFFFFFE0]  }
0xe: {  	[tilespmem:s17+$0x2850 ss:$0x81] =	vst.msk $0xffff, v2;
	v59 =	vld [tilespmem:s16+$0xFFFFFFF0]  }
0xf: {  	s18 =	sshra.s32 s18, $0x2;
	[tilespmem:s17+$0x3060 ss:$0x81] =	vst.msk $0xffff, v3;
	v60 =	vld [tilespmem:s16+$0x0]  }
0x10: {  	[tilespmem:s17+$0x0 ss:$0x81] =	vst.msk $0xffff, v0;
	v61 =	vld [tilespmem:s16+$0x10];
	s15 =	sadd.s32 s18, s15  }
0x11: {  	s26 =	sshll.u32 s13, $0xF;
	v62 =	vld [tilespmem:s16+$0x20];
	[tilespmem:s15+$0x3870 ss:$0x81] =	vst.msk $0xffff, v4  }
0x12: {  	s27 =	sand.u32 $0x78, s12;
	s19 =	sshll.u32 s12, $0x3;
	v63 =	vld [tilespmem:s16+$0xFFFFFFC0];
	s29 =	sshll.u32 s13, $0x7;
	[tilespmem:s15+$0x810 ss:$0x81] =	vst.msk $0xffff, v5  }
0x13: {  	s17 =	sand.u32 $0x7C0000, s26;
	s28 =	sand.u32 $0x7FFC00, s19;
	s19 =	sand.u32 $0x7C00, s19;
	[tilespmem:s15+$0x1020 ss:$0x81] =	vst.msk $0xffff, v58  }
0x14: {  	s13 =	sand.u32 $0x380, s29;
	s16 =	sadd.s32 s28, s17;
	s30 =	sor.u32 s27, s19;
	[tilespmem:s15+$0x1830 ss:$0x81] =	vst.msk $0xffff, v59  }
0x15: {  	s16 =	sand.u32 $0x7F8000, s16;
	s13 =	sor.u32 s13, s30;
	[tilespmem:s15+$0x2040 ss:$0x81] =	vst.msk $0xffff, v60  }
0x16: {  	s31 =	sand.u32 $0x7, s12;
	s13 =	sor.u32 s16, s13;
	[tilespmem:s15+$0x2850 ss:$0x81] =	vst.msk $0xffff, v61  }
0x17: {  	s12 =	sshll.u32 s31, $0x12;
	[tilespmem:s15+$0x3060 ss:$0x81] =	vst.msk $0xffff, v62;
	s13 =	sshrl.u32 s13, $0x3  }
0x18: {  	s12 =	sor.u32 $0x400, s12;
	[tilespmem:s15+$0x0 ss:$0x81] =	vst.msk $0xffff, v63;
	s13 =	sadd.s32 s4, s13  }
0x19: {  	[hbm4b:s13+s12] =	stream.strided.scatter [tilespmem:s14], [sflag:$0x2], $0x4000, s8, s12, $0x20;
	[tilespmem:$0x10100] =	vst v63  }
.LBB1_5:
0x1a: {  	s14 =	sadd.s32 $0x80, s9  }
0x1b: {  	s12 =	sadd.s32 $0x1000, s10;
	s16 =	smov.u32 s10;
	p2 =	sgt.s32 s14, $0xFF  }
0x1c: {  	s16 =	smov.u32 @p2 s12  }
0x1d: {  	s14 =	simm.s32 @p2 $0x0;
	p2 =	sgt.s32 s16, $0x7FFF  }
0x1e: {  	s16 =	smov.u32 @p2 s2;
	p2 =	sne.s32 s11, s7  }
.Ltmp1:
0x1f: {  	p1 =	slt.u32 s11, $0x2;
	(pc) =	sbr.rel @!p2 .LBB1_6-.Ltmp1, $4  }
0x20: {  	s15 =	simm.s32 @!p1 $0x2  }
0x21: {  	s13 =	smov.u32 s9;
	p0 =	por !p0, !p0;
	_ =	swait.ge @!p1 [sflag:s15], $0x4000  }
0x22: {  	s12 =	smov.u32 s10;
	[sflag:s15] =	ssyncset.done @!p1 $0x0;
	s9 =	smov.u32 s14  }
0x23: {  	s11 =	sadd.s32 $0x1, s11;
	[sflag:s15] =	ssyncadd.s32 @!p1 $0xFFFFC000;
	s10 =	smov.u32 s16  }
.LBB1_1:
0x24: {  	p1 =	sge.u32 s11, s6  }
0x25: {  	s31 =	sadd.s32 $0xFFFFFFFF, s11;
	s14 =	sshll.u32 @!p1 s10, $0x8  }
0x26: {  	s15 =	sshll.u32 @!p1 s9, $0x3;
	s16 =	sshll.u32 @!p1 s10, $0x7;
	s14 =	sand.u32 @!p1 $0x7FF800, s14  }
0x27: {  	s17 =	sand.u32 @!p1 $0x78, s9;
	s14 =	sadd.s32 @!p1 s14, s15;
	s15 =	sand.u32 @!p1 $0x380, s16  }
0x28: {  	s16 =	sxor.u32 @!p1 $0xFFFFFFFF, s11;
	s14 =	sand.u32 @!p1 $0x7FFC00, s14;
	s15 =	sor.u32 @!p1 s15, s17  }
0x29: {  	s16 =	sshll.u32 @!p1 s16, $0xE;
	s14 =	sor.u32 @!p1 s14, s15;
	s15 =	sand.u32 @!p1 $0x7, s9  }
0x2a: {  	s17 =	simm.s32 @!p1 $0x800;
	s14 =	sshrl.u32 @!p1 s14, $0x3;
	s15 =	sshll.u32 @!p1 s15, $0x12  }
0x2b: {  	s16 =	sand.u32 @!p1 $0x4000, s16;
	s14 =	sadd.s32 @!p1 s3, s14;
	s15 =	sor.u32 @!p1 $0x400, s15  }
0x2c: {  	[tilespmem:s16], [sflag:$0x1] =	stream.strided.gather @!p1 [hbm4b:s14+s15], $0x4000, s17, s15, $0x38;
	[tilespmem:$0x10100] =	vst v63  }
0x2d: {  	p1 =	sge.u32 s31, s6  }
.Ltmp2:
0x2e: {  	_ = 	snop;
	(pc) =	sbr.rel @p1 .LBB1_5-.Ltmp2, $1  }
0x2f: {  	_ =	sdelay $0x3  }
0x30: {  	s14 =	simm.s32 $0x1  }
0x31: {  	_ =	swait.ge [sflag:s5], $0x4000;
	s14 =	simm.s32 @!p0 $0x0  }
0x32: {  	[sflag:s5] =	ssyncset.done $0x0;
	s15 =	sshll.u32 s14, $0xE  }
0x33: {  	[sflag:s5] =	ssyncadd.s32 $0xFFFFC000;
	s16 =	sor.u32 $0x40, s15  }
0x34: {  	s14 =	smul.u32 $0x10200, s14;
	v0 =	vld [tilespmem:s16+$0x30]  }
0x35: {  	v3 =	vld [tilespmem:s16+$0xFFFFFFD0]  }
0x36: {  	s14 =	sshrl.u32 s14, $0x2;
	v4 =	vld [tilespmem:s16+$0xFFFFFFE0]  }
0x37: {  	v5 =	vld [tilespmem:s16+$0xFFFFFFF0];
	s15 =	sor.u32 $0x8000, s14  }
0x38: {  	s31 =	sand.u32 $0x1, s11;
	v1 =	vld [tilespmem:s16+$0x0];
	s17 =	sadd.s32 $0x0, s15  }
0x39: {  	v2 =	vld [tilespmem:s16+$0x10];
	s14 =	smul.u32 $0x10200, s31;
	[tilespmem:s17+$0x3870 ss:$0x81] =	vst.msk $0xffff, v0  }
0x3a: {  	[tilespmem:s17+$0x810 ss:$0x81] =	vst.msk $0xffff, v3;
	v3 =	vld [tilespmem:s16+$0x20]  }
0x3b: {  	s14 =	sshrl.u32 s14, $0x2;
	v0 =	vld [tilespmem:s16+$0xFFFFFFC0];
	[tilespmem:s17+$0x1020 ss:$0x81] =	vst.msk $0xffff, v4;
	s16 =	sadd.s32 $0x80, s16  }
0x3c: {  	s18 =	simm.s32 $0x4;
	s19 =	simm.s32 $0x8;
	s14 =	sor.u32 $0x8000, s14;
	[tilespmem:s17+$0x1830 ss:$0x81] =	vst.msk $0xffff, v5;
	v4 =	vld [tilespmem:s16+$0x30]  }
.LBB1_3:
0x3d: {  	p1 =	sne.s32 s19, $0x1FC;
	v5 =	vld [tilespmem:s16+$0xFFFFFFD0];
	[tilespmem:s17+$0x2040 ss:$0x81] =	vst.msk $0xffff, v1  }
0x3e: {  	v6 =	vld [tilespmem:s16+$0xFFFFFFE0];
	[tilespmem:s17+$0x2850 ss:$0x81] =	vst.msk $0xffff, v2  }
0x3f: {  	s20 =	sshra.s32 s18, $0x2;
	s18 =	smov.u32 s19;
	v7 =	vld [tilespmem:s16+$0xFFFFFFF0];
	[tilespmem:s17+$0x3060 ss:$0x81] =	vst.msk $0xffff, v3  }
.Ltmp3:
0x40: {  	v1 =	vld [tilespmem:s16+$0x0];
	[tilespmem:s17+$0x0 ss:$0x81] =	vst.msk $0xffff, v0;
	s17 =	sadd.s32 s20, s15;
	(pc) =	sbr.rel @p1 .LBB1_3-.Ltmp3, $4  }
0x41: {  	v2 =	vld [tilespmem:s16+$0x10];
	[tilespmem:s17+$0x3870 ss:$0x81] =	vst.msk $0xffff, v4  }
0x42: {  	[tilespmem:s17+$0x810 ss:$0x81] =	vst.msk $0xffff, v5;
	v3 =	vld [tilespmem:s16+$0x20]  }
0x43: {  	v0 =	vld [tilespmem:s16+$0xFFFFFFC0];
	[tilespmem:s17+$0x1020 ss:$0x81] =	vst.msk $0xffff, v6;
	s16 =	sadd.s32 $0x80, s16  }
0x44: {  	s19 =	sadd.s32 $0x4, s19;
	v4 =	vld [tilespmem:s16+$0x30];
	[tilespmem:s17+$0x1830 ss:$0x81] =	vst.msk $0xffff, v7  }
.Ltmp4:
0x45: {  	_ = 	snop;
	(pc) =	sbr.rel .LBB1_4-.Ltmp4, $1  }
0x46: {  	_ =	sdelay $0x3  }
.LBB1_6:
0x47: {  	_ =	sfence.sel $0x180000  }
0x48: {  	s2 =	simm.s32 $0x1;
	[bflag:$0x0] =	sbarrier.arrive $0xFFFF  }
0x49: {  	s31 =	simm.s32 $0x2;
	[sflag:s2] =	ssyncpa.u1 $0x1  }
0x4a: {  	[sflag:s31] =	ssyncpa.u1 $0x1  }
0x4b: {  	p0 =	sne.s32 s0, $0x0;
	_ =	strace $0x90000047  }
0x4c: {  	s0 =	sadd.s32 @!p0 $0x100000, s1;
	[bflag:$0x2] =	sbarrier.arrive $0xFFFF  }
0x4d: {  	[sflag:s0] =	ssyncadd.tile.s32 @!p0 $0x1;
	_ =	shalt  }
.Lfunc_end1:
_tile_overlayer_lowered:
.L_overlay_start_2:
0x4e: {  	(tag) =	ssettag $0x2  }
0x4f: {  	s0 =	rddreg [dreg:$0x0];
	s2 =	stileid.u32  }
0x50: {  	s1 =	rddreg [dreg:$0x1];
	p0 =	sne.s32 s2, $0x0  }
0x51: {  	s3 =	rddreg [dreg:$0x2];
	[bflag:$0x3] =	sbarrier.arrive $0xFFFF;
	s2 =	simm.s32 @!p0 $0x1C01  }
0x52: {  	[timem:s3], [sflag:s2] =	dma.local @!p0 [hbm:s0], s1  }
0x53: {  	s0 =	simm.s32 @!p0 $0x1  }
0x54: {  	_ =	swait.ge @!p0 [sflag:s0], s1  }
0x55: {  	s1 =	ssub.s32 @!p0 $0x0, s1;
	[sflag:s0] =	ssyncset.done @!p0 $0x0  }
0x56: {  	[sflag:s0] =	ssyncadd.s32 @!p0 s1  }
0x57: {  	[bflag:$0x3] =	sbarrier.arrive $0xFFFF  }
0x58: {  	_ =	shalt  }

</sc_bundles>
